<compile_context>
chip_gen: v7x
topology: tpu7x:2x2x1
jax: 0.10.2.dev20260603
libtpu: 0.0.44.dev20260713+nightly
codegen_flags: <defaults>
</compile_context>

<pallas_src>
import functools

import jax
import jax.numpy as jnp
from jax import lax
from jax.experimental import pallas as pl
from jax.experimental.pallas import tpu as pltpu
from jax.experimental.pallas import tpu_sc as plsc

EMBED_DIM = 64
SCALE = 8.0
LOWEST = 1e-13
T = 4


@jax.jit
def _emb_lookup(tokens, table):
    R, S = tokens.shape
    D = table.shape[1]
    info = plsc.get_sparse_core_info()
    NW = info.num_cores * info.num_subcores
    rows_per_w = R // NW
    n_chunks = rows_per_w // T
    assert n_chunks * T == rows_per_w and n_chunks % 2 == 0

    mesh = plsc.VectorSubcoreMesh(core_axis_name="c", subcore_axis_name="s")

    @functools.partial(
        pl.kernel,
        mesh=mesh,
        out_type=jax.ShapeDtypeStruct((R, S, 2 * D), jnp.float32),
        compiler_params=pltpu.CompilerParams(use_tc_tiling_on_sc=False),
        scratch_types=[
            pltpu.VMEM((2, T, S), jnp.int32),
            pltpu.VMEM((2, T, S, D), jnp.float32),
            pltpu.SemaphoreType.DMA((2,)),
        ],
    )
    def emb(tok_hbm, table_hbm, out_hbm, idx_v, rows_v, gsem):
        wid = lax.axis_index("s") * info.num_cores + lax.axis_index("c")
        base = wid * rows_per_w

        def stage(g, buf):
            row0 = base + g * T
            pltpu.sync_copy(tok_hbm.at[pl.ds(row0, T)], idx_v.at[buf])
            for t in range(T):
                pltpu.async_copy(
                    table_hbm.at[idx_v.at[buf, t, pl.ds(0, 128)]],
                    rows_v.at[buf, t, pl.ds(0, 128)],
                    gsem.at[buf],
                )
                pltpu.async_copy(
                    table_hbm.at[idx_v.at[buf, t, pl.ds(128, S - 128)]],
                    rows_v.at[buf, t, pl.ds(128, S - 128)],
                    gsem.at[buf],
                )

        def process(g, buf):
            pltpu.make_async_copy(
                out_hbm.at[pl.ds(0, T), :, pl.ds(0, D)],
                rows_v.at[buf],
                gsem.at[buf],
            ).wait()

            for t in range(T):

                def scale4(r4, _, t=t):
                    r = r4 * 4
                    for u in range(4):
                        for j in range(D // 16):
                            sl = pl.ds(j * 16, 16)
                            rows_v[buf, t, r + u, sl] = (
                                rows_v[buf, t, r + u, sl] * SCALE + LOWEST
                            )
                    return 0

                lax.fori_loop(0, S // 4, scale4, 0)
            pltpu.sync_copy(
                rows_v.at[buf],
                out_hbm.at[pl.ds(base + g * T, T), :, pl.ds(0, D)],
            )

        stage(0, 0)

        def pair_body(i, _):
            g0 = i * 2
            stage(g0 + 1, 1)
            process(g0, 0)

            @pl.when(g0 + 2 < n_chunks)
            def _():
                stage(g0 + 2, 0)

            process(g0 + 1, 1)
            return 0

        lax.fori_loop(0, n_chunks // 2, pair_body, 0)

    return emb(tokens, table)[..., :D]


def kernel(token_tensor, table):
    return _emb_lookup(token_tensor, table)

# --- scband reference (transcript-rebuilt; emitter-appended) ---
"""Pipeline reference for scband-token-embedding-sub-layer-24764781428978 (READ-ONLY COPY).

The authoritative reference and input builder live on the scoring server;
editing this copy changes nothing except your own understanding.
"""

import jax, jax.numpy as jnp
import numpy as np
import math

VOCAB = 1000000
EMBED_DIM = 64
PAD_ID = 0

def setup_inputs(seed: int = 0) -> dict:
    key = jax.random.key(seed)
    k1, k2 = jax.random.split(key)
    token_tensor = jax.random.randint(k1, (4096, 200), 0, VOCAB, dtype=jnp.int32)
    table = jax.random.normal(k2, (VOCAB, EMBED_DIM), dtype=jnp.float32) * 0.02
    # nn.Embedding with padding_idx initializes the pad row to zeros
    table = table.at[PAD_ID].set(0.0)
    return {"token_tensor": token_tensor, "table": table}

def reference(token_tensor, table):
    lowest = 1e-13
    output = jnp.take(table, token_tensor, axis=0)
    output = output * math.sqrt(EMBED_DIM) + lowest
    return output

if __name__ == "__main__":
    import jax
    _d = setup_inputs()
    print(jax.jit(kernel)(*tuple(_d.values())))

</pallas_src>

<mosaic_0001>
#map = affine_map<(d0, d1) -> (0, 0)>
#map1 = affine_map<(d0, d1) -> (0, 0, 0)>
module attributes {stable_mosaic.version = 14 : i64} {
  func.func @emb(%arg0: i32, %arg1: i32, %arg2: memref<4096x200xi32, #tpu.memory_space<hbm>>, %arg3: memref<1000000x64xf32, #tpu.memory_space<hbm>>, %arg4: memref<4096x200x128xf32, #tpu.memory_space<hbm>>, %arg5: memref<2x4x200xi32, #tpu.memory_space<vmem>>, %arg6: memref<2x4x200x64xf32, #tpu.memory_space<vmem>>, %arg7: memref<2x!tpu.dma_semaphore, #tpu.memory_space<semaphore_mem>>) attributes {dimension_semantics = [#tpu.dimension_semantics<core_parallel>, #tpu.dimension_semantics<subcore_parallel>], iteration_bounds = array<i64: 2, 16>, scalar_prefetch = 0 : i64, scratch_operands = 3 : i64, tpu.core_type = #tpu.core_type<sc_vector_subcore>, window_params = [{transform_indices = #map}, {transform_indices = #map}, {transform_indices = #map1}]} {
    %mul3A = arith.constant 2 : i32
    %mul3A_0 = arith.muli %arg1, %mul3A : i32
    %add3A = arith.addi %mul3A_0, %arg0 : i32
    %mul3A_1 = arith.constant 128 : i32
    %mul3A_2 = arith.muli %add3A, %mul3A_1 : i32
    %add3A_3 = arith.constant 0 : i32
    %add3A_4 = arith.addi %mul3A_2, %add3A_3 : i32
    %run_scoped3A = arith.constant 0 : i32
    "tpu.region"() ({
      %run_scoped3A_146 = tpu.sem_alloc : memref<!tpu.dma_semaphore, #tpu.memory_space<semaphore_mem>>
      %dma_start3A_147 = arith.constant 0 : i32
      %dma_start3A_148 = arith.constant 0 : i32
      %dma_start3A_149 = tpu.memref_slice %arg5[%run_scoped3A, %dma_start3A_147, %dma_start3A_148] : memref<2x4x200xi32, #tpu.memory_space<vmem>> -> memref<1x4x200xi32, #tpu.memory_space<vmem>>
      %dma_start3A_150 = tpu.memref_squeeze %dma_start3A_149 : memref<1x4x200xi32, #tpu.memory_space<vmem>> -> memref<4x200xi32, #tpu.memory_space<vmem>>
      %dma_start3A_151 = arith.constant 0 : i32
      %dma_start3A_152 = tpu.memref_slice %arg2[%add3A_4, %dma_start3A_151] : memref<4096x200xi32, #tpu.memory_space<hbm>> -> memref<4x200xi32, #tpu.memory_space<hbm>>
      %dma_start3A_153 = arith.constant 0 : i32
      %dma_start3A_154 = arith.constant 0 : i32
      %dma_start3A_155 = tpu.memref_slice %arg5[%run_scoped3A, %dma_start3A_153, %dma_start3A_154] : memref<2x4x200xi32, #tpu.memory_space<vmem>> -> memref<1x4x200xi32, #tpu.memory_space<vmem>>
      %dma_start3A_156 = tpu.memref_squeeze %dma_start3A_155 : memref<1x4x200xi32, #tpu.memory_space<vmem>> -> memref<4x200xi32, #tpu.memory_space<vmem>>
      %dma_start3A_157 = arith.constant 0 : i32
      %dma_start3A_158 = tpu.memref_slice %arg2[%add3A_4, %dma_start3A_157] : memref<4096x200xi32, #tpu.memory_space<hbm>> -> memref<4x200xi32, #tpu.memory_space<hbm>>
      tpu.enqueue_dma source(%dma_start3A_158 : memref<4x200xi32, #tpu.memory_space<hbm>>) target(%dma_start3A_156 : memref<4x200xi32, #tpu.memory_space<vmem>>) target_semaphore(%run_scoped3A_146 : memref<!tpu.dma_semaphore, #tpu.memory_space<semaphore_mem>>)
      %dma_wait3A = arith.constant 0 : i32
      %dma_wait3A_159 = arith.constant 0 : i32
      %dma_wait3A_160 = tpu.memref_slice %arg5[%run_scoped3A, %dma_wait3A, %dma_wait3A_159] : memref<2x4x200xi32, #tpu.memory_space<vmem>> -> memref<1x4x200xi32, #tpu.memory_space<vmem>>
      %dma_wait3A_161 = tpu.memref_squeeze %dma_wait3A_160 : memref<1x4x200xi32, #tpu.memory_space<vmem>> -> memref<4x200xi32, #tpu.memory_space<vmem>>
      %dma_wait3A_162 = arith.constant 0 : i32
      %dma_wait3A_163 = tpu.memref_slice %arg2[%add3A_4, %dma_wait3A_162] : memref<4096x200xi32, #tpu.memory_space<hbm>> -> memref<4x200xi32, #tpu.memory_space<hbm>>
      %dma_wait3A_164 = arith.constant 0 : i32
      %dma_wait3A_165 = arith.constant 0 : i32
      %dma_wait3A_166 = tpu.memref_slice %arg5[%run_scoped3A, %dma_wait3A_164, %dma_wait3A_165] : memref<2x4x200xi32, #tpu.memory_space<vmem>> -> memref<1x4x200xi32, #tpu.memory_space<vmem>>
      %dma_wait3A_167 = tpu.memref_squeeze %dma_wait3A_166 : memref<1x4x200xi32, #tpu.memory_space<vmem>> -> memref<4x200xi32, #tpu.memory_space<vmem>>
      %dma_wait3A_168 = arith.constant 0 : i32
      %dma_wait3A_169 = tpu.memref_slice %arg2[%add3A_4, %dma_wait3A_168] : memref<4096x200xi32, #tpu.memory_space<hbm>> -> memref<4x200xi32, #tpu.memory_space<hbm>>
      tpu.wait_dma2 semaphore(%run_scoped3A_146 : memref<!tpu.dma_semaphore, #tpu.memory_space<semaphore_mem>>) src(%dma_wait3A_169 : memref<4x200xi32, #tpu.memory_space<hbm>>) dst(%dma_wait3A_167 : memref<4x200xi32, #tpu.memory_space<vmem>>)
      tpu.yield
    }) : () -> ()
    %dma_start3A = arith.constant 0 : i32
    %dma_start3A_5 = arith.constant 0 : i32
    %dma_start3A_6 = arith.constant 0 : i32
    %dma_start3A_7 = arith.constant 0 : i32
    %dma_start3A_8 = arith.constant 0 : i32
    %dma_start3A_9 = arith.constant 0 : i32
    %dma_start3A_10 = arith.constant 0 : i32
    %dma_start3A_11 = tpu.memref_slice %arg6[%dma_start3A_6, %dma_start3A_7, %dma_start3A_9, %dma_start3A_10] : memref<2x4x200x64xf32, #tpu.memory_space<vmem>> -> memref<1x1x128x64xf32, #tpu.memory_space<vmem>>
    %dma_start3A_12 = tpu.memref_squeeze %dma_start3A_11 : memref<1x1x128x64xf32, #tpu.memory_space<vmem>> -> memref<128x64xf32, #tpu.memory_space<vmem>>
    %dma_start3A_13 = arith.constant 0 : i32
    %dma_start3A_14 = tpu.memref_slice %arg5[%dma_start3A, %dma_start3A_5, %dma_start3A_13] : memref<2x4x200xi32, #tpu.memory_space<vmem>> -> memref<1x1x128xi32, #tpu.memory_space<vmem>>
    %dma_start3A_15 = tpu.memref_squeeze %dma_start3A_14 : memref<1x1x128xi32, #tpu.memory_space<vmem>> -> memref<128xi32, #tpu.memory_space<vmem>>
    %dma_start3A_16 = arith.constant 0 : i32
    %dma_start3A_17 = arith.constant 0 : i32
    %dma_start3A_18 = tpu.memref_slice %arg3[%dma_start3A_16, %dma_start3A_17] : memref<1000000x64xf32, #tpu.memory_space<hbm>> -> memref<1000000x64xf32, #tpu.memory_space<hbm>>
    %dma_start3A_19 = tpu.memref_slice %arg7[%dma_start3A_8] : memref<2x!tpu.dma_semaphore, #tpu.memory_space<semaphore_mem>> -> memref<1x!tpu.dma_semaphore, #tpu.memory_space<semaphore_mem>>
    %dma_start3A_20 = tpu.memref_squeeze %dma_start3A_19 : memref<1x!tpu.dma_semaphore, #tpu.memory_space<semaphore_mem>> -> memref<!tpu.dma_semaphore, #tpu.memory_space<semaphore_mem>>
    tpu.enqueue_indirect_dma source(%dma_start3A_18 : memref<1000000x64xf32, #tpu.memory_space<hbm>>) target(%dma_start3A_12 : memref<128x64xf32, #tpu.memory_space<vmem>>) offsets(%dma_start3A_15 : memref<128xi32, #tpu.memory_space<vmem>>) semaphore(%dma_start3A_20 : memref<!tpu.dma_semaphore, #tpu.memory_space<semaphore_mem>>)
    %dma_start3A_21 = arith.constant 0 : i32
    %dma_start3A_22 = arith.constant 0 : i32
    %dma_start3A_23 = arith.constant 0 : i32
    %dma_start3A_24 = arith.constant 0 : i32
    %dma_start3A_25 = arith.constant 0 : i32
    %dma_start3A_26 = arith.constant 128 : i32
    %dma_start3A_27 = arith.constant 0 : i32
    %dma_start3A_28 = tpu.memref_slice %arg6[%dma_start3A_23, %dma_start3A_24, %dma_start3A_26, %dma_start3A_27] : memref<2x4x200x64xf32, #tpu.memory_space<vmem>> -> memref<1x1x72x64xf32, #tpu.memory_space<vmem>>
    %dma_start3A_29 = tpu.memref_squeeze %dma_start3A_28 : memref<1x1x72x64xf32, #tpu.memory_space<vmem>> -> memref<72x64xf32, #tpu.memory_space<vmem>>
    %dma_start3A_30 = arith.constant 128 : i32
    %dma_start3A_31 = tpu.memref_slice %arg5[%dma_start3A_21, %dma_start3A_22, %dma_start3A_30] : memref<2x4x200xi32, #tpu.memory_space<vmem>> -> memref<1x1x72xi32, #tpu.memory_space<vmem>>
    %dma_start3A_32 = tpu.memref_squeeze %dma_start3A_31 : memref<1x1x72xi32, #tpu.memory_space<vmem>> -> memref<72xi32, #tpu.memory_space<vmem>>
    %dma_start3A_33 = arith.constant 0 : i32
    %dma_start3A_34 = arith.constant 0 : i32
    %dma_start3A_35 = tpu.memref_slice %arg3[%dma_start3A_33, %dma_start3A_34] : memref<1000000x64xf32, #tpu.memory_space<hbm>> -> memref<1000000x64xf32, #tpu.memory_space<hbm>>
    %dma_start3A_36 = tpu.memref_slice %arg7[%dma_start3A_25] : memref<2x!tpu.dma_semaphore, #tpu.memory_space<semaphore_mem>> -> memref<1x!tpu.dma_semaphore, #tpu.memory_space<semaphore_mem>>
    %dma_start3A_37 = tpu.memref_squeeze %dma_start3A_36 : memref<1x!tpu.dma_semaphore, #tpu.memory_space<semaphore_mem>> -> memref<!tpu.dma_semaphore, #tpu.memory_space<semaphore_mem>>
    tpu.enqueue_indirect_dma source(%dma_start3A_35 : memref<1000000x64xf32, #tpu.memory_space<hbm>>) target(%dma_start3A_29 : memref<72x64xf32, #tpu.memory_space<vmem>>) offsets(%dma_start3A_32 : memref<72xi32, #tpu.memory_space<vmem>>) semaphore(%dma_start3A_37 : memref<!tpu.dma_semaphore, #tpu.memory_space<semaphore_mem>>)
    %dma_start3A_38 = arith.constant 0 : i32
    %dma_start3A_39 = arith.constant 1 : i32
    %dma_start3A_40 = arith.constant 0 : i32
    %dma_start3A_41 = arith.constant 1 : i32
    %dma_start3A_42 = arith.constant 0 : i32
    %dma_start3A_43 = arith.constant 0 : i32
    %dma_start3A_44 = arith.constant 0 : i32
    %dma_start3A_45 = tpu.memref_slice %arg6[%dma_start3A_40, %dma_start3A_41, %dma_start3A_43, %dma_start3A_44] : memref<2x4x200x64xf32, #tpu.memory_space<vmem>> -> memref<1x1x128x64xf32, #tpu.memory_space<vmem>>
    %dma_start3A_46 = tpu.memref_squeeze %dma_start3A_45 : memref<1x1x128x64xf32, #tpu.memory_space<vmem>> -> memref<128x64xf32, #tpu.memory_space<vmem>>
    %dma_start3A_47 = arith.constant 0 : i32
    %dma_start3A_48 = tpu.memref_slice %arg5[%dma_start3A_38, %dma_start3A_39, %dma_start3A_47] : memref<2x4x200xi32, #tpu.memory_space<vmem>> -> memref<1x1x128xi32, #tpu.memory_space<vmem>>
    %dma_start3A_49 = tpu.memref_squeeze %dma_start3A_48 : memref<1x1x128xi32, #tpu.memory_space<vmem>> -> memref<128xi32, #tpu.memory_space<vmem>>
    %dma_start3A_50 = arith.constant 0 : i32
    %dma_start3A_51 = arith.constant 0 : i32
    %dma_start3A_52 = tpu.memref_slice %arg3[%dma_start3A_50, %dma_start3A_51] : memref<1000000x64xf32, #tpu.memory_space<hbm>> -> memref<1000000x64xf32, #tpu.memory_space<hbm>>
    %dma_start3A_53 = tpu.memref_slice %arg7[%dma_start3A_42] : memref<2x!tpu.dma_semaphore, #tpu.memory_space<semaphore_mem>> -> memref<1x!tpu.dma_semaphore, #tpu.memory_space<semaphore_mem>>
    %dma_start3A_54 = tpu.memref_squeeze %dma_start3A_53 : memref<1x!tpu.dma_semaphore, #tpu.memory_space<semaphore_mem>> -> memref<!tpu.dma_semaphore, #tpu.memory_space<semaphore_mem>>
    tpu.enqueue_indirect_dma source(%dma_start3A_52 : memref<1000000x64xf32, #tpu.memory_space<hbm>>) target(%dma_start3A_46 : memref<128x64xf32, #tpu.memory_space<vmem>>) offsets(%dma_start3A_49 : memref<128xi32, #tpu.memory_space<vmem>>) semaphore(%dma_start3A_54 : memref<!tpu.dma_semaphore, #tpu.memory_space<semaphore_mem>>)
    %dma_start3A_55 = arith.constant 0 : i32
    %dma_start3A_56 = arith.constant 1 : i32
    %dma_start3A_57 = arith.constant 0 : i32
    %dma_start3A_58 = arith.constant 1 : i32
    %dma_start3A_59 = arith.constant 0 : i32
    %dma_start3A_60 = arith.constant 128 : i32
    %dma_start3A_61 = arith.constant 0 : i32
    %dma_start3A_62 = tpu.memref_slice %arg6[%dma_start3A_57, %dma_start3A_58, %dma_start3A_60, %dma_start3A_61] : memref<2x4x200x64xf32, #tpu.memory_space<vmem>> -> memref<1x1x72x64xf32, #tpu.memory_space<vmem>>
    %dma_start3A_63 = tpu.memref_squeeze %dma_start3A_62 : memref<1x1x72x64xf32, #tpu.memory_space<vmem>> -> memref<72x64xf32, #tpu.memory_space<vmem>>
    %dma_start3A_64 = arith.constant 128 : i32
    %dma_start3A_65 = tpu.memref_slice %arg5[%dma_start3A_55, %dma_start3A_56, %dma_start3A_64] : memref<2x4x200xi32, #tpu.memory_space<vmem>> -> memref<1x1x72xi32, #tpu.memory_space<vmem>>
    %dma_start3A_66 = tpu.memref_squeeze %dma_start3A_65 : memref<1x1x72xi32, #tpu.memory_space<vmem>> -> memref<72xi32, #tpu.memory_space<vmem>>
    %dma_start3A_67 = arith.constant 0 : i32
    %dma_start3A_68 = arith.constant 0 : i32
    %dma_start3A_69 = tpu.memref_slice %arg3[%dma_start3A_67, %dma_start3A_68] : memref<1000000x64xf32, #tpu.memory_space<hbm>> -> memref<1000000x64xf32, #tpu.memory_space<hbm>>
    %dma_start3A_70 = tpu.memref_slice %arg7[%dma_start3A_59] : memref<2x!tpu.dma_semaphore, #tpu.memory_space<semaphore_mem>> -> memref<1x!tpu.dma_semaphore, #tpu.memory_space<semaphore_mem>>
    %dma_start3A_71 = tpu.memref_squeeze %dma_start3A_70 : memref<1x!tpu.dma_semaphore, #tpu.memory_space<semaphore_mem>> -> memref<!tpu.dma_semaphore, #tpu.memory_space<semaphore_mem>>
    tpu.enqueue_indirect_dma source(%dma_start3A_69 : memref<1000000x64xf32, #tpu.memory_space<hbm>>) target(%dma_start3A_63 : memref<72x64xf32, #tpu.memory_space<vmem>>) offsets(%dma_start3A_66 : memref<72xi32, #tpu.memory_space<vmem>>) semaphore(%dma_start3A_71 : memref<!tpu.dma_semaphore, #tpu.memory_space<semaphore_mem>>)
    %dma_start3A_72 = arith.constant 0 : i32
    %dma_start3A_73 = arith.constant 2 : i32
    %dma_start3A_74 = arith.constant 0 : i32
    %dma_start3A_75 = arith.constant 2 : i32
    %dma_start3A_76 = arith.constant 0 : i32
    %dma_start3A_77 = arith.constant 0 : i32
    %dma_start3A_78 = arith.constant 0 : i32
    %dma_start3A_79 = tpu.memref_slice %arg6[%dma_start3A_74, %dma_start3A_75, %dma_start3A_77, %dma_start3A_78] : memref<2x4x200x64xf32, #tpu.memory_space<vmem>> -> memref<1x1x128x64xf32, #tpu.memory_space<vmem>>
    %dma_start3A_80 = tpu.memref_squeeze %dma_start3A_79 : memref<1x1x128x64xf32, #tpu.memory_space<vmem>> -> memref<128x64xf32, #tpu.memory_space<vmem>>
    %dma_start3A_81 = arith.constant 0 : i32
    %dma_start3A_82 = tpu.memref_slice %arg5[%dma_start3A_72, %dma_start3A_73, %dma_start3A_81] : memref<2x4x200xi32, #tpu.memory_space<vmem>> -> memref<1x1x128xi32, #tpu.memory_space<vmem>>
    %dma_start3A_83 = tpu.memref_squeeze %dma_start3A_82 : memref<1x1x128xi32, #tpu.memory_space<vmem>> -> memref<128xi32, #tpu.memory_space<vmem>>
    %dma_start3A_84 = arith.constant 0 : i32
    %dma_start3A_85 = arith.constant 0 : i32
    %dma_start3A_86 = tpu.memref_slice %arg3[%dma_start3A_84, %dma_start3A_85] : memref<1000000x64xf32, #tpu.memory_space<hbm>> -> memref<1000000x64xf32, #tpu.memory_space<hbm>>
    %dma_start3A_87 = tpu.memref_slice %arg7[%dma_start3A_76] : memref<2x!tpu.dma_semaphore, #tpu.memory_space<semaphore_mem>> -> memref<1x!tpu.dma_semaphore, #tpu.memory_space<semaphore_mem>>
    %dma_start3A_88 = tpu.memref_squeeze %dma_start3A_87 : memref<1x!tpu.dma_semaphore, #tpu.memory_space<semaphore_mem>> -> memref<!tpu.dma_semaphore, #tpu.memory_space<semaphore_mem>>
    tpu.enqueue_indirect_dma source(%dma_start3A_86 : memref<1000000x64xf32, #tpu.memory_space<hbm>>) target(%dma_start3A_80 : memref<128x64xf32, #tpu.memory_space<vmem>>) offsets(%dma_start3A_83 : memref<128xi32, #tpu.memory_space<vmem>>) semaphore(%dma_start3A_88 : memref<!tpu.dma_semaphore, #tpu.memory_space<semaphore_mem>>)
    %dma_start3A_89 = arith.constant 0 : i32
    %dma_start3A_90 = arith.constant 2 : i32
    %dma_start3A_91 = arith.constant 0 : i32
    %dma_start3A_92 = arith.constant 2 : i32
    %dma_start3A_93 = arith.constant 0 : i32
    %dma_start3A_94 = arith.constant 128 : i32
    %dma_start3A_95 = arith.constant 0 : i32
    %dma_start3A_96 = tpu.memref_slice %arg6[%dma_start3A_91, %dma_start3A_92, %dma_start3A_94, %dma_start3A_95] : memref<2x4x200x64xf32, #tpu.memory_space<vmem>> -> memref<1x1x72x64xf32, #tpu.memory_space<vmem>>
    %dma_start3A_97 = tpu.memref_squeeze %dma_start3A_96 : memref<1x1x72x64xf32, #tpu.memory_space<vmem>> -> memref<72x64xf32, #tpu.memory_space<vmem>>
    %dma_start3A_98 = arith.constant 128 : i32
    %dma_start3A_99 = tpu.memref_slice %arg5[%dma_start3A_89, %dma_start3A_90, %dma_start3A_98] : memref<2x4x200xi32, #tpu.memory_space<vmem>> -> memref<1x1x72xi32, #tpu.memory_space<vmem>>
    %dma_start3A_100 = tpu.memref_squeeze %dma_start3A_99 : memref<1x1x72xi32, #tpu.memory_space<vmem>> -> memref<72xi32, #tpu.memory_space<vmem>>
    %dma_start3A_101 = arith.constant 0 : i32
    %dma_start3A_102 = arith.constant 0 : i32
    %dma_start3A_103 = tpu.memref_slice %arg3[%dma_start3A_101, %dma_start3A_102] : memref<1000000x64xf32, #tpu.memory_space<hbm>> -> memref<1000000x64xf32, #tpu.memory_space<hbm>>
    %dma_start3A_104 = tpu.memref_slice %arg7[%dma_start3A_93] : memref<2x!tpu.dma_semaphore, #tpu.memory_space<semaphore_mem>> -> memref<1x!tpu.dma_semaphore, #tpu.memory_space<semaphore_mem>>
    %dma_start3A_105 = tpu.memref_squeeze %dma_start3A_104 : memref<1x!tpu.dma_semaphore, #tpu.memory_space<semaphore_mem>> -> memref<!tpu.dma_semaphore, #tpu.memory_space<semaphore_mem>>
    tpu.enqueue_indirect_dma source(%dma_start3A_103 : memref<1000000x64xf32, #tpu.memory_space<hbm>>) target(%dma_start3A_97 : memref<72x64xf32, #tpu.memory_space<vmem>>) offsets(%dma_start3A_100 : memref<72xi32, #tpu.memory_space<vmem>>) semaphore(%dma_start3A_105 : memref<!tpu.dma_semaphore, #tpu.memory_space<semaphore_mem>>)
    %dma_start3A_106 = arith.constant 0 : i32
    %dma_start3A_107 = arith.constant 3 : i32
    %dma_start3A_108 = arith.constant 0 : i32
    %dma_start3A_109 = arith.constant 3 : i32
    %dma_start3A_110 = arith.constant 0 : i32
    %dma_start3A_111 = arith.constant 0 : i32
    %dma_start3A_112 = arith.constant 0 : i32
    %dma_start3A_113 = tpu.memref_slice %arg6[%dma_start3A_108, %dma_start3A_109, %dma_start3A_111, %dma_start3A_112] : memref<2x4x200x64xf32, #tpu.memory_space<vmem>> -> memref<1x1x128x64xf32, #tpu.memory_space<vmem>>
    %dma_start3A_114 = tpu.memref_squeeze %dma_start3A_113 : memref<1x1x128x64xf32, #tpu.memory_space<vmem>> -> memref<128x64xf32, #tpu.memory_space<vmem>>
    %dma_start3A_115 = arith.constant 0 : i32
    %dma_start3A_116 = tpu.memref_slice %arg5[%dma_start3A_106, %dma_start3A_107, %dma_start3A_115] : memref<2x4x200xi32, #tpu.memory_space<vmem>> -> memref<1x1x128xi32, #tpu.memory_space<vmem>>
    %dma_start3A_117 = tpu.memref_squeeze %dma_start3A_116 : memref<1x1x128xi32, #tpu.memory_space<vmem>> -> memref<128xi32, #tpu.memory_space<vmem>>
    %dma_start3A_118 = arith.constant 0 : i32
    %dma_start3A_119 = arith.constant 0 : i32
    %dma_start3A_120 = tpu.memref_slice %arg3[%dma_start3A_118, %dma_start3A_119] : memref<1000000x64xf32, #tpu.memory_space<hbm>> -> memref<1000000x64xf32, #tpu.memory_space<hbm>>
    %dma_start3A_121 = tpu.memref_slice %arg7[%dma_start3A_110] : memref<2x!tpu.dma_semaphore, #tpu.memory_space<semaphore_mem>> -> memref<1x!tpu.dma_semaphore, #tpu.memory_space<semaphore_mem>>
    %dma_start3A_122 = tpu.memref_squeeze %dma_start3A_121 : memref<1x!tpu.dma_semaphore, #tpu.memory_space<semaphore_mem>> -> memref<!tpu.dma_semaphore, #tpu.memory_space<semaphore_mem>>
    tpu.enqueue_indirect_dma source(%dma_start3A_120 : memref<1000000x64xf32, #tpu.memory_space<hbm>>) target(%dma_start3A_114 : memref<128x64xf32, #tpu.memory_space<vmem>>) offsets(%dma_start3A_117 : memref<128xi32, #tpu.memory_space<vmem>>) semaphore(%dma_start3A_122 : memref<!tpu.dma_semaphore, #tpu.memory_space<semaphore_mem>>)
    %dma_start3A_123 = arith.constant 0 : i32
    %dma_start3A_124 = arith.constant 3 : i32
    %dma_start3A_125 = arith.constant 0 : i32
    %dma_start3A_126 = arith.constant 3 : i32
    %dma_start3A_127 = arith.constant 0 : i32
    %dma_start3A_128 = arith.constant 128 : i32
    %dma_start3A_129 = arith.constant 0 : i32
    %dma_start3A_130 = tpu.memref_slice %arg6[%dma_start3A_125, %dma_start3A_126, %dma_start3A_128, %dma_start3A_129] : memref<2x4x200x64xf32, #tpu.memory_space<vmem>> -> memref<1x1x72x64xf32, #tpu.memory_space<vmem>>
    %dma_start3A_131 = tpu.memref_squeeze %dma_start3A_130 : memref<1x1x72x64xf32, #tpu.memory_space<vmem>> -> memref<72x64xf32, #tpu.memory_space<vmem>>
    %dma_start3A_132 = arith.constant 128 : i32
    %dma_start3A_133 = tpu.memref_slice %arg5[%dma_start3A_123, %dma_start3A_124, %dma_start3A_132] : memref<2x4x200xi32, #tpu.memory_space<vmem>> -> memref<1x1x72xi32, #tpu.memory_space<vmem>>
    %dma_start3A_134 = tpu.memref_squeeze %dma_start3A_133 : memref<1x1x72xi32, #tpu.memory_space<vmem>> -> memref<72xi32, #tpu.memory_space<vmem>>
    %dma_start3A_135 = arith.constant 0 : i32
    %dma_start3A_136 = arith.constant 0 : i32
    %dma_start3A_137 = tpu.memref_slice %arg3[%dma_start3A_135, %dma_start3A_136] : memref<1000000x64xf32, #tpu.memory_space<hbm>> -> memref<1000000x64xf32, #tpu.memory_space<hbm>>
    %dma_start3A_138 = tpu.memref_slice %arg7[%dma_start3A_127] : memref<2x!tpu.dma_semaphore, #tpu.memory_space<semaphore_mem>> -> memref<1x!tpu.dma_semaphore, #tpu.memory_space<semaphore_mem>>
    %dma_start3A_139 = tpu.memref_squeeze %dma_start3A_138 : memref<1x!tpu.dma_semaphore, #tpu.memory_space<semaphore_mem>> -> memref<!tpu.dma_semaphore, #tpu.memory_space<semaphore_mem>>
    tpu.enqueue_indirect_dma source(%dma_start3A_137 : memref<1000000x64xf32, #tpu.memory_space<hbm>>) target(%dma_start3A_131 : memref<72x64xf32, #tpu.memory_space<vmem>>) offsets(%dma_start3A_134 : memref<72xi32, #tpu.memory_space<vmem>>) semaphore(%dma_start3A_139 : memref<!tpu.dma_semaphore, #tpu.memory_space<semaphore_mem>>)
    %scan3A = arith.constant 0 : i32
    %scan3A_140 = arith.constant 0 : i32
    %scan3A_141 = arith.constant 16 : i32
    %scan3A_142 = arith.addi %scan3A_140, %scan3A_141 : i32
    %scan3A_143 = arith.constant 1 : i32
    %scan3A_144 = scf.for %scan3A_146 = %scan3A_140 to %scan3A_142 step %scan3A_143 iter_args(%scan3A_147 = %scan3A) -> (i32)  : i32 {
      %mul3A_148 = arith.constant 2 : i32
      %mul3A_149 = arith.muli %scan3A_146, %mul3A_148 : i32
      %add3A_150 = arith.constant 1 : i32
      %add3A_151 = arith.addi %mul3A_149, %add3A_150 : i32
      %mul3A_152 = arith.constant 4 : i32
      %mul3A_153 = arith.muli %add3A_151, %mul3A_152 : i32
      %add3A_154 = arith.addi %mul3A_2, %mul3A_153 : i32
      %run_scoped3A_155 = arith.constant 1 : i32
      "tpu.region"() ({
        %run_scoped3A_406 = tpu.sem_alloc : memref<!tpu.dma_semaphore, #tpu.memory_space<semaphore_mem>>
        %dma_start3A_407 = arith.constant 0 : i32
        %dma_start3A_408 = arith.constant 0 : i32
        %dma_start3A_409 = tpu.memref_slice %arg5[%run_scoped3A_155, %dma_start3A_407, %dma_start3A_408] : memref<2x4x200xi32, #tpu.memory_space<vmem>> -> memref<1x4x200xi32, #tpu.memory_space<vmem>>
        %dma_start3A_410 = tpu.memref_squeeze %dma_start3A_409 : memref<1x4x200xi32, #tpu.memory_space<vmem>> -> memref<4x200xi32, #tpu.memory_space<vmem>>
        %dma_start3A_411 = arith.constant 0 : i32
        %dma_start3A_412 = tpu.memref_slice %arg2[%add3A_154, %dma_start3A_411] : memref<4096x200xi32, #tpu.memory_space<hbm>> -> memref<4x200xi32, #tpu.memory_space<hbm>>
        %dma_start3A_413 = arith.constant 0 : i32
        %dma_start3A_414 = arith.constant 0 : i32
        %dma_start3A_415 = tpu.memref_slice %arg5[%run_scoped3A_155, %dma_start3A_413, %dma_start3A_414] : memref<2x4x200xi32, #tpu.memory_space<vmem>> -> memref<1x4x200xi32, #tpu.memory_space<vmem>>
        %dma_start3A_416 = tpu.memref_squeeze %dma_start3A_415 : memref<1x4x200xi32, #tpu.memory_space<vmem>> -> memref<4x200xi32, #tpu.memory_space<vmem>>
        %dma_start3A_417 = arith.constant 0 : i32
        %dma_start3A_418 = tpu.memref_slice %arg2[%add3A_154, %dma_start3A_417] : memref<4096x200xi32, #tpu.memory_space<hbm>> -> memref<4x200xi32, #tpu.memory_space<hbm>>
        tpu.enqueue_dma source(%dma_start3A_418 : memref<4x200xi32, #tpu.memory_space<hbm>>) target(%dma_start3A_416 : memref<4x200xi32, #tpu.memory_space<vmem>>) target_semaphore(%run_scoped3A_406 : memref<!tpu.dma_semaphore, #tpu.memory_space<semaphore_mem>>)
        %dma_wait3A_419 = arith.constant 0 : i32
        %dma_wait3A_420 = arith.constant 0 : i32
        %dma_wait3A_421 = tpu.memref_slice %arg5[%run_scoped3A_155, %dma_wait3A_419, %dma_wait3A_420] : memref<2x4x200xi32, #tpu.memory_space<vmem>> -> memref<1x4x200xi32, #tpu.memory_space<vmem>>
        %dma_wait3A_422 = tpu.memref_squeeze %dma_wait3A_421 : memref<1x4x200xi32, #tpu.memory_space<vmem>> -> memref<4x200xi32, #tpu.memory_space<vmem>>
        %dma_wait3A_423 = arith.constant 0 : i32
        %dma_wait3A_424 = tpu.memref_slice %arg2[%add3A_154, %dma_wait3A_423] : memref<4096x200xi32, #tpu.memory_space<hbm>> -> memref<4x200xi32, #tpu.memory_space<hbm>>
        %dma_wait3A_425 = arith.constant 0 : i32
        %dma_wait3A_426 = arith.constant 0 : i32
        %dma_wait3A_427 = tpu.memref_slice %arg5[%run_scoped3A_155, %dma_wait3A_425, %dma_wait3A_426] : memref<2x4x200xi32, #tpu.memory_space<vmem>> -> memref<1x4x200xi32, #tpu.memory_space<vmem>>
        %dma_wait3A_428 = tpu.memref_squeeze %dma_wait3A_427 : memref<1x4x200xi32, #tpu.memory_space<vmem>> -> memref<4x200xi32, #tpu.memory_space<vmem>>
        %dma_wait3A_429 = arith.constant 0 : i32
        %dma_wait3A_430 = tpu.memref_slice %arg2[%add3A_154, %dma_wait3A_429] : memref<4096x200xi32, #tpu.memory_space<hbm>> -> memref<4x200xi32, #tpu.memory_space<hbm>>
        tpu.wait_dma2 semaphore(%run_scoped3A_406 : memref<!tpu.dma_semaphore, #tpu.memory_space<semaphore_mem>>) src(%dma_wait3A_430 : memref<4x200xi32, #tpu.memory_space<hbm>>) dst(%dma_wait3A_428 : memref<4x200xi32, #tpu.memory_space<vmem>>)
        tpu.yield
      }) : () -> ()
      %dma_start3A_156 = arith.constant 1 : i32
      %dma_start3A_157 = arith.constant 0 : i32
      %dma_start3A_158 = arith.constant 1 : i32
      %dma_start3A_159 = arith.constant 0 : i32
      %dma_start3A_160 = arith.constant 1 : i32
      %dma_start3A_161 = arith.constant 0 : i32
      %dma_start3A_162 = arith.constant 0 : i32
      %dma_start3A_163 = tpu.memref_slice %arg6[%dma_start3A_158, %dma_start3A_159, %dma_start3A_161, %dma_start3A_162] : memref<2x4x200x64xf32, #tpu.memory_space<vmem>> -> memref<1x1x128x64xf32, #tpu.memory_space<vmem>>
      %dma_start3A_164 = tpu.memref_squeeze %dma_start3A_163 : memref<1x1x128x64xf32, #tpu.memory_space<vmem>> -> memref<128x64xf32, #tpu.memory_space<vmem>>
      %dma_start3A_165 = arith.constant 0 : i32
      %dma_start3A_166 = tpu.memref_slice %arg5[%dma_start3A_156, %dma_start3A_157, %dma_start3A_165] : memref<2x4x200xi32, #tpu.memory_space<vmem>> -> memref<1x1x128xi32, #tpu.memory_space<vmem>>
      %dma_start3A_167 = tpu.memref_squeeze %dma_start3A_166 : memref<1x1x128xi32, #tpu.memory_space<vmem>> -> memref<128xi32, #tpu.memory_space<vmem>>
      %dma_start3A_168 = arith.constant 0 : i32
      %dma_start3A_169 = arith.constant 0 : i32
      %dma_start3A_170 = tpu.memref_slice %arg3[%dma_start3A_168, %dma_start3A_169] : memref<1000000x64xf32, #tpu.memory_space<hbm>> -> memref<1000000x64xf32, #tpu.memory_space<hbm>>
      %dma_start3A_171 = tpu.memref_slice %arg7[%dma_start3A_160] : memref<2x!tpu.dma_semaphore, #tpu.memory_space<semaphore_mem>> -> memref<1x!tpu.dma_semaphore, #tpu.memory_space<semaphore_mem>>
      %dma_start3A_172 = tpu.memref_squeeze %dma_start3A_171 : memref<1x!tpu.dma_semaphore, #tpu.memory_space<semaphore_mem>> -> memref<!tpu.dma_semaphore, #tpu.memory_space<semaphore_mem>>
      tpu.enqueue_indirect_dma source(%dma_start3A_170 : memref<1000000x64xf32, #tpu.memory_space<hbm>>) target(%dma_start3A_164 : memref<128x64xf32, #tpu.memory_space<vmem>>) offsets(%dma_start3A_167 : memref<128xi32, #tpu.memory_space<vmem>>) semaphore(%dma_start3A_172 : memref<!tpu.dma_semaphore, #tpu.memory_space<semaphore_mem>>)
      %dma_start3A_173 = arith.constant 1 : i32
      %dma_start3A_174 = arith.constant 0 : i32
      %dma_start3A_175 = arith.constant 1 : i32
      %dma_start3A_176 = arith.constant 0 : i32
      %dma_start3A_177 = arith.constant 1 : i32
      %dma_start3A_178 = arith.constant 128 : i32
      %dma_start3A_179 = arith.constant 0 : i32
      %dma_start3A_180 = tpu.memref_slice %arg6[%dma_start3A_175, %dma_start3A_176, %dma_start3A_178, %dma_start3A_179] : memref<2x4x200x64xf32, #tpu.memory_space<vmem>> -> memref<1x1x72x64xf32, #tpu.memory_space<vmem>>
      %dma_start3A_181 = tpu.memref_squeeze %dma_start3A_180 : memref<1x1x72x64xf32, #tpu.memory_space<vmem>> -> memref<72x64xf32, #tpu.memory_space<vmem>>
      %dma_start3A_182 = arith.constant 128 : i32
      %dma_start3A_183 = tpu.memref_slice %arg5[%dma_start3A_173, %dma_start3A_174, %dma_start3A_182] : memref<2x4x200xi32, #tpu.memory_space<vmem>> -> memref<1x1x72xi32, #tpu.memory_space<vmem>>
      %dma_start3A_184 = tpu.memref_squeeze %dma_start3A_183 : memref<1x1x72xi32, #tpu.memory_space<vmem>> -> memref<72xi32, #tpu.memory_space<vmem>>
      %dma_start3A_185 = arith.constant 0 : i32
      %dma_start3A_186 = arith.constant 0 : i32
      %dma_start3A_187 = tpu.memref_slice %arg3[%dma_start3A_185, %dma_start3A_186] : memref<1000000x64xf32, #tpu.memory_space<hbm>> -> memref<1000000x64xf32, #tpu.memory_space<hbm>>
      %dma_start3A_188 = tpu.memref_slice %arg7[%dma_start3A_177] : memref<2x!tpu.dma_semaphore, #tpu.memory_space<semaphore_mem>> -> memref<1x!tpu.dma_semaphore, #tpu.memory_space<semaphore_mem>>
      %dma_start3A_189 = tpu.memref_squeeze %dma_start3A_188 : memref<1x!tpu.dma_semaphore, #tpu.memory_space<semaphore_mem>> -> memref<!tpu.dma_semaphore, #tpu.memory_space<semaphore_mem>>
      tpu.enqueue_indirect_dma source(%dma_start3A_187 : memref<1000000x64xf32, #tpu.memory_space<hbm>>) target(%dma_start3A_181 : memref<72x64xf32, #tpu.memory_space<vmem>>) offsets(%dma_start3A_184 : memref<72xi32, #tpu.memory_space<vmem>>) semaphore(%dma_start3A_189 : memref<!tpu.dma_semaphore, #tpu.memory_space<semaphore_mem>>)
      %dma_start3A_190 = arith.constant 1 : i32
      %dma_start3A_191 = arith.constant 1 : i32
      %dma_start3A_192 = arith.constant 1 : i32
      %dma_start3A_193 = arith.constant 1 : i32
      %dma_start3A_194 = arith.constant 1 : i32
      %dma_start3A_195 = arith.constant 0 : i32
      %dma_start3A_196 = arith.constant 0 : i32
      %dma_start3A_197 = tpu.memref_slice %arg6[%dma_start3A_192, %dma_start3A_193, %dma_start3A_195, %dma_start3A_196] : memref<2x4x200x64xf32, #tpu.memory_space<vmem>> -> memref<1x1x128x64xf32, #tpu.memory_space<vmem>>
      %dma_start3A_198 = tpu.memref_squeeze %dma_start3A_197 : memref<1x1x128x64xf32, #tpu.memory_space<vmem>> -> memref<128x64xf32, #tpu.memory_space<vmem>>
      %dma_start3A_199 = arith.constant 0 : i32
      %dma_start3A_200 = tpu.memref_slice %arg5[%dma_start3A_190, %dma_start3A_191, %dma_start3A_199] : memref<2x4x200xi32, #tpu.memory_space<vmem>> -> memref<1x1x128xi32, #tpu.memory_space<vmem>>
      %dma_start3A_201 = tpu.memref_squeeze %dma_start3A_200 : memref<1x1x128xi32, #tpu.memory_space<vmem>> -> memref<128xi32, #tpu.memory_space<vmem>>
      %dma_start3A_202 = arith.constant 0 : i32
      %dma_start3A_203 = arith.constant 0 : i32
      %dma_start3A_204 = tpu.memref_slice %arg3[%dma_start3A_202, %dma_start3A_203] : memref<1000000x64xf32, #tpu.memory_space<hbm>> -> memref<1000000x64xf32, #tpu.memory_space<hbm>>
      %dma_start3A_205 = tpu.memref_slice %arg7[%dma_start3A_194] : memref<2x!tpu.dma_semaphore, #tpu.memory_space<semaphore_mem>> -> memref<1x!tpu.dma_semaphore, #tpu.memory_space<semaphore_mem>>
      %dma_start3A_206 = tpu.memref_squeeze %dma_start3A_205 : memref<1x!tpu.dma_semaphore, #tpu.memory_space<semaphore_mem>> -> memref<!tpu.dma_semaphore, #tpu.memory_space<semaphore_mem>>
      tpu.enqueue_indirect_dma source(%dma_start3A_204 : memref<1000000x64xf32, #tpu.memory_space<hbm>>) target(%dma_start3A_198 : memref<128x64xf32, #tpu.memory_space<vmem>>) offsets(%dma_start3A_201 : memref<128xi32, #tpu.memory_space<vmem>>) semaphore(%dma_start3A_206 : memref<!tpu.dma_semaphore, #tpu.memory_space<semaphore_mem>>)
      %dma_start3A_207 = arith.constant 1 : i32
      %dma_start3A_208 = arith.constant 1 : i32
      %dma_start3A_209 = arith.constant 1 : i32
      %dma_start3A_210 = arith.constant 1 : i32
      %dma_start3A_211 = arith.constant 1 : i32
      %dma_start3A_212 = arith.constant 128 : i32
      %dma_start3A_213 = arith.constant 0 : i32
      %dma_start3A_214 = tpu.memref_slice %arg6[%dma_start3A_209, %dma_start3A_210, %dma_start3A_212, %dma_start3A_213] : memref<2x4x200x64xf32, #tpu.memory_space<vmem>> -> memref<1x1x72x64xf32, #tpu.memory_space<vmem>>
      %dma_start3A_215 = tpu.memref_squeeze %dma_start3A_214 : memref<1x1x72x64xf32, #tpu.memory_space<vmem>> -> memref<72x64xf32, #tpu.memory_space<vmem>>
      %dma_start3A_216 = arith.constant 128 : i32
      %dma_start3A_217 = tpu.memref_slice %arg5[%dma_start3A_207, %dma_start3A_208, %dma_start3A_216] : memref<2x4x200xi32, #tpu.memory_space<vmem>> -> memref<1x1x72xi32, #tpu.memory_space<vmem>>
      %dma_start3A_218 = tpu.memref_squeeze %dma_start3A_217 : memref<1x1x72xi32, #tpu.memory_space<vmem>> -> memref<72xi32, #tpu.memory_space<vmem>>
      %dma_start3A_219 = arith.constant 0 : i32
      %dma_start3A_220 = arith.constant 0 : i32
      %dma_start3A_221 = tpu.memref_slice %arg3[%dma_start3A_219, %dma_start3A_220] : memref<1000000x64xf32, #tpu.memory_space<hbm>> -> memref<1000000x64xf32, #tpu.memory_space<hbm>>
      %dma_start3A_222 = tpu.memref_slice %arg7[%dma_start3A_211] : memref<2x!tpu.dma_semaphore, #tpu.memory_space<semaphore_mem>> -> memref<1x!tpu.dma_semaphore, #tpu.memory_space<semaphore_mem>>
      %dma_start3A_223 = tpu.memref_squeeze %dma_start3A_222 : memref<1x!tpu.dma_semaphore, #tpu.memory_space<semaphore_mem>> -> memref<!tpu.dma_semaphore, #tpu.memory_space<semaphore_mem>>
      tpu.enqueue_indirect_dma source(%dma_start3A_221 : memref<1000000x64xf32, #tpu.memory_space<hbm>>) target(%dma_start3A_215 : memref<72x64xf32, #tpu.memory_space<vmem>>) offsets(%dma_start3A_218 : memref<72xi32, #tpu.memory_space<vmem>>) semaphore(%dma_start3A_223 : memref<!tpu.dma_semaphore, #tpu.memory_space<semaphore_mem>>)
      %dma_start3A_224 = arith.constant 1 : i32
      %dma_start3A_225 = arith.constant 2 : i32
      %dma_start3A_226 = arith.constant 1 : i32
      %dma_start3A_227 = arith.constant 2 : i32
      %dma_start3A_228 = arith.constant 1 : i32
      %dma_start3A_229 = arith.constant 0 : i32
      %dma_start3A_230 = arith.constant 0 : i32
      %dma_start3A_231 = tpu.memref_slice %arg6[%dma_start3A_226, %dma_start3A_227, %dma_start3A_229, %dma_start3A_230] : memref<2x4x200x64xf32, #tpu.memory_space<vmem>> -> memref<1x1x128x64xf32, #tpu.memory_space<vmem>>
      %dma_start3A_232 = tpu.memref_squeeze %dma_start3A_231 : memref<1x1x128x64xf32, #tpu.memory_space<vmem>> -> memref<128x64xf32, #tpu.memory_space<vmem>>
      %dma_start3A_233 = arith.constant 0 : i32
      %dma_start3A_234 = tpu.memref_slice %arg5[%dma_start3A_224, %dma_start3A_225, %dma_start3A_233] : memref<2x4x200xi32, #tpu.memory_space<vmem>> -> memref<1x1x128xi32, #tpu.memory_space<vmem>>
      %dma_start3A_235 = tpu.memref_squeeze %dma_start3A_234 : memref<1x1x128xi32, #tpu.memory_space<vmem>> -> memref<128xi32, #tpu.memory_space<vmem>>
      %dma_start3A_236 = arith.constant 0 : i32
      %dma_start3A_237 = arith.constant 0 : i32
      %dma_start3A_238 = tpu.memref_slice %arg3[%dma_start3A_236, %dma_start3A_237] : memref<1000000x64xf32, #tpu.memory_space<hbm>> -> memref<1000000x64xf32, #tpu.memory_space<hbm>>
      %dma_start3A_239 = tpu.memref_slice %arg7[%dma_start3A_228] : memref<2x!tpu.dma_semaphore, #tpu.memory_space<semaphore_mem>> -> memref<1x!tpu.dma_semaphore, #tpu.memory_space<semaphore_mem>>
      %dma_start3A_240 = tpu.memref_squeeze %dma_start3A_239 : memref<1x!tpu.dma_semaphore, #tpu.memory_space<semaphore_mem>> -> memref<!tpu.dma_semaphore, #tpu.memory_space<semaphore_mem>>
      tpu.enqueue_indirect_dma source(%dma_start3A_238 : memref<1000000x64xf32, #tpu.memory_space<hbm>>) target(%dma_start3A_232 : memref<128x64xf32, #tpu.memory_space<vmem>>) offsets(%dma_start3A_235 : memref<128xi32, #tpu.memory_space<vmem>>) semaphore(%dma_start3A_240 : memref<!tpu.dma_semaphore, #tpu.memory_space<semaphore_mem>>)
      %dma_start3A_241 = arith.constant 1 : i32
      %dma_start3A_242 = arith.constant 2 : i32
      %dma_start3A_243 = arith.constant 1 : i32
      %dma_start3A_244 = arith.constant 2 : i32
      %dma_start3A_245 = arith.constant 1 : i32
      %dma_start3A_246 = arith.constant 128 : i32
      %dma_start3A_247 = arith.constant 0 : i32
      %dma_start3A_248 = tpu.memref_slice %arg6[%dma_start3A_243, %dma_start3A_244, %dma_start3A_246, %dma_start3A_247] : memref<2x4x200x64xf32, #tpu.memory_space<vmem>> -> memref<1x1x72x64xf32, #tpu.memory_space<vmem>>
      %dma_start3A_249 = tpu.memref_squeeze %dma_start3A_248 : memref<1x1x72x64xf32, #tpu.memory_space<vmem>> -> memref<72x64xf32, #tpu.memory_space<vmem>>
      %dma_start3A_250 = arith.constant 128 : i32
      %dma_start3A_251 = tpu.memref_slice %arg5[%dma_start3A_241, %dma_start3A_242, %dma_start3A_250] : memref<2x4x200xi32, #tpu.memory_space<vmem>> -> memref<1x1x72xi32, #tpu.memory_space<vmem>>
      %dma_start3A_252 = tpu.memref_squeeze %dma_start3A_251 : memref<1x1x72xi32, #tpu.memory_space<vmem>> -> memref<72xi32, #tpu.memory_space<vmem>>
      %dma_start3A_253 = arith.constant 0 : i32
      %dma_start3A_254 = arith.constant 0 : i32
      %dma_start3A_255 = tpu.memref_slice %arg3[%dma_start3A_253, %dma_start3A_254] : memref<1000000x64xf32, #tpu.memory_space<hbm>> -> memref<1000000x64xf32, #tpu.memory_space<hbm>>
      %dma_start3A_256 = tpu.memref_slice %arg7[%dma_start3A_245] : memref<2x!tpu.dma_semaphore, #tpu.memory_space<semaphore_mem>> -> memref<1x!tpu.dma_semaphore, #tpu.memory_space<semaphore_mem>>
      %dma_start3A_257 = tpu.memref_squeeze %dma_start3A_256 : memref<1x!tpu.dma_semaphore, #tpu.memory_space<semaphore_mem>> -> memref<!tpu.dma_semaphore, #tpu.memory_space<semaphore_mem>>
      tpu.enqueue_indirect_dma source(%dma_start3A_255 : memref<1000000x64xf32, #tpu.memory_space<hbm>>) target(%dma_start3A_249 : memref<72x64xf32, #tpu.memory_space<vmem>>) offsets(%dma_start3A_252 : memref<72xi32, #tpu.memory_space<vmem>>) semaphore(%dma_start3A_257 : memref<!tpu.dma_semaphore, #tpu.memory_space<semaphore_mem>>)
      %dma_start3A_258 = arith.constant 1 : i32
      %dma_start3A_259 = arith.constant 3 : i32
      %dma_start3A_260 = arith.constant 1 : i32
      %dma_start3A_261 = arith.constant 3 : i32
      %dma_start3A_262 = arith.constant 1 : i32
      %dma_start3A_263 = arith.constant 0 : i32
      %dma_start3A_264 = arith.constant 0 : i32
      %dma_start3A_265 = tpu.memref_slice %arg6[%dma_start3A_260, %dma_start3A_261, %dma_start3A_263, %dma_start3A_264] : memref<2x4x200x64xf32, #tpu.memory_space<vmem>> -> memref<1x1x128x64xf32, #tpu.memory_space<vmem>>
      %dma_start3A_266 = tpu.memref_squeeze %dma_start3A_265 : memref<1x1x128x64xf32, #tpu.memory_space<vmem>> -> memref<128x64xf32, #tpu.memory_space<vmem>>
      %dma_start3A_267 = arith.constant 0 : i32
      %dma_start3A_268 = tpu.memref_slice %arg5[%dma_start3A_258, %dma_start3A_259, %dma_start3A_267] : memref<2x4x200xi32, #tpu.memory_space<vmem>> -> memref<1x1x128xi32, #tpu.memory_space<vmem>>
      %dma_start3A_269 = tpu.memref_squeeze %dma_start3A_268 : memref<1x1x128xi32, #tpu.memory_space<vmem>> -> memref<128xi32, #tpu.memory_space<vmem>>
      %dma_start3A_270 = arith.constant 0 : i32
      %dma_start3A_271 = arith.constant 0 : i32
      %dma_start3A_272 = tpu.memref_slice %arg3[%dma_start3A_270, %dma_start3A_271] : memref<1000000x64xf32, #tpu.memory_space<hbm>> -> memref<1000000x64xf32, #tpu.memory_space<hbm>>
      %dma_start3A_273 = tpu.memref_slice %arg7[%dma_start3A_262] : memref<2x!tpu.dma_semaphore, #tpu.memory_space<semaphore_mem>> -> memref<1x!tpu.dma_semaphore, #tpu.memory_space<semaphore_mem>>
      %dma_start3A_274 = tpu.memref_squeeze %dma_start3A_273 : memref<1x!tpu.dma_semaphore, #tpu.memory_space<semaphore_mem>> -> memref<!tpu.dma_semaphore, #tpu.memory_space<semaphore_mem>>
      tpu.enqueue_indirect_dma source(%dma_start3A_272 : memref<1000000x64xf32, #tpu.memory_space<hbm>>) target(%dma_start3A_266 : memref<128x64xf32, #tpu.memory_space<vmem>>) offsets(%dma_start3A_269 : memref<128xi32, #tpu.memory_space<vmem>>) semaphore(%dma_start3A_274 : memref<!tpu.dma_semaphore, #tpu.memory_space<semaphore_mem>>)
      %dma_start3A_275 = arith.constant 1 : i32
      %dma_start3A_276 = arith.constant 3 : i32
      %dma_start3A_277 = arith.constant 1 : i32
      %dma_start3A_278 = arith.constant 3 : i32
      %dma_start3A_279 = arith.constant 1 : i32
      %dma_start3A_280 = arith.constant 128 : i32
      %dma_start3A_281 = arith.constant 0 : i32
      %dma_start3A_282 = tpu.memref_slice %arg6[%dma_start3A_277, %dma_start3A_278, %dma_start3A_280, %dma_start3A_281] : memref<2x4x200x64xf32, #tpu.memory_space<vmem>> -> memref<1x1x72x64xf32, #tpu.memory_space<vmem>>
      %dma_start3A_283 = tpu.memref_squeeze %dma_start3A_282 : memref<1x1x72x64xf32, #tpu.memory_space<vmem>> -> memref<72x64xf32, #tpu.memory_space<vmem>>
      %dma_start3A_284 = arith.constant 128 : i32
      %dma_start3A_285 = tpu.memref_slice %arg5[%dma_start3A_275, %dma_start3A_276, %dma_start3A_284] : memref<2x4x200xi32, #tpu.memory_space<vmem>> -> memref<1x1x72xi32, #tpu.memory_space<vmem>>
      %dma_start3A_286 = tpu.memref_squeeze %dma_start3A_285 : memref<1x1x72xi32, #tpu.memory_space<vmem>> -> memref<72xi32, #tpu.memory_space<vmem>>
      %dma_start3A_287 = arith.constant 0 : i32
      %dma_start3A_288 = arith.constant 0 : i32
      %dma_start3A_289 = tpu.memref_slice %arg3[%dma_start3A_287, %dma_start3A_288] : memref<1000000x64xf32, #tpu.memory_space<hbm>> -> memref<1000000x64xf32, #tpu.memory_space<hbm>>
      %dma_start3A_290 = tpu.memref_slice %arg7[%dma_start3A_279] : memref<2x!tpu.dma_semaphore, #tpu.memory_space<semaphore_mem>> -> memref<1x!tpu.dma_semaphore, #tpu.memory_space<semaphore_mem>>
      %dma_start3A_291 = tpu.memref_squeeze %dma_start3A_290 : memref<1x!tpu.dma_semaphore, #tpu.memory_space<semaphore_mem>> -> memref<!tpu.dma_semaphore, #tpu.memory_space<semaphore_mem>>
      tpu.enqueue_indirect_dma source(%dma_start3A_289 : memref<1000000x64xf32, #tpu.memory_space<hbm>>) target(%dma_start3A_283 : memref<72x64xf32, #tpu.memory_space<vmem>>) offsets(%dma_start3A_286 : memref<72xi32, #tpu.memory_space<vmem>>) semaphore(%dma_start3A_291 : memref<!tpu.dma_semaphore, #tpu.memory_space<semaphore_mem>>)
      %dma_wait3A = arith.constant 0 : i32
      %dma_wait3A_292 = arith.constant 0 : i32
      %dma_wait3A_293 = arith.constant 0 : i32
      %dma_wait3A_294 = arith.constant 0 : i32
      %dma_wait3A_295 = arith.constant 0 : i32
      %dma_wait3A_296 = tpu.memref_slice %arg6[%dma_wait3A, %dma_wait3A_293, %dma_wait3A_294, %dma_wait3A_295] : memref<2x4x200x64xf32, #tpu.memory_space<vmem>> -> memref<1x4x200x64xf32, #tpu.memory_space<vmem>>
      %dma_wait3A_297 = tpu.memref_squeeze %dma_wait3A_296 : memref<1x4x200x64xf32, #tpu.memory_space<vmem>> -> memref<4x200x64xf32, #tpu.memory_space<vmem>>
      %dma_wait3A_298 = arith.constant 0 : i32
      %dma_wait3A_299 = arith.constant 0 : i32
      %dma_wait3A_300 = arith.constant 0 : i32
      %dma_wait3A_301 = tpu.memref_slice %arg4[%dma_wait3A_298, %dma_wait3A_299, %dma_wait3A_300] : memref<4096x200x128xf32, #tpu.memory_space<hbm>> -> memref<4x200x64xf32, #tpu.memory_space<hbm>>
      %dma_wait3A_302 = tpu.memref_slice %arg7[%dma_wait3A_292] : memref<2x!tpu.dma_semaphore, #tpu.memory_space<semaphore_mem>> -> memref<1x!tpu.dma_semaphore, #tpu.memory_space<semaphore_mem>>
      %dma_wait3A_303 = tpu.memref_squeeze %dma_wait3A_302 : memref<1x!tpu.dma_semaphore, #tpu.memory_space<semaphore_mem>> -> memref<!tpu.dma_semaphore, #tpu.memory_space<semaphore_mem>>
      %dma_wait3A_304 = arith.constant 0 : i32
      %dma_wait3A_305 = arith.constant 0 : i32
      %dma_wait3A_306 = arith.constant 0 : i32
      %dma_wait3A_307 = tpu.memref_slice %arg6[%dma_wait3A, %dma_wait3A_304, %dma_wait3A_305, %dma_wait3A_306] : memref<2x4x200x64xf32, #tpu.memory_space<vmem>> -> memref<1x4x200x64xf32, #tpu.memory_space<vmem>>
      %dma_wait3A_308 = tpu.memref_squeeze %dma_wait3A_307 : memref<1x4x200x64xf32, #tpu.memory_space<vmem>> -> memref<4x200x64xf32, #tpu.memory_space<vmem>>
      %dma_wait3A_309 = arith.constant 0 : i32
      %dma_wait3A_310 = arith.constant 0 : i32
      %dma_wait3A_311 = arith.constant 0 : i32
      %dma_wait3A_312 = tpu.memref_slice %arg4[%dma_wait3A_309, %dma_wait3A_310, %dma_wait3A_311] : memref<4096x200x128xf32, #tpu.memory_space<hbm>> -> memref<4x200x64xf32, #tpu.memory_space<hbm>>
      tpu.wait_dma2 semaphore(%dma_wait3A_303 : memref<!tpu.dma_semaphore, #tpu.memory_space<semaphore_mem>>) src(%dma_wait3A_312 : memref<4x200x64xf32, #tpu.memory_space<hbm>>) dst(%dma_wait3A_308 : memref<4x200x64xf32, #tpu.memory_space<vmem>>)
      %scan3A_313 = arith.constant 0 : i32
      %scan3A_314 = arith.constant 0 : i32
      %scan3A_315 = arith.constant 50 : i32
      %scan3A_316 = arith.addi %scan3A_314, %scan3A_315 : i32
      %scan3A_317 = arith.constant 1 : i32
      %scan3A_318 = scf.for %scan3A_406 = %scan3A_314 to %scan3A_316 step %scan3A_317 iter_args(%scan3A_407 = %scan3A_313) -> (i32)  : i32 {
        %mul3A_408 = arith.constant 4 : i32
        %mul3A_409 = arith.muli %scan3A_406, %mul3A_408 : i32
        %add3A_410 = arith.constant 0 : i32
        %add3A_411 = arith.addi %mul3A_409, %add3A_410 : i32
        %get3A = arith.constant 0 : i32
        %get3A_412 = arith.constant 0 : i32
        %get3A_413 = arith.index_cast %get3A : i32 to index
        %get3A_414 = arith.index_cast %get3A_412 : i32 to index
        %get3A_415 = arith.index_cast %add3A_411 : i32 to index
        %get3A_416 = arith.constant 0 : index
        %get3A_417 = tpu.vector_load %arg6[%get3A_413, %get3A_414, %get3A_415, %get3A_416] {strides = array<i32>} : memref<2x4x200x64xf32, #tpu.memory_space<vmem>>, vector<1x1x1x16xf32>,
        %get3A_418 = vector.shape_cast %get3A_417 : vector<1x1x1x16xf32> to vector<16xf32>
        %mul3A_419 = arith.constant 8.000000e+00 : f32
        %mul3A_420 = vector.broadcast %mul3A_419 : f32 to vector<16xf32>
        %mul3A_421 = arith.mulf %get3A_418, %mul3A_420 : vector<16xf32>
        %add3A_422 = arith.constant 9.99999982E-14 : f32
        %add3A_423 = vector.broadcast %add3A_422 : f32 to vector<16xf32>
        %add3A_424 = arith.addf %mul3A_421, %add3A_423 : vector<16xf32>
        %add3A_425 = arith.constant 0 : i32
        %add3A_426 = arith.addi %mul3A_409, %add3A_425 : i32
        %swap3A = arith.constant 0 : i32
        %swap3A_427 = arith.constant 0 : i32
        %swap3A_428 = arith.index_cast %swap3A : i32 to index
        %swap3A_429 = arith.index_cast %swap3A_427 : i32 to index
        %swap3A_430 = arith.index_cast %add3A_426 : i32 to index
        %swap3A_431 = arith.constant 0 : index
        %swap3A_432 = tpu.vector_load %arg6[%swap3A_428, %swap3A_429, %swap3A_430, %swap3A_431] {strides = array<i32>} : memref<2x4x200x64xf32, #tpu.memory_space<vmem>>, vector<1x1x1x16xf32>,
        %swap3A_433 = vector.shape_cast %swap3A_432 : vector<1x1x1x16xf32> to vector<16xf32>
        %swap3A_434 = vector.shape_cast %add3A_424 : vector<16xf32> to vector<1x1x1x16xf32>
        tpu.vector_store %arg6[%swap3A_428, %swap3A_429, %swap3A_430, %swap3A_431], %swap3A_434 {strides = array<i32>} : memref<2x4x200x64xf32, #tpu.memory_space<vmem>>, vector<1x1x1x16xf32>,
        %add3A_435 = arith.constant 0 : i32
        %add3A_436 = arith.addi %mul3A_409, %add3A_435 : i32
        %get3A_437 = arith.constant 0 : i32
        %get3A_438 = arith.constant 0 : i32
        %get3A_439 = arith.index_cast %get3A_437 : i32 to index
        %get3A_440 = arith.index_cast %get3A_438 : i32 to index
        %get3A_441 = arith.index_cast %add3A_436 : i32 to index
        %get3A_442 = arith.constant 16 : index
        %get3A_443 = tpu.vector_load %arg6[%get3A_439, %get3A_440, %get3A_441, %get3A_442] {strides = array<i32>} : memref<2x4x200x64xf32, #tpu.memory_space<vmem>>, vector<1x1x1x16xf32>,
        %get3A_444 = vector.shape_cast %get3A_443 : vector<1x1x1x16xf32> to vector<16xf32>
        %mul3A_445 = arith.constant 8.000000e+00 : f32
        %mul3A_446 = vector.broadcast %mul3A_445 : f32 to vector<16xf32>
        %mul3A_447 = arith.mulf %get3A_444, %mul3A_446 : vector<16xf32>
        %add3A_448 = arith.constant 9.99999982E-14 : f32
        %add3A_449 = vector.broadcast %add3A_448 : f32 to vector<16xf32>
        %add3A_450 = arith.addf %mul3A_447, %add3A_449 : vector<16xf32>
        %add3A_451 = arith.constant 0 : i32
        %add3A_452 = arith.addi %mul3A_409, %add3A_451 : i32
        %swap3A_453 = arith.constant 0 : i32
        %swap3A_454 = arith.constant 0 : i32
        %swap3A_455 = arith.index_cast %swap3A_453 : i32 to index
        %swap3A_456 = arith.index_cast %swap3A_454 : i32 to index
        %swap3A_457 = arith.index_cast %add3A_452 : i32 to index
        %swap3A_458 = arith.constant 16 : index
        %swap3A_459 = tpu.vector_load %arg6[%swap3A_455, %swap3A_456, %swap3A_457, %swap3A_458] {strides = array<i32>} : memref<2x4x200x64xf32, #tpu.memory_space<vmem>>, vector<1x1x1x16xf32>,
        %swap3A_460 = vector.shape_cast %swap3A_459 : vector<1x1x1x16xf32> to vector<16xf32>
        %swap3A_461 = vector.shape_cast %add3A_450 : vector<16xf32> to vector<1x1x1x16xf32>
        tpu.vector_store %arg6[%swap3A_455, %swap3A_456, %swap3A_457, %swap3A_458], %swap3A_461 {strides = array<i32>} : memref<2x4x200x64xf32, #tpu.memory_space<vmem>>, vector<1x1x1x16xf32>,
        %add3A_462 = arith.constant 0 : i32
        %add3A_463 = arith.addi %mul3A_409, %add3A_462 : i32
        %get3A_464 = arith.constant 0 : i32
        %get3A_465 = arith.constant 0 : i32
        %get3A_466 = arith.index_cast %get3A_464 : i32 to index
        %get3A_467 = arith.index_cast %get3A_465 : i32 to index
        %get3A_468 = arith.index_cast %add3A_463 : i32 to index
        %get3A_469 = arith.constant 32 : index
        %get3A_470 = tpu.vector_load %arg6[%get3A_466, %get3A_467, %get3A_468, %get3A_469] {strides = array<i32>} : memref<2x4x200x64xf32, #tpu.memory_space<vmem>>, vector<1x1x1x16xf32>,
        %get3A_471 = vector.shape_cast %get3A_470 : vector<1x1x1x16xf32> to vector<16xf32>
        %mul3A_472 = arith.constant 8.000000e+00 : f32
        %mul3A_473 = vector.broadcast %mul3A_472 : f32 to vector<16xf32>
        %mul3A_474 = arith.mulf %get3A_471, %mul3A_473 : vector<16xf32>
        %add3A_475 = arith.constant 9.99999982E-14 : f32
        %add3A_476 = vector.broadcast %add3A_475 : f32 to vector<16xf32>
        %add3A_477 = arith.addf %mul3A_474, %add3A_476 : vector<16xf32>
        %add3A_478 = arith.constant 0 : i32
        %add3A_479 = arith.addi %mul3A_409, %add3A_478 : i32
        %swap3A_480 = arith.constant 0 : i32
        %swap3A_481 = arith.constant 0 : i32
        %swap3A_482 = arith.index_cast %swap3A_480 : i32 to index
        %swap3A_483 = arith.index_cast %swap3A_481 : i32 to index
        %swap3A_484 = arith.index_cast %add3A_479 : i32 to index
        %swap3A_485 = arith.constant 32 : index
        %swap3A_486 = tpu.vector_load %arg6[%swap3A_482, %swap3A_483, %swap3A_484, %swap3A_485] {strides = array<i32>} : memref<2x4x200x64xf32, #tpu.memory_space<vmem>>, vector<1x1x1x16xf32>,
        %swap3A_487 = vector.shape_cast %swap3A_486 : vector<1x1x1x16xf32> to vector<16xf32>
        %swap3A_488 = vector.shape_cast %add3A_477 : vector<16xf32> to vector<1x1x1x16xf32>
        tpu.vector_store %arg6[%swap3A_482, %swap3A_483, %swap3A_484, %swap3A_485], %swap3A_488 {strides = array<i32>} : memref<2x4x200x64xf32, #tpu.memory_space<vmem>>, vector<1x1x1x16xf32>,
        %add3A_489 = arith.constant 0 : i32
        %add3A_490 = arith.addi %mul3A_409, %add3A_489 : i32
        %get3A_491 = arith.constant 0 : i32
        %get3A_492 = arith.constant 0 : i32
        %get3A_493 = arith.index_cast %get3A_491 : i32 to index
        %get3A_494 = arith.index_cast %get3A_492 : i32 to index
        %get3A_495 = arith.index_cast %add3A_490 : i32 to index
        %get3A_496 = arith.constant 48 : index
        %get3A_497 = tpu.vector_load %arg6[%get3A_493, %get3A_494, %get3A_495, %get3A_496] {strides = array<i32>} : memref<2x4x200x64xf32, #tpu.memory_space<vmem>>, vector<1x1x1x16xf32>,
        %get3A_498 = vector.shape_cast %get3A_497 : vector<1x1x1x16xf32> to vector<16xf32>
        %mul3A_499 = arith.constant 8.000000e+00 : f32
        %mul3A_500 = vector.broadcast %mul3A_499 : f32 to vector<16xf32>
        %mul3A_501 = arith.mulf %get3A_498, %mul3A_500 : vector<16xf32>
        %add3A_502 = arith.constant 9.99999982E-14 : f32
        %add3A_503 = vector.broadcast %add3A_502 : f32 to vector<16xf32>
        %add3A_504 = arith.addf %mul3A_501, %add3A_503 : vector<16xf32>
        %add3A_505 = arith.constant 0 : i32
        %add3A_506 = arith.addi %mul3A_409, %add3A_505 : i32
        %swap3A_507 = arith.constant 0 : i32
        %swap3A_508 = arith.constant 0 : i32
        %swap3A_509 = arith.index_cast %swap3A_507 : i32 to index
        %swap3A_510 = arith.index_cast %swap3A_508 : i32 to index
        %swap3A_511 = arith.index_cast %add3A_506 : i32 to index
        %swap3A_512 = arith.constant 48 : index
        %swap3A_513 = tpu.vector_load %arg6[%swap3A_509, %swap3A_510, %swap3A_511, %swap3A_512] {strides = array<i32>} : memref<2x4x200x64xf32, #tpu.memory_space<vmem>>, vector<1x1x1x16xf32>,
        %swap3A_514 = vector.shape_cast %swap3A_513 : vector<1x1x1x16xf32> to vector<16xf32>
        %swap3A_515 = vector.shape_cast %add3A_504 : vector<16xf32> to vector<1x1x1x16xf32>
        tpu.vector_store %arg6[%swap3A_509, %swap3A_510, %swap3A_511, %swap3A_512], %swap3A_515 {strides = array<i32>} : memref<2x4x200x64xf32, #tpu.memory_space<vmem>>, vector<1x1x1x16xf32>,
        %add3A_516 = arith.constant 1 : i32
        %add3A_517 = arith.addi %mul3A_409, %add3A_516 : i32
        %get3A_518 = arith.constant 0 : i32
        %get3A_519 = arith.constant 0 : i32
        %get3A_520 = arith.index_cast %get3A_518 : i32 to index
        %get3A_521 = arith.index_cast %get3A_519 : i32 to index
        %get3A_522 = arith.index_cast %add3A_517 : i32 to index
        %get3A_523 = arith.constant 0 : index
        %get3A_524 = tpu.vector_load %arg6[%get3A_520, %get3A_521, %get3A_522, %get3A_523] {strides = array<i32>} : memref<2x4x200x64xf32, #tpu.memory_space<vmem>>, vector<1x1x1x16xf32>,
        %get3A_525 = vector.shape_cast %get3A_524 : vector<1x1x1x16xf32> to vector<16xf32>
        %mul3A_526 = arith.constant 8.000000e+00 : f32
        %mul3A_527 = vector.broadcast %mul3A_526 : f32 to vector<16xf32>
        %mul3A_528 = arith.mulf %get3A_525, %mul3A_527 : vector<16xf32>
        %add3A_529 = arith.constant 9.99999982E-14 : f32
        %add3A_530 = vector.broadcast %add3A_529 : f32 to vector<16xf32>
        %add3A_531 = arith.addf %mul3A_528, %add3A_530 : vector<16xf32>
        %add3A_532 = arith.constant 1 : i32
        %add3A_533 = arith.addi %mul3A_409, %add3A_532 : i32
        %swap3A_534 = arith.constant 0 : i32
        %swap3A_535 = arith.constant 0 : i32
        %swap3A_536 = arith.index_cast %swap3A_534 : i32 to index
        %swap3A_537 = arith.index_cast %swap3A_535 : i32 to index
        %swap3A_538 = arith.index_cast %add3A_533 : i32 to index
        %swap3A_539 = arith.constant 0 : index
        %swap3A_540 = tpu.vector_load %arg6[%swap3A_536, %swap3A_537, %swap3A_538, %swap3A_539] {strides = array<i32>} : memref<2x4x200x64xf32, #tpu.memory_space<vmem>>, vector<1x1x1x16xf32>,
        %swap3A_541 = vector.shape_cast %swap3A_540 : vector<1x1x1x16xf32> to vector<16xf32>
        %swap3A_542 = vector.shape_cast %add3A_531 : vector<16xf32> to vector<1x1x1x16xf32>
        tpu.vector_store %arg6[%swap3A_536, %swap3A_537, %swap3A_538, %swap3A_539], %swap3A_542 {strides = array<i32>} : memref<2x4x200x64xf32, #tpu.memory_space<vmem>>, vector<1x1x1x16xf32>,
        %add3A_543 = arith.constant 1 : i32
        %add3A_544 = arith.addi %mul3A_409, %add3A_543 : i32
        %get3A_545 = arith.constant 0 : i32
        %get3A_546 = arith.constant 0 : i32
        %get3A_547 = arith.index_cast %get3A_545 : i32 to index
        %get3A_548 = arith.index_cast %get3A_546 : i32 to index
        %get3A_549 = arith.index_cast %add3A_544 : i32 to index
        %get3A_550 = arith.constant 16 : index
        %get3A_551 = tpu.vector_load %arg6[%get3A_547, %get3A_548, %get3A_549, %get3A_550] {strides = array<i32>} : memref<2x4x200x64xf32, #tpu.memory_space<vmem>>, vector<1x1x1x16xf32>,
        %get3A_552 = vector.shape_cast %get3A_551 : vector<1x1x1x16xf32> to vector<16xf32>
        %mul3A_553 = arith.constant 8.000000e+00 : f32
        %mul3A_554 = vector.broadcast %mul3A_553 : f32 to vector<16xf32>
        %mul3A_555 = arith.mulf %get3A_552, %mul3A_554 : vector<16xf32>
        %add3A_556 = arith.constant 9.99999982E-14 : f32
        %add3A_557 = vector.broadcast %add3A_556 : f32 to vector<16xf32>
        %add3A_558 = arith.addf %mul3A_555, %add3A_557 : vector<16xf32>
        %add3A_559 = arith.constant 1 : i32
        %add3A_560 = arith.addi %mul3A_409, %add3A_559 : i32
        %swap3A_561 = arith.constant 0 : i32
        %swap3A_562 = arith.constant 0 : i32
        %swap3A_563 = arith.index_cast %swap3A_561 : i32 to index
        %swap3A_564 = arith.index_cast %swap3A_562 : i32 to index
        %swap3A_565 = arith.index_cast %add3A_560 : i32 to index
        %swap3A_566 = arith.constant 16 : index
        %swap3A_567 = tpu.vector_load %arg6[%swap3A_563, %swap3A_564, %swap3A_565, %swap3A_566] {strides = array<i32>} : memref<2x4x200x64xf32, #tpu.memory_space<vmem>>, vector<1x1x1x16xf32>,
        %swap3A_568 = vector.shape_cast %swap3A_567 : vector<1x1x1x16xf32> to vector<16xf32>
        %swap3A_569 = vector.shape_cast %add3A_558 : vector<16xf32> to vector<1x1x1x16xf32>
        tpu.vector_store %arg6[%swap3A_563, %swap3A_564, %swap3A_565, %swap3A_566], %swap3A_569 {strides = array<i32>} : memref<2x4x200x64xf32, #tpu.memory_space<vmem>>, vector<1x1x1x16xf32>,
        %add3A_570 = arith.constant 1 : i32
        %add3A_571 = arith.addi %mul3A_409, %add3A_570 : i32
        %get3A_572 = arith.constant 0 : i32
        %get3A_573 = arith.constant 0 : i32
        %get3A_574 = arith.index_cast %get3A_572 : i32 to index
        %get3A_575 = arith.index_cast %get3A_573 : i32 to index
        %get3A_576 = arith.index_cast %add3A_571 : i32 to index
        %get3A_577 = arith.constant 32 : index
        %get3A_578 = tpu.vector_load %arg6[%get3A_574, %get3A_575, %get3A_576, %get3A_577] {strides = array<i32>} : memref<2x4x200x64xf32, #tpu.memory_space<vmem>>, vector<1x1x1x16xf32>,
        %get3A_579 = vector.shape_cast %get3A_578 : vector<1x1x1x16xf32> to vector<16xf32>
        %mul3A_580 = arith.constant 8.000000e+00 : f32
        %mul3A_581 = vector.broadcast %mul3A_580 : f32 to vector<16xf32>
        %mul3A_582 = arith.mulf %get3A_579, %mul3A_581 : vector<16xf32>
        %add3A_583 = arith.constant 9.99999982E-14 : f32
        %add3A_584 = vector.broadcast %add3A_583 : f32 to vector<16xf32>
        %add3A_585 = arith.addf %mul3A_582, %add3A_584 : vector<16xf32>
        %add3A_586 = arith.constant 1 : i32
        %add3A_587 = arith.addi %mul3A_409, %add3A_586 : i32
        %swap3A_588 = arith.constant 0 : i32
        %swap3A_589 = arith.constant 0 : i32
        %swap3A_590 = arith.index_cast %swap3A_588 : i32 to index
        %swap3A_591 = arith.index_cast %swap3A_589 : i32 to index
        %swap3A_592 = arith.index_cast %add3A_587 : i32 to index
        %swap3A_593 = arith.constant 32 : index
        %swap3A_594 = tpu.vector_load %arg6[%swap3A_590, %swap3A_591, %swap3A_592, %swap3A_593] {strides = array<i32>} : memref<2x4x200x64xf32, #tpu.memory_space<vmem>>, vector<1x1x1x16xf32>,
        %swap3A_595 = vector.shape_cast %swap3A_594 : vector<1x1x1x16xf32> to vector<16xf32>
        %swap3A_596 = vector.shape_cast %add3A_585 : vector<16xf32> to vector<1x1x1x16xf32>
        tpu.vector_store %arg6[%swap3A_590, %swap3A_591, %swap3A_592, %swap3A_593], %swap3A_596 {strides = array<i32>} : memref<2x4x200x64xf32, #tpu.memory_space<vmem>>, vector<1x1x1x16xf32>,
        %add3A_597 = arith.constant 1 : i32
        %add3A_598 = arith.addi %mul3A_409, %add3A_597 : i32
        %get3A_599 = arith.constant 0 : i32
        %get3A_600 = arith.constant 0 : i32
        %get3A_601 = arith.index_cast %get3A_599 : i32 to index
        %get3A_602 = arith.index_cast %get3A_600 : i32 to index
        %get3A_603 = arith.index_cast %add3A_598 : i32 to index
        %get3A_604 = arith.constant 48 : index
        %get3A_605 = tpu.vector_load %arg6[%get3A_601, %get3A_602, %get3A_603, %get3A_604] {strides = array<i32>} : memref<2x4x200x64xf32, #tpu.memory_space<vmem>>, vector<1x1x1x16xf32>,
        %get3A_606 = vector.shape_cast %get3A_605 : vector<1x1x1x16xf32> to vector<16xf32>
        %mul3A_607 = arith.constant 8.000000e+00 : f32
        %mul3A_608 = vector.broadcast %mul3A_607 : f32 to vector<16xf32>
        %mul3A_609 = arith.mulf %get3A_606, %mul3A_608 : vector<16xf32>
        %add3A_610 = arith.constant 9.99999982E-14 : f32
        %add3A_611 = vector.broadcast %add3A_610 : f32 to vector<16xf32>
        %add3A_612 = arith.addf %mul3A_609, %add3A_611 : vector<16xf32>
        %add3A_613 = arith.constant 1 : i32
        %add3A_614 = arith.addi %mul3A_409, %add3A_613 : i32
        %swap3A_615 = arith.constant 0 : i32
        %swap3A_616 = arith.constant 0 : i32
        %swap3A_617 = arith.index_cast %swap3A_615 : i32 to index
        %swap3A_618 = arith.index_cast %swap3A_616 : i32 to index
        %swap3A_619 = arith.index_cast %add3A_614 : i32 to index
        %swap3A_620 = arith.constant 48 : index
        %swap3A_621 = tpu.vector_load %arg6[%swap3A_617, %swap3A_618, %swap3A_619, %swap3A_620] {strides = array<i32>} : memref<2x4x200x64xf32, #tpu.memory_space<vmem>>, vector<1x1x1x16xf32>,
        %swap3A_622 = vector.shape_cast %swap3A_621 : vector<1x1x1x16xf32> to vector<16xf32>
        %swap3A_623 = vector.shape_cast %add3A_612 : vector<16xf32> to vector<1x1x1x16xf32>
        tpu.vector_store %arg6[%swap3A_617, %swap3A_618, %swap3A_619, %swap3A_620], %swap3A_623 {strides = array<i32>} : memref<2x4x200x64xf32, #tpu.memory_space<vmem>>, vector<1x1x1x16xf32>,
        %add3A_624 = arith.constant 2 : i32
        %add3A_625 = arith.addi %mul3A_409, %add3A_624 : i32
        %get3A_626 = arith.constant 0 : i32
        %get3A_627 = arith.constant 0 : i32
        %get3A_628 = arith.index_cast %get3A_626 : i32 to index
        %get3A_629 = arith.index_cast %get3A_627 : i32 to index
        %get3A_630 = arith.index_cast %add3A_625 : i32 to index
        %get3A_631 = arith.constant 0 : index
        %get3A_632 = tpu.vector_load %arg6[%get3A_628, %get3A_629, %get3A_630, %get3A_631] {strides = array<i32>} : memref<2x4x200x64xf32, #tpu.memory_space<vmem>>, vector<1x1x1x16xf32>,
        %get3A_633 = vector.shape_cast %get3A_632 : vector<1x1x1x16xf32> to vector<16xf32>
        %mul3A_634 = arith.constant 8.000000e+00 : f32
        %mul3A_635 = vector.broadcast %mul3A_634 : f32 to vector<16xf32>
        %mul3A_636 = arith.mulf %get3A_633, %mul3A_635 : vector<16xf32>
        %add3A_637 = arith.constant 9.99999982E-14 : f32
        %add3A_638 = vector.broadcast %add3A_637 : f32 to vector<16xf32>
        %add3A_639 = arith.addf %mul3A_636, %add3A_638 : vector<16xf32>
        %add3A_640 = arith.constant 2 : i32
        %add3A_641 = arith.addi %mul3A_409, %add3A_640 : i32
        %swap3A_642 = arith.constant 0 : i32
        %swap3A_643 = arith.constant 0 : i32
        %swap3A_644 = arith.index_cast %swap3A_642 : i32 to index
        %swap3A_645 = arith.index_cast %swap3A_643 : i32 to index
        %swap3A_646 = arith.index_cast %add3A_641 : i32 to index
        %swap3A_647 = arith.constant 0 : index
        %swap3A_648 = tpu.vector_load %arg6[%swap3A_644, %swap3A_645, %swap3A_646, %swap3A_647] {strides = array<i32>} : memref<2x4x200x64xf32, #tpu.memory_space<vmem>>, vector<1x1x1x16xf32>,
        %swap3A_649 = vector.shape_cast %swap3A_648 : vector<1x1x1x16xf32> to vector<16xf32>
        %swap3A_650 = vector.shape_cast %add3A_639 : vector<16xf32> to vector<1x1x1x16xf32>
        tpu.vector_store %arg6[%swap3A_644, %swap3A_645, %swap3A_646, %swap3A_647], %swap3A_650 {strides = array<i32>} : memref<2x4x200x64xf32, #tpu.memory_space<vmem>>, vector<1x1x1x16xf32>,
        %add3A_651 = arith.constant 2 : i32
        %add3A_652 = arith.addi %mul3A_409, %add3A_651 : i32
        %get3A_653 = arith.constant 0 : i32
        %get3A_654 = arith.constant 0 : i32
        %get3A_655 = arith.index_cast %get3A_653 : i32 to index
        %get3A_656 = arith.index_cast %get3A_654 : i32 to index
        %get3A_657 = arith.index_cast %add3A_652 : i32 to index
        %get3A_658 = arith.constant 16 : index
        %get3A_659 = tpu.vector_load %arg6[%get3A_655, %get3A_656, %get3A_657, %get3A_658] {strides = array<i32>} : memref<2x4x200x64xf32, #tpu.memory_space<vmem>>, vector<1x1x1x16xf32>,
        %get3A_660 = vector.shape_cast %get3A_659 : vector<1x1x1x16xf32> to vector<16xf32>
        %mul3A_661 = arith.constant 8.000000e+00 : f32
        %mul3A_662 = vector.broadcast %mul3A_661 : f32 to vector<16xf32>
        %mul3A_663 = arith.mulf %get3A_660, %mul3A_662 : vector<16xf32>
        %add3A_664 = arith.constant 9.99999982E-14 : f32
        %add3A_665 = vector.broadcast %add3A_664 : f32 to vector<16xf32>
        %add3A_666 = arith.addf %mul3A_663, %add3A_665 : vector<16xf32>
        %add3A_667 = arith.constant 2 : i32
        %add3A_668 = arith.addi %mul3A_409, %add3A_667 : i32
        %swap3A_669 = arith.constant 0 : i32
        %swap3A_670 = arith.constant 0 : i32
        %swap3A_671 = arith.index_cast %swap3A_669 : i32 to index
        %swap3A_672 = arith.index_cast %swap3A_670 : i32 to index
        %swap3A_673 = arith.index_cast %add3A_668 : i32 to index
        %swap3A_674 = arith.constant 16 : index
        %swap3A_675 = tpu.vector_load %arg6[%swap3A_671, %swap3A_672, %swap3A_673, %swap3A_674] {strides = array<i32>} : memref<2x4x200x64xf32, #tpu.memory_space<vmem>>, vector<1x1x1x16xf32>,
        %swap3A_676 = vector.shape_cast %swap3A_675 : vector<1x1x1x16xf32> to vector<16xf32>
        %swap3A_677 = vector.shape_cast %add3A_666 : vector<16xf32> to vector<1x1x1x16xf32>
        tpu.vector_store %arg6[%swap3A_671, %swap3A_672, %swap3A_673, %swap3A_674], %swap3A_677 {strides = array<i32>} : memref<2x4x200x64xf32, #tpu.memory_space<vmem>>, vector<1x1x1x16xf32>,
        %add3A_678 = arith.constant 2 : i32
        %add3A_679 = arith.addi %mul3A_409, %add3A_678 : i32
        %get3A_680 = arith.constant 0 : i32
        %get3A_681 = arith.constant 0 : i32
        %get3A_682 = arith.index_cast %get3A_680 : i32 to index
        %get3A_683 = arith.index_cast %get3A_681 : i32 to index
        %get3A_684 = arith.index_cast %add3A_679 : i32 to index
        %get3A_685 = arith.constant 32 : index
        %get3A_686 = tpu.vector_load %arg6[%get3A_682, %get3A_683, %get3A_684, %get3A_685] {strides = array<i32>} : memref<2x4x200x64xf32, #tpu.memory_space<vmem>>, vector<1x1x1x16xf32>,
        %get3A_687 = vector.shape_cast %get3A_686 : vector<1x1x1x16xf32> to vector<16xf32>
        %mul3A_688 = arith.constant 8.000000e+00 : f32
        %mul3A_689 = vector.broadcast %mul3A_688 : f32 to vector<16xf32>
        %mul3A_690 = arith.mulf %get3A_687, %mul3A_689 : vector<16xf32>
        %add3A_691 = arith.constant 9.99999982E-14 : f32
        %add3A_692 = vector.broadcast %add3A_691 : f32 to vector<16xf32>
        %add3A_693 = arith.addf %mul3A_690, %add3A_692 : vector<16xf32>
        %add3A_694 = arith.constant 2 : i32
        %add3A_695 = arith.addi %mul3A_409, %add3A_694 : i32
        %swap3A_696 = arith.constant 0 : i32
        %swap3A_697 = arith.constant 0 : i32
        %swap3A_698 = arith.index_cast %swap3A_696 : i32 to index
        %swap3A_699 = arith.index_cast %swap3A_697 : i32 to index
        %swap3A_700 = arith.index_cast %add3A_695 : i32 to index
        %swap3A_701 = arith.constant 32 : index
        %swap3A_702 = tpu.vector_load %arg6[%swap3A_698, %swap3A_699, %swap3A_700, %swap3A_701] {strides = array<i32>} : memref<2x4x200x64xf32, #tpu.memory_space<vmem>>, vector<1x1x1x16xf32>,
        %swap3A_703 = vector.shape_cast %swap3A_702 : vector<1x1x1x16xf32> to vector<16xf32>
        %swap3A_704 = vector.shape_cast %add3A_693 : vector<16xf32> to vector<1x1x1x16xf32>
        tpu.vector_store %arg6[%swap3A_698, %swap3A_699, %swap3A_700, %swap3A_701], %swap3A_704 {strides = array<i32>} : memref<2x4x200x64xf32, #tpu.memory_space<vmem>>, vector<1x1x1x16xf32>,
        %add3A_705 = arith.constant 2 : i32
        %add3A_706 = arith.addi %mul3A_409, %add3A_705 : i32
        %get3A_707 = arith.constant 0 : i32
        %get3A_708 = arith.constant 0 : i32
        %get3A_709 = arith.index_cast %get3A_707 : i32 to index
        %get3A_710 = arith.index_cast %get3A_708 : i32 to index
        %get3A_711 = arith.index_cast %add3A_706 : i32 to index
        %get3A_712 = arith.constant 48 : index
        %get3A_713 = tpu.vector_load %arg6[%get3A_709, %get3A_710, %get3A_711, %get3A_712] {strides = array<i32>} : memref<2x4x200x64xf32, #tpu.memory_space<vmem>>, vector<1x1x1x16xf32>,
        %get3A_714 = vector.shape_cast %get3A_713 : vector<1x1x1x16xf32> to vector<16xf32>
        %mul3A_715 = arith.constant 8.000000e+00 : f32
        %mul3A_716 = vector.broadcast %mul3A_715 : f32 to vector<16xf32>
        %mul3A_717 = arith.mulf %get3A_714, %mul3A_716 : vector<16xf32>
        %add3A_718 = arith.constant 9.99999982E-14 : f32
        %add3A_719 = vector.broadcast %add3A_718 : f32 to vector<16xf32>
        %add3A_720 = arith.addf %mul3A_717, %add3A_719 : vector<16xf32>
        %add3A_721 = arith.constant 2 : i32
        %add3A_722 = arith.addi %mul3A_409, %add3A_721 : i32
        %swap3A_723 = arith.constant 0 : i32
        %swap3A_724 = arith.constant 0 : i32
        %swap3A_725 = arith.index_cast %swap3A_723 : i32 to index
        %swap3A_726 = arith.index_cast %swap3A_724 : i32 to index
        %swap3A_727 = arith.index_cast %add3A_722 : i32 to index
        %swap3A_728 = arith.constant 48 : index
        %swap3A_729 = tpu.vector_load %arg6[%swap3A_725, %swap3A_726, %swap3A_727, %swap3A_728] {strides = array<i32>} : memref<2x4x200x64xf32, #tpu.memory_space<vmem>>, vector<1x1x1x16xf32>,
        %swap3A_730 = vector.shape_cast %swap3A_729 : vector<1x1x1x16xf32> to vector<16xf32>
        %swap3A_731 = vector.shape_cast %add3A_720 : vector<16xf32> to vector<1x1x1x16xf32>
        tpu.vector_store %arg6[%swap3A_725, %swap3A_726, %swap3A_727, %swap3A_728], %swap3A_731 {strides = array<i32>} : memref<2x4x200x64xf32, #tpu.memory_space<vmem>>, vector<1x1x1x16xf32>,
        %add3A_732 = arith.constant 3 : i32
        %add3A_733 = arith.addi %mul3A_409, %add3A_732 : i32
        %get3A_734 = arith.constant 0 : i32
        %get3A_735 = arith.constant 0 : i32
        %get3A_736 = arith.index_cast %get3A_734 : i32 to index
        %get3A_737 = arith.index_cast %get3A_735 : i32 to index
        %get3A_738 = arith.index_cast %add3A_733 : i32 to index
        %get3A_739 = arith.constant 0 : index
        %get3A_740 = tpu.vector_load %arg6[%get3A_736, %get3A_737, %get3A_738, %get3A_739] {strides = array<i32>} : memref<2x4x200x64xf32, #tpu.memory_space<vmem>>, vector<1x1x1x16xf32>,
        %get3A_741 = vector.shape_cast %get3A_740 : vector<1x1x1x16xf32> to vector<16xf32>
        %mul3A_742 = arith.constant 8.000000e+00 : f32
        %mul3A_743 = vector.broadcast %mul3A_742 : f32 to vector<16xf32>
        %mul3A_744 = arith.mulf %get3A_741, %mul3A_743 : vector<16xf32>
        %add3A_745 = arith.constant 9.99999982E-14 : f32
        %add3A_746 = vector.broadcast %add3A_745 : f32 to vector<16xf32>
        %add3A_747 = arith.addf %mul3A_744, %add3A_746 : vector<16xf32>
        %add3A_748 = arith.constant 3 : i32
        %add3A_749 = arith.addi %mul3A_409, %add3A_748 : i32
        %swap3A_750 = arith.constant 0 : i32
        %swap3A_751 = arith.constant 0 : i32
        %swap3A_752 = arith.index_cast %swap3A_750 : i32 to index
        %swap3A_753 = arith.index_cast %swap3A_751 : i32 to index
        %swap3A_754 = arith.index_cast %add3A_749 : i32 to index
        %swap3A_755 = arith.constant 0 : index
        %swap3A_756 = tpu.vector_load %arg6[%swap3A_752, %swap3A_753, %swap3A_754, %swap3A_755] {strides = array<i32>} : memref<2x4x200x64xf32, #tpu.memory_space<vmem>>, vector<1x1x1x16xf32>,
        %swap3A_757 = vector.shape_cast %swap3A_756 : vector<1x1x1x16xf32> to vector<16xf32>
        %swap3A_758 = vector.shape_cast %add3A_747 : vector<16xf32> to vector<1x1x1x16xf32>
        tpu.vector_store %arg6[%swap3A_752, %swap3A_753, %swap3A_754, %swap3A_755], %swap3A_758 {strides = array<i32>} : memref<2x4x200x64xf32, #tpu.memory_space<vmem>>, vector<1x1x1x16xf32>,
        %add3A_759 = arith.constant 3 : i32
        %add3A_760 = arith.addi %mul3A_409, %add3A_759 : i32
        %get3A_761 = arith.constant 0 : i32
        %get3A_762 = arith.constant 0 : i32
        %get3A_763 = arith.index_cast %get3A_761 : i32 to index
        %get3A_764 = arith.index_cast %get3A_762 : i32 to index
        %get3A_765 = arith.index_cast %add3A_760 : i32 to index
        %get3A_766 = arith.constant 16 : index
        %get3A_767 = tpu.vector_load %arg6[%get3A_763, %get3A_764, %get3A_765, %get3A_766] {strides = array<i32>} : memref<2x4x200x64xf32, #tpu.memory_space<vmem>>, vector<1x1x1x16xf32>,
        %get3A_768 = vector.shape_cast %get3A_767 : vector<1x1x1x16xf32> to vector<16xf32>
        %mul3A_769 = arith.constant 8.000000e+00 : f32
        %mul3A_770 = vector.broadcast %mul3A_769 : f32 to vector<16xf32>
        %mul3A_771 = arith.mulf %get3A_768, %mul3A_770 : vector<16xf32>
        %add3A_772 = arith.constant 9.99999982E-14 : f32
        %add3A_773 = vector.broadcast %add3A_772 : f32 to vector<16xf32>
        %add3A_774 = arith.addf %mul3A_771, %add3A_773 : vector<16xf32>
        %add3A_775 = arith.constant 3 : i32
        %add3A_776 = arith.addi %mul3A_409, %add3A_775 : i32
        %swap3A_777 = arith.constant 0 : i32
        %swap3A_778 = arith.constant 0 : i32
        %swap3A_779 = arith.index_cast %swap3A_777 : i32 to index
        %swap3A_780 = arith.index_cast %swap3A_778 : i32 to index
        %swap3A_781 = arith.index_cast %add3A_776 : i32 to index
        %swap3A_782 = arith.constant 16 : index
        %swap3A_783 = tpu.vector_load %arg6[%swap3A_779, %swap3A_780, %swap3A_781, %swap3A_782] {strides = array<i32>} : memref<2x4x200x64xf32, #tpu.memory_space<vmem>>, vector<1x1x1x16xf32>,
        %swap3A_784 = vector.shape_cast %swap3A_783 : vector<1x1x1x16xf32> to vector<16xf32>
        %swap3A_785 = vector.shape_cast %add3A_774 : vector<16xf32> to vector<1x1x1x16xf32>
        tpu.vector_store %arg6[%swap3A_779, %swap3A_780, %swap3A_781, %swap3A_782], %swap3A_785 {strides = array<i32>} : memref<2x4x200x64xf32, #tpu.memory_space<vmem>>, vector<1x1x1x16xf32>,
        %add3A_786 = arith.constant 3 : i32
        %add3A_787 = arith.addi %mul3A_409, %add3A_786 : i32
        %get3A_788 = arith.constant 0 : i32
        %get3A_789 = arith.constant 0 : i32
        %get3A_790 = arith.index_cast %get3A_788 : i32 to index
        %get3A_791 = arith.index_cast %get3A_789 : i32 to index
        %get3A_792 = arith.index_cast %add3A_787 : i32 to index
        %get3A_793 = arith.constant 32 : index
        %get3A_794 = tpu.vector_load %arg6[%get3A_790, %get3A_791, %get3A_792, %get3A_793] {strides = array<i32>} : memref<2x4x200x64xf32, #tpu.memory_space<vmem>>, vector<1x1x1x16xf32>,
        %get3A_795 = vector.shape_cast %get3A_794 : vector<1x1x1x16xf32> to vector<16xf32>
        %mul3A_796 = arith.constant 8.000000e+00 : f32
        %mul3A_797 = vector.broadcast %mul3A_796 : f32 to vector<16xf32>
        %mul3A_798 = arith.mulf %get3A_795, %mul3A_797 : vector<16xf32>
        %add3A_799 = arith.constant 9.99999982E-14 : f32
        %add3A_800 = vector.broadcast %add3A_799 : f32 to vector<16xf32>
        %add3A_801 = arith.addf %mul3A_798, %add3A_800 : vector<16xf32>
        %add3A_802 = arith.constant 3 : i32
        %add3A_803 = arith.addi %mul3A_409, %add3A_802 : i32
        %swap3A_804 = arith.constant 0 : i32
        %swap3A_805 = arith.constant 0 : i32
        %swap3A_806 = arith.index_cast %swap3A_804 : i32 to index
        %swap3A_807 = arith.index_cast %swap3A_805 : i32 to index
        %swap3A_808 = arith.index_cast %add3A_803 : i32 to index
        %swap3A_809 = arith.constant 32 : index
        %swap3A_810 = tpu.vector_load %arg6[%swap3A_806, %swap3A_807, %swap3A_808, %swap3A_809] {strides = array<i32>} : memref<2x4x200x64xf32, #tpu.memory_space<vmem>>, vector<1x1x1x16xf32>,
        %swap3A_811 = vector.shape_cast %swap3A_810 : vector<1x1x1x16xf32> to vector<16xf32>
        %swap3A_812 = vector.shape_cast %add3A_801 : vector<16xf32> to vector<1x1x1x16xf32>
        tpu.vector_store %arg6[%swap3A_806, %swap3A_807, %swap3A_808, %swap3A_809], %swap3A_812 {strides = array<i32>} : memref<2x4x200x64xf32, #tpu.memory_space<vmem>>, vector<1x1x1x16xf32>,
        %add3A_813 = arith.constant 3 : i32
        %add3A_814 = arith.addi %mul3A_409, %add3A_813 : i32
        %get3A_815 = arith.constant 0 : i32
        %get3A_816 = arith.constant 0 : i32
        %get3A_817 = arith.index_cast %get3A_815 : i32 to index
        %get3A_818 = arith.index_cast %get3A_816 : i32 to index
        %get3A_819 = arith.index_cast %add3A_814 : i32 to index
        %get3A_820 = arith.constant 48 : index
        %get3A_821 = tpu.vector_load %arg6[%get3A_817, %get3A_818, %get3A_819, %get3A_820] {strides = array<i32>} : memref<2x4x200x64xf32, #tpu.memory_space<vmem>>, vector<1x1x1x16xf32>,
        %get3A_822 = vector.shape_cast %get3A_821 : vector<1x1x1x16xf32> to vector<16xf32>
        %mul3A_823 = arith.constant 8.000000e+00 : f32
        %mul3A_824 = vector.broadcast %mul3A_823 : f32 to vector<16xf32>
        %mul3A_825 = arith.mulf %get3A_822, %mul3A_824 : vector<16xf32>
        %add3A_826 = arith.constant 9.99999982E-14 : f32
        %add3A_827 = vector.broadcast %add3A_826 : f32 to vector<16xf32>
        %add3A_828 = arith.addf %mul3A_825, %add3A_827 : vector<16xf32>
        %add3A_829 = arith.constant 3 : i32
        %add3A_830 = arith.addi %mul3A_409, %add3A_829 : i32
        %swap3A_831 = arith.constant 0 : i32
        %swap3A_832 = arith.constant 0 : i32
        %swap3A_833 = arith.index_cast %swap3A_831 : i32 to index
        %swap3A_834 = arith.index_cast %swap3A_832 : i32 to index
        %swap3A_835 = arith.index_cast %add3A_830 : i32 to index
        %swap3A_836 = arith.constant 48 : index
        %swap3A_837 = tpu.vector_load %arg6[%swap3A_833, %swap3A_834, %swap3A_835, %swap3A_836] {strides = array<i32>} : memref<2x4x200x64xf32, #tpu.memory_space<vmem>>, vector<1x1x1x16xf32>,
        %swap3A_838 = vector.shape_cast %swap3A_837 : vector<1x1x1x16xf32> to vector<16xf32>
        %swap3A_839 = vector.shape_cast %add3A_828 : vector<16xf32> to vector<1x1x1x16xf32>
        tpu.vector_store %arg6[%swap3A_833, %swap3A_834, %swap3A_835, %swap3A_836], %swap3A_839 {strides = array<i32>} : memref<2x4x200x64xf32, #tpu.memory_space<vmem>>, vector<1x1x1x16xf32>,
        %scan3A_840 = arith.constant 0 : i32
        scf.yield %scan3A_840 : i32
      }
      %scan3A_319 = arith.constant 50 : i32
      %scan3A_320 = arith.constant 0 : i32
      %scan3A_321 = arith.constant 0 : i32
      %scan3A_322 = arith.constant 50 : i32
      %scan3A_323 = arith.addi %scan3A_321, %scan3A_322 : i32
      %scan3A_324 = arith.constant 1 : i32
      %scan3A_325 = scf.for %scan3A_406 = %scan3A_321 to %scan3A_323 step %scan3A_324 iter_args(%scan3A_407 = %scan3A_320) -> (i32)  : i32 {
        %mul3A_408 = arith.constant 4 : i32
        %mul3A_409 = arith.muli %scan3A_406, %mul3A_408 : i32
        %add3A_410 = arith.constant 0 : i32
        %add3A_411 = arith.addi %mul3A_409, %add3A_410 : i32
        %get3A = arith.constant 0 : i32
        %get3A_412 = arith.constant 1 : i32
        %get3A_413 = arith.index_cast %get3A : i32 to index
        %get3A_414 = arith.index_cast %get3A_412 : i32 to index
        %get3A_415 = arith.index_cast %add3A_411 : i32 to index
        %get3A_416 = arith.constant 0 : index
        %get3A_417 = tpu.vector_load %arg6[%get3A_413, %get3A_414, %get3A_415, %get3A_416] {strides = array<i32>} : memref<2x4x200x64xf32, #tpu.memory_space<vmem>>, vector<1x1x1x16xf32>,
        %get3A_418 = vector.shape_cast %get3A_417 : vector<1x1x1x16xf32> to vector<16xf32>
        %mul3A_419 = arith.constant 8.000000e+00 : f32
        %mul3A_420 = vector.broadcast %mul3A_419 : f32 to vector<16xf32>
        %mul3A_421 = arith.mulf %get3A_418, %mul3A_420 : vector<16xf32>
        %add3A_422 = arith.constant 9.99999982E-14 : f32
        %add3A_423 = vector.broadcast %add3A_422 : f32 to vector<16xf32>
        %add3A_424 = arith.addf %mul3A_421, %add3A_423 : vector<16xf32>
        %add3A_425 = arith.constant 0 : i32
        %add3A_426 = arith.addi %mul3A_409, %add3A_425 : i32
        %swap3A = arith.constant 0 : i32
        %swap3A_427 = arith.constant 1 : i32
        %swap3A_428 = arith.index_cast %swap3A : i32 to index
        %swap3A_429 = arith.index_cast %swap3A_427 : i32 to index
        %swap3A_430 = arith.index_cast %add3A_426 : i32 to index
        %swap3A_431 = arith.constant 0 : index
        %swap3A_432 = tpu.vector_load %arg6[%swap3A_428, %swap3A_429, %swap3A_430, %swap3A_431] {strides = array<i32>} : memref<2x4x200x64xf32, #tpu.memory_space<vmem>>, vector<1x1x1x16xf32>,
        %swap3A_433 = vector.shape_cast %swap3A_432 : vector<1x1x1x16xf32> to vector<16xf32>
        %swap3A_434 = vector.shape_cast %add3A_424 : vector<16xf32> to vector<1x1x1x16xf32>
        tpu.vector_store %arg6[%swap3A_428, %swap3A_429, %swap3A_430, %swap3A_431], %swap3A_434 {strides = array<i32>} : memref<2x4x200x64xf32, #tpu.memory_space<vmem>>, vector<1x1x1x16xf32>,
        %add3A_435 = arith.constant 0 : i32
        %add3A_436 = arith.addi %mul3A_409, %add3A_435 : i32
        %get3A_437 = arith.constant 0 : i32
        %get3A_438 = arith.constant 1 : i32
        %get3A_439 = arith.index_cast %get3A_437 : i32 to index
        %get3A_440 = arith.index_cast %get3A_438 : i32 to index
        %get3A_441 = arith.index_cast %add3A_436 : i32 to index
        %get3A_442 = arith.constant 16 : index
        %get3A_443 = tpu.vector_load %arg6[%get3A_439, %get3A_440, %get3A_441, %get3A_442] {strides = array<i32>} : memref<2x4x200x64xf32, #tpu.memory_space<vmem>>, vector<1x1x1x16xf32>,
        %get3A_444 = vector.shape_cast %get3A_443 : vector<1x1x1x16xf32> to vector<16xf32>
        %mul3A_445 = arith.constant 8.000000e+00 : f32
        %mul3A_446 = vector.broadcast %mul3A_445 : f32 to vector<16xf32>
        %mul3A_447 = arith.mulf %get3A_444, %mul3A_446 : vector<16xf32>
        %add3A_448 = arith.constant 9.99999982E-14 : f32
        %add3A_449 = vector.broadcast %add3A_448 : f32 to vector<16xf32>
        %add3A_450 = arith.addf %mul3A_447, %add3A_449 : vector<16xf32>
        %add3A_451 = arith.constant 0 : i32
        %add3A_452 = arith.addi %mul3A_409, %add3A_451 : i32
        %swap3A_453 = arith.constant 0 : i32
        %swap3A_454 = arith.constant 1 : i32
        %swap3A_455 = arith.index_cast %swap3A_453 : i32 to index
        %swap3A_456 = arith.index_cast %swap3A_454 : i32 to index
        %swap3A_457 = arith.index_cast %add3A_452 : i32 to index
        %swap3A_458 = arith.constant 16 : index
        %swap3A_459 = tpu.vector_load %arg6[%swap3A_455, %swap3A_456, %swap3A_457, %swap3A_458] {strides = array<i32>} : memref<2x4x200x64xf32, #tpu.memory_space<vmem>>, vector<1x1x1x16xf32>,
        %swap3A_460 = vector.shape_cast %swap3A_459 : vector<1x1x1x16xf32> to vector<16xf32>
        %swap3A_461 = vector.shape_cast %add3A_450 : vector<16xf32> to vector<1x1x1x16xf32>
        tpu.vector_store %arg6[%swap3A_455, %swap3A_456, %swap3A_457, %swap3A_458], %swap3A_461 {strides = array<i32>} : memref<2x4x200x64xf32, #tpu.memory_space<vmem>>, vector<1x1x1x16xf32>,
        %add3A_462 = arith.constant 0 : i32
        %add3A_463 = arith.addi %mul3A_409, %add3A_462 : i32
        %get3A_464 = arith.constant 0 : i32
        %get3A_465 = arith.constant 1 : i32
        %get3A_466 = arith.index_cast %get3A_464 : i32 to index
        %get3A_467 = arith.index_cast %get3A_465 : i32 to index
        %get3A_468 = arith.index_cast %add3A_463 : i32 to index
        %get3A_469 = arith.constant 32 : index
        %get3A_470 = tpu.vector_load %arg6[%get3A_466, %get3A_467, %get3A_468, %get3A_469] {strides = array<i32>} : memref<2x4x200x64xf32, #tpu.memory_space<vmem>>, vector<1x1x1x16xf32>,
        %get3A_471 = vector.shape_cast %get3A_470 : vector<1x1x1x16xf32> to vector<16xf32>
        %mul3A_472 = arith.constant 8.000000e+00 : f32
        %mul3A_473 = vector.broadcast %mul3A_472 : f32 to vector<16xf32>
        %mul3A_474 = arith.mulf %get3A_471, %mul3A_473 : vector<16xf32>
        %add3A_475 = arith.constant 9.99999982E-14 : f32
        %add3A_476 = vector.broadcast %add3A_475 : f32 to vector<16xf32>
        %add3A_477 = arith.addf %mul3A_474, %add3A_476 : vector<16xf32>
        %add3A_478 = arith.constant 0 : i32
        %add3A_479 = arith.addi %mul3A_409, %add3A_478 : i32
        %swap3A_480 = arith.constant 0 : i32
        %swap3A_481 = arith.constant 1 : i32
        %swap3A_482 = arith.index_cast %swap3A_480 : i32 to index
        %swap3A_483 = arith.index_cast %swap3A_481 : i32 to index
        %swap3A_484 = arith.index_cast %add3A_479 : i32 to index
        %swap3A_485 = arith.constant 32 : index
        %swap3A_486 = tpu.vector_load %arg6[%swap3A_482, %swap3A_483, %swap3A_484, %swap3A_485] {strides = array<i32>} : memref<2x4x200x64xf32, #tpu.memory_space<vmem>>, vector<1x1x1x16xf32>,
        %swap3A_487 = vector.shape_cast %swap3A_486 : vector<1x1x1x16xf32> to vector<16xf32>
        %swap3A_488 = vector.shape_cast %add3A_477 : vector<16xf32> to vector<1x1x1x16xf32>
        tpu.vector_store %arg6[%swap3A_482, %swap3A_483, %swap3A_484, %swap3A_485], %swap3A_488 {strides = array<i32>} : memref<2x4x200x64xf32, #tpu.memory_space<vmem>>, vector<1x1x1x16xf32>,
        %add3A_489 = arith.constant 0 : i32
        %add3A_490 = arith.addi %mul3A_409, %add3A_489 : i32
        %get3A_491 = arith.constant 0 : i32
        %get3A_492 = arith.constant 1 : i32
        %get3A_493 = arith.index_cast %get3A_491 : i32 to index
        %get3A_494 = arith.index_cast %get3A_492 : i32 to index
        %get3A_495 = arith.index_cast %add3A_490 : i32 to index
        %get3A_496 = arith.constant 48 : index
        %get3A_497 = tpu.vector_load %arg6[%get3A_493, %get3A_494, %get3A_495, %get3A_496] {strides = array<i32>} : memref<2x4x200x64xf32, #tpu.memory_space<vmem>>, vector<1x1x1x16xf32>,
        %get3A_498 = vector.shape_cast %get3A_497 : vector<1x1x1x16xf32> to vector<16xf32>
        %mul3A_499 = arith.constant 8.000000e+00 : f32
        %mul3A_500 = vector.broadcast %mul3A_499 : f32 to vector<16xf32>
        %mul3A_501 = arith.mulf %get3A_498, %mul3A_500 : vector<16xf32>
        %add3A_502 = arith.constant 9.99999982E-14 : f32
        %add3A_503 = vector.broadcast %add3A_502 : f32 to vector<16xf32>
        %add3A_504 = arith.addf %mul3A_501, %add3A_503 : vector<16xf32>
        %add3A_505 = arith.constant 0 : i32
        %add3A_506 = arith.addi %mul3A_409, %add3A_505 : i32
        %swap3A_507 = arith.constant 0 : i32
        %swap3A_508 = arith.constant 1 : i32
        %swap3A_509 = arith.index_cast %swap3A_507 : i32 to index
        %swap3A_510 = arith.index_cast %swap3A_508 : i32 to index
        %swap3A_511 = arith.index_cast %add3A_506 : i32 to index
        %swap3A_512 = arith.constant 48 : index
        %swap3A_513 = tpu.vector_load %arg6[%swap3A_509, %swap3A_510, %swap3A_511, %swap3A_512] {strides = array<i32>} : memref<2x4x200x64xf32, #tpu.memory_space<vmem>>, vector<1x1x1x16xf32>,
        %swap3A_514 = vector.shape_cast %swap3A_513 : vector<1x1x1x16xf32> to vector<16xf32>
        %swap3A_515 = vector.shape_cast %add3A_504 : vector<16xf32> to vector<1x1x1x16xf32>
        tpu.vector_store %arg6[%swap3A_509, %swap3A_510, %swap3A_511, %swap3A_512], %swap3A_515 {strides = array<i32>} : memref<2x4x200x64xf32, #tpu.memory_space<vmem>>, vector<1x1x1x16xf32>,
        %add3A_516 = arith.constant 1 : i32
        %add3A_517 = arith.addi %mul3A_409, %add3A_516 : i32
        %get3A_518 = arith.constant 0 : i32
        %get3A_519 = arith.constant 1 : i32
        %get3A_520 = arith.index_cast %get3A_518 : i32 to index
        %get3A_521 = arith.index_cast %get3A_519 : i32 to index
        %get3A_522 = arith.index_cast %add3A_517 : i32 to index
        %get3A_523 = arith.constant 0 : index
        %get3A_524 = tpu.vector_load %arg6[%get3A_520, %get3A_521, %get3A_522, %get3A_523] {strides = array<i32>} : memref<2x4x200x64xf32, #tpu.memory_space<vmem>>, vector<1x1x1x16xf32>,
        %get3A_525 = vector.shape_cast %get3A_524 : vector<1x1x1x16xf32> to vector<16xf32>
        %mul3A_526 = arith.constant 8.000000e+00 : f32
        %mul3A_527 = vector.broadcast %mul3A_526 : f32 to vector<16xf32>
        %mul3A_528 = arith.mulf %get3A_525, %mul3A_527 : vector<16xf32>
        %add3A_529 = arith.constant 9.99999982E-14 : f32
        %add3A_530 = vector.broadcast %add3A_529 : f32 to vector<16xf32>
        %add3A_531 = arith.addf %mul3A_528, %add3A_530 : vector<16xf32>
        %add3A_532 = arith.constant 1 : i32
        %add3A_533 = arith.addi %mul3A_409, %add3A_532 : i32
        %swap3A_534 = arith.constant 0 : i32
        %swap3A_535 = arith.constant 1 : i32
        %swap3A_536 = arith.index_cast %swap3A_534 : i32 to index
        %swap3A_537 = arith.index_cast %swap3A_535 : i32 to index
        %swap3A_538 = arith.index_cast %add3A_533 : i32 to index
        %swap3A_539 = arith.constant 0 : index
        %swap3A_540 = tpu.vector_load %arg6[%swap3A_536, %swap3A_537, %swap3A_538, %swap3A_539] {strides = array<i32>} : memref<2x4x200x64xf32, #tpu.memory_space<vmem>>, vector<1x1x1x16xf32>,
        %swap3A_541 = vector.shape_cast %swap3A_540 : vector<1x1x1x16xf32> to vector<16xf32>
        %swap3A_542 = vector.shape_cast %add3A_531 : vector<16xf32> to vector<1x1x1x16xf32>
        tpu.vector_store %arg6[%swap3A_536, %swap3A_537, %swap3A_538, %swap3A_539], %swap3A_542 {strides = array<i32>} : memref<2x4x200x64xf32, #tpu.memory_space<vmem>>, vector<1x1x1x16xf32>,
        %add3A_543 = arith.constant 1 : i32
        %add3A_544 = arith.addi %mul3A_409, %add3A_543 : i32
        %get3A_545 = arith.constant 0 : i32
        %get3A_546 = arith.constant 1 : i32
        %get3A_547 = arith.index_cast %get3A_545 : i32 to index
        %get3A_548 = arith.index_cast %get3A_546 : i32 to index
        %get3A_549 = arith.index_cast %add3A_544 : i32 to index
        %get3A_550 = arith.constant 16 : index
        %get3A_551 = tpu.vector_load %arg6[%get3A_547, %get3A_548, %get3A_549, %get3A_550] {strides = array<i32>} : memref<2x4x200x64xf32, #tpu.memory_space<vmem>>, vector<1x1x1x16xf32>,
        %get3A_552 = vector.shape_cast %get3A_551 : vector<1x1x1x16xf32> to vector<16xf32>
        %mul3A_553 = arith.constant 8.000000e+00 : f32
        %mul3A_554 = vector.broadcast %mul3A_553 : f32 to vector<16xf32>
        %mul3A_555 = arith.mulf %get3A_552, %mul3A_554 : vector<16xf32>
        %add3A_556 = arith.constant 9.99999982E-14 : f32
        %add3A_557 = vector.broadcast %add3A_556 : f32 to vector<16xf32>
        %add3A_558 = arith.addf %mul3A_555, %add3A_557 : vector<16xf32>
        %add3A_559 = arith.constant 1 : i32
        %add3A_560 = arith.addi %mul3A_409, %add3A_559 : i32
        %swap3A_561 = arith.constant 0 : i32
        %swap3A_562 = arith.constant 1 : i32
        %swap3A_563 = arith.index_cast %swap3A_561 : i32 to index
        %swap3A_564 = arith.index_cast %swap3A_562 : i32 to index
        %swap3A_565 = arith.index_cast %add3A_560 : i32 to index
        %swap3A_566 = arith.constant 16 : index
        %swap3A_567 = tpu.vector_load %arg6[%swap3A_563, %swap3A_564, %swap3A_565, %swap3A_566] {strides = array<i32>} : memref<2x4x200x64xf32, #tpu.memory_space<vmem>>, vector<1x1x1x16xf32>,
        %swap3A_568 = vector.shape_cast %swap3A_567 : vector<1x1x1x16xf32> to vector<16xf32>
        %swap3A_569 = vector.shape_cast %add3A_558 : vector<16xf32> to vector<1x1x1x16xf32>
        tpu.vector_store %arg6[%swap3A_563, %swap3A_564, %swap3A_565, %swap3A_566], %swap3A_569 {strides = array<i32>} : memref<2x4x200x64xf32, #tpu.memory_space<vmem>>, vector<1x1x1x16xf32>,
        %add3A_570 = arith.constant 1 : i32
        %add3A_571 = arith.addi %mul3A_409, %add3A_570 : i32
        %get3A_572 = arith.constant 0 : i32
        %get3A_573 = arith.constant 1 : i32
        %get3A_574 = arith.index_cast %get3A_572 : i32 to index
        %get3A_575 = arith.index_cast %get3A_573 : i32 to index
        %get3A_576 = arith.index_cast %add3A_571 : i32 to index
        %get3A_577 = arith.constant 32 : index
        %get3A_578 = tpu.vector_load %arg6[%get3A_574, %get3A_575, %get3A_576, %get3A_577] {strides = array<i32>} : memref<2x4x200x64xf32, #tpu.memory_space<vmem>>, vector<1x1x1x16xf32>,
        %get3A_579 = vector.shape_cast %get3A_578 : vector<1x1x1x16xf32> to vector<16xf32>
        %mul3A_580 = arith.constant 8.000000e+00 : f32
        %mul3A_581 = vector.broadcast %mul3A_580 : f32 to vector<16xf32>
        %mul3A_582 = arith.mulf %get3A_579, %mul3A_581 : vector<16xf32>
        %add3A_583 = arith.constant 9.99999982E-14 : f32
        %add3A_584 = vector.broadcast %add3A_583 : f32 to vector<16xf32>
        %add3A_585 = arith.addf %mul3A_582, %add3A_584 : vector<16xf32>
        %add3A_586 = arith.constant 1 : i32
        %add3A_587 = arith.addi %mul3A_409, %add3A_586 : i32
        %swap3A_588 = arith.constant 0 : i32
        %swap3A_589 = arith.constant 1 : i32
        %swap3A_590 = arith.index_cast %swap3A_588 : i32 to index
        %swap3A_591 = arith.index_cast %swap3A_589 : i32 to index
        %swap3A_592 = arith.index_cast %add3A_587 : i32 to index
        %swap3A_593 = arith.constant 32 : index
        %swap3A_594 = tpu.vector_load %arg6[%swap3A_590, %swap3A_591, %swap3A_592, %swap3A_593] {strides = array<i32>} : memref<2x4x200x64xf32, #tpu.memory_space<vmem>>, vector<1x1x1x16xf32>,
        %swap3A_595 = vector.shape_cast %swap3A_594 : vector<1x1x1x16xf32> to vector<16xf32>
        %swap3A_596 = vector.shape_cast %add3A_585 : vector<16xf32> to vector<1x1x1x16xf32>
        tpu.vector_store %arg6[%swap3A_590, %swap3A_591, %swap3A_592, %swap3A_593], %swap3A_596 {strides = array<i32>} : memref<2x4x200x64xf32, #tpu.memory_space<vmem>>, vector<1x1x1x16xf32>,
        %add3A_597 = arith.constant 1 : i32
        %add3A_598 = arith.addi %mul3A_409, %add3A_597 : i32
        %get3A_599 = arith.constant 0 : i32
        %get3A_600 = arith.constant 1 : i32
        %get3A_601 = arith.index_cast %get3A_599 : i32 to index
        %get3A_602 = arith.index_cast %get3A_600 : i32 to index
        %get3A_603 = arith.index_cast %add3A_598 : i32 to index
        %get3A_604 = arith.constant 48 : index
        %get3A_605 = tpu.vector_load %arg6[%get3A_601, %get3A_602, %get3A_603, %get3A_604] {strides = array<i32>} : memref<2x4x200x64xf32, #tpu.memory_space<vmem>>, vector<1x1x1x16xf32>,
        %get3A_606 = vector.shape_cast %get3A_605 : vector<1x1x1x16xf32> to vector<16xf32>
        %mul3A_607 = arith.constant 8.000000e+00 : f32
        %mul3A_608 = vector.broadcast %mul3A_607 : f32 to vector<16xf32>
        %mul3A_609 = arith.mulf %get3A_606, %mul3A_608 : vector<16xf32>
        %add3A_610 = arith.constant 9.99999982E-14 : f32
        %add3A_611 = vector.broadcast %add3A_610 : f32 to vector<16xf32>
        %add3A_612 = arith.addf %mul3A_609, %add3A_611 : vector<16xf32>
        %add3A_613 = arith.constant 1 : i32
        %add3A_614 = arith.addi %mul3A_409, %add3A_613 : i32
        %swap3A_615 = arith.constant 0 : i32
        %swap3A_616 = arith.constant 1 : i32
        %swap3A_617 = arith.index_cast %swap3A_615 : i32 to index
        %swap3A_618 = arith.index_cast %swap3A_616 : i32 to index
        %swap3A_619 = arith.index_cast %add3A_614 : i32 to index
        %swap3A_620 = arith.constant 48 : index
        %swap3A_621 = tpu.vector_load %arg6[%swap3A_617, %swap3A_618, %swap3A_619, %swap3A_620] {strides = array<i32>} : memref<2x4x200x64xf32, #tpu.memory_space<vmem>>, vector<1x1x1x16xf32>,
        %swap3A_622 = vector.shape_cast %swap3A_621 : vector<1x1x1x16xf32> to vector<16xf32>
        %swap3A_623 = vector.shape_cast %add3A_612 : vector<16xf32> to vector<1x1x1x16xf32>
        tpu.vector_store %arg6[%swap3A_617, %swap3A_618, %swap3A_619, %swap3A_620], %swap3A_623 {strides = array<i32>} : memref<2x4x200x64xf32, #tpu.memory_space<vmem>>, vector<1x1x1x16xf32>,
        %add3A_624 = arith.constant 2 : i32
        %add3A_625 = arith.addi %mul3A_409, %add3A_624 : i32
        %get3A_626 = arith.constant 0 : i32
        %get3A_627 = arith.constant 1 : i32
        %get3A_628 = arith.index_cast %get3A_626 : i32 to index
        %get3A_629 = arith.index_cast %get3A_627 : i32 to index
        %get3A_630 = arith.index_cast %add3A_625 : i32 to index
        %get3A_631 = arith.constant 0 : index
        %get3A_632 = tpu.vector_load %arg6[%get3A_628, %get3A_629, %get3A_630, %get3A_631] {strides = array<i32>} : memref<2x4x200x64xf32, #tpu.memory_space<vmem>>, vector<1x1x1x16xf32>,
        %get3A_633 = vector.shape_cast %get3A_632 : vector<1x1x1x16xf32> to vector<16xf32>
        %mul3A_634 = arith.constant 8.000000e+00 : f32
        %mul3A_635 = vector.broadcast %mul3A_634 : f32 to vector<16xf32>
        %mul3A_636 = arith.mulf %get3A_633, %mul3A_635 : vector<16xf32>
        %add3A_637 = arith.constant 9.99999982E-14 : f32
        %add3A_638 = vector.broadcast %add3A_637 : f32 to vector<16xf32>
        %add3A_639 = arith.addf %mul3A_636, %add3A_638 : vector<16xf32>
        %add3A_640 = arith.constant 2 : i32
        %add3A_641 = arith.addi %mul3A_409, %add3A_640 : i32
        %swap3A_642 = arith.constant 0 : i32
        %swap3A_643 = arith.constant 1 : i32
        %swap3A_644 = arith.index_cast %swap3A_642 : i32 to index
        %swap3A_645 = arith.index_cast %swap3A_643 : i32 to index
        %swap3A_646 = arith.index_cast %add3A_641 : i32 to index
        %swap3A_647 = arith.constant 0 : index
        %swap3A_648 = tpu.vector_load %arg6[%swap3A_644, %swap3A_645, %swap3A_646, %swap3A_647] {strides = array<i32>} : memref<2x4x200x64xf32, #tpu.memory_space<vmem>>, vector<1x1x1x16xf32>,
        %swap3A_649 = vector.shape_cast %swap3A_648 : vector<1x1x1x16xf32> to vector<16xf32>
        %swap3A_650 = vector.shape_cast %add3A_639 : vector<16xf32> to vector<1x1x1x16xf32>
        tpu.vector_store %arg6[%swap3A_644, %swap3A_645, %swap3A_646, %swap3A_647], %swap3A_650 {strides = array<i32>} : memref<2x4x200x64xf32, #tpu.memory_space<vmem>>, vector<1x1x1x16xf32>,
        %add3A_651 = arith.constant 2 : i32
        %add3A_652 = arith.addi %mul3A_409, %add3A_651 : i32
        %get3A_653 = arith.constant 0 : i32
        %get3A_654 = arith.constant 1 : i32
        %get3A_655 = arith.index_cast %get3A_653 : i32 to index
        %get3A_656 = arith.index_cast %get3A_654 : i32 to index
        %get3A_657 = arith.index_cast %add3A_652 : i32 to index
        %get3A_658 = arith.constant 16 : index
        %get3A_659 = tpu.vector_load %arg6[%get3A_655, %get3A_656, %get3A_657, %get3A_658] {strides = array<i32>} : memref<2x4x200x64xf32, #tpu.memory_space<vmem>>, vector<1x1x1x16xf32>,
        %get3A_660 = vector.shape_cast %get3A_659 : vector<1x1x1x16xf32> to vector<16xf32>
        %mul3A_661 = arith.constant 8.000000e+00 : f32
        %mul3A_662 = vector.broadcast %mul3A_661 : f32 to vector<16xf32>
        %mul3A_663 = arith.mulf %get3A_660, %mul3A_662 : vector<16xf32>
        %add3A_664 = arith.constant 9.99999982E-14 : f32
        %add3A_665 = vector.broadcast %add3A_664 : f32 to vector<16xf32>
        %add3A_666 = arith.addf %mul3A_663, %add3A_665 : vector<16xf32>
        %add3A_667 = arith.constant 2 : i32
        %add3A_668 = arith.addi %mul3A_409, %add3A_667 : i32
        %swap3A_669 = arith.constant 0 : i32
        %swap3A_670 = arith.constant 1 : i32
        %swap3A_671 = arith.index_cast %swap3A_669 : i32 to index
        %swap3A_672 = arith.index_cast %swap3A_670 : i32 to index
        %swap3A_673 = arith.index_cast %add3A_668 : i32 to index
        %swap3A_674 = arith.constant 16 : index
        %swap3A_675 = tpu.vector_load %arg6[%swap3A_671, %swap3A_672, %swap3A_673, %swap3A_674] {strides = array<i32>} : memref<2x4x200x64xf32, #tpu.memory_space<vmem>>, vector<1x1x1x16xf32>,
        %swap3A_676 = vector.shape_cast %swap3A_675 : vector<1x1x1x16xf32> to vector<16xf32>
        %swap3A_677 = vector.shape_cast %add3A_666 : vector<16xf32> to vector<1x1x1x16xf32>
        tpu.vector_store %arg6[%swap3A_671, %swap3A_672, %swap3A_673, %swap3A_674], %swap3A_677 {strides = array<i32>} : memref<2x4x200x64xf32, #tpu.memory_space<vmem>>, vector<1x1x1x16xf32>,
        %add3A_678 = arith.constant 2 : i32
        %add3A_679 = arith.addi %mul3A_409, %add3A_678 : i32
        %get3A_680 = arith.constant 0 : i32
        %get3A_681 = arith.constant 1 : i32
        %get3A_682 = arith.index_cast %get3A_680 : i32 to index
        %get3A_683 = arith.index_cast %get3A_681 : i32 to index
        %get3A_684 = arith.index_cast %add3A_679 : i32 to index
        %get3A_685 = arith.constant 32 : index
        %get3A_686 = tpu.vector_load %arg6[%get3A_682, %get3A_683, %get3A_684, %get3A_685] {strides = array<i32>} : memref<2x4x200x64xf32, #tpu.memory_space<vmem>>, vector<1x1x1x16xf32>,
        %get3A_687 = vector.shape_cast %get3A_686 : vector<1x1x1x16xf32> to vector<16xf32>
        %mul3A_688 = arith.constant 8.000000e+00 : f32
        %mul3A_689 = vector.broadcast %mul3A_688 : f32 to vector<16xf32>
        %mul3A_690 = arith.mulf %get3A_687, %mul3A_689 : vector<16xf32>
        %add3A_691 = arith.constant 9.99999982E-14 : f32
        %add3A_692 = vector.broadcast %add3A_691 : f32 to vector<16xf32>
        %add3A_693 = arith.addf %mul3A_690, %add3A_692 : vector<16xf32>
        %add3A_694 = arith.constant 2 : i32
        %add3A_695 = arith.addi %mul3A_409, %add3A_694 : i32
        %swap3A_696 = arith.constant 0 : i32
        %swap3A_697 = arith.constant 1 : i32
        %swap3A_698 = arith.index_cast %swap3A_696 : i32 to index
        %swap3A_699 = arith.index_cast %swap3A_697 : i32 to index
        %swap3A_700 = arith.index_cast %add3A_695 : i32 to index
        %swap3A_701 = arith.constant 32 : index
        %swap3A_702 = tpu.vector_load %arg6[%swap3A_698, %swap3A_699, %swap3A_700, %swap3A_701] {strides = array<i32>} : memref<2x4x200x64xf32, #tpu.memory_space<vmem>>, vector<1x1x1x16xf32>,
        %swap3A_703 = vector.shape_cast %swap3A_702 : vector<1x1x1x16xf32> to vector<16xf32>
        %swap3A_704 = vector.shape_cast %add3A_693 : vector<16xf32> to vector<1x1x1x16xf32>
        tpu.vector_store %arg6[%swap3A_698, %swap3A_699, %swap3A_700, %swap3A_701], %swap3A_704 {strides = array<i32>} : memref<2x4x200x64xf32, #tpu.memory_space<vmem>>, vector<1x1x1x16xf32>,
        %add3A_705 = arith.constant 2 : i32
        %add3A_706 = arith.addi %mul3A_409, %add3A_705 : i32
        %get3A_707 = arith.constant 0 : i32
        %get3A_708 = arith.constant 1 : i32
        %get3A_709 = arith.index_cast %get3A_707 : i32 to index
        %get3A_710 = arith.index_cast %get3A_708 : i32 to index
        %get3A_711 = arith.index_cast %add3A_706 : i32 to index
        %get3A_712 = arith.constant 48 : index
        %get3A_713 = tpu.vector_load %arg6[%get3A_709, %get3A_710, %get3A_711, %get3A_712] {strides = array<i32>} : memref<2x4x200x64xf32, #tpu.memory_space<vmem>>, vector<1x1x1x16xf32>,
        %get3A_714 = vector.shape_cast %get3A_713 : vector<1x1x1x16xf32> to vector<16xf32>
        %mul3A_715 = arith.constant 8.000000e+00 : f32
        %mul3A_716 = vector.broadcast %mul3A_715 : f32 to vector<16xf32>
        %mul3A_717 = arith.mulf %get3A_714, %mul3A_716 : vector<16xf32>
        %add3A_718 = arith.constant 9.99999982E-14 : f32
        %add3A_719 = vector.broadcast %add3A_718 : f32 to vector<16xf32>
        %add3A_720 = arith.addf %mul3A_717, %add3A_719 : vector<16xf32>
        %add3A_721 = arith.constant 2 : i32
        %add3A_722 = arith.addi %mul3A_409, %add3A_721 : i32
        %swap3A_723 = arith.constant 0 : i32
        %swap3A_724 = arith.constant 1 : i32
        %swap3A_725 = arith.index_cast %swap3A_723 : i32 to index
        %swap3A_726 = arith.index_cast %swap3A_724 : i32 to index
        %swap3A_727 = arith.index_cast %add3A_722 : i32 to index
        %swap3A_728 = arith.constant 48 : index
        %swap3A_729 = tpu.vector_load %arg6[%swap3A_725, %swap3A_726, %swap3A_727, %swap3A_728] {strides = array<i32>} : memref<2x4x200x64xf32, #tpu.memory_space<vmem>>, vector<1x1x1x16xf32>,
        %swap3A_730 = vector.shape_cast %swap3A_729 : vector<1x1x1x16xf32> to vector<16xf32>
        %swap3A_731 = vector.shape_cast %add3A_720 : vector<16xf32> to vector<1x1x1x16xf32>
        tpu.vector_store %arg6[%swap3A_725, %swap3A_726, %swap3A_727, %swap3A_728], %swap3A_731 {strides = array<i32>} : memref<2x4x200x64xf32, #tpu.memory_space<vmem>>, vector<1x1x1x16xf32>,
        %add3A_732 = arith.constant 3 : i32
        %add3A_733 = arith.addi %mul3A_409, %add3A_732 : i32
        %get3A_734 = arith.constant 0 : i32
        %get3A_735 = arith.constant 1 : i32
        %get3A_736 = arith.index_cast %get3A_734 : i32 to index
        %get3A_737 = arith.index_cast %get3A_735 : i32 to index
        %get3A_738 = arith.index_cast %add3A_733 : i32 to index
        %get3A_739 = arith.constant 0 : index
        %get3A_740 = tpu.vector_load %arg6[%get3A_736, %get3A_737, %get3A_738, %get3A_739] {strides = array<i32>} : memref<2x4x200x64xf32, #tpu.memory_space<vmem>>, vector<1x1x1x16xf32>,
        %get3A_741 = vector.shape_cast %get3A_740 : vector<1x1x1x16xf32> to vector<16xf32>
        %mul3A_742 = arith.constant 8.000000e+00 : f32
        %mul3A_743 = vector.broadcast %mul3A_742 : f32 to vector<16xf32>
        %mul3A_744 = arith.mulf %get3A_741, %mul3A_743 : vector<16xf32>
        %add3A_745 = arith.constant 9.99999982E-14 : f32
        %add3A_746 = vector.broadcast %add3A_745 : f32 to vector<16xf32>
        %add3A_747 = arith.addf %mul3A_744, %add3A_746 : vector<16xf32>
        %add3A_748 = arith.constant 3 : i32
        %add3A_749 = arith.addi %mul3A_409, %add3A_748 : i32
        %swap3A_750 = arith.constant 0 : i32
        %swap3A_751 = arith.constant 1 : i32
        %swap3A_752 = arith.index_cast %swap3A_750 : i32 to index
        %swap3A_753 = arith.index_cast %swap3A_751 : i32 to index
        %swap3A_754 = arith.index_cast %add3A_749 : i32 to index
        %swap3A_755 = arith.constant 0 : index
        %swap3A_756 = tpu.vector_load %arg6[%swap3A_752, %swap3A_753, %swap3A_754, %swap3A_755] {strides = array<i32>} : memref<2x4x200x64xf32, #tpu.memory_space<vmem>>, vector<1x1x1x16xf32>,
        %swap3A_757 = vector.shape_cast %swap3A_756 : vector<1x1x1x16xf32> to vector<16xf32>
        %swap3A_758 = vector.shape_cast %add3A_747 : vector<16xf32> to vector<1x1x1x16xf32>
        tpu.vector_store %arg6[%swap3A_752, %swap3A_753, %swap3A_754, %swap3A_755], %swap3A_758 {strides = array<i32>} : memref<2x4x200x64xf32, #tpu.memory_space<vmem>>, vector<1x1x1x16xf32>,
        %add3A_759 = arith.constant 3 : i32
        %add3A_760 = arith.addi %mul3A_409, %add3A_759 : i32
        %get3A_761 = arith.constant 0 : i32
        %get3A_762 = arith.constant 1 : i32
        %get3A_763 = arith.index_cast %get3A_761 : i32 to index
        %get3A_764 = arith.index_cast %get3A_762 : i32 to index
        %get3A_765 = arith.index_cast %add3A_760 : i32 to index
        %get3A_766 = arith.constant 16 : index
        %get3A_767 = tpu.vector_load %arg6[%get3A_763, %get3A_764, %get3A_765, %get3A_766] {strides = array<i32>} : memref<2x4x200x64xf32, #tpu.memory_space<vmem>>, vector<1x1x1x16xf32>,
        %get3A_768 = vector.shape_cast %get3A_767 : vector<1x1x1x16xf32> to vector<16xf32>
        %mul3A_769 = arith.constant 8.000000e+00 : f32
        %mul3A_770 = vector.broadcast %mul3A_769 : f32 to vector<16xf32>
        %mul3A_771 = arith.mulf %get3A_768, %mul3A_770 : vector<16xf32>
        %add3A_772 = arith.constant 9.99999982E-14 : f32
        %add3A_773 = vector.broadcast %add3A_772 : f32 to vector<16xf32>
        %add3A_774 = arith.addf %mul3A_771, %add3A_773 : vector<16xf32>
        %add3A_775 = arith.constant 3 : i32
        %add3A_776 = arith.addi %mul3A_409, %add3A_775 : i32
        %swap3A_777 = arith.constant 0 : i32
        %swap3A_778 = arith.constant 1 : i32
        %swap3A_779 = arith.index_cast %swap3A_777 : i32 to index
        %swap3A_780 = arith.index_cast %swap3A_778 : i32 to index
        %swap3A_781 = arith.index_cast %add3A_776 : i32 to index
        %swap3A_782 = arith.constant 16 : index
        %swap3A_783 = tpu.vector_load %arg6[%swap3A_779, %swap3A_780, %swap3A_781, %swap3A_782] {strides = array<i32>} : memref<2x4x200x64xf32, #tpu.memory_space<vmem>>, vector<1x1x1x16xf32>,
        %swap3A_784 = vector.shape_cast %swap3A_783 : vector<1x1x1x16xf32> to vector<16xf32>
        %swap3A_785 = vector.shape_cast %add3A_774 : vector<16xf32> to vector<1x1x1x16xf32>
        tpu.vector_store %arg6[%swap3A_779, %swap3A_780, %swap3A_781, %swap3A_782], %swap3A_785 {strides = array<i32>} : memref<2x4x200x64xf32, #tpu.memory_space<vmem>>, vector<1x1x1x16xf32>,
        %add3A_786 = arith.constant 3 : i32
        %add3A_787 = arith.addi %mul3A_409, %add3A_786 : i32
        %get3A_788 = arith.constant 0 : i32
        %get3A_789 = arith.constant 1 : i32
        %get3A_790 = arith.index_cast %get3A_788 : i32 to index
        %get3A_791 = arith.index_cast %get3A_789 : i32 to index
        %get3A_792 = arith.index_cast %add3A_787 : i32 to index
        %get3A_793 = arith.constant 32 : index
        %get3A_794 = tpu.vector_load %arg6[%get3A_790, %get3A_791, %get3A_792, %get3A_793] {strides = array<i32>} : memref<2x4x200x64xf32, #tpu.memory_space<vmem>>, vector<1x1x1x16xf32>,
        %get3A_795 = vector.shape_cast %get3A_794 : vector<1x1x1x16xf32> to vector<16xf32>
        %mul3A_796 = arith.constant 8.000000e+00 : f32
        %mul3A_797 = vector.broadcast %mul3A_796 : f32 to vector<16xf32>
        %mul3A_798 = arith.mulf %get3A_795, %mul3A_797 : vector<16xf32>
        %add3A_799 = arith.constant 9.99999982E-14 : f32
        %add3A_800 = vector.broadcast %add3A_799 : f32 to vector<16xf32>
        %add3A_801 = arith.addf %mul3A_798, %add3A_800 : vector<16xf32>
        %add3A_802 = arith.constant 3 : i32
        %add3A_803 = arith.addi %mul3A_409, %add3A_802 : i32
        %swap3A_804 = arith.constant 0 : i32
        %swap3A_805 = arith.constant 1 : i32
        %swap3A_806 = arith.index_cast %swap3A_804 : i32 to index
        %swap3A_807 = arith.index_cast %swap3A_805 : i32 to index
        %swap3A_808 = arith.index_cast %add3A_803 : i32 to index
        %swap3A_809 = arith.constant 32 : index
        %swap3A_810 = tpu.vector_load %arg6[%swap3A_806, %swap3A_807, %swap3A_808, %swap3A_809] {strides = array<i32>} : memref<2x4x200x64xf32, #tpu.memory_space<vmem>>, vector<1x1x1x16xf32>,
        %swap3A_811 = vector.shape_cast %swap3A_810 : vector<1x1x1x16xf32> to vector<16xf32>
        %swap3A_812 = vector.shape_cast %add3A_801 : vector<16xf32> to vector<1x1x1x16xf32>
        tpu.vector_store %arg6[%swap3A_806, %swap3A_807, %swap3A_808, %swap3A_809], %swap3A_812 {strides = array<i32>} : memref<2x4x200x64xf32, #tpu.memory_space<vmem>>, vector<1x1x1x16xf32>,
        %add3A_813 = arith.constant 3 : i32
        %add3A_814 = arith.addi %mul3A_409, %add3A_813 : i32
        %get3A_815 = arith.constant 0 : i32
        %get3A_816 = arith.constant 1 : i32
        %get3A_817 = arith.index_cast %get3A_815 : i32 to index
        %get3A_818 = arith.index_cast %get3A_816 : i32 to index
        %get3A_819 = arith.index_cast %add3A_814 : i32 to index
        %get3A_820 = arith.constant 48 : index
        %get3A_821 = tpu.vector_load %arg6[%get3A_817, %get3A_818, %get3A_819, %get3A_820] {strides = array<i32>} : memref<2x4x200x64xf32, #tpu.memory_space<vmem>>, vector<1x1x1x16xf32>,
        %get3A_822 = vector.shape_cast %get3A_821 : vector<1x1x1x16xf32> to vector<16xf32>
        %mul3A_823 = arith.constant 8.000000e+00 : f32
        %mul3A_824 = vector.broadcast %mul3A_823 : f32 to vector<16xf32>
        %mul3A_825 = arith.mulf %get3A_822, %mul3A_824 : vector<16xf32>
        %add3A_826 = arith.constant 9.99999982E-14 : f32
        %add3A_827 = vector.broadcast %add3A_826 : f32 to vector<16xf32>
        %add3A_828 = arith.addf %mul3A_825, %add3A_827 : vector<16xf32>
        %add3A_829 = arith.constant 3 : i32
        %add3A_830 = arith.addi %mul3A_409, %add3A_829 : i32
        %swap3A_831 = arith.constant 0 : i32
        %swap3A_832 = arith.constant 1 : i32
        %swap3A_833 = arith.index_cast %swap3A_831 : i32 to index
        %swap3A_834 = arith.index_cast %swap3A_832 : i32 to index
        %swap3A_835 = arith.index_cast %add3A_830 : i32 to index
        %swap3A_836 = arith.constant 48 : index
        %swap3A_837 = tpu.vector_load %arg6[%swap3A_833, %swap3A_834, %swap3A_835, %swap3A_836] {strides = array<i32>} : memref<2x4x200x64xf32, #tpu.memory_space<vmem>>, vector<1x1x1x16xf32>,
        %swap3A_838 = vector.shape_cast %swap3A_837 : vector<1x1x1x16xf32> to vector<16xf32>
        %swap3A_839 = vector.shape_cast %add3A_828 : vector<16xf32> to vector<1x1x1x16xf32>
        tpu.vector_store %arg6[%swap3A_833, %swap3A_834, %swap3A_835, %swap3A_836], %swap3A_839 {strides = array<i32>} : memref<2x4x200x64xf32, #tpu.memory_space<vmem>>, vector<1x1x1x16xf32>,
        %scan3A_840 = arith.constant 0 : i32
        scf.yield %scan3A_840 : i32
      }
      %scan3A_326 = arith.constant 50 : i32
      %scan3A_327 = arith.constant 0 : i32
      %scan3A_328 = arith.constant 0 : i32
      %scan3A_329 = arith.constant 50 : i32
      %scan3A_330 = arith.addi %scan3A_328, %scan3A_329 : i32
      %scan3A_331 = arith.constant 1 : i32
      %scan3A_332 = scf.for %scan3A_406 = %scan3A_328 to %scan3A_330 step %scan3A_331 iter_args(%scan3A_407 = %scan3A_327) -> (i32)  : i32 {
        %mul3A_408 = arith.constant 4 : i32
        %mul3A_409 = arith.muli %scan3A_406, %mul3A_408 : i32
        %add3A_410 = arith.constant 0 : i32
        %add3A_411 = arith.addi %mul3A_409, %add3A_410 : i32
        %get3A = arith.constant 0 : i32
        %get3A_412 = arith.constant 2 : i32
        %get3A_413 = arith.index_cast %get3A : i32 to index
        %get3A_414 = arith.index_cast %get3A_412 : i32 to index
        %get3A_415 = arith.index_cast %add3A_411 : i32 to index
        %get3A_416 = arith.constant 0 : index
        %get3A_417 = tpu.vector_load %arg6[%get3A_413, %get3A_414, %get3A_415, %get3A_416] {strides = array<i32>} : memref<2x4x200x64xf32, #tpu.memory_space<vmem>>, vector<1x1x1x16xf32>,
        %get3A_418 = vector.shape_cast %get3A_417 : vector<1x1x1x16xf32> to vector<16xf32>
        %mul3A_419 = arith.constant 8.000000e+00 : f32
        %mul3A_420 = vector.broadcast %mul3A_419 : f32 to vector<16xf32>
        %mul3A_421 = arith.mulf %get3A_418, %mul3A_420 : vector<16xf32>
        %add3A_422 = arith.constant 9.99999982E-14 : f32
        %add3A_423 = vector.broadcast %add3A_422 : f32 to vector<16xf32>
        %add3A_424 = arith.addf %mul3A_421, %add3A_423 : vector<16xf32>
        %add3A_425 = arith.constant 0 : i32
        %add3A_426 = arith.addi %mul3A_409, %add3A_425 : i32
        %swap3A = arith.constant 0 : i32
        %swap3A_427 = arith.constant 2 : i32
        %swap3A_428 = arith.index_cast %swap3A : i32 to index
        %swap3A_429 = arith.index_cast %swap3A_427 : i32 to index
        %swap3A_430 = arith.index_cast %add3A_426 : i32 to index
        %swap3A_431 = arith.constant 0 : index
        %swap3A_432 = tpu.vector_load %arg6[%swap3A_428, %swap3A_429, %swap3A_430, %swap3A_431] {strides = array<i32>} : memref<2x4x200x64xf32, #tpu.memory_space<vmem>>, vector<1x1x1x16xf32>,
        %swap3A_433 = vector.shape_cast %swap3A_432 : vector<1x1x1x16xf32> to vector<16xf32>
        %swap3A_434 = vector.shape_cast %add3A_424 : vector<16xf32> to vector<1x1x1x16xf32>
        tpu.vector_store %arg6[%swap3A_428, %swap3A_429, %swap3A_430, %swap3A_431], %swap3A_434 {strides = array<i32>} : memref<2x4x200x64xf32, #tpu.memory_space<vmem>>, vector<1x1x1x16xf32>,
        %add3A_435 = arith.constant 0 : i32
        %add3A_436 = arith.addi %mul3A_409, %add3A_435 : i32
        %get3A_437 = arith.constant 0 : i32
        %get3A_438 = arith.constant 2 : i32
        %get3A_439 = arith.index_cast %get3A_437 : i32 to index
        %get3A_440 = arith.index_cast %get3A_438 : i32 to index
        %get3A_441 = arith.index_cast %add3A_436 : i32 to index
        %get3A_442 = arith.constant 16 : index
        %get3A_443 = tpu.vector_load %arg6[%get3A_439, %get3A_440, %get3A_441, %get3A_442] {strides = array<i32>} : memref<2x4x200x64xf32, #tpu.memory_space<vmem>>, vector<1x1x1x16xf32>,
        %get3A_444 = vector.shape_cast %get3A_443 : vector<1x1x1x16xf32> to vector<16xf32>
        %mul3A_445 = arith.constant 8.000000e+00 : f32
        %mul3A_446 = vector.broadcast %mul3A_445 : f32 to vector<16xf32>
        %mul3A_447 = arith.mulf %get3A_444, %mul3A_446 : vector<16xf32>
        %add3A_448 = arith.constant 9.99999982E-14 : f32
        %add3A_449 = vector.broadcast %add3A_448 : f32 to vector<16xf32>
        %add3A_450 = arith.addf %mul3A_447, %add3A_449 : vector<16xf32>
        %add3A_451 = arith.constant 0 : i32
        %add3A_452 = arith.addi %mul3A_409, %add3A_451 : i32
        %swap3A_453 = arith.constant 0 : i32
        %swap3A_454 = arith.constant 2 : i32
        %swap3A_455 = arith.index_cast %swap3A_453 : i32 to index
        %swap3A_456 = arith.index_cast %swap3A_454 : i32 to index
        %swap3A_457 = arith.index_cast %add3A_452 : i32 to index
        %swap3A_458 = arith.constant 16 : index
        %swap3A_459 = tpu.vector_load %arg6[%swap3A_455, %swap3A_456, %swap3A_457, %swap3A_458] {strides = array<i32>} : memref<2x4x200x64xf32, #tpu.memory_space<vmem>>, vector<1x1x1x16xf32>,
        %swap3A_460 = vector.shape_cast %swap3A_459 : vector<1x1x1x16xf32> to vector<16xf32>
        %swap3A_461 = vector.shape_cast %add3A_450 : vector<16xf32> to vector<1x1x1x16xf32>
        tpu.vector_store %arg6[%swap3A_455, %swap3A_456, %swap3A_457, %swap3A_458], %swap3A_461 {strides = array<i32>} : memref<2x4x200x64xf32, #tpu.memory_space<vmem>>, vector<1x1x1x16xf32>,
        %add3A_462 = arith.constant 0 : i32
        %add3A_463 = arith.addi %mul3A_409, %add3A_462 : i32
        %get3A_464 = arith.constant 0 : i32
        %get3A_465 = arith.constant 2 : i32
        %get3A_466 = arith.index_cast %get3A_464 : i32 to index
        %get3A_467 = arith.index_cast %get3A_465 : i32 to index
        %get3A_468 = arith.index_cast %add3A_463 : i32 to index
        %get3A_469 = arith.constant 32 : index
        %get3A_470 = tpu.vector_load %arg6[%get3A_466, %get3A_467, %get3A_468, %get3A_469] {strides = array<i32>} : memref<2x4x200x64xf32, #tpu.memory_space<vmem>>, vector<1x1x1x16xf32>,
        %get3A_471 = vector.shape_cast %get3A_470 : vector<1x1x1x16xf32> to vector<16xf32>
        %mul3A_472 = arith.constant 8.000000e+00 : f32
        %mul3A_473 = vector.broadcast %mul3A_472 : f32 to vector<16xf32>
        %mul3A_474 = arith.mulf %get3A_471, %mul3A_473 : vector<16xf32>
        %add3A_475 = arith.constant 9.99999982E-14 : f32
        %add3A_476 = vector.broadcast %add3A_475 : f32 to vector<16xf32>
        %add3A_477 = arith.addf %mul3A_474, %add3A_476 : vector<16xf32>
        %add3A_478 = arith.constant 0 : i32
        %add3A_479 = arith.addi %mul3A_409, %add3A_478 : i32
        %swap3A_480 = arith.constant 0 : i32
        %swap3A_481 = arith.constant 2 : i32
        %swap3A_482 = arith.index_cast %swap3A_480 : i32 to index
        %swap3A_483 = arith.index_cast %swap3A_481 : i32 to index
        %swap3A_484 = arith.index_cast %add3A_479 : i32 to index
        %swap3A_485 = arith.constant 32 : index
        %swap3A_486 = tpu.vector_load %arg6[%swap3A_482, %swap3A_483, %swap3A_484, %swap3A_485] {strides = array<i32>} : memref<2x4x200x64xf32, #tpu.memory_space<vmem>>, vector<1x1x1x16xf32>,
        %swap3A_487 = vector.shape_cast %swap3A_486 : vector<1x1x1x16xf32> to vector<16xf32>
        %swap3A_488 = vector.shape_cast %add3A_477 : vector<16xf32> to vector<1x1x1x16xf32>
        tpu.vector_store %arg6[%swap3A_482, %swap3A_483, %swap3A_484, %swap3A_485], %swap3A_488 {strides = array<i32>} : memref<2x4x200x64xf32, #tpu.memory_space<vmem>>, vector<1x1x1x16xf32>,
        %add3A_489 = arith.constant 0 : i32
        %add3A_490 = arith.addi %mul3A_409, %add3A_489 : i32
        %get3A_491 = arith.constant 0 : i32
        %get3A_492 = arith.constant 2 : i32
        %get3A_493 = arith.index_cast %get3A_491 : i32 to index
        %get3A_494 = arith.index_cast %get3A_492 : i32 to index
        %get3A_495 = arith.index_cast %add3A_490 : i32 to index
        %get3A_496 = arith.constant 48 : index
        %get3A_497 = tpu.vector_load %arg6[%get3A_493, %get3A_494, %get3A_495, %get3A_496] {strides = array<i32>} : memref<2x4x200x64xf32, #tpu.memory_space<vmem>>, vector<1x1x1x16xf32>,
        %get3A_498 = vector.shape_cast %get3A_497 : vector<1x1x1x16xf32> to vector<16xf32>
        %mul3A_499 = arith.constant 8.000000e+00 : f32
        %mul3A_500 = vector.broadcast %mul3A_499 : f32 to vector<16xf32>
        %mul3A_501 = arith.mulf %get3A_498, %mul3A_500 : vector<16xf32>
        %add3A_502 = arith.constant 9.99999982E-14 : f32
        %add3A_503 = vector.broadcast %add3A_502 : f32 to vector<16xf32>
        %add3A_504 = arith.addf %mul3A_501, %add3A_503 : vector<16xf32>
        %add3A_505 = arith.constant 0 : i32
        %add3A_506 = arith.addi %mul3A_409, %add3A_505 : i32
        %swap3A_507 = arith.constant 0 : i32
        %swap3A_508 = arith.constant 2 : i32
        %swap3A_509 = arith.index_cast %swap3A_507 : i32 to index
        %swap3A_510 = arith.index_cast %swap3A_508 : i32 to index
        %swap3A_511 = arith.index_cast %add3A_506 : i32 to index
        %swap3A_512 = arith.constant 48 : index
        %swap3A_513 = tpu.vector_load %arg6[%swap3A_509, %swap3A_510, %swap3A_511, %swap3A_512] {strides = array<i32>} : memref<2x4x200x64xf32, #tpu.memory_space<vmem>>, vector<1x1x1x16xf32>,
        %swap3A_514 = vector.shape_cast %swap3A_513 : vector<1x1x1x16xf32> to vector<16xf32>
        %swap3A_515 = vector.shape_cast %add3A_504 : vector<16xf32> to vector<1x1x1x16xf32>
        tpu.vector_store %arg6[%swap3A_509, %swap3A_510, %swap3A_511, %swap3A_512], %swap3A_515 {strides = array<i32>} : memref<2x4x200x64xf32, #tpu.memory_space<vmem>>, vector<1x1x1x16xf32>,
        %add3A_516 = arith.constant 1 : i32
        %add3A_517 = arith.addi %mul3A_409, %add3A_516 : i32
        %get3A_518 = arith.constant 0 : i32
        %get3A_519 = arith.constant 2 : i32
        %get3A_520 = arith.index_cast %get3A_518 : i32 to index
        %get3A_521 = arith.index_cast %get3A_519 : i32 to index
        %get3A_522 = arith.index_cast %add3A_517 : i32 to index
        %get3A_523 = arith.constant 0 : index
        %get3A_524 = tpu.vector_load %arg6[%get3A_520, %get3A_521, %get3A_522, %get3A_523] {strides = array<i32>} : memref<2x4x200x64xf32, #tpu.memory_space<vmem>>, vector<1x1x1x16xf32>,
        %get3A_525 = vector.shape_cast %get3A_524 : vector<1x1x1x16xf32> to vector<16xf32>
        %mul3A_526 = arith.constant 8.000000e+00 : f32
        %mul3A_527 = vector.broadcast %mul3A_526 : f32 to vector<16xf32>
        %mul3A_528 = arith.mulf %get3A_525, %mul3A_527 : vector<16xf32>
        %add3A_529 = arith.constant 9.99999982E-14 : f32
        %add3A_530 = vector.broadcast %add3A_529 : f32 to vector<16xf32>
        %add3A_531 = arith.addf %mul3A_528, %add3A_530 : vector<16xf32>
        %add3A_532 = arith.constant 1 : i32
        %add3A_533 = arith.addi %mul3A_409, %add3A_532 : i32
        %swap3A_534 = arith.constant 0 : i32
        %swap3A_535 = arith.constant 2 : i32
        %swap3A_536 = arith.index_cast %swap3A_534 : i32 to index
        %swap3A_537 = arith.index_cast %swap3A_535 : i32 to index
        %swap3A_538 = arith.index_cast %add3A_533 : i32 to index
        %swap3A_539 = arith.constant 0 : index
        %swap3A_540 = tpu.vector_load %arg6[%swap3A_536, %swap3A_537, %swap3A_538, %swap3A_539] {strides = array<i32>} : memref<2x4x200x64xf32, #tpu.memory_space<vmem>>, vector<1x1x1x16xf32>,
        %swap3A_541 = vector.shape_cast %swap3A_540 : vector<1x1x1x16xf32> to vector<16xf32>
        %swap3A_542 = vector.shape_cast %add3A_531 : vector<16xf32> to vector<1x1x1x16xf32>
        tpu.vector_store %arg6[%swap3A_536, %swap3A_537, %swap3A_538, %swap3A_539], %swap3A_542 {strides = array<i32>} : memref<2x4x200x64xf32, #tpu.memory_space<vmem>>, vector<1x1x1x16xf32>,
        %add3A_543 = arith.constant 1 : i32
        %add3A_544 = arith.addi %mul3A_409, %add3A_543 : i32
        %get3A_545 = arith.constant 0 : i32
        %get3A_546 = arith.constant 2 : i32
        %get3A_547 = arith.index_cast %get3A_545 : i32 to index
        %get3A_548 = arith.index_cast %get3A_546 : i32 to index
        %get3A_549 = arith.index_cast %add3A_544 : i32 to index
        %get3A_550 = arith.constant 16 : index
        %get3A_551 = tpu.vector_load %arg6[%get3A_547, %get3A_548, %get3A_549, %get3A_550] {strides = array<i32>} : memref<2x4x200x64xf32, #tpu.memory_space<vmem>>, vector<1x1x1x16xf32>,
        %get3A_552 = vector.shape_cast %get3A_551 : vector<1x1x1x16xf32> to vector<16xf32>
        %mul3A_553 = arith.constant 8.000000e+00 : f32
        %mul3A_554 = vector.broadcast %mul3A_553 : f32 to vector<16xf32>
        %mul3A_555 = arith.mulf %get3A_552, %mul3A_554 : vector<16xf32>
        %add3A_556 = arith.constant 9.99999982E-14 : f32
        %add3A_557 = vector.broadcast %add3A_556 : f32 to vector<16xf32>
        %add3A_558 = arith.addf %mul3A_555, %add3A_557 : vector<16xf32>
        %add3A_559 = arith.constant 1 : i32
        %add3A_560 = arith.addi %mul3A_409, %add3A_559 : i32
        %swap3A_561 = arith.constant 0 : i32
        %swap3A_562 = arith.constant 2 : i32
        %swap3A_563 = arith.index_cast %swap3A_561 : i32 to index
        %swap3A_564 = arith.index_cast %swap3A_562 : i32 to index
        %swap3A_565 = arith.index_cast %add3A_560 : i32 to index
        %swap3A_566 = arith.constant 16 : index
        %swap3A_567 = tpu.vector_load %arg6[%swap3A_563, %swap3A_564, %swap3A_565, %swap3A_566] {strides = array<i32>} : memref<2x4x200x64xf32, #tpu.memory_space<vmem>>, vector<1x1x1x16xf32>,
        %swap3A_568 = vector.shape_cast %swap3A_567 : vector<1x1x1x16xf32> to vector<16xf32>
        %swap3A_569 = vector.shape_cast %add3A_558 : vector<16xf32> to vector<1x1x1x16xf32>
        tpu.vector_store %arg6[%swap3A_563, %swap3A_564, %swap3A_565, %swap3A_566], %swap3A_569 {strides = array<i32>} : memref<2x4x200x64xf32, #tpu.memory_space<vmem>>, vector<1x1x1x16xf32>,
        %add3A_570 = arith.constant 1 : i32
        %add3A_571 = arith.addi %mul3A_409, %add3A_570 : i32
        %get3A_572 = arith.constant 0 : i32
        %get3A_573 = arith.constant 2 : i32
        %get3A_574 = arith.index_cast %get3A_572 : i32 to index
        %get3A_575 = arith.index_cast %get3A_573 : i32 to index
        %get3A_576 = arith.index_cast %add3A_571 : i32 to index
        %get3A_577 = arith.constant 32 : index
        %get3A_578 = tpu.vector_load %arg6[%get3A_574, %get3A_575, %get3A_576, %get3A_577] {strides = array<i32>} : memref<2x4x200x64xf32, #tpu.memory_space<vmem>>, vector<1x1x1x16xf32>,
        %get3A_579 = vector.shape_cast %get3A_578 : vector<1x1x1x16xf32> to vector<16xf32>
        %mul3A_580 = arith.constant 8.000000e+00 : f32
        %mul3A_581 = vector.broadcast %mul3A_580 : f32 to vector<16xf32>
        %mul3A_582 = arith.mulf %get3A_579, %mul3A_581 : vector<16xf32>
        %add3A_583 = arith.constant 9.99999982E-14 : f32
        %add3A_584 = vector.broadcast %add3A_583 : f32 to vector<16xf32>
        %add3A_585 = arith.addf %mul3A_582, %add3A_584 : vector<16xf32>
        %add3A_586 = arith.constant 1 : i32
        %add3A_587 = arith.addi %mul3A_409, %add3A_586 : i32
        %swap3A_588 = arith.constant 0 : i32
        %swap3A_589 = arith.constant 2 : i32
        %swap3A_590 = arith.index_cast %swap3A_588 : i32 to index
        %swap3A_591 = arith.index_cast %swap3A_589 : i32 to index
        %swap3A_592 = arith.index_cast %add3A_587 : i32 to index
        %swap3A_593 = arith.constant 32 : index
        %swap3A_594 = tpu.vector_load %arg6[%swap3A_590, %swap3A_591, %swap3A_592, %swap3A_593] {strides = array<i32>} : memref<2x4x200x64xf32, #tpu.memory_space<vmem>>, vector<1x1x1x16xf32>,
        %swap3A_595 = vector.shape_cast %swap3A_594 : vector<1x1x1x16xf32> to vector<16xf32>
        %swap3A_596 = vector.shape_cast %add3A_585 : vector<16xf32> to vector<1x1x1x16xf32>
        tpu.vector_store %arg6[%swap3A_590, %swap3A_591, %swap3A_592, %swap3A_593], %swap3A_596 {strides = array<i32>} : memref<2x4x200x64xf32, #tpu.memory_space<vmem>>, vector<1x1x1x16xf32>,
        %add3A_597 = arith.constant 1 : i32
        %add3A_598 = arith.addi %mul3A_409, %add3A_597 : i32
        %get3A_599 = arith.constant 0 : i32
        %get3A_600 = arith.constant 2 : i32
        %get3A_601 = arith.index_cast %get3A_599 : i32 to index
        %get3A_602 = arith.index_cast %get3A_600 : i32 to index
        %get3A_603 = arith.index_cast %add3A_598 : i32 to index
        %get3A_604 = arith.constant 48 : index
        %get3A_605 = tpu.vector_load %arg6[%get3A_601, %get3A_602, %get3A_603, %get3A_604] {strides = array<i32>} : memref<2x4x200x64xf32, #tpu.memory_space<vmem>>, vector<1x1x1x16xf32>,
        %get3A_606 = vector.shape_cast %get3A_605 : vector<1x1x1x16xf32> to vector<16xf32>
        %mul3A_607 = arith.constant 8.000000e+00 : f32
        %mul3A_608 = vector.broadcast %mul3A_607 : f32 to vector<16xf32>
        %mul3A_609 = arith.mulf %get3A_606, %mul3A_608 : vector<16xf32>
        %add3A_610 = arith.constant 9.99999982E-14 : f32
        %add3A_611 = vector.broadcast %add3A_610 : f32 to vector<16xf32>
        %add3A_612 = arith.addf %mul3A_609, %add3A_611 : vector<16xf32>
        %add3A_613 = arith.constant 1 : i32
        %add3A_614 = arith.addi %mul3A_409, %add3A_613 : i32
        %swap3A_615 = arith.constant 0 : i32
        %swap3A_616 = arith.constant 2 : i32
        %swap3A_617 = arith.index_cast %swap3A_615 : i32 to index
        %swap3A_618 = arith.index_cast %swap3A_616 : i32 to index
        %swap3A_619 = arith.index_cast %add3A_614 : i32 to index
        %swap3A_620 = arith.constant 48 : index
        %swap3A_621 = tpu.vector_load %arg6[%swap3A_617, %swap3A_618, %swap3A_619, %swap3A_620] {strides = array<i32>} : memref<2x4x200x64xf32, #tpu.memory_space<vmem>>, vector<1x1x1x16xf32>,
        %swap3A_622 = vector.shape_cast %swap3A_621 : vector<1x1x1x16xf32> to vector<16xf32>
        %swap3A_623 = vector.shape_cast %add3A_612 : vector<16xf32> to vector<1x1x1x16xf32>
        tpu.vector_store %arg6[%swap3A_617, %swap3A_618, %swap3A_619, %swap3A_620], %swap3A_623 {strides = array<i32>} : memref<2x4x200x64xf32, #tpu.memory_space<vmem>>, vector<1x1x1x16xf32>,
        %add3A_624 = arith.constant 2 : i32
        %add3A_625 = arith.addi %mul3A_409, %add3A_624 : i32
        %get3A_626 = arith.constant 0 : i32
        %get3A_627 = arith.constant 2 : i32
        %get3A_628 = arith.index_cast %get3A_626 : i32 to index
        %get3A_629 = arith.index_cast %get3A_627 : i32 to index
        %get3A_630 = arith.index_cast %add3A_625 : i32 to index
        %get3A_631 = arith.constant 0 : index
        %get3A_632 = tpu.vector_load %arg6[%get3A_628, %get3A_629, %get3A_630, %get3A_631] {strides = array<i32>} : memref<2x4x200x64xf32, #tpu.memory_space<vmem>>, vector<1x1x1x16xf32>,
        %get3A_633 = vector.shape_cast %get3A_632 : vector<1x1x1x16xf32> to vector<16xf32>
        %mul3A_634 = arith.constant 8.000000e+00 : f32
        %mul3A_635 = vector.broadcast %mul3A_634 : f32 to vector<16xf32>
        %mul3A_636 = arith.mulf %get3A_633, %mul3A_635 : vector<16xf32>
        %add3A_637 = arith.constant 9.99999982E-14 : f32
        %add3A_638 = vector.broadcast %add3A_637 : f32 to vector<16xf32>
        %add3A_639 = arith.addf %mul3A_636, %add3A_638 : vector<16xf32>
        %add3A_640 = arith.constant 2 : i32
        %add3A_641 = arith.addi %mul3A_409, %add3A_640 : i32
        %swap3A_642 = arith.constant 0 : i32
        %swap3A_643 = arith.constant 2 : i32
        %swap3A_644 = arith.index_cast %swap3A_642 : i32 to index
        %swap3A_645 = arith.index_cast %swap3A_643 : i32 to index
        %swap3A_646 = arith.index_cast %add3A_641 : i32 to index
        %swap3A_647 = arith.constant 0 : index
        %swap3A_648 = tpu.vector_load %arg6[%swap3A_644, %swap3A_645, %swap3A_646, %swap3A_647] {strides = array<i32>} : memref<2x4x200x64xf32, #tpu.memory_space<vmem>>, vector<1x1x1x16xf32>,
        %swap3A_649 = vector.shape_cast %swap3A_648 : vector<1x1x1x16xf32> to vector<16xf32>
        %swap3A_650 = vector.shape_cast %add3A_639 : vector<16xf32> to vector<1x1x1x16xf32>
        tpu.vector_store %arg6[%swap3A_644, %swap3A_645, %swap3A_646, %swap3A_647], %swap3A_650 {strides = array<i32>} : memref<2x4x200x64xf32, #tpu.memory_space<vmem>>, vector<1x1x1x16xf32>,
        %add3A_651 = arith.constant 2 : i32
        %add3A_652 = arith.addi %mul3A_409, %add3A_651 : i32
        %get3A_653 = arith.constant 0 : i32
        %get3A_654 = arith.constant 2 : i32
        %get3A_655 = arith.index_cast %get3A_653 : i32 to index
        %get3A_656 = arith.index_cast %get3A_654 : i32 to index
        %get3A_657 = arith.index_cast %add3A_652 : i32 to index
        %get3A_658 = arith.constant 16 : index
        %get3A_659 = tpu.vector_load %arg6[%get3A_655, %get3A_656, %get3A_657, %get3A_658] {strides = array<i32>} : memref<2x4x200x64xf32, #tpu.memory_space<vmem>>, vector<1x1x1x16xf32>,
        %get3A_660 = vector.shape_cast %get3A_659 : vector<1x1x1x16xf32> to vector<16xf32>
        %mul3A_661 = arith.constant 8.000000e+00 : f32
        %mul3A_662 = vector.broadcast %mul3A_661 : f32 to vector<16xf32>
        %mul3A_663 = arith.mulf %get3A_660, %mul3A_662 : vector<16xf32>
        %add3A_664 = arith.constant 9.99999982E-14 : f32
        %add3A_665 = vector.broadcast %add3A_664 : f32 to vector<16xf32>
        %add3A_666 = arith.addf %mul3A_663, %add3A_665 : vector<16xf32>
        %add3A_667 = arith.constant 2 : i32
        %add3A_668 = arith.addi %mul3A_409, %add3A_667 : i32
        %swap3A_669 = arith.constant 0 : i32
        %swap3A_670 = arith.constant 2 : i32
        %swap3A_671 = arith.index_cast %swap3A_669 : i32 to index
        %swap3A_672 = arith.index_cast %swap3A_670 : i32 to index
        %swap3A_673 = arith.index_cast %add3A_668 : i32 to index
        %swap3A_674 = arith.constant 16 : index
        %swap3A_675 = tpu.vector_load %arg6[%swap3A_671, %swap3A_672, %swap3A_673, %swap3A_674] {strides = array<i32>} : memref<2x4x200x64xf32, #tpu.memory_space<vmem>>, vector<1x1x1x16xf32>,
        %swap3A_676 = vector.shape_cast %swap3A_675 : vector<1x1x1x16xf32> to vector<16xf32>
        %swap3A_677 = vector.shape_cast %add3A_666 : vector<16xf32> to vector<1x1x1x16xf32>
        tpu.vector_store %arg6[%swap3A_671, %swap3A_672, %swap3A_673, %swap3A_674], %swap3A_677 {strides = array<i32>} : memref<2x4x200x64xf32, #tpu.memory_space<vmem>>, vector<1x1x1x16xf32>,
        %add3A_678 = arith.constant 2 : i32
        %add3A_679 = arith.addi %mul3A_409, %add3A_678 : i32
        %get3A_680 = arith.constant 0 : i32
        %get3A_681 = arith.constant 2 : i32
        %get3A_682 = arith.index_cast %get3A_680 : i32 to index
        %get3A_683 = arith.index_cast %get3A_681 : i32 to index
        %get3A_684 = arith.index_cast %add3A_679 : i32 to index
        %get3A_685 = arith.constant 32 : index
        %get3A_686 = tpu.vector_load %arg6[%get3A_682, %get3A_683, %get3A_684, %get3A_685] {strides = array<i32>} : memref<2x4x200x64xf32, #tpu.memory_space<vmem>>, vector<1x1x1x16xf32>,
        %get3A_687 = vector.shape_cast %get3A_686 : vector<1x1x1x16xf32> to vector<16xf32>
        %mul3A_688 = arith.constant 8.000000e+00 : f32
        %mul3A_689 = vector.broadcast %mul3A_688 : f32 to vector<16xf32>
        %mul3A_690 = arith.mulf %get3A_687, %mul3A_689 : vector<16xf32>
        %add3A_691 = arith.constant 9.99999982E-14 : f32
        %add3A_692 = vector.broadcast %add3A_691 : f32 to vector<16xf32>
        %add3A_693 = arith.addf %mul3A_690, %add3A_692 : vector<16xf32>
        %add3A_694 = arith.constant 2 : i32
        %add3A_695 = arith.addi %mul3A_409, %add3A_694 : i32
        %swap3A_696 = arith.constant 0 : i32
        %swap3A_697 = arith.constant 2 : i32
        %swap3A_698 = arith.index_cast %swap3A_696 : i32 to index
        %swap3A_699 = arith.index_cast %swap3A_697 : i32 to index
        %swap3A_700 = arith.index_cast %add3A_695 : i32 to index
        %swap3A_701 = arith.constant 32 : index
        %swap3A_702 = tpu.vector_load %arg6[%swap3A_698, %swap3A_699, %swap3A_700, %swap3A_701] {strides = array<i32>} : memref<2x4x200x64xf32, #tpu.memory_space<vmem>>, vector<1x1x1x16xf32>,
        %swap3A_703 = vector.shape_cast %swap3A_702 : vector<1x1x1x16xf32> to vector<16xf32>
        %swap3A_704 = vector.shape_cast %add3A_693 : vector<16xf32> to vector<1x1x1x16xf32>
        tpu.vector_store %arg6[%swap3A_698, %swap3A_699, %swap3A_700, %swap3A_701], %swap3A_704 {strides = array<i32>} : memref<2x4x200x64xf32, #tpu.memory_space<vmem>>, vector<1x1x1x16xf32>,
        %add3A_705 = arith.constant 2 : i32
        %add3A_706 = arith.addi %mul3A_409, %add3A_705 : i32
        %get3A_707 = arith.constant 0 : i32
        %get3A_708 = arith.constant 2 : i32
        %get3A_709 = arith.index_cast %get3A_707 : i32 to index
        %get3A_710 = arith.index_cast %get3A_708 : i32 to index
        %get3A_711 = arith.index_cast %add3A_706 : i32 to index
        %get3A_712 = arith.constant 48 : index
        %get3A_713 = tpu.vector_load %arg6[%get3A_709, %get3A_710, %get3A_711, %get3A_712] {strides = array<i32>} : memref<2x4x200x64xf32, #tpu.memory_space<vmem>>, vector<1x1x1x16xf32>,
        %get3A_714 = vector.shape_cast %get3A_713 : vector<1x1x1x16xf32> to vector<16xf32>
        %mul3A_715 = arith.constant 8.000000e+00 : f32
        %mul3A_716 = vector.broadcast %mul3A_715 : f32 to vector<16xf32>
        %mul3A_717 = arith.mulf %get3A_714, %mul3A_716 : vector<16xf32>
        %add3A_718 = arith.constant 9.99999982E-14 : f32
        %add3A_719 = vector.broadcast %add3A_718 : f32 to vector<16xf32>
        %add3A_720 = arith.addf %mul3A_717, %add3A_719 : vector<16xf32>
        %add3A_721 = arith.constant 2 : i32
        %add3A_722 = arith.addi %mul3A_409, %add3A_721 : i32
        %swap3A_723 = arith.constant 0 : i32
        %swap3A_724 = arith.constant 2 : i32
        %swap3A_725 = arith.index_cast %swap3A_723 : i32 to index
        %swap3A_726 = arith.index_cast %swap3A_724 : i32 to index
        %swap3A_727 = arith.index_cast %add3A_722 : i32 to index
        %swap3A_728 = arith.constant 48 : index
        %swap3A_729 = tpu.vector_load %arg6[%swap3A_725, %swap3A_726, %swap3A_727, %swap3A_728] {strides = array<i32>} : memref<2x4x200x64xf32, #tpu.memory_space<vmem>>, vector<1x1x1x16xf32>,
        %swap3A_730 = vector.shape_cast %swap3A_729 : vector<1x1x1x16xf32> to vector<16xf32>
        %swap3A_731 = vector.shape_cast %add3A_720 : vector<16xf32> to vector<1x1x1x16xf32>
        tpu.vector_store %arg6[%swap3A_725, %swap3A_726, %swap3A_727, %swap3A_728], %swap3A_731 {strides = array<i32>} : memref<2x4x200x64xf32, #tpu.memory_space<vmem>>, vector<1x1x1x16xf32>,
        %add3A_732 = arith.constant 3 : i32
        %add3A_733 = arith.addi %mul3A_409, %add3A_732 : i32
        %get3A_734 = arith.constant 0 : i32
        %get3A_735 = arith.constant 2 : i32
        %get3A_736 = arith.index_cast %get3A_734 : i32 to index
        %get3A_737 = arith.index_cast %get3A_735 : i32 to index
        %get3A_738 = arith.index_cast %add3A_733 : i32 to index
        %get3A_739 = arith.constant 0 : index
        %get3A_740 = tpu.vector_load %arg6[%get3A_736, %get3A_737, %get3A_738, %get3A_739] {strides = array<i32>} : memref<2x4x200x64xf32, #tpu.memory_space<vmem>>, vector<1x1x1x16xf32>,
        %get3A_741 = vector.shape_cast %get3A_740 : vector<1x1x1x16xf32> to vector<16xf32>
        %mul3A_742 = arith.constant 8.000000e+00 : f32
        %mul3A_743 = vector.broadcast %mul3A_742 : f32 to vector<16xf32>
        %mul3A_744 = arith.mulf %get3A_741, %mul3A_743 : vector<16xf32>
        %add3A_745 = arith.constant 9.99999982E-14 : f32
        %add3A_746 = vector.broadcast %add3A_745 : f32 to vector<16xf32>
        %add3A_747 = arith.addf %mul3A_744, %add3A_746 : vector<16xf32>
        %add3A_748 = arith.constant 3 : i32
        %add3A_749 = arith.addi %mul3A_409, %add3A_748 : i32
        %swap3A_750 = arith.constant 0 : i32
        %swap3A_751 = arith.constant 2 : i32
        %swap3A_752 = arith.index_cast %swap3A_750 : i32 to index
        %swap3A_753 = arith.index_cast %swap3A_751 : i32 to index
        %swap3A_754 = arith.index_cast %add3A_749 : i32 to index
        %swap3A_755 = arith.constant 0 : index
        %swap3A_756 = tpu.vector_load %arg6[%swap3A_752, %swap3A_753, %swap3A_754, %swap3A_755] {strides = array<i32>} : memref<2x4x200x64xf32, #tpu.memory_space<vmem>>, vector<1x1x1x16xf32>,
        %swap3A_757 = vector.shape_cast %swap3A_756 : vector<1x1x1x16xf32> to vector<16xf32>
        %swap3A_758 = vector.shape_cast %add3A_747 : vector<16xf32> to vector<1x1x1x16xf32>
        tpu.vector_store %arg6[%swap3A_752, %swap3A_753, %swap3A_754, %swap3A_755], %swap3A_758 {strides = array<i32>} : memref<2x4x200x64xf32, #tpu.memory_space<vmem>>, vector<1x1x1x16xf32>,
        %add3A_759 = arith.constant 3 : i32
        %add3A_760 = arith.addi %mul3A_409, %add3A_759 : i32
        %get3A_761 = arith.constant 0 : i32
        %get3A_762 = arith.constant 2 : i32
        %get3A_763 = arith.index_cast %get3A_761 : i32 to index
        %get3A_764 = arith.index_cast %get3A_762 : i32 to index
        %get3A_765 = arith.index_cast %add3A_760 : i32 to index
        %get3A_766 = arith.constant 16 : index
        %get3A_767 = tpu.vector_load %arg6[%get3A_763, %get3A_764, %get3A_765, %get3A_766] {strides = array<i32>} : memref<2x4x200x64xf32, #tpu.memory_space<vmem>>, vector<1x1x1x16xf32>,
        %get3A_768 = vector.shape_cast %get3A_767 : vector<1x1x1x16xf32> to vector<16xf32>
        %mul3A_769 = arith.constant 8.000000e+00 : f32
        %mul3A_770 = vector.broadcast %mul3A_769 : f32 to vector<16xf32>
        %mul3A_771 = arith.mulf %get3A_768, %mul3A_770 : vector<16xf32>
        %add3A_772 = arith.constant 9.99999982E-14 : f32
        %add3A_773 = vector.broadcast %add3A_772 : f32 to vector<16xf32>
        %add3A_774 = arith.addf %mul3A_771, %add3A_773 : vector<16xf32>
        %add3A_775 = arith.constant 3 : i32
        %add3A_776 = arith.addi %mul3A_409, %add3A_775 : i32
        %swap3A_777 = arith.constant 0 : i32
        %swap3A_778 = arith.constant 2 : i32
        %swap3A_779 = arith.index_cast %swap3A_777 : i32 to index
        %swap3A_780 = arith.index_cast %swap3A_778 : i32 to index
        %swap3A_781 = arith.index_cast %add3A_776 : i32 to index
        %swap3A_782 = arith.constant 16 : index
        %swap3A_783 = tpu.vector_load %arg6[%swap3A_779, %swap3A_780, %swap3A_781, %swap3A_782] {strides = array<i32>} : memref<2x4x200x64xf32, #tpu.memory_space<vmem>>, vector<1x1x1x16xf32>,
        %swap3A_784 = vector.shape_cast %swap3A_783 : vector<1x1x1x16xf32> to vector<16xf32>
        %swap3A_785 = vector.shape_cast %add3A_774 : vector<16xf32> to vector<1x1x1x16xf32>
        tpu.vector_store %arg6[%swap3A_779, %swap3A_780, %swap3A_781, %swap3A_782], %swap3A_785 {strides = array<i32>} : memref<2x4x200x64xf32, #tpu.memory_space<vmem>>, vector<1x1x1x16xf32>,
        %add3A_786 = arith.constant 3 : i32
        %add3A_787 = arith.addi %mul3A_409, %add3A_786 : i32
        %get3A_788 = arith.constant 0 : i32
        %get3A_789 = arith.constant 2 : i32
        %get3A_790 = arith.index_cast %get3A_788 : i32 to index
        %get3A_791 = arith.index_cast %get3A_789 : i32 to index
        %get3A_792 = arith.index_cast %add3A_787 : i32 to index
        %get3A_793 = arith.constant 32 : index
        %get3A_794 = tpu.vector_load %arg6[%get3A_790, %get3A_791, %get3A_792, %get3A_793] {strides = array<i32>} : memref<2x4x200x64xf32, #tpu.memory_space<vmem>>, vector<1x1x1x16xf32>,
        %get3A_795 = vector.shape_cast %get3A_794 : vector<1x1x1x16xf32> to vector<16xf32>
        %mul3A_796 = arith.constant 8.000000e+00 : f32
        %mul3A_797 = vector.broadcast %mul3A_796 : f32 to vector<16xf32>
        %mul3A_798 = arith.mulf %get3A_795, %mul3A_797 : vector<16xf32>
        %add3A_799 = arith.constant 9.99999982E-14 : f32
        %add3A_800 = vector.broadcast %add3A_799 : f32 to vector<16xf32>
        %add3A_801 = arith.addf %mul3A_798, %add3A_800 : vector<16xf32>
        %add3A_802 = arith.constant 3 : i32
        %add3A_803 = arith.addi %mul3A_409, %add3A_802 : i32
        %swap3A_804 = arith.constant 0 : i32
        %swap3A_805 = arith.constant 2 : i32
        %swap3A_806 = arith.index_cast %swap3A_804 : i32 to index
        %swap3A_807 = arith.index_cast %swap3A_805 : i32 to index
        %swap3A_808 = arith.index_cast %add3A_803 : i32 to index
        %swap3A_809 = arith.constant 32 : index
        %swap3A_810 = tpu.vector_load %arg6[%swap3A_806, %swap3A_807, %swap3A_808, %swap3A_809] {strides = array<i32>} : memref<2x4x200x64xf32, #tpu.memory_space<vmem>>, vector<1x1x1x16xf32>,
        %swap3A_811 = vector.shape_cast %swap3A_810 : vector<1x1x1x16xf32> to vector<16xf32>
        %swap3A_812 = vector.shape_cast %add3A_801 : vector<16xf32> to vector<1x1x1x16xf32>
        tpu.vector_store %arg6[%swap3A_806, %swap3A_807, %swap3A_808, %swap3A_809], %swap3A_812 {strides = array<i32>} : memref<2x4x200x64xf32, #tpu.memory_space<vmem>>, vector<1x1x1x16xf32>,
        %add3A_813 = arith.constant 3 : i32
        %add3A_814 = arith.addi %mul3A_409, %add3A_813 : i32
        %get3A_815 = arith.constant 0 : i32
        %get3A_816 = arith.constant 2 : i32
        %get3A_817 = arith.index_cast %get3A_815 : i32 to index
        %get3A_818 = arith.index_cast %get3A_816 : i32 to index
        %get3A_819 = arith.index_cast %add3A_814 : i32 to index
        %get3A_820 = arith.constant 48 : index
        %get3A_821 = tpu.vector_load %arg6[%get3A_817, %get3A_818, %get3A_819, %get3A_820] {strides = array<i32>} : memref<2x4x200x64xf32, #tpu.memory_space<vmem>>, vector<1x1x1x16xf32>,
        %get3A_822 = vector.shape_cast %get3A_821 : vector<1x1x1x16xf32> to vector<16xf32>
        %mul3A_823 = arith.constant 8.000000e+00 : f32
        %mul3A_824 = vector.broadcast %mul3A_823 : f32 to vector<16xf32>
        %mul3A_825 = arith.mulf %get3A_822, %mul3A_824 : vector<16xf32>
        %add3A_826 = arith.constant 9.99999982E-14 : f32
        %add3A_827 = vector.broadcast %add3A_826 : f32 to vector<16xf32>
        %add3A_828 = arith.addf %mul3A_825, %add3A_827 : vector<16xf32>
        %add3A_829 = arith.constant 3 : i32
        %add3A_830 = arith.addi %mul3A_409, %add3A_829 : i32
        %swap3A_831 = arith.constant 0 : i32
        %swap3A_832 = arith.constant 2 : i32
        %swap3A_833 = arith.index_cast %swap3A_831 : i32 to index
        %swap3A_834 = arith.index_cast %swap3A_832 : i32 to index
        %swap3A_835 = arith.index_cast %add3A_830 : i32 to index
        %swap3A_836 = arith.constant 48 : index
        %swap3A_837 = tpu.vector_load %arg6[%swap3A_833, %swap3A_834, %swap3A_835, %swap3A_836] {strides = array<i32>} : memref<2x4x200x64xf32, #tpu.memory_space<vmem>>, vector<1x1x1x16xf32>,
        %swap3A_838 = vector.shape_cast %swap3A_837 : vector<1x1x1x16xf32> to vector<16xf32>
        %swap3A_839 = vector.shape_cast %add3A_828 : vector<16xf32> to vector<1x1x1x16xf32>
        tpu.vector_store %arg6[%swap3A_833, %swap3A_834, %swap3A_835, %swap3A_836], %swap3A_839 {strides = array<i32>} : memref<2x4x200x64xf32, #tpu.memory_space<vmem>>, vector<1x1x1x16xf32>,
        %scan3A_840 = arith.constant 0 : i32
        scf.yield %scan3A_840 : i32
      }
      %scan3A_333 = arith.constant 50 : i32
      %scan3A_334 = arith.constant 0 : i32
      %scan3A_335 = arith.constant 0 : i32
      %scan3A_336 = arith.constant 50 : i32
      %scan3A_337 = arith.addi %scan3A_335, %scan3A_336 : i32
      %scan3A_338 = arith.constant 1 : i32
      %scan3A_339 = scf.for %scan3A_406 = %scan3A_335 to %scan3A_337 step %scan3A_338 iter_args(%scan3A_407 = %scan3A_334) -> (i32)  : i32 {
        %mul3A_408 = arith.constant 4 : i32
        %mul3A_409 = arith.muli %scan3A_406, %mul3A_408 : i32
        %add3A_410 = arith.constant 0 : i32
        %add3A_411 = arith.addi %mul3A_409, %add3A_410 : i32
        %get3A = arith.constant 0 : i32
        %get3A_412 = arith.constant 3 : i32
        %get3A_413 = arith.index_cast %get3A : i32 to index
        %get3A_414 = arith.index_cast %get3A_412 : i32 to index
        %get3A_415 = arith.index_cast %add3A_411 : i32 to index
        %get3A_416 = arith.constant 0 : index
        %get3A_417 = tpu.vector_load %arg6[%get3A_413, %get3A_414, %get3A_415, %get3A_416] {strides = array<i32>} : memref<2x4x200x64xf32, #tpu.memory_space<vmem>>, vector<1x1x1x16xf32>,
        %get3A_418 = vector.shape_cast %get3A_417 : vector<1x1x1x16xf32> to vector<16xf32>
        %mul3A_419 = arith.constant 8.000000e+00 : f32
        %mul3A_420 = vector.broadcast %mul3A_419 : f32 to vector<16xf32>
        %mul3A_421 = arith.mulf %get3A_418, %mul3A_420 : vector<16xf32>
        %add3A_422 = arith.constant 9.99999982E-14 : f32
        %add3A_423 = vector.broadcast %add3A_422 : f32 to vector<16xf32>
        %add3A_424 = arith.addf %mul3A_421, %add3A_423 : vector<16xf32>
        %add3A_425 = arith.constant 0 : i32
        %add3A_426 = arith.addi %mul3A_409, %add3A_425 : i32
        %swap3A = arith.constant 0 : i32
        %swap3A_427 = arith.constant 3 : i32
        %swap3A_428 = arith.index_cast %swap3A : i32 to index
        %swap3A_429 = arith.index_cast %swap3A_427 : i32 to index
        %swap3A_430 = arith.index_cast %add3A_426 : i32 to index
        %swap3A_431 = arith.constant 0 : index
        %swap3A_432 = tpu.vector_load %arg6[%swap3A_428, %swap3A_429, %swap3A_430, %swap3A_431] {strides = array<i32>} : memref<2x4x200x64xf32, #tpu.memory_space<vmem>>, vector<1x1x1x16xf32>,
        %swap3A_433 = vector.shape_cast %swap3A_432 : vector<1x1x1x16xf32> to vector<16xf32>
        %swap3A_434 = vector.shape_cast %add3A_424 : vector<16xf32> to vector<1x1x1x16xf32>
        tpu.vector_store %arg6[%swap3A_428, %swap3A_429, %swap3A_430, %swap3A_431], %swap3A_434 {strides = array<i32>} : memref<2x4x200x64xf32, #tpu.memory_space<vmem>>, vector<1x1x1x16xf32>,
        %add3A_435 = arith.constant 0 : i32
        %add3A_436 = arith.addi %mul3A_409, %add3A_435 : i32
        %get3A_437 = arith.constant 0 : i32
        %get3A_438 = arith.constant 3 : i32
        %get3A_439 = arith.index_cast %get3A_437 : i32 to index
        %get3A_440 = arith.index_cast %get3A_438 : i32 to index
        %get3A_441 = arith.index_cast %add3A_436 : i32 to index
        %get3A_442 = arith.constant 16 : index
        %get3A_443 = tpu.vector_load %arg6[%get3A_439, %get3A_440, %get3A_441, %get3A_442] {strides = array<i32>} : memref<2x4x200x64xf32, #tpu.memory_space<vmem>>, vector<1x1x1x16xf32>,
        %get3A_444 = vector.shape_cast %get3A_443 : vector<1x1x1x16xf32> to vector<16xf32>
        %mul3A_445 = arith.constant 8.000000e+00 : f32
        %mul3A_446 = vector.broadcast %mul3A_445 : f32 to vector<16xf32>
        %mul3A_447 = arith.mulf %get3A_444, %mul3A_446 : vector<16xf32>
        %add3A_448 = arith.constant 9.99999982E-14 : f32
        %add3A_449 = vector.broadcast %add3A_448 : f32 to vector<16xf32>
        %add3A_450 = arith.addf %mul3A_447, %add3A_449 : vector<16xf32>
        %add3A_451 = arith.constant 0 : i32
        %add3A_452 = arith.addi %mul3A_409, %add3A_451 : i32
        %swap3A_453 = arith.constant 0 : i32
        %swap3A_454 = arith.constant 3 : i32
        %swap3A_455 = arith.index_cast %swap3A_453 : i32 to index
        %swap3A_456 = arith.index_cast %swap3A_454 : i32 to index
        %swap3A_457 = arith.index_cast %add3A_452 : i32 to index
        %swap3A_458 = arith.constant 16 : index
        %swap3A_459 = tpu.vector_load %arg6[%swap3A_455, %swap3A_456, %swap3A_457, %swap3A_458] {strides = array<i32>} : memref<2x4x200x64xf32, #tpu.memory_space<vmem>>, vector<1x1x1x16xf32>,
        %swap3A_460 = vector.shape_cast %swap3A_459 : vector<1x1x1x16xf32> to vector<16xf32>
        %swap3A_461 = vector.shape_cast %add3A_450 : vector<16xf32> to vector<1x1x1x16xf32>
        tpu.vector_store %arg6[%swap3A_455, %swap3A_456, %swap3A_457, %swap3A_458], %swap3A_461 {strides = array<i32>} : memref<2x4x200x64xf32, #tpu.memory_space<vmem>>, vector<1x1x1x16xf32>,
        %add3A_462 = arith.constant 0 : i32
        %add3A_463 = arith.addi %mul3A_409, %add3A_462 : i32
        %get3A_464 = arith.constant 0 : i32
        %get3A_465 = arith.constant 3 : i32
        %get3A_466 = arith.index_cast %get3A_464 : i32 to index
        %get3A_467 = arith.index_cast %get3A_465 : i32 to index
        %get3A_468 = arith.index_cast %add3A_463 : i32 to index
        %get3A_469 = arith.constant 32 : index
        %get3A_470 = tpu.vector_load %arg6[%get3A_466, %get3A_467, %get3A_468, %get3A_469] {strides = array<i32>} : memref<2x4x200x64xf32, #tpu.memory_space<vmem>>, vector<1x1x1x16xf32>,
        %get3A_471 = vector.shape_cast %get3A_470 : vector<1x1x1x16xf32> to vector<16xf32>
        %mul3A_472 = arith.constant 8.000000e+00 : f32
        %mul3A_473 = vector.broadcast %mul3A_472 : f32 to vector<16xf32>
        %mul3A_474 = arith.mulf %get3A_471, %mul3A_473 : vector<16xf32>
        %add3A_475 = arith.constant 9.99999982E-14 : f32
        %add3A_476 = vector.broadcast %add3A_475 : f32 to vector<16xf32>
        %add3A_477 = arith.addf %mul3A_474, %add3A_476 : vector<16xf32>
        %add3A_478 = arith.constant 0 : i32
        %add3A_479 = arith.addi %mul3A_409, %add3A_478 : i32
        %swap3A_480 = arith.constant 0 : i32
        %swap3A_481 = arith.constant 3 : i32
        %swap3A_482 = arith.index_cast %swap3A_480 : i32 to index
        %swap3A_483 = arith.index_cast %swap3A_481 : i32 to index
        %swap3A_484 = arith.index_cast %add3A_479 : i32 to index
        %swap3A_485 = arith.constant 32 : index
        %swap3A_486 = tpu.vector_load %arg6[%swap3A_482, %swap3A_483, %swap3A_484, %swap3A_485] {strides = array<i32>} : memref<2x4x200x64xf32, #tpu.memory_space<vmem>>, vector<1x1x1x16xf32>,
        %swap3A_487 = vector.shape_cast %swap3A_486 : vector<1x1x1x16xf32> to vector<16xf32>
        %swap3A_488 = vector.shape_cast %add3A_477 : vector<16xf32> to vector<1x1x1x16xf32>
        tpu.vector_store %arg6[%swap3A_482, %swap3A_483, %swap3A_484, %swap3A_485], %swap3A_488 {strides = array<i32>} : memref<2x4x200x64xf32, #tpu.memory_space<vmem>>, vector<1x1x1x16xf32>,
        %add3A_489 = arith.constant 0 : i32
        %add3A_490 = arith.addi %mul3A_409, %add3A_489 : i32
        %get3A_491 = arith.constant 0 : i32
        %get3A_492 = arith.constant 3 : i32
        %get3A_493 = arith.index_cast %get3A_491 : i32 to index
        %get3A_494 = arith.index_cast %get3A_492 : i32 to index
        %get3A_495 = arith.index_cast %add3A_490 : i32 to index
        %get3A_496 = arith.constant 48 : index
        %get3A_497 = tpu.vector_load %arg6[%get3A_493, %get3A_494, %get3A_495, %get3A_496] {strides = array<i32>} : memref<2x4x200x64xf32, #tpu.memory_space<vmem>>, vector<1x1x1x16xf32>,
        %get3A_498 = vector.shape_cast %get3A_497 : vector<1x1x1x16xf32> to vector<16xf32>
        %mul3A_499 = arith.constant 8.000000e+00 : f32
        %mul3A_500 = vector.broadcast %mul3A_499 : f32 to vector<16xf32>
        %mul3A_501 = arith.mulf %get3A_498, %mul3A_500 : vector<16xf32>
        %add3A_502 = arith.constant 9.99999982E-14 : f32
        %add3A_503 = vector.broadcast %add3A_502 : f32 to vector<16xf32>
        %add3A_504 = arith.addf %mul3A_501, %add3A_503 : vector<16xf32>
        %add3A_505 = arith.constant 0 : i32
        %add3A_506 = arith.addi %mul3A_409, %add3A_505 : i32
        %swap3A_507 = arith.constant 0 : i32
        %swap3A_508 = arith.constant 3 : i32
        %swap3A_509 = arith.index_cast %swap3A_507 : i32 to index
        %swap3A_510 = arith.index_cast %swap3A_508 : i32 to index
        %swap3A_511 = arith.index_cast %add3A_506 : i32 to index
        %swap3A_512 = arith.constant 48 : index
        %swap3A_513 = tpu.vector_load %arg6[%swap3A_509, %swap3A_510, %swap3A_511, %swap3A_512] {strides = array<i32>} : memref<2x4x200x64xf32, #tpu.memory_space<vmem>>, vector<1x1x1x16xf32>,
        %swap3A_514 = vector.shape_cast %swap3A_513 : vector<1x1x1x16xf32> to vector<16xf32>
        %swap3A_515 = vector.shape_cast %add3A_504 : vector<16xf32> to vector<1x1x1x16xf32>
        tpu.vector_store %arg6[%swap3A_509, %swap3A_510, %swap3A_511, %swap3A_512], %swap3A_515 {strides = array<i32>} : memref<2x4x200x64xf32, #tpu.memory_space<vmem>>, vector<1x1x1x16xf32>,
        %add3A_516 = arith.constant 1 : i32
        %add3A_517 = arith.addi %mul3A_409, %add3A_516 : i32
        %get3A_518 = arith.constant 0 : i32
        %get3A_519 = arith.constant 3 : i32
        %get3A_520 = arith.index_cast %get3A_518 : i32 to index
        %get3A_521 = arith.index_cast %get3A_519 : i32 to index
        %get3A_522 = arith.index_cast %add3A_517 : i32 to index
        %get3A_523 = arith.constant 0 : index
        %get3A_524 = tpu.vector_load %arg6[%get3A_520, %get3A_521, %get3A_522, %get3A_523] {strides = array<i32>} : memref<2x4x200x64xf32, #tpu.memory_space<vmem>>, vector<1x1x1x16xf32>,
        %get3A_525 = vector.shape_cast %get3A_524 : vector<1x1x1x16xf32> to vector<16xf32>
        %mul3A_526 = arith.constant 8.000000e+00 : f32
        %mul3A_527 = vector.broadcast %mul3A_526 : f32 to vector<16xf32>
        %mul3A_528 = arith.mulf %get3A_525, %mul3A_527 : vector<16xf32>
        %add3A_529 = arith.constant 9.99999982E-14 : f32
        %add3A_530 = vector.broadcast %add3A_529 : f32 to vector<16xf32>
        %add3A_531 = arith.addf %mul3A_528, %add3A_530 : vector<16xf32>
        %add3A_532 = arith.constant 1 : i32
        %add3A_533 = arith.addi %mul3A_409, %add3A_532 : i32
        %swap3A_534 = arith.constant 0 : i32
        %swap3A_535 = arith.constant 3 : i32
        %swap3A_536 = arith.index_cast %swap3A_534 : i32 to index
        %swap3A_537 = arith.index_cast %swap3A_535 : i32 to index
        %swap3A_538 = arith.index_cast %add3A_533 : i32 to index
        %swap3A_539 = arith.constant 0 : index
        %swap3A_540 = tpu.vector_load %arg6[%swap3A_536, %swap3A_537, %swap3A_538, %swap3A_539] {strides = array<i32>} : memref<2x4x200x64xf32, #tpu.memory_space<vmem>>, vector<1x1x1x16xf32>,
        %swap3A_541 = vector.shape_cast %swap3A_540 : vector<1x1x1x16xf32> to vector<16xf32>
        %swap3A_542 = vector.shape_cast %add3A_531 : vector<16xf32> to vector<1x1x1x16xf32>
        tpu.vector_store %arg6[%swap3A_536, %swap3A_537, %swap3A_538, %swap3A_539], %swap3A_542 {strides = array<i32>} : memref<2x4x200x64xf32, #tpu.memory_space<vmem>>, vector<1x1x1x16xf32>,
        %add3A_543 = arith.constant 1 : i32
        %add3A_544 = arith.addi %mul3A_409, %add3A_543 : i32
        %get3A_545 = arith.constant 0 : i32
        %get3A_546 = arith.constant 3 : i32
        %get3A_547 = arith.index_cast %get3A_545 : i32 to index
        %get3A_548 = arith.index_cast %get3A_546 : i32 to index
        %get3A_549 = arith.index_cast %add3A_544 : i32 to index
        %get3A_550 = arith.constant 16 : index
        %get3A_551 = tpu.vector_load %arg6[%get3A_547, %get3A_548, %get3A_549, %get3A_550] {strides = array<i32>} : memref<2x4x200x64xf32, #tpu.memory_space<vmem>>, vector<1x1x1x16xf32>,
        %get3A_552 = vector.shape_cast %get3A_551 : vector<1x1x1x16xf32> to vector<16xf32>
        %mul3A_553 = arith.constant 8.000000e+00 : f32
        %mul3A_554 = vector.broadcast %mul3A_553 : f32 to vector<16xf32>
        %mul3A_555 = arith.mulf %get3A_552, %mul3A_554 : vector<16xf32>
        %add3A_556 = arith.constant 9.99999982E-14 : f32
        %add3A_557 = vector.broadcast %add3A_556 : f32 to vector<16xf32>
        %add3A_558 = arith.addf %mul3A_555, %add3A_557 : vector<16xf32>
        %add3A_559 = arith.constant 1 : i32
        %add3A_560 = arith.addi %mul3A_409, %add3A_559 : i32
        %swap3A_561 = arith.constant 0 : i32
        %swap3A_562 = arith.constant 3 : i32
        %swap3A_563 = arith.index_cast %swap3A_561 : i32 to index
        %swap3A_564 = arith.index_cast %swap3A_562 : i32 to index
        %swap3A_565 = arith.index_cast %add3A_560 : i32 to index
        %swap3A_566 = arith.constant 16 : index
        %swap3A_567 = tpu.vector_load %arg6[%swap3A_563, %swap3A_564, %swap3A_565, %swap3A_566] {strides = array<i32>} : memref<2x4x200x64xf32, #tpu.memory_space<vmem>>, vector<1x1x1x16xf32>,
        %swap3A_568 = vector.shape_cast %swap3A_567 : vector<1x1x1x16xf32> to vector<16xf32>
        %swap3A_569 = vector.shape_cast %add3A_558 : vector<16xf32> to vector<1x1x1x16xf32>
        tpu.vector_store %arg6[%swap3A_563, %swap3A_564, %swap3A_565, %swap3A_566], %swap3A_569 {strides = array<i32>} : memref<2x4x200x64xf32, #tpu.memory_space<vmem>>, vector<1x1x1x16xf32>,
        %add3A_570 = arith.constant 1 : i32
        %add3A_571 = arith.addi %mul3A_409, %add3A_570 : i32
        %get3A_572 = arith.constant 0 : i32
        %get3A_573 = arith.constant 3 : i32
        %get3A_574 = arith.index_cast %get3A_572 : i32 to index
        %get3A_575 = arith.index_cast %get3A_573 : i32 to index
        %get3A_576 = arith.index_cast %add3A_571 : i32 to index
        %get3A_577 = arith.constant 32 : index
        %get3A_578 = tpu.vector_load %arg6[%get3A_574, %get3A_575, %get3A_576, %get3A_577] {strides = array<i32>} : memref<2x4x200x64xf32, #tpu.memory_space<vmem>>, vector<1x1x1x16xf32>,
        %get3A_579 = vector.shape_cast %get3A_578 : vector<1x1x1x16xf32> to vector<16xf32>
        %mul3A_580 = arith.constant 8.000000e+00 : f32
        %mul3A_581 = vector.broadcast %mul3A_580 : f32 to vector<16xf32>
        %mul3A_582 = arith.mulf %get3A_579, %mul3A_581 : vector<16xf32>
        %add3A_583 = arith.constant 9.99999982E-14 : f32
        %add3A_584 = vector.broadcast %add3A_583 : f32 to vector<16xf32>
        %add3A_585 = arith.addf %mul3A_582, %add3A_584 : vector<16xf32>
        %add3A_586 = arith.constant 1 : i32
        %add3A_587 = arith.addi %mul3A_409, %add3A_586 : i32
        %swap3A_588 = arith.constant 0 : i32
        %swap3A_589 = arith.constant 3 : i32
        %swap3A_590 = arith.index_cast %swap3A_588 : i32 to index
        %swap3A_591 = arith.index_cast %swap3A_589 : i32 to index
        %swap3A_592 = arith.index_cast %add3A_587 : i32 to index
        %swap3A_593 = arith.constant 32 : index
        %swap3A_594 = tpu.vector_load %arg6[%swap3A_590, %swap3A_591, %swap3A_592, %swap3A_593] {strides = array<i32>} : memref<2x4x200x64xf32, #tpu.memory_space<vmem>>, vector<1x1x1x16xf32>,
        %swap3A_595 = vector.shape_cast %swap3A_594 : vector<1x1x1x16xf32> to vector<16xf32>
        %swap3A_596 = vector.shape_cast %add3A_585 : vector<16xf32> to vector<1x1x1x16xf32>
        tpu.vector_store %arg6[%swap3A_590, %swap3A_591, %swap3A_592, %swap3A_593], %swap3A_596 {strides = array<i32>} : memref<2x4x200x64xf32, #tpu.memory_space<vmem>>, vector<1x1x1x16xf32>,
        %add3A_597 = arith.constant 1 : i32
        %add3A_598 = arith.addi %mul3A_409, %add3A_597 : i32
        %get3A_599 = arith.constant 0 : i32
        %get3A_600 = arith.constant 3 : i32
        %get3A_601 = arith.index_cast %get3A_599 : i32 to index
        %get3A_602 = arith.index_cast %get3A_600 : i32 to index
        %get3A_603 = arith.index_cast %add3A_598 : i32 to index
        %get3A_604 = arith.constant 48 : index
        %get3A_605 = tpu.vector_load %arg6[%get3A_601, %get3A_602, %get3A_603, %get3A_604] {strides = array<i32>} : memref<2x4x200x64xf32, #tpu.memory_space<vmem>>, vector<1x1x1x16xf32>,
        %get3A_606 = vector.shape_cast %get3A_605 : vector<1x1x1x16xf32> to vector<16xf32>
        %mul3A_607 = arith.constant 8.000000e+00 : f32
        %mul3A_608 = vector.broadcast %mul3A_607 : f32 to vector<16xf32>
        %mul3A_609 = arith.mulf %get3A_606, %mul3A_608 : vector<16xf32>
        %add3A_610 = arith.constant 9.99999982E-14 : f32
        %add3A_611 = vector.broadcast %add3A_610 : f32 to vector<16xf32>
        %add3A_612 = arith.addf %mul3A_609, %add3A_611 : vector<16xf32>
        %add3A_613 = arith.constant 1 : i32
        %add3A_614 = arith.addi %mul3A_409, %add3A_613 : i32
        %swap3A_615 = arith.constant 0 : i32
        %swap3A_616 = arith.constant 3 : i32
        %swap3A_617 = arith.index_cast %swap3A_615 : i32 to index
        %swap3A_618 = arith.index_cast %swap3A_616 : i32 to index
        %swap3A_619 = arith.index_cast %add3A_614 : i32 to index
        %swap3A_620 = arith.constant 48 : index
        %swap3A_621 = tpu.vector_load %arg6[%swap3A_617, %swap3A_618, %swap3A_619, %swap3A_620] {strides = array<i32>} : memref<2x4x200x64xf32, #tpu.memory_space<vmem>>, vector<1x1x1x16xf32>,
        %swap3A_622 = vector.shape_cast %swap3A_621 : vector<1x1x1x16xf32> to vector<16xf32>
        %swap3A_623 = vector.shape_cast %add3A_612 : vector<16xf32> to vector<1x1x1x16xf32>
        tpu.vector_store %arg6[%swap3A_617, %swap3A_618, %swap3A_619, %swap3A_620], %swap3A_623 {strides = array<i32>} : memref<2x4x200x64xf32, #tpu.memory_space<vmem>>, vector<1x1x1x16xf32>,
        %add3A_624 = arith.constant 2 : i32
        %add3A_625 = arith.addi %mul3A_409, %add3A_624 : i32
        %get3A_626 = arith.constant 0 : i32
        %get3A_627 = arith.constant 3 : i32
        %get3A_628 = arith.index_cast %get3A_626 : i32 to index
        %get3A_629 = arith.index_cast %get3A_627 : i32 to index
        %get3A_630 = arith.index_cast %add3A_625 : i32 to index
        %get3A_631 = arith.constant 0 : index
        %get3A_632 = tpu.vector_load %arg6[%get3A_628, %get3A_629, %get3A_630, %get3A_631] {strides = array<i32>} : memref<2x4x200x64xf32, #tpu.memory_space<vmem>>, vector<1x1x1x16xf32>,
        %get3A_633 = vector.shape_cast %get3A_632 : vector<1x1x1x16xf32> to vector<16xf32>
        %mul3A_634 = arith.constant 8.000000e+00 : f32
        %mul3A_635 = vector.broadcast %mul3A_634 : f32 to vector<16xf32>
        %mul3A_636 = arith.mulf %get3A_633, %mul3A_635 : vector<16xf32>
        %add3A_637 = arith.constant 9.99999982E-14 : f32
        %add3A_638 = vector.broadcast %add3A_637 : f32 to vector<16xf32>
        %add3A_639 = arith.addf %mul3A_636, %add3A_638 : vector<16xf32>
        %add3A_640 = arith.constant 2 : i32
        %add3A_641 = arith.addi %mul3A_409, %add3A_640 : i32
        %swap3A_642 = arith.constant 0 : i32
        %swap3A_643 = arith.constant 3 : i32
        %swap3A_644 = arith.index_cast %swap3A_642 : i32 to index
        %swap3A_645 = arith.index_cast %swap3A_643 : i32 to index
        %swap3A_646 = arith.index_cast %add3A_641 : i32 to index
        %swap3A_647 = arith.constant 0 : index
        %swap3A_648 = tpu.vector_load %arg6[%swap3A_644, %swap3A_645, %swap3A_646, %swap3A_647] {strides = array<i32>} : memref<2x4x200x64xf32, #tpu.memory_space<vmem>>, vector<1x1x1x16xf32>,
        %swap3A_649 = vector.shape_cast %swap3A_648 : vector<1x1x1x16xf32> to vector<16xf32>
        %swap3A_650 = vector.shape_cast %add3A_639 : vector<16xf32> to vector<1x1x1x16xf32>
        tpu.vector_store %arg6[%swap3A_644, %swap3A_645, %swap3A_646, %swap3A_647], %swap3A_650 {strides = array<i32>} : memref<2x4x200x64xf32, #tpu.memory_space<vmem>>, vector<1x1x1x16xf32>,
        %add3A_651 = arith.constant 2 : i32
        %add3A_652 = arith.addi %mul3A_409, %add3A_651 : i32
        %get3A_653 = arith.constant 0 : i32
        %get3A_654 = arith.constant 3 : i32
        %get3A_655 = arith.index_cast %get3A_653 : i32 to index
        %get3A_656 = arith.index_cast %get3A_654 : i32 to index
        %get3A_657 = arith.index_cast %add3A_652 : i32 to index
        %get3A_658 = arith.constant 16 : index
        %get3A_659 = tpu.vector_load %arg6[%get3A_655, %get3A_656, %get3A_657, %get3A_658] {strides = array<i32>} : memref<2x4x200x64xf32, #tpu.memory_space<vmem>>, vector<1x1x1x16xf32>,
        %get3A_660 = vector.shape_cast %get3A_659 : vector<1x1x1x16xf32> to vector<16xf32>
        %mul3A_661 = arith.constant 8.000000e+00 : f32
        %mul3A_662 = vector.broadcast %mul3A_661 : f32 to vector<16xf32>
        %mul3A_663 = arith.mulf %get3A_660, %mul3A_662 : vector<16xf32>
        %add3A_664 = arith.constant 9.99999982E-14 : f32
        %add3A_665 = vector.broadcast %add3A_664 : f32 to vector<16xf32>
        %add3A_666 = arith.addf %mul3A_663, %add3A_665 : vector<16xf32>
        %add3A_667 = arith.constant 2 : i32
        %add3A_668 = arith.addi %mul3A_409, %add3A_667 : i32
        %swap3A_669 = arith.constant 0 : i32
        %swap3A_670 = arith.constant 3 : i32
        %swap3A_671 = arith.index_cast %swap3A_669 : i32 to index
        %swap3A_672 = arith.index_cast %swap3A_670 : i32 to index
        %swap3A_673 = arith.index_cast %add3A_668 : i32 to index
        %swap3A_674 = arith.constant 16 : index
        %swap3A_675 = tpu.vector_load %arg6[%swap3A_671, %swap3A_672, %swap3A_673, %swap3A_674] {strides = array<i32>} : memref<2x4x200x64xf32, #tpu.memory_space<vmem>>, vector<1x1x1x16xf32>,
        %swap3A_676 = vector.shape_cast %swap3A_675 : vector<1x1x1x16xf32> to vector<16xf32>
        %swap3A_677 = vector.shape_cast %add3A_666 : vector<16xf32> to vector<1x1x1x16xf32>
        tpu.vector_store %arg6[%swap3A_671, %swap3A_672, %swap3A_673, %swap3A_674], %swap3A_677 {strides = array<i32>} : memref<2x4x200x64xf32, #tpu.memory_space<vmem>>, vector<1x1x1x16xf32>,
        %add3A_678 = arith.constant 2 : i32
        %add3A_679 = arith.addi %mul3A_409, %add3A_678 : i32
        %get3A_680 = arith.constant 0 : i32
        %get3A_681 = arith.constant 3 : i32
        %get3A_682 = arith.index_cast %get3A_680 : i32 to index
        %get3A_683 = arith.index_cast %get3A_681 : i32 to index
        %get3A_684 = arith.index_cast %add3A_679 : i32 to index
        %get3A_685 = arith.constant 32 : index
        %get3A_686 = tpu.vector_load %arg6[%get3A_682, %get3A_683, %get3A_684, %get3A_685] {strides = array<i32>} : memref<2x4x200x64xf32, #tpu.memory_space<vmem>>, vector<1x1x1x16xf32>,
        %get3A_687 = vector.shape_cast %get3A_686 : vector<1x1x1x16xf32> to vector<16xf32>
        %mul3A_688 = arith.constant 8.000000e+00 : f32
        %mul3A_689 = vector.broadcast %mul3A_688 : f32 to vector<16xf32>
        %mul3A_690 = arith.mulf %get3A_687, %mul3A_689 : vector<16xf32>
        %add3A_691 = arith.constant 9.99999982E-14 : f32
        %add3A_692 = vector.broadcast %add3A_691 : f32 to vector<16xf32>
        %add3A_693 = arith.addf %mul3A_690, %add3A_692 : vector<16xf32>
        %add3A_694 = arith.constant 2 : i32
        %add3A_695 = arith.addi %mul3A_409, %add3A_694 : i32
        %swap3A_696 = arith.constant 0 : i32
        %swap3A_697 = arith.constant 3 : i32
        %swap3A_698 = arith.index_cast %swap3A_696 : i32 to index
        %swap3A_699 = arith.index_cast %swap3A_697 : i32 to index
        %swap3A_700 = arith.index_cast %add3A_695 : i32 to index
        %swap3A_701 = arith.constant 32 : index
        %swap3A_702 = tpu.vector_load %arg6[%swap3A_698, %swap3A_699, %swap3A_700, %swap3A_701] {strides = array<i32>} : memref<2x4x200x64xf32, #tpu.memory_space<vmem>>, vector<1x1x1x16xf32>,
        %swap3A_703 = vector.shape_cast %swap3A_702 : vector<1x1x1x16xf32> to vector<16xf32>
        %swap3A_704 = vector.shape_cast %add3A_693 : vector<16xf32> to vector<1x1x1x16xf32>
        tpu.vector_store %arg6[%swap3A_698, %swap3A_699, %swap3A_700, %swap3A_701], %swap3A_704 {strides = array<i32>} : memref<2x4x200x64xf32, #tpu.memory_space<vmem>>, vector<1x1x1x16xf32>,
        %add3A_705 = arith.constant 2 : i32
        %add3A_706 = arith.addi %mul3A_409, %add3A_705 : i32
        %get3A_707 = arith.constant 0 : i32
        %get3A_708 = arith.constant 3 : i32
        %get3A_709 = arith.index_cast %get3A_707 : i32 to index
        %get3A_710 = arith.index_cast %get3A_708 : i32 to index
        %get3A_711 = arith.index_cast %add3A_706 : i32 to index
        %get3A_712 = arith.constant 48 : index
        %get3A_713 = tpu.vector_load %arg6[%get3A_709, %get3A_710, %get3A_711, %get3A_712] {strides = array<i32>} : memref<2x4x200x64xf32, #tpu.memory_space<vmem>>, vector<1x1x1x16xf32>,
        %get3A_714 = vector.shape_cast %get3A_713 : vector<1x1x1x16xf32> to vector<16xf32>
        %mul3A_715 = arith.constant 8.000000e+00 : f32
        %mul3A_716 = vector.broadcast %mul3A_715 : f32 to vector<16xf32>
        %mul3A_717 = arith.mulf %get3A_714, %mul3A_716 : vector<16xf32>
        %add3A_718 = arith.constant 9.99999982E-14 : f32
        %add3A_719 = vector.broadcast %add3A_718 : f32 to vector<16xf32>
        %add3A_720 = arith.addf %mul3A_717, %add3A_719 : vector<16xf32>
        %add3A_721 = arith.constant 2 : i32
        %add3A_722 = arith.addi %mul3A_409, %add3A_721 : i32
        %swap3A_723 = arith.constant 0 : i32
        %swap3A_724 = arith.constant 3 : i32
        %swap3A_725 = arith.index_cast %swap3A_723 : i32 to index
        %swap3A_726 = arith.index_cast %swap3A_724 : i32 to index
        %swap3A_727 = arith.index_cast %add3A_722 : i32 to index
        %swap3A_728 = arith.constant 48 : index
        %swap3A_729 = tpu.vector_load %arg6[%swap3A_725, %swap3A_726, %swap3A_727, %swap3A_728] {strides = array<i32>} : memref<2x4x200x64xf32, #tpu.memory_space<vmem>>, vector<1x1x1x16xf32>,
        %swap3A_730 = vector.shape_cast %swap3A_729 : vector<1x1x1x16xf32> to vector<16xf32>
        %swap3A_731 = vector.shape_cast %add3A_720 : vector<16xf32> to vector<1x1x1x16xf32>
        tpu.vector_store %arg6[%swap3A_725, %swap3A_726, %swap3A_727, %swap3A_728], %swap3A_731 {strides = array<i32>} : memref<2x4x200x64xf32, #tpu.memory_space<vmem>>, vector<1x1x1x16xf32>,
        %add3A_732 = arith.constant 3 : i32
        %add3A_733 = arith.addi %mul3A_409, %add3A_732 : i32
        %get3A_734 = arith.constant 0 : i32
        %get3A_735 = arith.constant 3 : i32
        %get3A_736 = arith.index_cast %get3A_734 : i32 to index
        %get3A_737 = arith.index_cast %get3A_735 : i32 to index
        %get3A_738 = arith.index_cast %add3A_733 : i32 to index
        %get3A_739 = arith.constant 0 : index
        %get3A_740 = tpu.vector_load %arg6[%get3A_736, %get3A_737, %get3A_738, %get3A_739] {strides = array<i32>} : memref<2x4x200x64xf32, #tpu.memory_space<vmem>>, vector<1x1x1x16xf32>,
        %get3A_741 = vector.shape_cast %get3A_740 : vector<1x1x1x16xf32> to vector<16xf32>
        %mul3A_742 = arith.constant 8.000000e+00 : f32
        %mul3A_743 = vector.broadcast %mul3A_742 : f32 to vector<16xf32>
        %mul3A_744 = arith.mulf %get3A_741, %mul3A_743 : vector<16xf32>
        %add3A_745 = arith.constant 9.99999982E-14 : f32
        %add3A_746 = vector.broadcast %add3A_745 : f32 to vector<16xf32>
        %add3A_747 = arith.addf %mul3A_744, %add3A_746 : vector<16xf32>
        %add3A_748 = arith.constant 3 : i32
        %add3A_749 = arith.addi %mul3A_409, %add3A_748 : i32
        %swap3A_750 = arith.constant 0 : i32
        %swap3A_751 = arith.constant 3 : i32
        %swap3A_752 = arith.index_cast %swap3A_750 : i32 to index
        %swap3A_753 = arith.index_cast %swap3A_751 : i32 to index
        %swap3A_754 = arith.index_cast %add3A_749 : i32 to index
        %swap3A_755 = arith.constant 0 : index
        %swap3A_756 = tpu.vector_load %arg6[%swap3A_752, %swap3A_753, %swap3A_754, %swap3A_755] {strides = array<i32>} : memref<2x4x200x64xf32, #tpu.memory_space<vmem>>, vector<1x1x1x16xf32>,
        %swap3A_757 = vector.shape_cast %swap3A_756 : vector<1x1x1x16xf32> to vector<16xf32>
        %swap3A_758 = vector.shape_cast %add3A_747 : vector<16xf32> to vector<1x1x1x16xf32>
        tpu.vector_store %arg6[%swap3A_752, %swap3A_753, %swap3A_754, %swap3A_755], %swap3A_758 {strides = array<i32>} : memref<2x4x200x64xf32, #tpu.memory_space<vmem>>, vector<1x1x1x16xf32>,
        %add3A_759 = arith.constant 3 : i32
        %add3A_760 = arith.addi %mul3A_409, %add3A_759 : i32
        %get3A_761 = arith.constant 0 : i32
        %get3A_762 = arith.constant 3 : i32
        %get3A_763 = arith.index_cast %get3A_761 : i32 to index
        %get3A_764 = arith.index_cast %get3A_762 : i32 to index
        %get3A_765 = arith.index_cast %add3A_760 : i32 to index
        %get3A_766 = arith.constant 16 : index
        %get3A_767 = tpu.vector_load %arg6[%get3A_763, %get3A_764, %get3A_765, %get3A_766] {strides = array<i32>} : memref<2x4x200x64xf32, #tpu.memory_space<vmem>>, vector<1x1x1x16xf32>,
        %get3A_768 = vector.shape_cast %get3A_767 : vector<1x1x1x16xf32> to vector<16xf32>
        %mul3A_769 = arith.constant 8.000000e+00 : f32
        %mul3A_770 = vector.broadcast %mul3A_769 : f32 to vector<16xf32>
        %mul3A_771 = arith.mulf %get3A_768, %mul3A_770 : vector<16xf32>
        %add3A_772 = arith.constant 9.99999982E-14 : f32
        %add3A_773 = vector.broadcast %add3A_772 : f32 to vector<16xf32>
        %add3A_774 = arith.addf %mul3A_771, %add3A_773 : vector<16xf32>
        %add3A_775 = arith.constant 3 : i32
        %add3A_776 = arith.addi %mul3A_409, %add3A_775 : i32
        %swap3A_777 = arith.constant 0 : i32
        %swap3A_778 = arith.constant 3 : i32
        %swap3A_779 = arith.index_cast %swap3A_777 : i32 to index
        %swap3A_780 = arith.index_cast %swap3A_778 : i32 to index
        %swap3A_781 = arith.index_cast %add3A_776 : i32 to index
        %swap3A_782 = arith.constant 16 : index
        %swap3A_783 = tpu.vector_load %arg6[%swap3A_779, %swap3A_780, %swap3A_781, %swap3A_782] {strides = array<i32>} : memref<2x4x200x64xf32, #tpu.memory_space<vmem>>, vector<1x1x1x16xf32>,
        %swap3A_784 = vector.shape_cast %swap3A_783 : vector<1x1x1x16xf32> to vector<16xf32>
        %swap3A_785 = vector.shape_cast %add3A_774 : vector<16xf32> to vector<1x1x1x16xf32>
        tpu.vector_store %arg6[%swap3A_779, %swap3A_780, %swap3A_781, %swap3A_782], %swap3A_785 {strides = array<i32>} : memref<2x4x200x64xf32, #tpu.memory_space<vmem>>, vector<1x1x1x16xf32>,
        %add3A_786 = arith.constant 3 : i32
        %add3A_787 = arith.addi %mul3A_409, %add3A_786 : i32
        %get3A_788 = arith.constant 0 : i32
        %get3A_789 = arith.constant 3 : i32
        %get3A_790 = arith.index_cast %get3A_788 : i32 to index
        %get3A_791 = arith.index_cast %get3A_789 : i32 to index
        %get3A_792 = arith.index_cast %add3A_787 : i32 to index
        %get3A_793 = arith.constant 32 : index
        %get3A_794 = tpu.vector_load %arg6[%get3A_790, %get3A_791, %get3A_792, %get3A_793] {strides = array<i32>} : memref<2x4x200x64xf32, #tpu.memory_space<vmem>>, vector<1x1x1x16xf32>,
        %get3A_795 = vector.shape_cast %get3A_794 : vector<1x1x1x16xf32> to vector<16xf32>
        %mul3A_796 = arith.constant 8.000000e+00 : f32
        %mul3A_797 = vector.broadcast %mul3A_796 : f32 to vector<16xf32>
        %mul3A_798 = arith.mulf %get3A_795, %mul3A_797 : vector<16xf32>
        %add3A_799 = arith.constant 9.99999982E-14 : f32
        %add3A_800 = vector.broadcast %add3A_799 : f32 to vector<16xf32>
        %add3A_801 = arith.addf %mul3A_798, %add3A_800 : vector<16xf32>
        %add3A_802 = arith.constant 3 : i32
        %add3A_803 = arith.addi %mul3A_409, %add3A_802 : i32
        %swap3A_804 = arith.constant 0 : i32
        %swap3A_805 = arith.constant 3 : i32
        %swap3A_806 = arith.index_cast %swap3A_804 : i32 to index
        %swap3A_807 = arith.index_cast %swap3A_805 : i32 to index
        %swap3A_808 = arith.index_cast %add3A_803 : i32 to index
        %swap3A_809 = arith.constant 32 : index
        %swap3A_810 = tpu.vector_load %arg6[%swap3A_806, %swap3A_807, %swap3A_808, %swap3A_809] {strides = array<i32>} : memref<2x4x200x64xf32, #tpu.memory_space<vmem>>, vector<1x1x1x16xf32>,
        %swap3A_811 = vector.shape_cast %swap3A_810 : vector<1x1x1x16xf32> to vector<16xf32>
        %swap3A_812 = vector.shape_cast %add3A_801 : vector<16xf32> to vector<1x1x1x16xf32>
        tpu.vector_store %arg6[%swap3A_806, %swap3A_807, %swap3A_808, %swap3A_809], %swap3A_812 {strides = array<i32>} : memref<2x4x200x64xf32, #tpu.memory_space<vmem>>, vector<1x1x1x16xf32>,
        %add3A_813 = arith.constant 3 : i32
        %add3A_814 = arith.addi %mul3A_409, %add3A_813 : i32
        %get3A_815 = arith.constant 0 : i32
        %get3A_816 = arith.constant 3 : i32
        %get3A_817 = arith.index_cast %get3A_815 : i32 to index
        %get3A_818 = arith.index_cast %get3A_816 : i32 to index
        %get3A_819 = arith.index_cast %add3A_814 : i32 to index
        %get3A_820 = arith.constant 48 : index
        %get3A_821 = tpu.vector_load %arg6[%get3A_817, %get3A_818, %get3A_819, %get3A_820] {strides = array<i32>} : memref<2x4x200x64xf32, #tpu.memory_space<vmem>>, vector<1x1x1x16xf32>,
        %get3A_822 = vector.shape_cast %get3A_821 : vector<1x1x1x16xf32> to vector<16xf32>
        %mul3A_823 = arith.constant 8.000000e+00 : f32
        %mul3A_824 = vector.broadcast %mul3A_823 : f32 to vector<16xf32>
        %mul3A_825 = arith.mulf %get3A_822, %mul3A_824 : vector<16xf32>
        %add3A_826 = arith.constant 9.99999982E-14 : f32
        %add3A_827 = vector.broadcast %add3A_826 : f32 to vector<16xf32>
        %add3A_828 = arith.addf %mul3A_825, %add3A_827 : vector<16xf32>
        %add3A_829 = arith.constant 3 : i32
        %add3A_830 = arith.addi %mul3A_409, %add3A_829 : i32
        %swap3A_831 = arith.constant 0 : i32
        %swap3A_832 = arith.constant 3 : i32
        %swap3A_833 = arith.index_cast %swap3A_831 : i32 to index
        %swap3A_834 = arith.index_cast %swap3A_832 : i32 to index
        %swap3A_835 = arith.index_cast %add3A_830 : i32 to index
        %swap3A_836 = arith.constant 48 : index
        %swap3A_837 = tpu.vector_load %arg6[%swap3A_833, %swap3A_834, %swap3A_835, %swap3A_836] {strides = array<i32>} : memref<2x4x200x64xf32, #tpu.memory_space<vmem>>, vector<1x1x1x16xf32>,
        %swap3A_838 = vector.shape_cast %swap3A_837 : vector<1x1x1x16xf32> to vector<16xf32>
        %swap3A_839 = vector.shape_cast %add3A_828 : vector<16xf32> to vector<1x1x1x16xf32>
        tpu.vector_store %arg6[%swap3A_833, %swap3A_834, %swap3A_835, %swap3A_836], %swap3A_839 {strides = array<i32>} : memref<2x4x200x64xf32, #tpu.memory_space<vmem>>, vector<1x1x1x16xf32>,
        %scan3A_840 = arith.constant 0 : i32
        scf.yield %scan3A_840 : i32
      }
      %scan3A_340 = arith.constant 50 : i32
      %mul3A_341 = arith.constant 4 : i32
      %mul3A_342 = arith.muli %mul3A_149, %mul3A_341 : i32
      %add3A_343 = arith.addi %mul3A_2, %mul3A_342 : i32
      %run_scoped3A_344 = arith.constant 0 : i32
      "tpu.region"() ({
        %run_scoped3A_406 = tpu.sem_alloc : memref<!tpu.dma_semaphore, #tpu.memory_space<semaphore_mem>>
        %dma_start3A_407 = arith.constant 0 : i32
        %dma_start3A_408 = arith.constant 0 : i32
        %dma_start3A_409 = arith.constant 0 : i32
        %dma_start3A_410 = tpu.memref_slice %arg6[%run_scoped3A_344, %dma_start3A_407, %dma_start3A_408, %dma_start3A_409] : memref<2x4x200x64xf32, #tpu.memory_space<vmem>> -> memref<1x4x200x64xf32, #tpu.memory_space<vmem>>
        %dma_start3A_411 = tpu.memref_squeeze %dma_start3A_410 : memref<1x4x200x64xf32, #tpu.memory_space<vmem>> -> memref<4x200x64xf32, #tpu.memory_space<vmem>>
        %dma_start3A_412 = arith.constant 0 : i32
        %dma_start3A_413 = arith.constant 0 : i32
        %dma_start3A_414 = tpu.memref_slice %arg4[%add3A_343, %dma_start3A_412, %dma_start3A_413] : memref<4096x200x128xf32, #tpu.memory_space<hbm>> -> memref<4x200x64xf32, #tpu.memory_space<hbm>>
        %dma_start3A_415 = arith.constant 0 : i32
        %dma_start3A_416 = arith.constant 0 : i32
        %dma_start3A_417 = tpu.memref_slice %arg4[%add3A_343, %dma_start3A_415, %dma_start3A_416] : memref<4096x200x128xf32, #tpu.memory_space<hbm>> -> memref<4x200x64xf32, #tpu.memory_space<hbm>>
        %dma_start3A_418 = arith.constant 0 : i32
        %dma_start3A_419 = arith.constant 0 : i32
        %dma_start3A_420 = arith.constant 0 : i32
        %dma_start3A_421 = tpu.memref_slice %arg6[%run_scoped3A_344, %dma_start3A_418, %dma_start3A_419, %dma_start3A_420] : memref<2x4x200x64xf32, #tpu.memory_space<vmem>> -> memref<1x4x200x64xf32, #tpu.memory_space<vmem>>
        %dma_start3A_422 = tpu.memref_squeeze %dma_start3A_421 : memref<1x4x200x64xf32, #tpu.memory_space<vmem>> -> memref<4x200x64xf32, #tpu.memory_space<vmem>>
        tpu.enqueue_dma source(%dma_start3A_422 : memref<4x200x64xf32, #tpu.memory_space<vmem>>) target(%dma_start3A_417 : memref<4x200x64xf32, #tpu.memory_space<hbm>>) target_semaphore(%run_scoped3A_406 : memref<!tpu.dma_semaphore, #tpu.memory_space<semaphore_mem>>)
        %dma_wait3A_423 = arith.constant 0 : i32
        %dma_wait3A_424 = arith.constant 0 : i32
        %dma_wait3A_425 = arith.constant 0 : i32
        %dma_wait3A_426 = tpu.memref_slice %arg6[%run_scoped3A_344, %dma_wait3A_423, %dma_wait3A_424, %dma_wait3A_425] : memref<2x4x200x64xf32, #tpu.memory_space<vmem>> -> memref<1x4x200x64xf32, #tpu.memory_space<vmem>>
        %dma_wait3A_427 = tpu.memref_squeeze %dma_wait3A_426 : memref<1x4x200x64xf32, #tpu.memory_space<vmem>> -> memref<4x200x64xf32, #tpu.memory_space<vmem>>
        %dma_wait3A_428 = arith.constant 0 : i32
        %dma_wait3A_429 = arith.constant 0 : i32
        %dma_wait3A_430 = tpu.memref_slice %arg4[%add3A_343, %dma_wait3A_428, %dma_wait3A_429] : memref<4096x200x128xf32, #tpu.memory_space<hbm>> -> memref<4x200x64xf32, #tpu.memory_space<hbm>>
        %dma_wait3A_431 = arith.constant 0 : i32
        %dma_wait3A_432 = arith.constant 0 : i32
        %dma_wait3A_433 = tpu.memref_slice %arg4[%add3A_343, %dma_wait3A_431, %dma_wait3A_432] : memref<4096x200x128xf32, #tpu.memory_space<hbm>> -> memref<4x200x64xf32, #tpu.memory_space<hbm>>
        %dma_wait3A_434 = arith.constant 0 : i32
        %dma_wait3A_435 = arith.constant 0 : i32
        %dma_wait3A_436 = arith.constant 0 : i32
        %dma_wait3A_437 = tpu.memref_slice %arg6[%run_scoped3A_344, %dma_wait3A_434, %dma_wait3A_435, %dma_wait3A_436] : memref<2x4x200x64xf32, #tpu.memory_space<vmem>> -> memref<1x4x200x64xf32, #tpu.memory_space<vmem>>
        %dma_wait3A_438 = tpu.memref_squeeze %dma_wait3A_437 : memref<1x4x200x64xf32, #tpu.memory_space<vmem>> -> memref<4x200x64xf32, #tpu.memory_space<vmem>>
        tpu.wait_dma2 semaphore(%run_scoped3A_406 : memref<!tpu.dma_semaphore, #tpu.memory_space<semaphore_mem>>) src(%dma_wait3A_438 : memref<4x200x64xf32, #tpu.memory_space<vmem>>) dst(%dma_wait3A_433 : memref<4x200x64xf32, #tpu.memory_space<hbm>>)
        tpu.yield
      }) : () -> ()
      %add3A_345 = arith.constant 2 : i32
      %add3A_346 = arith.addi %mul3A_149, %add3A_345 : i32
      %lt3A = arith.constant 32 : i32
      %lt3A_347 = arith.cmpi slt, %add3A_346, %lt3A : i32
      %convert_element_type3A = arith.extui %lt3A_347 : i1 to i32
      %cond3A = arith.constant 0 : i32
      %cond3A_348 = arith.cmpi ne, %convert_element_type3A, %cond3A : i32
      scf.if %cond3A_348 {
        %add3A_406 = arith.constant 2 : i32
        %add3A_407 = arith.addi %mul3A_149, %add3A_406 : i32
        %mul3A_408 = arith.constant 4 : i32
        %mul3A_409 = arith.muli %add3A_407, %mul3A_408 : i32
        %add3A_410 = arith.addi %mul3A_2, %mul3A_409 : i32
        %run_scoped3A_411 = arith.constant 0 : i32
        "tpu.region"() ({
          %run_scoped3A_548 = tpu.sem_alloc : memref<!tpu.dma_semaphore, #tpu.memory_space<semaphore_mem>>
          %dma_start3A_549 = arith.constant 0 : i32
          %dma_start3A_550 = arith.constant 0 : i32
          %dma_start3A_551 = tpu.memref_slice %arg5[%run_scoped3A_411, %dma_start3A_549, %dma_start3A_550] : memref<2x4x200xi32, #tpu.memory_space<vmem>> -> memref<1x4x200xi32, #tpu.memory_space<vmem>>
          %dma_start3A_552 = tpu.memref_squeeze %dma_start3A_551 : memref<1x4x200xi32, #tpu.memory_space<vmem>> -> memref<4x200xi32, #tpu.memory_space<vmem>>
          %dma_start3A_553 = arith.constant 0 : i32
          %dma_start3A_554 = tpu.memref_slice %arg2[%add3A_410, %dma_start3A_553] : memref<4096x200xi32, #tpu.memory_space<hbm>> -> memref<4x200xi32, #tpu.memory_space<hbm>>
          %dma_start3A_555 = arith.constant 0 : i32
          %dma_start3A_556 = arith.constant 0 : i32
          %dma_start3A_557 = tpu.memref_slice %arg5[%run_scoped3A_411, %dma_start3A_555, %dma_start3A_556] : memref<2x4x200xi32, #tpu.memory_space<vmem>> -> memref<1x4x200xi32, #tpu.memory_space<vmem>>
          %dma_start3A_558 = tpu.memref_squeeze %dma_start3A_557 : memref<1x4x200xi32, #tpu.memory_space<vmem>> -> memref<4x200xi32, #tpu.memory_space<vmem>>
          %dma_start3A_559 = arith.constant 0 : i32
          %dma_start3A_560 = tpu.memref_slice %arg2[%add3A_410, %dma_start3A_559] : memref<4096x200xi32, #tpu.memory_space<hbm>> -> memref<4x200xi32, #tpu.memory_space<hbm>>
          tpu.enqueue_dma source(%dma_start3A_560 : memref<4x200xi32, #tpu.memory_space<hbm>>) target(%dma_start3A_558 : memref<4x200xi32, #tpu.memory_space<vmem>>) target_semaphore(%run_scoped3A_548 : memref<!tpu.dma_semaphore, #tpu.memory_space<semaphore_mem>>)
          %dma_wait3A_561 = arith.constant 0 : i32
          %dma_wait3A_562 = arith.constant 0 : i32
          %dma_wait3A_563 = tpu.memref_slice %arg5[%run_scoped3A_411, %dma_wait3A_561, %dma_wait3A_562] : memref<2x4x200xi32, #tpu.memory_space<vmem>> -> memref<1x4x200xi32, #tpu.memory_space<vmem>>
          %dma_wait3A_564 = tpu.memref_squeeze %dma_wait3A_563 : memref<1x4x200xi32, #tpu.memory_space<vmem>> -> memref<4x200xi32, #tpu.memory_space<vmem>>
          %dma_wait3A_565 = arith.constant 0 : i32
          %dma_wait3A_566 = tpu.memref_slice %arg2[%add3A_410, %dma_wait3A_565] : memref<4096x200xi32, #tpu.memory_space<hbm>> -> memref<4x200xi32, #tpu.memory_space<hbm>>
          %dma_wait3A_567 = arith.constant 0 : i32
          %dma_wait3A_568 = arith.constant 0 : i32
          %dma_wait3A_569 = tpu.memref_slice %arg5[%run_scoped3A_411, %dma_wait3A_567, %dma_wait3A_568] : memref<2x4x200xi32, #tpu.memory_space<vmem>> -> memref<1x4x200xi32, #tpu.memory_space<vmem>>
          %dma_wait3A_570 = tpu.memref_squeeze %dma_wait3A_569 : memref<1x4x200xi32, #tpu.memory_space<vmem>> -> memref<4x200xi32, #tpu.memory_space<vmem>>
          %dma_wait3A_571 = arith.constant 0 : i32
          %dma_wait3A_572 = tpu.memref_slice %arg2[%add3A_410, %dma_wait3A_571] : memref<4096x200xi32, #tpu.memory_space<hbm>> -> memref<4x200xi32, #tpu.memory_space<hbm>>
          tpu.wait_dma2 semaphore(%run_scoped3A_548 : memref<!tpu.dma_semaphore, #tpu.memory_space<semaphore_mem>>) src(%dma_wait3A_572 : memref<4x200xi32, #tpu.memory_space<hbm>>) dst(%dma_wait3A_570 : memref<4x200xi32, #tpu.memory_space<vmem>>)
          tpu.yield
        }) : () -> ()
        %dma_start3A_412 = arith.constant 0 : i32
        %dma_start3A_413 = arith.constant 0 : i32
        %dma_start3A_414 = arith.constant 0 : i32
        %dma_start3A_415 = arith.constant 0 : i32
        %dma_start3A_416 = arith.constant 0 : i32
        %dma_start3A_417 = arith.constant 0 : i32
        %dma_start3A_418 = arith.constant 0 : i32
        %dma_start3A_419 = tpu.memref_slice %arg6[%dma_start3A_414, %dma_start3A_415, %dma_start3A_417, %dma_start3A_418] : memref<2x4x200x64xf32, #tpu.memory_space<vmem>> -> memref<1x1x128x64xf32, #tpu.memory_space<vmem>>
        %dma_start3A_420 = tpu.memref_squeeze %dma_start3A_419 : memref<1x1x128x64xf32, #tpu.memory_space<vmem>> -> memref<128x64xf32, #tpu.memory_space<vmem>>
        %dma_start3A_421 = arith.constant 0 : i32
        %dma_start3A_422 = tpu.memref_slice %arg5[%dma_start3A_412, %dma_start3A_413, %dma_start3A_421] : memref<2x4x200xi32, #tpu.memory_space<vmem>> -> memref<1x1x128xi32, #tpu.memory_space<vmem>>
        %dma_start3A_423 = tpu.memref_squeeze %dma_start3A_422 : memref<1x1x128xi32, #tpu.memory_space<vmem>> -> memref<128xi32, #tpu.memory_space<vmem>>
        %dma_start3A_424 = arith.constant 0 : i32
        %dma_start3A_425 = arith.constant 0 : i32
        %dma_start3A_426 = tpu.memref_slice %arg3[%dma_start3A_424, %dma_start3A_425] : memref<1000000x64xf32, #tpu.memory_space<hbm>> -> memref<1000000x64xf32, #tpu.memory_space<hbm>>
        %dma_start3A_427 = tpu.memref_slice %arg7[%dma_start3A_416] : memref<2x!tpu.dma_semaphore, #tpu.memory_space<semaphore_mem>> -> memref<1x!tpu.dma_semaphore, #tpu.memory_space<semaphore_mem>>
        %dma_start3A_428 = tpu.memref_squeeze %dma_start3A_427 : memref<1x!tpu.dma_semaphore, #tpu.memory_space<semaphore_mem>> -> memref<!tpu.dma_semaphore, #tpu.memory_space<semaphore_mem>>
        tpu.enqueue_indirect_dma source(%dma_start3A_426 : memref<1000000x64xf32, #tpu.memory_space<hbm>>) target(%dma_start3A_420 : memref<128x64xf32, #tpu.memory_space<vmem>>) offsets(%dma_start3A_423 : memref<128xi32, #tpu.memory_space<vmem>>) semaphore(%dma_start3A_428 : memref<!tpu.dma_semaphore, #tpu.memory_space<semaphore_mem>>)
        %dma_start3A_429 = arith.constant 0 : i32
        %dma_start3A_430 = arith.constant 0 : i32
        %dma_start3A_431 = arith.constant 0 : i32
        %dma_start3A_432 = arith.constant 0 : i32
        %dma_start3A_433 = arith.constant 0 : i32
        %dma_start3A_434 = arith.constant 128 : i32
        %dma_start3A_435 = arith.constant 0 : i32
        %dma_start3A_436 = tpu.memref_slice %arg6[%dma_start3A_431, %dma_start3A_432, %dma_start3A_434, %dma_start3A_435] : memref<2x4x200x64xf32, #tpu.memory_space<vmem>> -> memref<1x1x72x64xf32, #tpu.memory_space<vmem>>
        %dma_start3A_437 = tpu.memref_squeeze %dma_start3A_436 : memref<1x1x72x64xf32, #tpu.memory_space<vmem>> -> memref<72x64xf32, #tpu.memory_space<vmem>>
        %dma_start3A_438 = arith.constant 128 : i32
        %dma_start3A_439 = tpu.memref_slice %arg5[%dma_start3A_429, %dma_start3A_430, %dma_start3A_438] : memref<2x4x200xi32, #tpu.memory_space<vmem>> -> memref<1x1x72xi32, #tpu.memory_space<vmem>>
        %dma_start3A_440 = tpu.memref_squeeze %dma_start3A_439 : memref<1x1x72xi32, #tpu.memory_space<vmem>> -> memref<72xi32, #tpu.memory_space<vmem>>
        %dma_start3A_441 = arith.constant 0 : i32
        %dma_start3A_442 = arith.constant 0 : i32
        %dma_start3A_443 = tpu.memref_slice %arg3[%dma_start3A_441, %dma_start3A_442] : memref<1000000x64xf32, #tpu.memory_space<hbm>> -> memref<1000000x64xf32, #tpu.memory_space<hbm>>
        %dma_start3A_444 = tpu.memref_slice %arg7[%dma_start3A_433] : memref<2x!tpu.dma_semaphore, #tpu.memory_space<semaphore_mem>> -> memref<1x!tpu.dma_semaphore, #tpu.memory_space<semaphore_mem>>
        %dma_start3A_445 = tpu.memref_squeeze %dma_start3A_444 : memref<1x!tpu.dma_semaphore, #tpu.memory_space<semaphore_mem>> -> memref<!tpu.dma_semaphore, #tpu.memory_space<semaphore_mem>>
        tpu.enqueue_indirect_dma source(%dma_start3A_443 : memref<1000000x64xf32, #tpu.memory_space<hbm>>) target(%dma_start3A_437 : memref<72x64xf32, #tpu.memory_space<vmem>>) offsets(%dma_start3A_440 : memref<72xi32, #tpu.memory_space<vmem>>) semaphore(%dma_start3A_445 : memref<!tpu.dma_semaphore, #tpu.memory_space<semaphore_mem>>)
        %dma_start3A_446 = arith.constant 0 : i32
        %dma_start3A_447 = arith.constant 1 : i32
        %dma_start3A_448 = arith.constant 0 : i32
        %dma_start3A_449 = arith.constant 1 : i32
        %dma_start3A_450 = arith.constant 0 : i32
        %dma_start3A_451 = arith.constant 0 : i32
        %dma_start3A_452 = arith.constant 0 : i32
        %dma_start3A_453 = tpu.memref_slice %arg6[%dma_start3A_448, %dma_start3A_449, %dma_start3A_451, %dma_start3A_452] : memref<2x4x200x64xf32, #tpu.memory_space<vmem>> -> memref<1x1x128x64xf32, #tpu.memory_space<vmem>>
        %dma_start3A_454 = tpu.memref_squeeze %dma_start3A_453 : memref<1x1x128x64xf32, #tpu.memory_space<vmem>> -> memref<128x64xf32, #tpu.memory_space<vmem>>
        %dma_start3A_455 = arith.constant 0 : i32
        %dma_start3A_456 = tpu.memref_slice %arg5[%dma_start3A_446, %dma_start3A_447, %dma_start3A_455] : memref<2x4x200xi32, #tpu.memory_space<vmem>> -> memref<1x1x128xi32, #tpu.memory_space<vmem>>
        %dma_start3A_457 = tpu.memref_squeeze %dma_start3A_456 : memref<1x1x128xi32, #tpu.memory_space<vmem>> -> memref<128xi32, #tpu.memory_space<vmem>>
        %dma_start3A_458 = arith.constant 0 : i32
        %dma_start3A_459 = arith.constant 0 : i32
        %dma_start3A_460 = tpu.memref_slice %arg3[%dma_start3A_458, %dma_start3A_459] : memref<1000000x64xf32, #tpu.memory_space<hbm>> -> memref<1000000x64xf32, #tpu.memory_space<hbm>>
        %dma_start3A_461 = tpu.memref_slice %arg7[%dma_start3A_450] : memref<2x!tpu.dma_semaphore, #tpu.memory_space<semaphore_mem>> -> memref<1x!tpu.dma_semaphore, #tpu.memory_space<semaphore_mem>>
        %dma_start3A_462 = tpu.memref_squeeze %dma_start3A_461 : memref<1x!tpu.dma_semaphore, #tpu.memory_space<semaphore_mem>> -> memref<!tpu.dma_semaphore, #tpu.memory_space<semaphore_mem>>
        tpu.enqueue_indirect_dma source(%dma_start3A_460 : memref<1000000x64xf32, #tpu.memory_space<hbm>>) target(%dma_start3A_454 : memref<128x64xf32, #tpu.memory_space<vmem>>) offsets(%dma_start3A_457 : memref<128xi32, #tpu.memory_space<vmem>>) semaphore(%dma_start3A_462 : memref<!tpu.dma_semaphore, #tpu.memory_space<semaphore_mem>>)
        %dma_start3A_463 = arith.constant 0 : i32
        %dma_start3A_464 = arith.constant 1 : i32
        %dma_start3A_465 = arith.constant 0 : i32
        %dma_start3A_466 = arith.constant 1 : i32
        %dma_start3A_467 = arith.constant 0 : i32
        %dma_start3A_468 = arith.constant 128 : i32
        %dma_start3A_469 = arith.constant 0 : i32
        %dma_start3A_470 = tpu.memref_slice %arg6[%dma_start3A_465, %dma_start3A_466, %dma_start3A_468, %dma_start3A_469] : memref<2x4x200x64xf32, #tpu.memory_space<vmem>> -> memref<1x1x72x64xf32, #tpu.memory_space<vmem>>
        %dma_start3A_471 = tpu.memref_squeeze %dma_start3A_470 : memref<1x1x72x64xf32, #tpu.memory_space<vmem>> -> memref<72x64xf32, #tpu.memory_space<vmem>>
        %dma_start3A_472 = arith.constant 128 : i32
        %dma_start3A_473 = tpu.memref_slice %arg5[%dma_start3A_463, %dma_start3A_464, %dma_start3A_472] : memref<2x4x200xi32, #tpu.memory_space<vmem>> -> memref<1x1x72xi32, #tpu.memory_space<vmem>>
        %dma_start3A_474 = tpu.memref_squeeze %dma_start3A_473 : memref<1x1x72xi32, #tpu.memory_space<vmem>> -> memref<72xi32, #tpu.memory_space<vmem>>
        %dma_start3A_475 = arith.constant 0 : i32
        %dma_start3A_476 = arith.constant 0 : i32
        %dma_start3A_477 = tpu.memref_slice %arg3[%dma_start3A_475, %dma_start3A_476] : memref<1000000x64xf32, #tpu.memory_space<hbm>> -> memref<1000000x64xf32, #tpu.memory_space<hbm>>
        %dma_start3A_478 = tpu.memref_slice %arg7[%dma_start3A_467] : memref<2x!tpu.dma_semaphore, #tpu.memory_space<semaphore_mem>> -> memref<1x!tpu.dma_semaphore, #tpu.memory_space<semaphore_mem>>
        %dma_start3A_479 = tpu.memref_squeeze %dma_start3A_478 : memref<1x!tpu.dma_semaphore, #tpu.memory_space<semaphore_mem>> -> memref<!tpu.dma_semaphore, #tpu.memory_space<semaphore_mem>>
        tpu.enqueue_indirect_dma source(%dma_start3A_477 : memref<1000000x64xf32, #tpu.memory_space<hbm>>) target(%dma_start3A_471 : memref<72x64xf32, #tpu.memory_space<vmem>>) offsets(%dma_start3A_474 : memref<72xi32, #tpu.memory_space<vmem>>) semaphore(%dma_start3A_479 : memref<!tpu.dma_semaphore, #tpu.memory_space<semaphore_mem>>)
        %dma_start3A_480 = arith.constant 0 : i32
        %dma_start3A_481 = arith.constant 2 : i32
        %dma_start3A_482 = arith.constant 0 : i32
        %dma_start3A_483 = arith.constant 2 : i32
        %dma_start3A_484 = arith.constant 0 : i32
        %dma_start3A_485 = arith.constant 0 : i32
        %dma_start3A_486 = arith.constant 0 : i32
        %dma_start3A_487 = tpu.memref_slice %arg6[%dma_start3A_482, %dma_start3A_483, %dma_start3A_485, %dma_start3A_486] : memref<2x4x200x64xf32, #tpu.memory_space<vmem>> -> memref<1x1x128x64xf32, #tpu.memory_space<vmem>>
        %dma_start3A_488 = tpu.memref_squeeze %dma_start3A_487 : memref<1x1x128x64xf32, #tpu.memory_space<vmem>> -> memref<128x64xf32, #tpu.memory_space<vmem>>
        %dma_start3A_489 = arith.constant 0 : i32
        %dma_start3A_490 = tpu.memref_slice %arg5[%dma_start3A_480, %dma_start3A_481, %dma_start3A_489] : memref<2x4x200xi32, #tpu.memory_space<vmem>> -> memref<1x1x128xi32, #tpu.memory_space<vmem>>
        %dma_start3A_491 = tpu.memref_squeeze %dma_start3A_490 : memref<1x1x128xi32, #tpu.memory_space<vmem>> -> memref<128xi32, #tpu.memory_space<vmem>>
        %dma_start3A_492 = arith.constant 0 : i32
        %dma_start3A_493 = arith.constant 0 : i32
        %dma_start3A_494 = tpu.memref_slice %arg3[%dma_start3A_492, %dma_start3A_493] : memref<1000000x64xf32, #tpu.memory_space<hbm>> -> memref<1000000x64xf32, #tpu.memory_space<hbm>>
        %dma_start3A_495 = tpu.memref_slice %arg7[%dma_start3A_484] : memref<2x!tpu.dma_semaphore, #tpu.memory_space<semaphore_mem>> -> memref<1x!tpu.dma_semaphore, #tpu.memory_space<semaphore_mem>>
        %dma_start3A_496 = tpu.memref_squeeze %dma_start3A_495 : memref<1x!tpu.dma_semaphore, #tpu.memory_space<semaphore_mem>> -> memref<!tpu.dma_semaphore, #tpu.memory_space<semaphore_mem>>
        tpu.enqueue_indirect_dma source(%dma_start3A_494 : memref<1000000x64xf32, #tpu.memory_space<hbm>>) target(%dma_start3A_488 : memref<128x64xf32, #tpu.memory_space<vmem>>) offsets(%dma_start3A_491 : memref<128xi32, #tpu.memory_space<vmem>>) semaphore(%dma_start3A_496 : memref<!tpu.dma_semaphore, #tpu.memory_space<semaphore_mem>>)
        %dma_start3A_497 = arith.constant 0 : i32
        %dma_start3A_498 = arith.constant 2 : i32
        %dma_start3A_499 = arith.constant 0 : i32
        %dma_start3A_500 = arith.constant 2 : i32
        %dma_start3A_501 = arith.constant 0 : i32
        %dma_start3A_502 = arith.constant 128 : i32
        %dma_start3A_503 = arith.constant 0 : i32
        %dma_start3A_504 = tpu.memref_slice %arg6[%dma_start3A_499, %dma_start3A_500, %dma_start3A_502, %dma_start3A_503] : memref<2x4x200x64xf32, #tpu.memory_space<vmem>> -> memref<1x1x72x64xf32, #tpu.memory_space<vmem>>
        %dma_start3A_505 = tpu.memref_squeeze %dma_start3A_504 : memref<1x1x72x64xf32, #tpu.memory_space<vmem>> -> memref<72x64xf32, #tpu.memory_space<vmem>>
        %dma_start3A_506 = arith.constant 128 : i32
        %dma_start3A_507 = tpu.memref_slice %arg5[%dma_start3A_497, %dma_start3A_498, %dma_start3A_506] : memref<2x4x200xi32, #tpu.memory_space<vmem>> -> memref<1x1x72xi32, #tpu.memory_space<vmem>>
        %dma_start3A_508 = tpu.memref_squeeze %dma_start3A_507 : memref<1x1x72xi32, #tpu.memory_space<vmem>> -> memref<72xi32, #tpu.memory_space<vmem>>
        %dma_start3A_509 = arith.constant 0 : i32
        %dma_start3A_510 = arith.constant 0 : i32
        %dma_start3A_511 = tpu.memref_slice %arg3[%dma_start3A_509, %dma_start3A_510] : memref<1000000x64xf32, #tpu.memory_space<hbm>> -> memref<1000000x64xf32, #tpu.memory_space<hbm>>
        %dma_start3A_512 = tpu.memref_slice %arg7[%dma_start3A_501] : memref<2x!tpu.dma_semaphore, #tpu.memory_space<semaphore_mem>> -> memref<1x!tpu.dma_semaphore, #tpu.memory_space<semaphore_mem>>
        %dma_start3A_513 = tpu.memref_squeeze %dma_start3A_512 : memref<1x!tpu.dma_semaphore, #tpu.memory_space<semaphore_mem>> -> memref<!tpu.dma_semaphore, #tpu.memory_space<semaphore_mem>>
        tpu.enqueue_indirect_dma source(%dma_start3A_511 : memref<1000000x64xf32, #tpu.memory_space<hbm>>) target(%dma_start3A_505 : memref<72x64xf32, #tpu.memory_space<vmem>>) offsets(%dma_start3A_508 : memref<72xi32, #tpu.memory_space<vmem>>) semaphore(%dma_start3A_513 : memref<!tpu.dma_semaphore, #tpu.memory_space<semaphore_mem>>)
        %dma_start3A_514 = arith.constant 0 : i32
        %dma_start3A_515 = arith.constant 3 : i32
        %dma_start3A_516 = arith.constant 0 : i32
        %dma_start3A_517 = arith.constant 3 : i32
        %dma_start3A_518 = arith.constant 0 : i32
        %dma_start3A_519 = arith.constant 0 : i32
        %dma_start3A_520 = arith.constant 0 : i32
        %dma_start3A_521 = tpu.memref_slice %arg6[%dma_start3A_516, %dma_start3A_517, %dma_start3A_519, %dma_start3A_520] : memref<2x4x200x64xf32, #tpu.memory_space<vmem>> -> memref<1x1x128x64xf32, #tpu.memory_space<vmem>>
        %dma_start3A_522 = tpu.memref_squeeze %dma_start3A_521 : memref<1x1x128x64xf32, #tpu.memory_space<vmem>> -> memref<128x64xf32, #tpu.memory_space<vmem>>
        %dma_start3A_523 = arith.constant 0 : i32
        %dma_start3A_524 = tpu.memref_slice %arg5[%dma_start3A_514, %dma_start3A_515, %dma_start3A_523] : memref<2x4x200xi32, #tpu.memory_space<vmem>> -> memref<1x1x128xi32, #tpu.memory_space<vmem>>
        %dma_start3A_525 = tpu.memref_squeeze %dma_start3A_524 : memref<1x1x128xi32, #tpu.memory_space<vmem>> -> memref<128xi32, #tpu.memory_space<vmem>>
        %dma_start3A_526 = arith.constant 0 : i32
        %dma_start3A_527 = arith.constant 0 : i32
        %dma_start3A_528 = tpu.memref_slice %arg3[%dma_start3A_526, %dma_start3A_527] : memref<1000000x64xf32, #tpu.memory_space<hbm>> -> memref<1000000x64xf32, #tpu.memory_space<hbm>>
        %dma_start3A_529 = tpu.memref_slice %arg7[%dma_start3A_518] : memref<2x!tpu.dma_semaphore, #tpu.memory_space<semaphore_mem>> -> memref<1x!tpu.dma_semaphore, #tpu.memory_space<semaphore_mem>>
        %dma_start3A_530 = tpu.memref_squeeze %dma_start3A_529 : memref<1x!tpu.dma_semaphore, #tpu.memory_space<semaphore_mem>> -> memref<!tpu.dma_semaphore, #tpu.memory_space<semaphore_mem>>
        tpu.enqueue_indirect_dma source(%dma_start3A_528 : memref<1000000x64xf32, #tpu.memory_space<hbm>>) target(%dma_start3A_522 : memref<128x64xf32, #tpu.memory_space<vmem>>) offsets(%dma_start3A_525 : memref<128xi32, #tpu.memory_space<vmem>>) semaphore(%dma_start3A_530 : memref<!tpu.dma_semaphore, #tpu.memory_space<semaphore_mem>>)
        %dma_start3A_531 = arith.constant 0 : i32
        %dma_start3A_532 = arith.constant 3 : i32
        %dma_start3A_533 = arith.constant 0 : i32
        %dma_start3A_534 = arith.constant 3 : i32
        %dma_start3A_535 = arith.constant 0 : i32
        %dma_start3A_536 = arith.constant 128 : i32
        %dma_start3A_537 = arith.constant 0 : i32
        %dma_start3A_538 = tpu.memref_slice %arg6[%dma_start3A_533, %dma_start3A_534, %dma_start3A_536, %dma_start3A_537] : memref<2x4x200x64xf32, #tpu.memory_space<vmem>> -> memref<1x1x72x64xf32, #tpu.memory_space<vmem>>
        %dma_start3A_539 = tpu.memref_squeeze %dma_start3A_538 : memref<1x1x72x64xf32, #tpu.memory_space<vmem>> -> memref<72x64xf32, #tpu.memory_space<vmem>>
        %dma_start3A_540 = arith.constant 128 : i32
        %dma_start3A_541 = tpu.memref_slice %arg5[%dma_start3A_531, %dma_start3A_532, %dma_start3A_540] : memref<2x4x200xi32, #tpu.memory_space<vmem>> -> memref<1x1x72xi32, #tpu.memory_space<vmem>>
        %dma_start3A_542 = tpu.memref_squeeze %dma_start3A_541 : memref<1x1x72xi32, #tpu.memory_space<vmem>> -> memref<72xi32, #tpu.memory_space<vmem>>
        %dma_start3A_543 = arith.constant 0 : i32
        %dma_start3A_544 = arith.constant 0 : i32
        %dma_start3A_545 = tpu.memref_slice %arg3[%dma_start3A_543, %dma_start3A_544] : memref<1000000x64xf32, #tpu.memory_space<hbm>> -> memref<1000000x64xf32, #tpu.memory_space<hbm>>
        %dma_start3A_546 = tpu.memref_slice %arg7[%dma_start3A_535] : memref<2x!tpu.dma_semaphore, #tpu.memory_space<semaphore_mem>> -> memref<1x!tpu.dma_semaphore, #tpu.memory_space<semaphore_mem>>
        %dma_start3A_547 = tpu.memref_squeeze %dma_start3A_546 : memref<1x!tpu.dma_semaphore, #tpu.memory_space<semaphore_mem>> -> memref<!tpu.dma_semaphore, #tpu.memory_space<semaphore_mem>>
        tpu.enqueue_indirect_dma source(%dma_start3A_545 : memref<1000000x64xf32, #tpu.memory_space<hbm>>) target(%dma_start3A_539 : memref<72x64xf32, #tpu.memory_space<vmem>>) offsets(%dma_start3A_542 : memref<72xi32, #tpu.memory_space<vmem>>) semaphore(%dma_start3A_547 : memref<!tpu.dma_semaphore, #tpu.memory_space<semaphore_mem>>)
      } else {
      }
      %add3A_349 = arith.constant 1 : i32
      %add3A_350 = arith.addi %mul3A_149, %add3A_349 : i32
      %dma_wait3A_351 = arith.constant 1 : i32
      %dma_wait3A_352 = arith.constant 1 : i32
      %dma_wait3A_353 = arith.constant 0 : i32
      %dma_wait3A_354 = arith.constant 0 : i32
      %dma_wait3A_355 = arith.constant 0 : i32
      %dma_wait3A_356 = tpu.memref_slice %arg6[%dma_wait3A_351, %dma_wait3A_353, %dma_wait3A_354, %dma_wait3A_355] : memref<2x4x200x64xf32, #tpu.memory_space<vmem>> -> memref<1x4x200x64xf32, #tpu.memory_space<vmem>>
      %dma_wait3A_357 = tpu.memref_squeeze %dma_wait3A_356 : memref<1x4x200x64xf32, #tpu.memory_space<vmem>> -> memref<4x200x64xf32, #tpu.memory_space<vmem>>
      %dma_wait3A_358 = arith.constant 0 : i32
      %dma_wait3A_359 = arith.constant 0 : i32
      %dma_wait3A_360 = arith.constant 0 : i32
      %dma_wait3A_361 = tpu.memref_slice %arg4[%dma_wait3A_358, %dma_wait3A_359, %dma_wait3A_360] : memref<4096x200x128xf32, #tpu.memory_space<hbm>> -> memref<4x200x64xf32, #tpu.memory_space<hbm>>
      %dma_wait3A_362 = tpu.memref_slice %arg7[%dma_wait3A_352] : memref<2x!tpu.dma_semaphore, #tpu.memory_space<semaphore_mem>> -> memref<1x!tpu.dma_semaphore, #tpu.memory_space<semaphore_mem>>
      %dma_wait3A_363 = tpu.memref_squeeze %dma_wait3A_362 : memref<1x!tpu.dma_semaphore, #tpu.memory_space<semaphore_mem>> -> memref<!tpu.dma_semaphore, #tpu.memory_space<semaphore_mem>>
      %dma_wait3A_364 = arith.constant 0 : i32
      %dma_wait3A_365 = arith.constant 0 : i32
      %dma_wait3A_366 = arith.constant 0 : i32
      %dma_wait3A_367 = tpu.memref_slice %arg6[%dma_wait3A_351, %dma_wait3A_364, %dma_wait3A_365, %dma_wait3A_366] : memref<2x4x200x64xf32, #tpu.memory_space<vmem>> -> memref<1x4x200x64xf32, #tpu.memory_space<vmem>>
      %dma_wait3A_368 = tpu.memref_squeeze %dma_wait3A_367 : memref<1x4x200x64xf32, #tpu.memory_space<vmem>> -> memref<4x200x64xf32, #tpu.memory_space<vmem>>
      %dma_wait3A_369 = arith.constant 0 : i32
      %dma_wait3A_370 = arith.constant 0 : i32
      %dma_wait3A_371 = arith.constant 0 : i32
      %dma_wait3A_372 = tpu.memref_slice %arg4[%dma_wait3A_369, %dma_wait3A_370, %dma_wait3A_371] : memref<4096x200x128xf32, #tpu.memory_space<hbm>> -> memref<4x200x64xf32, #tpu.memory_space<hbm>>
      tpu.wait_dma2 semaphore(%dma_wait3A_363 : memref<!tpu.dma_semaphore, #tpu.memory_space<semaphore_mem>>) src(%dma_wait3A_372 : memref<4x200x64xf32, #tpu.memory_space<hbm>>) dst(%dma_wait3A_368 : memref<4x200x64xf32, #tpu.memory_space<vmem>>)
      %scan3A_373 = arith.constant 0 : i32
      %scan3A_374 = arith.constant 0 : i32
      %scan3A_375 = arith.constant 50 : i32
      %scan3A_376 = arith.addi %scan3A_374, %scan3A_375 : i32
      %scan3A_377 = arith.constant 1 : i32
      %scan3A_378 = scf.for %scan3A_406 = %scan3A_374 to %scan3A_376 step %scan3A_377 iter_args(%scan3A_407 = %scan3A_373) -> (i32)  : i32 {
        %mul3A_408 = arith.constant 4 : i32
        %mul3A_409 = arith.muli %scan3A_406, %mul3A_408 : i32
        %add3A_410 = arith.constant 0 : i32
        %add3A_411 = arith.addi %mul3A_409, %add3A_410 : i32
        %get3A = arith.constant 1 : i32
        %get3A_412 = arith.constant 0 : i32
        %get3A_413 = arith.index_cast %get3A : i32 to index
        %get3A_414 = arith.index_cast %get3A_412 : i32 to index
        %get3A_415 = arith.index_cast %add3A_411 : i32 to index
        %get3A_416 = arith.constant 0 : index
        %get3A_417 = tpu.vector_load %arg6[%get3A_413, %get3A_414, %get3A_415, %get3A_416] {strides = array<i32>} : memref<2x4x200x64xf32, #tpu.memory_space<vmem>>, vector<1x1x1x16xf32>,
        %get3A_418 = vector.shape_cast %get3A_417 : vector<1x1x1x16xf32> to vector<16xf32>
        %mul3A_419 = arith.constant 8.000000e+00 : f32
        %mul3A_420 = vector.broadcast %mul3A_419 : f32 to vector<16xf32>
        %mul3A_421 = arith.mulf %get3A_418, %mul3A_420 : vector<16xf32>
        %add3A_422 = arith.constant 9.99999982E-14 : f32
        %add3A_423 = vector.broadcast %add3A_422 : f32 to vector<16xf32>
        %add3A_424 = arith.addf %mul3A_421, %add3A_423 : vector<16xf32>
        %add3A_425 = arith.constant 0 : i32
        %add3A_426 = arith.addi %mul3A_409, %add3A_425 : i32
        %swap3A = arith.constant 1 : i32
        %swap3A_427 = arith.constant 0 : i32
        %swap3A_428 = arith.index_cast %swap3A : i32 to index
        %swap3A_429 = arith.index_cast %swap3A_427 : i32 to index
        %swap3A_430 = arith.index_cast %add3A_426 : i32 to index
        %swap3A_431 = arith.constant 0 : index
        %swap3A_432 = tpu.vector_load %arg6[%swap3A_428, %swap3A_429, %swap3A_430, %swap3A_431] {strides = array<i32>} : memref<2x4x200x64xf32, #tpu.memory_space<vmem>>, vector<1x1x1x16xf32>,
        %swap3A_433 = vector.shape_cast %swap3A_432 : vector<1x1x1x16xf32> to vector<16xf32>
        %swap3A_434 = vector.shape_cast %add3A_424 : vector<16xf32> to vector<1x1x1x16xf32>
        tpu.vector_store %arg6[%swap3A_428, %swap3A_429, %swap3A_430, %swap3A_431], %swap3A_434 {strides = array<i32>} : memref<2x4x200x64xf32, #tpu.memory_space<vmem>>, vector<1x1x1x16xf32>,
        %add3A_435 = arith.constant 0 : i32
        %add3A_436 = arith.addi %mul3A_409, %add3A_435 : i32
        %get3A_437 = arith.constant 1 : i32
        %get3A_438 = arith.constant 0 : i32
        %get3A_439 = arith.index_cast %get3A_437 : i32 to index
        %get3A_440 = arith.index_cast %get3A_438 : i32 to index
        %get3A_441 = arith.index_cast %add3A_436 : i32 to index
        %get3A_442 = arith.constant 16 : index
        %get3A_443 = tpu.vector_load %arg6[%get3A_439, %get3A_440, %get3A_441, %get3A_442] {strides = array<i32>} : memref<2x4x200x64xf32, #tpu.memory_space<vmem>>, vector<1x1x1x16xf32>,
        %get3A_444 = vector.shape_cast %get3A_443 : vector<1x1x1x16xf32> to vector<16xf32>
        %mul3A_445 = arith.constant 8.000000e+00 : f32
        %mul3A_446 = vector.broadcast %mul3A_445 : f32 to vector<16xf32>
        %mul3A_447 = arith.mulf %get3A_444, %mul3A_446 : vector<16xf32>
        %add3A_448 = arith.constant 9.99999982E-14 : f32
        %add3A_449 = vector.broadcast %add3A_448 : f32 to vector<16xf32>
        %add3A_450 = arith.addf %mul3A_447, %add3A_449 : vector<16xf32>
        %add3A_451 = arith.constant 0 : i32
        %add3A_452 = arith.addi %mul3A_409, %add3A_451 : i32
        %swap3A_453 = arith.constant 1 : i32
        %swap3A_454 = arith.constant 0 : i32
        %swap3A_455 = arith.index_cast %swap3A_453 : i32 to index
        %swap3A_456 = arith.index_cast %swap3A_454 : i32 to index
        %swap3A_457 = arith.index_cast %add3A_452 : i32 to index
        %swap3A_458 = arith.constant 16 : index
        %swap3A_459 = tpu.vector_load %arg6[%swap3A_455, %swap3A_456, %swap3A_457, %swap3A_458] {strides = array<i32>} : memref<2x4x200x64xf32, #tpu.memory_space<vmem>>, vector<1x1x1x16xf32>,
        %swap3A_460 = vector.shape_cast %swap3A_459 : vector<1x1x1x16xf32> to vector<16xf32>
        %swap3A_461 = vector.shape_cast %add3A_450 : vector<16xf32> to vector<1x1x1x16xf32>
        tpu.vector_store %arg6[%swap3A_455, %swap3A_456, %swap3A_457, %swap3A_458], %swap3A_461 {strides = array<i32>} : memref<2x4x200x64xf32, #tpu.memory_space<vmem>>, vector<1x1x1x16xf32>,
        %add3A_462 = arith.constant 0 : i32
        %add3A_463 = arith.addi %mul3A_409, %add3A_462 : i32
        %get3A_464 = arith.constant 1 : i32
        %get3A_465 = arith.constant 0 : i32
        %get3A_466 = arith.index_cast %get3A_464 : i32 to index
        %get3A_467 = arith.index_cast %get3A_465 : i32 to index
        %get3A_468 = arith.index_cast %add3A_463 : i32 to index
        %get3A_469 = arith.constant 32 : index
        %get3A_470 = tpu.vector_load %arg6[%get3A_466, %get3A_467, %get3A_468, %get3A_469] {strides = array<i32>} : memref<2x4x200x64xf32, #tpu.memory_space<vmem>>, vector<1x1x1x16xf32>,
        %get3A_471 = vector.shape_cast %get3A_470 : vector<1x1x1x16xf32> to vector<16xf32>
        %mul3A_472 = arith.constant 8.000000e+00 : f32
        %mul3A_473 = vector.broadcast %mul3A_472 : f32 to vector<16xf32>
        %mul3A_474 = arith.mulf %get3A_471, %mul3A_473 : vector<16xf32>
        %add3A_475 = arith.constant 9.99999982E-14 : f32
        %add3A_476 = vector.broadcast %add3A_475 : f32 to vector<16xf32>
        %add3A_477 = arith.addf %mul3A_474, %add3A_476 : vector<16xf32>
        %add3A_478 = arith.constant 0 : i32
        %add3A_479 = arith.addi %mul3A_409, %add3A_478 : i32
        %swap3A_480 = arith.constant 1 : i32
        %swap3A_481 = arith.constant 0 : i32
        %swap3A_482 = arith.index_cast %swap3A_480 : i32 to index
        %swap3A_483 = arith.index_cast %swap3A_481 : i32 to index
        %swap3A_484 = arith.index_cast %add3A_479 : i32 to index
        %swap3A_485 = arith.constant 32 : index
        %swap3A_486 = tpu.vector_load %arg6[%swap3A_482, %swap3A_483, %swap3A_484, %swap3A_485] {strides = array<i32>} : memref<2x4x200x64xf32, #tpu.memory_space<vmem>>, vector<1x1x1x16xf32>,
        %swap3A_487 = vector.shape_cast %swap3A_486 : vector<1x1x1x16xf32> to vector<16xf32>
        %swap3A_488 = vector.shape_cast %add3A_477 : vector<16xf32> to vector<1x1x1x16xf32>
        tpu.vector_store %arg6[%swap3A_482, %swap3A_483, %swap3A_484, %swap3A_485], %swap3A_488 {strides = array<i32>} : memref<2x4x200x64xf32, #tpu.memory_space<vmem>>, vector<1x1x1x16xf32>,
        %add3A_489 = arith.constant 0 : i32
        %add3A_490 = arith.addi %mul3A_409, %add3A_489 : i32
        %get3A_491 = arith.constant 1 : i32
        %get3A_492 = arith.constant 0 : i32
        %get3A_493 = arith.index_cast %get3A_491 : i32 to index
        %get3A_494 = arith.index_cast %get3A_492 : i32 to index
        %get3A_495 = arith.index_cast %add3A_490 : i32 to index
        %get3A_496 = arith.constant 48 : index
        %get3A_497 = tpu.vector_load %arg6[%get3A_493, %get3A_494, %get3A_495, %get3A_496] {strides = array<i32>} : memref<2x4x200x64xf32, #tpu.memory_space<vmem>>, vector<1x1x1x16xf32>,
        %get3A_498 = vector.shape_cast %get3A_497 : vector<1x1x1x16xf32> to vector<16xf32>
        %mul3A_499 = arith.constant 8.000000e+00 : f32
        %mul3A_500 = vector.broadcast %mul3A_499 : f32 to vector<16xf32>
        %mul3A_501 = arith.mulf %get3A_498, %mul3A_500 : vector<16xf32>
        %add3A_502 = arith.constant 9.99999982E-14 : f32
        %add3A_503 = vector.broadcast %add3A_502 : f32 to vector<16xf32>
        %add3A_504 = arith.addf %mul3A_501, %add3A_503 : vector<16xf32>
        %add3A_505 = arith.constant 0 : i32
        %add3A_506 = arith.addi %mul3A_409, %add3A_505 : i32
        %swap3A_507 = arith.constant 1 : i32
        %swap3A_508 = arith.constant 0 : i32
        %swap3A_509 = arith.index_cast %swap3A_507 : i32 to index
        %swap3A_510 = arith.index_cast %swap3A_508 : i32 to index
        %swap3A_511 = arith.index_cast %add3A_506 : i32 to index
        %swap3A_512 = arith.constant 48 : index
        %swap3A_513 = tpu.vector_load %arg6[%swap3A_509, %swap3A_510, %swap3A_511, %swap3A_512] {strides = array<i32>} : memref<2x4x200x64xf32, #tpu.memory_space<vmem>>, vector<1x1x1x16xf32>,
        %swap3A_514 = vector.shape_cast %swap3A_513 : vector<1x1x1x16xf32> to vector<16xf32>
        %swap3A_515 = vector.shape_cast %add3A_504 : vector<16xf32> to vector<1x1x1x16xf32>
        tpu.vector_store %arg6[%swap3A_509, %swap3A_510, %swap3A_511, %swap3A_512], %swap3A_515 {strides = array<i32>} : memref<2x4x200x64xf32, #tpu.memory_space<vmem>>, vector<1x1x1x16xf32>,
        %add3A_516 = arith.constant 1 : i32
        %add3A_517 = arith.addi %mul3A_409, %add3A_516 : i32
        %get3A_518 = arith.constant 1 : i32
        %get3A_519 = arith.constant 0 : i32
        %get3A_520 = arith.index_cast %get3A_518 : i32 to index
        %get3A_521 = arith.index_cast %get3A_519 : i32 to index
        %get3A_522 = arith.index_cast %add3A_517 : i32 to index
        %get3A_523 = arith.constant 0 : index
        %get3A_524 = tpu.vector_load %arg6[%get3A_520, %get3A_521, %get3A_522, %get3A_523] {strides = array<i32>} : memref<2x4x200x64xf32, #tpu.memory_space<vmem>>, vector<1x1x1x16xf32>,
        %get3A_525 = vector.shape_cast %get3A_524 : vector<1x1x1x16xf32> to vector<16xf32>
        %mul3A_526 = arith.constant 8.000000e+00 : f32
        %mul3A_527 = vector.broadcast %mul3A_526 : f32 to vector<16xf32>
        %mul3A_528 = arith.mulf %get3A_525, %mul3A_527 : vector<16xf32>
        %add3A_529 = arith.constant 9.99999982E-14 : f32
        %add3A_530 = vector.broadcast %add3A_529 : f32 to vector<16xf32>
        %add3A_531 = arith.addf %mul3A_528, %add3A_530 : vector<16xf32>
        %add3A_532 = arith.constant 1 : i32
        %add3A_533 = arith.addi %mul3A_409, %add3A_532 : i32
        %swap3A_534 = arith.constant 1 : i32
        %swap3A_535 = arith.constant 0 : i32
        %swap3A_536 = arith.index_cast %swap3A_534 : i32 to index
        %swap3A_537 = arith.index_cast %swap3A_535 : i32 to index
        %swap3A_538 = arith.index_cast %add3A_533 : i32 to index
        %swap3A_539 = arith.constant 0 : index
        %swap3A_540 = tpu.vector_load %arg6[%swap3A_536, %swap3A_537, %swap3A_538, %swap3A_539] {strides = array<i32>} : memref<2x4x200x64xf32, #tpu.memory_space<vmem>>, vector<1x1x1x16xf32>,
        %swap3A_541 = vector.shape_cast %swap3A_540 : vector<1x1x1x16xf32> to vector<16xf32>
        %swap3A_542 = vector.shape_cast %add3A_531 : vector<16xf32> to vector<1x1x1x16xf32>
        tpu.vector_store %arg6[%swap3A_536, %swap3A_537, %swap3A_538, %swap3A_539], %swap3A_542 {strides = array<i32>} : memref<2x4x200x64xf32, #tpu.memory_space<vmem>>, vector<1x1x1x16xf32>,
        %add3A_543 = arith.constant 1 : i32
        %add3A_544 = arith.addi %mul3A_409, %add3A_543 : i32
        %get3A_545 = arith.constant 1 : i32
        %get3A_546 = arith.constant 0 : i32
        %get3A_547 = arith.index_cast %get3A_545 : i32 to index
        %get3A_548 = arith.index_cast %get3A_546 : i32 to index
        %get3A_549 = arith.index_cast %add3A_544 : i32 to index
        %get3A_550 = arith.constant 16 : index
        %get3A_551 = tpu.vector_load %arg6[%get3A_547, %get3A_548, %get3A_549, %get3A_550] {strides = array<i32>} : memref<2x4x200x64xf32, #tpu.memory_space<vmem>>, vector<1x1x1x16xf32>,
        %get3A_552 = vector.shape_cast %get3A_551 : vector<1x1x1x16xf32> to vector<16xf32>
        %mul3A_553 = arith.constant 8.000000e+00 : f32
        %mul3A_554 = vector.broadcast %mul3A_553 : f32 to vector<16xf32>
        %mul3A_555 = arith.mulf %get3A_552, %mul3A_554 : vector<16xf32>
        %add3A_556 = arith.constant 9.99999982E-14 : f32
        %add3A_557 = vector.broadcast %add3A_556 : f32 to vector<16xf32>
        %add3A_558 = arith.addf %mul3A_555, %add3A_557 : vector<16xf32>
        %add3A_559 = arith.constant 1 : i32
        %add3A_560 = arith.addi %mul3A_409, %add3A_559 : i32
        %swap3A_561 = arith.constant 1 : i32
        %swap3A_562 = arith.constant 0 : i32
        %swap3A_563 = arith.index_cast %swap3A_561 : i32 to index
        %swap3A_564 = arith.index_cast %swap3A_562 : i32 to index
        %swap3A_565 = arith.index_cast %add3A_560 : i32 to index
        %swap3A_566 = arith.constant 16 : index
        %swap3A_567 = tpu.vector_load %arg6[%swap3A_563, %swap3A_564, %swap3A_565, %swap3A_566] {strides = array<i32>} : memref<2x4x200x64xf32, #tpu.memory_space<vmem>>, vector<1x1x1x16xf32>,
        %swap3A_568 = vector.shape_cast %swap3A_567 : vector<1x1x1x16xf32> to vector<16xf32>
        %swap3A_569 = vector.shape_cast %add3A_558 : vector<16xf32> to vector<1x1x1x16xf32>
        tpu.vector_store %arg6[%swap3A_563, %swap3A_564, %swap3A_565, %swap3A_566], %swap3A_569 {strides = array<i32>} : memref<2x4x200x64xf32, #tpu.memory_space<vmem>>, vector<1x1x1x16xf32>,
        %add3A_570 = arith.constant 1 : i32
        %add3A_571 = arith.addi %mul3A_409, %add3A_570 : i32
        %get3A_572 = arith.constant 1 : i32
        %get3A_573 = arith.constant 0 : i32
        %get3A_574 = arith.index_cast %get3A_572 : i32 to index
        %get3A_575 = arith.index_cast %get3A_573 : i32 to index
        %get3A_576 = arith.index_cast %add3A_571 : i32 to index
        %get3A_577 = arith.constant 32 : index
        %get3A_578 = tpu.vector_load %arg6[%get3A_574, %get3A_575, %get3A_576, %get3A_577] {strides = array<i32>} : memref<2x4x200x64xf32, #tpu.memory_space<vmem>>, vector<1x1x1x16xf32>,
        %get3A_579 = vector.shape_cast %get3A_578 : vector<1x1x1x16xf32> to vector<16xf32>
        %mul3A_580 = arith.constant 8.000000e+00 : f32
        %mul3A_581 = vector.broadcast %mul3A_580 : f32 to vector<16xf32>
        %mul3A_582 = arith.mulf %get3A_579, %mul3A_581 : vector<16xf32>
        %add3A_583 = arith.constant 9.99999982E-14 : f32
        %add3A_584 = vector.broadcast %add3A_583 : f32 to vector<16xf32>
        %add3A_585 = arith.addf %mul3A_582, %add3A_584 : vector<16xf32>
        %add3A_586 = arith.constant 1 : i32
        %add3A_587 = arith.addi %mul3A_409, %add3A_586 : i32
        %swap3A_588 = arith.constant 1 : i32
        %swap3A_589 = arith.constant 0 : i32
        %swap3A_590 = arith.index_cast %swap3A_588 : i32 to index
        %swap3A_591 = arith.index_cast %swap3A_589 : i32 to index
        %swap3A_592 = arith.index_cast %add3A_587 : i32 to index
        %swap3A_593 = arith.constant 32 : index
        %swap3A_594 = tpu.vector_load %arg6[%swap3A_590, %swap3A_591, %swap3A_592, %swap3A_593] {strides = array<i32>} : memref<2x4x200x64xf32, #tpu.memory_space<vmem>>, vector<1x1x1x16xf32>,
        %swap3A_595 = vector.shape_cast %swap3A_594 : vector<1x1x1x16xf32> to vector<16xf32>
        %swap3A_596 = vector.shape_cast %add3A_585 : vector<16xf32> to vector<1x1x1x16xf32>
        tpu.vector_store %arg6[%swap3A_590, %swap3A_591, %swap3A_592, %swap3A_593], %swap3A_596 {strides = array<i32>} : memref<2x4x200x64xf32, #tpu.memory_space<vmem>>, vector<1x1x1x16xf32>,
        %add3A_597 = arith.constant 1 : i32
        %add3A_598 = arith.addi %mul3A_409, %add3A_597 : i32
        %get3A_599 = arith.constant 1 : i32
        %get3A_600 = arith.constant 0 : i32
        %get3A_601 = arith.index_cast %get3A_599 : i32 to index
        %get3A_602 = arith.index_cast %get3A_600 : i32 to index
        %get3A_603 = arith.index_cast %add3A_598 : i32 to index
        %get3A_604 = arith.constant 48 : index
        %get3A_605 = tpu.vector_load %arg6[%get3A_601, %get3A_602, %get3A_603, %get3A_604] {strides = array<i32>} : memref<2x4x200x64xf32, #tpu.memory_space<vmem>>, vector<1x1x1x16xf32>,
        %get3A_606 = vector.shape_cast %get3A_605 : vector<1x1x1x16xf32> to vector<16xf32>
        %mul3A_607 = arith.constant 8.000000e+00 : f32
        %mul3A_608 = vector.broadcast %mul3A_607 : f32 to vector<16xf32>
        %mul3A_609 = arith.mulf %get3A_606, %mul3A_608 : vector<16xf32>
        %add3A_610 = arith.constant 9.99999982E-14 : f32
        %add3A_611 = vector.broadcast %add3A_610 : f32 to vector<16xf32>
        %add3A_612 = arith.addf %mul3A_609, %add3A_611 : vector<16xf32>
        %add3A_613 = arith.constant 1 : i32
        %add3A_614 = arith.addi %mul3A_409, %add3A_613 : i32
        %swap3A_615 = arith.constant 1 : i32
        %swap3A_616 = arith.constant 0 : i32
        %swap3A_617 = arith.index_cast %swap3A_615 : i32 to index
        %swap3A_618 = arith.index_cast %swap3A_616 : i32 to index
        %swap3A_619 = arith.index_cast %add3A_614 : i32 to index
        %swap3A_620 = arith.constant 48 : index
        %swap3A_621 = tpu.vector_load %arg6[%swap3A_617, %swap3A_618, %swap3A_619, %swap3A_620] {strides = array<i32>} : memref<2x4x200x64xf32, #tpu.memory_space<vmem>>, vector<1x1x1x16xf32>,
        %swap3A_622 = vector.shape_cast %swap3A_621 : vector<1x1x1x16xf32> to vector<16xf32>
        %swap3A_623 = vector.shape_cast %add3A_612 : vector<16xf32> to vector<1x1x1x16xf32>
        tpu.vector_store %arg6[%swap3A_617, %swap3A_618, %swap3A_619, %swap3A_620], %swap3A_623 {strides = array<i32>} : memref<2x4x200x64xf32, #tpu.memory_space<vmem>>, vector<1x1x1x16xf32>,
        %add3A_624 = arith.constant 2 : i32
        %add3A_625 = arith.addi %mul3A_409, %add3A_624 : i32
        %get3A_626 = arith.constant 1 : i32
        %get3A_627 = arith.constant 0 : i32
        %get3A_628 = arith.index_cast %get3A_626 : i32 to index
        %get3A_629 = arith.index_cast %get3A_627 : i32 to index
        %get3A_630 = arith.index_cast %add3A_625 : i32 to index
        %get3A_631 = arith.constant 0 : index
        %get3A_632 = tpu.vector_load %arg6[%get3A_628, %get3A_629, %get3A_630, %get3A_631] {strides = array<i32>} : memref<2x4x200x64xf32, #tpu.memory_space<vmem>>, vector<1x1x1x16xf32>,
        %get3A_633 = vector.shape_cast %get3A_632 : vector<1x1x1x16xf32> to vector<16xf32>
        %mul3A_634 = arith.constant 8.000000e+00 : f32
        %mul3A_635 = vector.broadcast %mul3A_634 : f32 to vector<16xf32>
        %mul3A_636 = arith.mulf %get3A_633, %mul3A_635 : vector<16xf32>
        %add3A_637 = arith.constant 9.99999982E-14 : f32
        %add3A_638 = vector.broadcast %add3A_637 : f32 to vector<16xf32>
        %add3A_639 = arith.addf %mul3A_636, %add3A_638 : vector<16xf32>
        %add3A_640 = arith.constant 2 : i32
        %add3A_641 = arith.addi %mul3A_409, %add3A_640 : i32
        %swap3A_642 = arith.constant 1 : i32
        %swap3A_643 = arith.constant 0 : i32
        %swap3A_644 = arith.index_cast %swap3A_642 : i32 to index
        %swap3A_645 = arith.index_cast %swap3A_643 : i32 to index
        %swap3A_646 = arith.index_cast %add3A_641 : i32 to index
        %swap3A_647 = arith.constant 0 : index
        %swap3A_648 = tpu.vector_load %arg6[%swap3A_644, %swap3A_645, %swap3A_646, %swap3A_647] {strides = array<i32>} : memref<2x4x200x64xf32, #tpu.memory_space<vmem>>, vector<1x1x1x16xf32>,
        %swap3A_649 = vector.shape_cast %swap3A_648 : vector<1x1x1x16xf32> to vector<16xf32>
        %swap3A_650 = vector.shape_cast %add3A_639 : vector<16xf32> to vector<1x1x1x16xf32>
        tpu.vector_store %arg6[%swap3A_644, %swap3A_645, %swap3A_646, %swap3A_647], %swap3A_650 {strides = array<i32>} : memref<2x4x200x64xf32, #tpu.memory_space<vmem>>, vector<1x1x1x16xf32>,
        %add3A_651 = arith.constant 2 : i32
        %add3A_652 = arith.addi %mul3A_409, %add3A_651 : i32
        %get3A_653 = arith.constant 1 : i32
        %get3A_654 = arith.constant 0 : i32
        %get3A_655 = arith.index_cast %get3A_653 : i32 to index
        %get3A_656 = arith.index_cast %get3A_654 : i32 to index
        %get3A_657 = arith.index_cast %add3A_652 : i32 to index
        %get3A_658 = arith.constant 16 : index
        %get3A_659 = tpu.vector_load %arg6[%get3A_655, %get3A_656, %get3A_657, %get3A_658] {strides = array<i32>} : memref<2x4x200x64xf32, #tpu.memory_space<vmem>>, vector<1x1x1x16xf32>,
        %get3A_660 = vector.shape_cast %get3A_659 : vector<1x1x1x16xf32> to vector<16xf32>
        %mul3A_661 = arith.constant 8.000000e+00 : f32
        %mul3A_662 = vector.broadcast %mul3A_661 : f32 to vector<16xf32>
        %mul3A_663 = arith.mulf %get3A_660, %mul3A_662 : vector<16xf32>
        %add3A_664 = arith.constant 9.99999982E-14 : f32
        %add3A_665 = vector.broadcast %add3A_664 : f32 to vector<16xf32>
        %add3A_666 = arith.addf %mul3A_663, %add3A_665 : vector<16xf32>
        %add3A_667 = arith.constant 2 : i32
        %add3A_668 = arith.addi %mul3A_409, %add3A_667 : i32
        %swap3A_669 = arith.constant 1 : i32
        %swap3A_670 = arith.constant 0 : i32
        %swap3A_671 = arith.index_cast %swap3A_669 : i32 to index
        %swap3A_672 = arith.index_cast %swap3A_670 : i32 to index
        %swap3A_673 = arith.index_cast %add3A_668 : i32 to index
        %swap3A_674 = arith.constant 16 : index
        %swap3A_675 = tpu.vector_load %arg6[%swap3A_671, %swap3A_672, %swap3A_673, %swap3A_674] {strides = array<i32>} : memref<2x4x200x64xf32, #tpu.memory_space<vmem>>, vector<1x1x1x16xf32>,
        %swap3A_676 = vector.shape_cast %swap3A_675 : vector<1x1x1x16xf32> to vector<16xf32>
        %swap3A_677 = vector.shape_cast %add3A_666 : vector<16xf32> to vector<1x1x1x16xf32>
        tpu.vector_store %arg6[%swap3A_671, %swap3A_672, %swap3A_673, %swap3A_674], %swap3A_677 {strides = array<i32>} : memref<2x4x200x64xf32, #tpu.memory_space<vmem>>, vector<1x1x1x16xf32>,
        %add3A_678 = arith.constant 2 : i32
        %add3A_679 = arith.addi %mul3A_409, %add3A_678 : i32
        %get3A_680 = arith.constant 1 : i32
        %get3A_681 = arith.constant 0 : i32
        %get3A_682 = arith.index_cast %get3A_680 : i32 to index
        %get3A_683 = arith.index_cast %get3A_681 : i32 to index
        %get3A_684 = arith.index_cast %add3A_679 : i32 to index
        %get3A_685 = arith.constant 32 : index
        %get3A_686 = tpu.vector_load %arg6[%get3A_682, %get3A_683, %get3A_684, %get3A_685] {strides = array<i32>} : memref<2x4x200x64xf32, #tpu.memory_space<vmem>>, vector<1x1x1x16xf32>,
        %get3A_687 = vector.shape_cast %get3A_686 : vector<1x1x1x16xf32> to vector<16xf32>
        %mul3A_688 = arith.constant 8.000000e+00 : f32
        %mul3A_689 = vector.broadcast %mul3A_688 : f32 to vector<16xf32>
        %mul3A_690 = arith.mulf %get3A_687, %mul3A_689 : vector<16xf32>
        %add3A_691 = arith.constant 9.99999982E-14 : f32
        %add3A_692 = vector.broadcast %add3A_691 : f32 to vector<16xf32>
        %add3A_693 = arith.addf %mul3A_690, %add3A_692 : vector<16xf32>
        %add3A_694 = arith.constant 2 : i32
        %add3A_695 = arith.addi %mul3A_409, %add3A_694 : i32
        %swap3A_696 = arith.constant 1 : i32
        %swap3A_697 = arith.constant 0 : i32
        %swap3A_698 = arith.index_cast %swap3A_696 : i32 to index
        %swap3A_699 = arith.index_cast %swap3A_697 : i32 to index
        %swap3A_700 = arith.index_cast %add3A_695 : i32 to index
        %swap3A_701 = arith.constant 32 : index
        %swap3A_702 = tpu.vector_load %arg6[%swap3A_698, %swap3A_699, %swap3A_700, %swap3A_701] {strides = array<i32>} : memref<2x4x200x64xf32, #tpu.memory_space<vmem>>, vector<1x1x1x16xf32>,
        %swap3A_703 = vector.shape_cast %swap3A_702 : vector<1x1x1x16xf32> to vector<16xf32>
        %swap3A_704 = vector.shape_cast %add3A_693 : vector<16xf32> to vector<1x1x1x16xf32>
        tpu.vector_store %arg6[%swap3A_698, %swap3A_699, %swap3A_700, %swap3A_701], %swap3A_704 {strides = array<i32>} : memref<2x4x200x64xf32, #tpu.memory_space<vmem>>, vector<1x1x1x16xf32>,
        %add3A_705 = arith.constant 2 : i32
        %add3A_706 = arith.addi %mul3A_409, %add3A_705 : i32
        %get3A_707 = arith.constant 1 : i32
        %get3A_708 = arith.constant 0 : i32
        %get3A_709 = arith.index_cast %get3A_707 : i32 to index
        %get3A_710 = arith.index_cast %get3A_708 : i32 to index
        %get3A_711 = arith.index_cast %add3A_706 : i32 to index
        %get3A_712 = arith.constant 48 : index
        %get3A_713 = tpu.vector_load %arg6[%get3A_709, %get3A_710, %get3A_711, %get3A_712] {strides = array<i32>} : memref<2x4x200x64xf32, #tpu.memory_space<vmem>>, vector<1x1x1x16xf32>,
        %get3A_714 = vector.shape_cast %get3A_713 : vector<1x1x1x16xf32> to vector<16xf32>
        %mul3A_715 = arith.constant 8.000000e+00 : f32
        %mul3A_716 = vector.broadcast %mul3A_715 : f32 to vector<16xf32>
        %mul3A_717 = arith.mulf %get3A_714, %mul3A_716 : vector<16xf32>
        %add3A_718 = arith.constant 9.99999982E-14 : f32
        %add3A_719 = vector.broadcast %add3A_718 : f32 to vector<16xf32>
        %add3A_720 = arith.addf %mul3A_717, %add3A_719 : vector<16xf32>
        %add3A_721 = arith.constant 2 : i32
        %add3A_722 = arith.addi %mul3A_409, %add3A_721 : i32
        %swap3A_723 = arith.constant 1 : i32
        %swap3A_724 = arith.constant 0 : i32
        %swap3A_725 = arith.index_cast %swap3A_723 : i32 to index
        %swap3A_726 = arith.index_cast %swap3A_724 : i32 to index
        %swap3A_727 = arith.index_cast %add3A_722 : i32 to index
        %swap3A_728 = arith.constant 48 : index
        %swap3A_729 = tpu.vector_load %arg6[%swap3A_725, %swap3A_726, %swap3A_727, %swap3A_728] {strides = array<i32>} : memref<2x4x200x64xf32, #tpu.memory_space<vmem>>, vector<1x1x1x16xf32>,
        %swap3A_730 = vector.shape_cast %swap3A_729 : vector<1x1x1x16xf32> to vector<16xf32>
        %swap3A_731 = vector.shape_cast %add3A_720 : vector<16xf32> to vector<1x1x1x16xf32>
        tpu.vector_store %arg6[%swap3A_725, %swap3A_726, %swap3A_727, %swap3A_728], %swap3A_731 {strides = array<i32>} : memref<2x4x200x64xf32, #tpu.memory_space<vmem>>, vector<1x1x1x16xf32>,
        %add3A_732 = arith.constant 3 : i32
        %add3A_733 = arith.addi %mul3A_409, %add3A_732 : i32
        %get3A_734 = arith.constant 1 : i32
        %get3A_735 = arith.constant 0 : i32
        %get3A_736 = arith.index_cast %get3A_734 : i32 to index
        %get3A_737 = arith.index_cast %get3A_735 : i32 to index
        %get3A_738 = arith.index_cast %add3A_733 : i32 to index
        %get3A_739 = arith.constant 0 : index
        %get3A_740 = tpu.vector_load %arg6[%get3A_736, %get3A_737, %get3A_738, %get3A_739] {strides = array<i32>} : memref<2x4x200x64xf32, #tpu.memory_space<vmem>>, vector<1x1x1x16xf32>,
        %get3A_741 = vector.shape_cast %get3A_740 : vector<1x1x1x16xf32> to vector<16xf32>
        %mul3A_742 = arith.constant 8.000000e+00 : f32
        %mul3A_743 = vector.broadcast %mul3A_742 : f32 to vector<16xf32>
        %mul3A_744 = arith.mulf %get3A_741, %mul3A_743 : vector<16xf32>
        %add3A_745 = arith.constant 9.99999982E-14 : f32
        %add3A_746 = vector.broadcast %add3A_745 : f32 to vector<16xf32>
        %add3A_747 = arith.addf %mul3A_744, %add3A_746 : vector<16xf32>
        %add3A_748 = arith.constant 3 : i32
        %add3A_749 = arith.addi %mul3A_409, %add3A_748 : i32
        %swap3A_750 = arith.constant 1 : i32
        %swap3A_751 = arith.constant 0 : i32
        %swap3A_752 = arith.index_cast %swap3A_750 : i32 to index
        %swap3A_753 = arith.index_cast %swap3A_751 : i32 to index
        %swap3A_754 = arith.index_cast %add3A_749 : i32 to index
        %swap3A_755 = arith.constant 0 : index
        %swap3A_756 = tpu.vector_load %arg6[%swap3A_752, %swap3A_753, %swap3A_754, %swap3A_755] {strides = array<i32>} : memref<2x4x200x64xf32, #tpu.memory_space<vmem>>, vector<1x1x1x16xf32>,
        %swap3A_757 = vector.shape_cast %swap3A_756 : vector<1x1x1x16xf32> to vector<16xf32>
        %swap3A_758 = vector.shape_cast %add3A_747 : vector<16xf32> to vector<1x1x1x16xf32>
        tpu.vector_store %arg6[%swap3A_752, %swap3A_753, %swap3A_754, %swap3A_755], %swap3A_758 {strides = array<i32>} : memref<2x4x200x64xf32, #tpu.memory_space<vmem>>, vector<1x1x1x16xf32>,
        %add3A_759 = arith.constant 3 : i32
        %add3A_760 = arith.addi %mul3A_409, %add3A_759 : i32
        %get3A_761 = arith.constant 1 : i32
        %get3A_762 = arith.constant 0 : i32
        %get3A_763 = arith.index_cast %get3A_761 : i32 to index
        %get3A_764 = arith.index_cast %get3A_762 : i32 to index
        %get3A_765 = arith.index_cast %add3A_760 : i32 to index
        %get3A_766 = arith.constant 16 : index
        %get3A_767 = tpu.vector_load %arg6[%get3A_763, %get3A_764, %get3A_765, %get3A_766] {strides = array<i32>} : memref<2x4x200x64xf32, #tpu.memory_space<vmem>>, vector<1x1x1x16xf32>,
        %get3A_768 = vector.shape_cast %get3A_767 : vector<1x1x1x16xf32> to vector<16xf32>
        %mul3A_769 = arith.constant 8.000000e+00 : f32
        %mul3A_770 = vector.broadcast %mul3A_769 : f32 to vector<16xf32>
        %mul3A_771 = arith.mulf %get3A_768, %mul3A_770 : vector<16xf32>
        %add3A_772 = arith.constant 9.99999982E-14 : f32
        %add3A_773 = vector.broadcast %add3A_772 : f32 to vector<16xf32>
        %add3A_774 = arith.addf %mul3A_771, %add3A_773 : vector<16xf32>
        %add3A_775 = arith.constant 3 : i32
        %add3A_776 = arith.addi %mul3A_409, %add3A_775 : i32
        %swap3A_777 = arith.constant 1 : i32
        %swap3A_778 = arith.constant 0 : i32
        %swap3A_779 = arith.index_cast %swap3A_777 : i32 to index
        %swap3A_780 = arith.index_cast %swap3A_778 : i32 to index
        %swap3A_781 = arith.index_cast %add3A_776 : i32 to index
        %swap3A_782 = arith.constant 16 : index
        %swap3A_783 = tpu.vector_load %arg6[%swap3A_779, %swap3A_780, %swap3A_781, %swap3A_782] {strides = array<i32>} : memref<2x4x200x64xf32, #tpu.memory_space<vmem>>, vector<1x1x1x16xf32>,
        %swap3A_784 = vector.shape_cast %swap3A_783 : vector<1x1x1x16xf32> to vector<16xf32>
        %swap3A_785 = vector.shape_cast %add3A_774 : vector<16xf32> to vector<1x1x1x16xf32>
        tpu.vector_store %arg6[%swap3A_779, %swap3A_780, %swap3A_781, %swap3A_782], %swap3A_785 {strides = array<i32>} : memref<2x4x200x64xf32, #tpu.memory_space<vmem>>, vector<1x1x1x16xf32>,
        %add3A_786 = arith.constant 3 : i32
        %add3A_787 = arith.addi %mul3A_409, %add3A_786 : i32
        %get3A_788 = arith.constant 1 : i32
        %get3A_789 = arith.constant 0 : i32
        %get3A_790 = arith.index_cast %get3A_788 : i32 to index
        %get3A_791 = arith.index_cast %get3A_789 : i32 to index
        %get3A_792 = arith.index_cast %add3A_787 : i32 to index
        %get3A_793 = arith.constant 32 : index
        %get3A_794 = tpu.vector_load %arg6[%get3A_790, %get3A_791, %get3A_792, %get3A_793] {strides = array<i32>} : memref<2x4x200x64xf32, #tpu.memory_space<vmem>>, vector<1x1x1x16xf32>,
        %get3A_795 = vector.shape_cast %get3A_794 : vector<1x1x1x16xf32> to vector<16xf32>
        %mul3A_796 = arith.constant 8.000000e+00 : f32
        %mul3A_797 = vector.broadcast %mul3A_796 : f32 to vector<16xf32>
        %mul3A_798 = arith.mulf %get3A_795, %mul3A_797 : vector<16xf32>
        %add3A_799 = arith.constant 9.99999982E-14 : f32
        %add3A_800 = vector.broadcast %add3A_799 : f32 to vector<16xf32>
        %add3A_801 = arith.addf %mul3A_798, %add3A_800 : vector<16xf32>
        %add3A_802 = arith.constant 3 : i32
        %add3A_803 = arith.addi %mul3A_409, %add3A_802 : i32
        %swap3A_804 = arith.constant 1 : i32
        %swap3A_805 = arith.constant 0 : i32
        %swap3A_806 = arith.index_cast %swap3A_804 : i32 to index
        %swap3A_807 = arith.index_cast %swap3A_805 : i32 to index
        %swap3A_808 = arith.index_cast %add3A_803 : i32 to index
        %swap3A_809 = arith.constant 32 : index
        %swap3A_810 = tpu.vector_load %arg6[%swap3A_806, %swap3A_807, %swap3A_808, %swap3A_809] {strides = array<i32>} : memref<2x4x200x64xf32, #tpu.memory_space<vmem>>, vector<1x1x1x16xf32>,
        %swap3A_811 = vector.shape_cast %swap3A_810 : vector<1x1x1x16xf32> to vector<16xf32>
        %swap3A_812 = vector.shape_cast %add3A_801 : vector<16xf32> to vector<1x1x1x16xf32>
        tpu.vector_store %arg6[%swap3A_806, %swap3A_807, %swap3A_808, %swap3A_809], %swap3A_812 {strides = array<i32>} : memref<2x4x200x64xf32, #tpu.memory_space<vmem>>, vector<1x1x1x16xf32>,
        %add3A_813 = arith.constant 3 : i32
        %add3A_814 = arith.addi %mul3A_409, %add3A_813 : i32
        %get3A_815 = arith.constant 1 : i32
        %get3A_816 = arith.constant 0 : i32
        %get3A_817 = arith.index_cast %get3A_815 : i32 to index
        %get3A_818 = arith.index_cast %get3A_816 : i32 to index
        %get3A_819 = arith.index_cast %add3A_814 : i32 to index
        %get3A_820 = arith.constant 48 : index
        %get3A_821 = tpu.vector_load %arg6[%get3A_817, %get3A_818, %get3A_819, %get3A_820] {strides = array<i32>} : memref<2x4x200x64xf32, #tpu.memory_space<vmem>>, vector<1x1x1x16xf32>,
        %get3A_822 = vector.shape_cast %get3A_821 : vector<1x1x1x16xf32> to vector<16xf32>
        %mul3A_823 = arith.constant 8.000000e+00 : f32
        %mul3A_824 = vector.broadcast %mul3A_823 : f32 to vector<16xf32>
        %mul3A_825 = arith.mulf %get3A_822, %mul3A_824 : vector<16xf32>
        %add3A_826 = arith.constant 9.99999982E-14 : f32
        %add3A_827 = vector.broadcast %add3A_826 : f32 to vector<16xf32>
        %add3A_828 = arith.addf %mul3A_825, %add3A_827 : vector<16xf32>
        %add3A_829 = arith.constant 3 : i32
        %add3A_830 = arith.addi %mul3A_409, %add3A_829 : i32
        %swap3A_831 = arith.constant 1 : i32
        %swap3A_832 = arith.constant 0 : i32
        %swap3A_833 = arith.index_cast %swap3A_831 : i32 to index
        %swap3A_834 = arith.index_cast %swap3A_832 : i32 to index
        %swap3A_835 = arith.index_cast %add3A_830 : i32 to index
        %swap3A_836 = arith.constant 48 : index
        %swap3A_837 = tpu.vector_load %arg6[%swap3A_833, %swap3A_834, %swap3A_835, %swap3A_836] {strides = array<i32>} : memref<2x4x200x64xf32, #tpu.memory_space<vmem>>, vector<1x1x1x16xf32>,
        %swap3A_838 = vector.shape_cast %swap3A_837 : vector<1x1x1x16xf32> to vector<16xf32>
        %swap3A_839 = vector.shape_cast %add3A_828 : vector<16xf32> to vector<1x1x1x16xf32>
        tpu.vector_store %arg6[%swap3A_833, %swap3A_834, %swap3A_835, %swap3A_836], %swap3A_839 {strides = array<i32>} : memref<2x4x200x64xf32, #tpu.memory_space<vmem>>, vector<1x1x1x16xf32>,
        %scan3A_840 = arith.constant 0 : i32
        scf.yield %scan3A_840 : i32
      }
      %scan3A_379 = arith.constant 50 : i32
      %scan3A_380 = arith.constant 0 : i32
      %scan3A_381 = arith.constant 0 : i32
      %scan3A_382 = arith.constant 50 : i32
      %scan3A_383 = arith.addi %scan3A_381, %scan3A_382 : i32
      %scan3A_384 = arith.constant 1 : i32
      %scan3A_385 = scf.for %scan3A_406 = %scan3A_381 to %scan3A_383 step %scan3A_384 iter_args(%scan3A_407 = %scan3A_380) -> (i32)  : i32 {
        %mul3A_408 = arith.constant 4 : i32
        %mul3A_409 = arith.muli %scan3A_406, %mul3A_408 : i32
        %add3A_410 = arith.constant 0 : i32
        %add3A_411 = arith.addi %mul3A_409, %add3A_410 : i32
        %get3A = arith.constant 1 : i32
        %get3A_412 = arith.constant 1 : i32
        %get3A_413 = arith.index_cast %get3A : i32 to index
        %get3A_414 = arith.index_cast %get3A_412 : i32 to index
        %get3A_415 = arith.index_cast %add3A_411 : i32 to index
        %get3A_416 = arith.constant 0 : index
        %get3A_417 = tpu.vector_load %arg6[%get3A_413, %get3A_414, %get3A_415, %get3A_416] {strides = array<i32>} : memref<2x4x200x64xf32, #tpu.memory_space<vmem>>, vector<1x1x1x16xf32>,
        %get3A_418 = vector.shape_cast %get3A_417 : vector<1x1x1x16xf32> to vector<16xf32>
        %mul3A_419 = arith.constant 8.000000e+00 : f32
        %mul3A_420 = vector.broadcast %mul3A_419 : f32 to vector<16xf32>
        %mul3A_421 = arith.mulf %get3A_418, %mul3A_420 : vector<16xf32>
        %add3A_422 = arith.constant 9.99999982E-14 : f32
        %add3A_423 = vector.broadcast %add3A_422 : f32 to vector<16xf32>
        %add3A_424 = arith.addf %mul3A_421, %add3A_423 : vector<16xf32>
        %add3A_425 = arith.constant 0 : i32
        %add3A_426 = arith.addi %mul3A_409, %add3A_425 : i32
        %swap3A = arith.constant 1 : i32
        %swap3A_427 = arith.constant 1 : i32
        %swap3A_428 = arith.index_cast %swap3A : i32 to index
        %swap3A_429 = arith.index_cast %swap3A_427 : i32 to index
        %swap3A_430 = arith.index_cast %add3A_426 : i32 to index
        %swap3A_431 = arith.constant 0 : index
        %swap3A_432 = tpu.vector_load %arg6[%swap3A_428, %swap3A_429, %swap3A_430, %swap3A_431] {strides = array<i32>} : memref<2x4x200x64xf32, #tpu.memory_space<vmem>>, vector<1x1x1x16xf32>,
        %swap3A_433 = vector.shape_cast %swap3A_432 : vector<1x1x1x16xf32> to vector<16xf32>
        %swap3A_434 = vector.shape_cast %add3A_424 : vector<16xf32> to vector<1x1x1x16xf32>
        tpu.vector_store %arg6[%swap3A_428, %swap3A_429, %swap3A_430, %swap3A_431], %swap3A_434 {strides = array<i32>} : memref<2x4x200x64xf32, #tpu.memory_space<vmem>>, vector<1x1x1x16xf32>,
        %add3A_435 = arith.constant 0 : i32
        %add3A_436 = arith.addi %mul3A_409, %add3A_435 : i32
        %get3A_437 = arith.constant 1 : i32
        %get3A_438 = arith.constant 1 : i32
        %get3A_439 = arith.index_cast %get3A_437 : i32 to index
        %get3A_440 = arith.index_cast %get3A_438 : i32 to index
        %get3A_441 = arith.index_cast %add3A_436 : i32 to index
        %get3A_442 = arith.constant 16 : index
        %get3A_443 = tpu.vector_load %arg6[%get3A_439, %get3A_440, %get3A_441, %get3A_442] {strides = array<i32>} : memref<2x4x200x64xf32, #tpu.memory_space<vmem>>, vector<1x1x1x16xf32>,
        %get3A_444 = vector.shape_cast %get3A_443 : vector<1x1x1x16xf32> to vector<16xf32>
        %mul3A_445 = arith.constant 8.000000e+00 : f32
        %mul3A_446 = vector.broadcast %mul3A_445 : f32 to vector<16xf32>
        %mul3A_447 = arith.mulf %get3A_444, %mul3A_446 : vector<16xf32>
        %add3A_448 = arith.constant 9.99999982E-14 : f32
        %add3A_449 = vector.broadcast %add3A_448 : f32 to vector<16xf32>
        %add3A_450 = arith.addf %mul3A_447, %add3A_449 : vector<16xf32>
        %add3A_451 = arith.constant 0 : i32
        %add3A_452 = arith.addi %mul3A_409, %add3A_451 : i32
        %swap3A_453 = arith.constant 1 : i32
        %swap3A_454 = arith.constant 1 : i32
        %swap3A_455 = arith.index_cast %swap3A_453 : i32 to index
        %swap3A_456 = arith.index_cast %swap3A_454 : i32 to index
        %swap3A_457 = arith.index_cast %add3A_452 : i32 to index
        %swap3A_458 = arith.constant 16 : index
        %swap3A_459 = tpu.vector_load %arg6[%swap3A_455, %swap3A_456, %swap3A_457, %swap3A_458] {strides = array<i32>} : memref<2x4x200x64xf32, #tpu.memory_space<vmem>>, vector<1x1x1x16xf32>,
        %swap3A_460 = vector.shape_cast %swap3A_459 : vector<1x1x1x16xf32> to vector<16xf32>
        %swap3A_461 = vector.shape_cast %add3A_450 : vector<16xf32> to vector<1x1x1x16xf32>
        tpu.vector_store %arg6[%swap3A_455, %swap3A_456, %swap3A_457, %swap3A_458], %swap3A_461 {strides = array<i32>} : memref<2x4x200x64xf32, #tpu.memory_space<vmem>>, vector<1x1x1x16xf32>,
        %add3A_462 = arith.constant 0 : i32
        %add3A_463 = arith.addi %mul3A_409, %add3A_462 : i32
        %get3A_464 = arith.constant 1 : i32
        %get3A_465 = arith.constant 1 : i32
        %get3A_466 = arith.index_cast %get3A_464 : i32 to index
        %get3A_467 = arith.index_cast %get3A_465 : i32 to index
        %get3A_468 = arith.index_cast %add3A_463 : i32 to index
        %get3A_469 = arith.constant 32 : index
        %get3A_470 = tpu.vector_load %arg6[%get3A_466, %get3A_467, %get3A_468, %get3A_469] {strides = array<i32>} : memref<2x4x200x64xf32, #tpu.memory_space<vmem>>, vector<1x1x1x16xf32>,
        %get3A_471 = vector.shape_cast %get3A_470 : vector<1x1x1x16xf32> to vector<16xf32>
        %mul3A_472 = arith.constant 8.000000e+00 : f32
        %mul3A_473 = vector.broadcast %mul3A_472 : f32 to vector<16xf32>
        %mul3A_474 = arith.mulf %get3A_471, %mul3A_473 : vector<16xf32>
        %add3A_475 = arith.constant 9.99999982E-14 : f32
        %add3A_476 = vector.broadcast %add3A_475 : f32 to vector<16xf32>
        %add3A_477 = arith.addf %mul3A_474, %add3A_476 : vector<16xf32>
        %add3A_478 = arith.constant 0 : i32
        %add3A_479 = arith.addi %mul3A_409, %add3A_478 : i32
        %swap3A_480 = arith.constant 1 : i32
        %swap3A_481 = arith.constant 1 : i32
        %swap3A_482 = arith.index_cast %swap3A_480 : i32 to index
        %swap3A_483 = arith.index_cast %swap3A_481 : i32 to index
        %swap3A_484 = arith.index_cast %add3A_479 : i32 to index
        %swap3A_485 = arith.constant 32 : index
        %swap3A_486 = tpu.vector_load %arg6[%swap3A_482, %swap3A_483, %swap3A_484, %swap3A_485] {strides = array<i32>} : memref<2x4x200x64xf32, #tpu.memory_space<vmem>>, vector<1x1x1x16xf32>,
        %swap3A_487 = vector.shape_cast %swap3A_486 : vector<1x1x1x16xf32> to vector<16xf32>
        %swap3A_488 = vector.shape_cast %add3A_477 : vector<16xf32> to vector<1x1x1x16xf32>
        tpu.vector_store %arg6[%swap3A_482, %swap3A_483, %swap3A_484, %swap3A_485], %swap3A_488 {strides = array<i32>} : memref<2x4x200x64xf32, #tpu.memory_space<vmem>>, vector<1x1x1x16xf32>,
        %add3A_489 = arith.constant 0 : i32
        %add3A_490 = arith.addi %mul3A_409, %add3A_489 : i32
        %get3A_491 = arith.constant 1 : i32
        %get3A_492 = arith.constant 1 : i32
        %get3A_493 = arith.index_cast %get3A_491 : i32 to index
        %get3A_494 = arith.index_cast %get3A_492 : i32 to index
        %get3A_495 = arith.index_cast %add3A_490 : i32 to index
        %get3A_496 = arith.constant 48 : index
        %get3A_497 = tpu.vector_load %arg6[%get3A_493, %get3A_494, %get3A_495, %get3A_496] {strides = array<i32>} : memref<2x4x200x64xf32, #tpu.memory_space<vmem>>, vector<1x1x1x16xf32>,
        %get3A_498 = vector.shape_cast %get3A_497 : vector<1x1x1x16xf32> to vector<16xf32>
        %mul3A_499 = arith.constant 8.000000e+00 : f32
        %mul3A_500 = vector.broadcast %mul3A_499 : f32 to vector<16xf32>
        %mul3A_501 = arith.mulf %get3A_498, %mul3A_500 : vector<16xf32>
        %add3A_502 = arith.constant 9.99999982E-14 : f32
        %add3A_503 = vector.broadcast %add3A_502 : f32 to vector<16xf32>
        %add3A_504 = arith.addf %mul3A_501, %add3A_503 : vector<16xf32>
        %add3A_505 = arith.constant 0 : i32
        %add3A_506 = arith.addi %mul3A_409, %add3A_505 : i32
        %swap3A_507 = arith.constant 1 : i32
        %swap3A_508 = arith.constant 1 : i32
        %swap3A_509 = arith.index_cast %swap3A_507 : i32 to index
        %swap3A_510 = arith.index_cast %swap3A_508 : i32 to index
        %swap3A_511 = arith.index_cast %add3A_506 : i32 to index
        %swap3A_512 = arith.constant 48 : index
        %swap3A_513 = tpu.vector_load %arg6[%swap3A_509, %swap3A_510, %swap3A_511, %swap3A_512] {strides = array<i32>} : memref<2x4x200x64xf32, #tpu.memory_space<vmem>>, vector<1x1x1x16xf32>,
        %swap3A_514 = vector.shape_cast %swap3A_513 : vector<1x1x1x16xf32> to vector<16xf32>
        %swap3A_515 = vector.shape_cast %add3A_504 : vector<16xf32> to vector<1x1x1x16xf32>
        tpu.vector_store %arg6[%swap3A_509, %swap3A_510, %swap3A_511, %swap3A_512], %swap3A_515 {strides = array<i32>} : memref<2x4x200x64xf32, #tpu.memory_space<vmem>>, vector<1x1x1x16xf32>,
        %add3A_516 = arith.constant 1 : i32
        %add3A_517 = arith.addi %mul3A_409, %add3A_516 : i32
        %get3A_518 = arith.constant 1 : i32
        %get3A_519 = arith.constant 1 : i32
        %get3A_520 = arith.index_cast %get3A_518 : i32 to index
        %get3A_521 = arith.index_cast %get3A_519 : i32 to index
        %get3A_522 = arith.index_cast %add3A_517 : i32 to index
        %get3A_523 = arith.constant 0 : index
        %get3A_524 = tpu.vector_load %arg6[%get3A_520, %get3A_521, %get3A_522, %get3A_523] {strides = array<i32>} : memref<2x4x200x64xf32, #tpu.memory_space<vmem>>, vector<1x1x1x16xf32>,
        %get3A_525 = vector.shape_cast %get3A_524 : vector<1x1x1x16xf32> to vector<16xf32>
        %mul3A_526 = arith.constant 8.000000e+00 : f32
        %mul3A_527 = vector.broadcast %mul3A_526 : f32 to vector<16xf32>
        %mul3A_528 = arith.mulf %get3A_525, %mul3A_527 : vector<16xf32>
        %add3A_529 = arith.constant 9.99999982E-14 : f32
        %add3A_530 = vector.broadcast %add3A_529 : f32 to vector<16xf32>
        %add3A_531 = arith.addf %mul3A_528, %add3A_530 : vector<16xf32>
        %add3A_532 = arith.constant 1 : i32
        %add3A_533 = arith.addi %mul3A_409, %add3A_532 : i32
        %swap3A_534 = arith.constant 1 : i32
        %swap3A_535 = arith.constant 1 : i32
        %swap3A_536 = arith.index_cast %swap3A_534 : i32 to index
        %swap3A_537 = arith.index_cast %swap3A_535 : i32 to index
        %swap3A_538 = arith.index_cast %add3A_533 : i32 to index
        %swap3A_539 = arith.constant 0 : index
        %swap3A_540 = tpu.vector_load %arg6[%swap3A_536, %swap3A_537, %swap3A_538, %swap3A_539] {strides = array<i32>} : memref<2x4x200x64xf32, #tpu.memory_space<vmem>>, vector<1x1x1x16xf32>,
        %swap3A_541 = vector.shape_cast %swap3A_540 : vector<1x1x1x16xf32> to vector<16xf32>
        %swap3A_542 = vector.shape_cast %add3A_531 : vector<16xf32> to vector<1x1x1x16xf32>
        tpu.vector_store %arg6[%swap3A_536, %swap3A_537, %swap3A_538, %swap3A_539], %swap3A_542 {strides = array<i32>} : memref<2x4x200x64xf32, #tpu.memory_space<vmem>>, vector<1x1x1x16xf32>,
        %add3A_543 = arith.constant 1 : i32
        %add3A_544 = arith.addi %mul3A_409, %add3A_543 : i32
        %get3A_545 = arith.constant 1 : i32
        %get3A_546 = arith.constant 1 : i32
        %get3A_547 = arith.index_cast %get3A_545 : i32 to index
        %get3A_548 = arith.index_cast %get3A_546 : i32 to index
        %get3A_549 = arith.index_cast %add3A_544 : i32 to index
        %get3A_550 = arith.constant 16 : index
        %get3A_551 = tpu.vector_load %arg6[%get3A_547, %get3A_548, %get3A_549, %get3A_550] {strides = array<i32>} : memref<2x4x200x64xf32, #tpu.memory_space<vmem>>, vector<1x1x1x16xf32>,
        %get3A_552 = vector.shape_cast %get3A_551 : vector<1x1x1x16xf32> to vector<16xf32>
        %mul3A_553 = arith.constant 8.000000e+00 : f32
        %mul3A_554 = vector.broadcast %mul3A_553 : f32 to vector<16xf32>
        %mul3A_555 = arith.mulf %get3A_552, %mul3A_554 : vector<16xf32>
        %add3A_556 = arith.constant 9.99999982E-14 : f32
        %add3A_557 = vector.broadcast %add3A_556 : f32 to vector<16xf32>
        %add3A_558 = arith.addf %mul3A_555, %add3A_557 : vector<16xf32>
        %add3A_559 = arith.constant 1 : i32
        %add3A_560 = arith.addi %mul3A_409, %add3A_559 : i32
        %swap3A_561 = arith.constant 1 : i32
        %swap3A_562 = arith.constant 1 : i32
        %swap3A_563 = arith.index_cast %swap3A_561 : i32 to index
        %swap3A_564 = arith.index_cast %swap3A_562 : i32 to index
        %swap3A_565 = arith.index_cast %add3A_560 : i32 to index
        %swap3A_566 = arith.constant 16 : index
        %swap3A_567 = tpu.vector_load %arg6[%swap3A_563, %swap3A_564, %swap3A_565, %swap3A_566] {strides = array<i32>} : memref<2x4x200x64xf32, #tpu.memory_space<vmem>>, vector<1x1x1x16xf32>,
        %swap3A_568 = vector.shape_cast %swap3A_567 : vector<1x1x1x16xf32> to vector<16xf32>
        %swap3A_569 = vector.shape_cast %add3A_558 : vector<16xf32> to vector<1x1x1x16xf32>
        tpu.vector_store %arg6[%swap3A_563, %swap3A_564, %swap3A_565, %swap3A_566], %swap3A_569 {strides = array<i32>} : memref<2x4x200x64xf32, #tpu.memory_space<vmem>>, vector<1x1x1x16xf32>,
        %add3A_570 = arith.constant 1 : i32
        %add3A_571 = arith.addi %mul3A_409, %add3A_570 : i32
        %get3A_572 = arith.constant 1 : i32
        %get3A_573 = arith.constant 1 : i32
        %get3A_574 = arith.index_cast %get3A_572 : i32 to index
        %get3A_575 = arith.index_cast %get3A_573 : i32 to index
        %get3A_576 = arith.index_cast %add3A_571 : i32 to index
        %get3A_577 = arith.constant 32 : index
        %get3A_578 = tpu.vector_load %arg6[%get3A_574, %get3A_575, %get3A_576, %get3A_577] {strides = array<i32>} : memref<2x4x200x64xf32, #tpu.memory_space<vmem>>, vector<1x1x1x16xf32>,
        %get3A_579 = vector.shape_cast %get3A_578 : vector<1x1x1x16xf32> to vector<16xf32>
        %mul3A_580 = arith.constant 8.000000e+00 : f32
        %mul3A_581 = vector.broadcast %mul3A_580 : f32 to vector<16xf32>
        %mul3A_582 = arith.mulf %get3A_579, %mul3A_581 : vector<16xf32>
        %add3A_583 = arith.constant 9.99999982E-14 : f32
        %add3A_584 = vector.broadcast %add3A_583 : f32 to vector<16xf32>
        %add3A_585 = arith.addf %mul3A_582, %add3A_584 : vector<16xf32>
        %add3A_586 = arith.constant 1 : i32
        %add3A_587 = arith.addi %mul3A_409, %add3A_586 : i32
        %swap3A_588 = arith.constant 1 : i32
        %swap3A_589 = arith.constant 1 : i32
        %swap3A_590 = arith.index_cast %swap3A_588 : i32 to index
        %swap3A_591 = arith.index_cast %swap3A_589 : i32 to index
        %swap3A_592 = arith.index_cast %add3A_587 : i32 to index
        %swap3A_593 = arith.constant 32 : index
        %swap3A_594 = tpu.vector_load %arg6[%swap3A_590, %swap3A_591, %swap3A_592, %swap3A_593] {strides = array<i32>} : memref<2x4x200x64xf32, #tpu.memory_space<vmem>>, vector<1x1x1x16xf32>,
        %swap3A_595 = vector.shape_cast %swap3A_594 : vector<1x1x1x16xf32> to vector<16xf32>
        %swap3A_596 = vector.shape_cast %add3A_585 : vector<16xf32> to vector<1x1x1x16xf32>
        tpu.vector_store %arg6[%swap3A_590, %swap3A_591, %swap3A_592, %swap3A_593], %swap3A_596 {strides = array<i32>} : memref<2x4x200x64xf32, #tpu.memory_space<vmem>>, vector<1x1x1x16xf32>,
        %add3A_597 = arith.constant 1 : i32
        %add3A_598 = arith.addi %mul3A_409, %add3A_597 : i32
        %get3A_599 = arith.constant 1 : i32
        %get3A_600 = arith.constant 1 : i32
        %get3A_601 = arith.index_cast %get3A_599 : i32 to index
        %get3A_602 = arith.index_cast %get3A_600 : i32 to index
        %get3A_603 = arith.index_cast %add3A_598 : i32 to index
        %get3A_604 = arith.constant 48 : index
        %get3A_605 = tpu.vector_load %arg6[%get3A_601, %get3A_602, %get3A_603, %get3A_604] {strides = array<i32>} : memref<2x4x200x64xf32, #tpu.memory_space<vmem>>, vector<1x1x1x16xf32>,
        %get3A_606 = vector.shape_cast %get3A_605 : vector<1x1x1x16xf32> to vector<16xf32>
        %mul3A_607 = arith.constant 8.000000e+00 : f32
        %mul3A_608 = vector.broadcast %mul3A_607 : f32 to vector<16xf32>
        %mul3A_609 = arith.mulf %get3A_606, %mul3A_608 : vector<16xf32>
        %add3A_610 = arith.constant 9.99999982E-14 : f32
        %add3A_611 = vector.broadcast %add3A_610 : f32 to vector<16xf32>
        %add3A_612 = arith.addf %mul3A_609, %add3A_611 : vector<16xf32>
        %add3A_613 = arith.constant 1 : i32
        %add3A_614 = arith.addi %mul3A_409, %add3A_613 : i32
        %swap3A_615 = arith.constant 1 : i32
        %swap3A_616 = arith.constant 1 : i32
        %swap3A_617 = arith.index_cast %swap3A_615 : i32 to index
        %swap3A_618 = arith.index_cast %swap3A_616 : i32 to index
        %swap3A_619 = arith.index_cast %add3A_614 : i32 to index
        %swap3A_620 = arith.constant 48 : index
        %swap3A_621 = tpu.vector_load %arg6[%swap3A_617, %swap3A_618, %swap3A_619, %swap3A_620] {strides = array<i32>} : memref<2x4x200x64xf32, #tpu.memory_space<vmem>>, vector<1x1x1x16xf32>,
        %swap3A_622 = vector.shape_cast %swap3A_621 : vector<1x1x1x16xf32> to vector<16xf32>
        %swap3A_623 = vector.shape_cast %add3A_612 : vector<16xf32> to vector<1x1x1x16xf32>
        tpu.vector_store %arg6[%swap3A_617, %swap3A_618, %swap3A_619, %swap3A_620], %swap3A_623 {strides = array<i32>} : memref<2x4x200x64xf32, #tpu.memory_space<vmem>>, vector<1x1x1x16xf32>,
        %add3A_624 = arith.constant 2 : i32
        %add3A_625 = arith.addi %mul3A_409, %add3A_624 : i32
        %get3A_626 = arith.constant 1 : i32
        %get3A_627 = arith.constant 1 : i32
        %get3A_628 = arith.index_cast %get3A_626 : i32 to index
        %get3A_629 = arith.index_cast %get3A_627 : i32 to index
        %get3A_630 = arith.index_cast %add3A_625 : i32 to index
        %get3A_631 = arith.constant 0 : index
        %get3A_632 = tpu.vector_load %arg6[%get3A_628, %get3A_629, %get3A_630, %get3A_631] {strides = array<i32>} : memref<2x4x200x64xf32, #tpu.memory_space<vmem>>, vector<1x1x1x16xf32>,
        %get3A_633 = vector.shape_cast %get3A_632 : vector<1x1x1x16xf32> to vector<16xf32>
        %mul3A_634 = arith.constant 8.000000e+00 : f32
        %mul3A_635 = vector.broadcast %mul3A_634 : f32 to vector<16xf32>
        %mul3A_636 = arith.mulf %get3A_633, %mul3A_635 : vector<16xf32>
        %add3A_637 = arith.constant 9.99999982E-14 : f32
        %add3A_638 = vector.broadcast %add3A_637 : f32 to vector<16xf32>
        %add3A_639 = arith.addf %mul3A_636, %add3A_638 : vector<16xf32>
        %add3A_640 = arith.constant 2 : i32
        %add3A_641 = arith.addi %mul3A_409, %add3A_640 : i32
        %swap3A_642 = arith.constant 1 : i32
        %swap3A_643 = arith.constant 1 : i32
        %swap3A_644 = arith.index_cast %swap3A_642 : i32 to index
        %swap3A_645 = arith.index_cast %swap3A_643 : i32 to index
        %swap3A_646 = arith.index_cast %add3A_641 : i32 to index
        %swap3A_647 = arith.constant 0 : index
        %swap3A_648 = tpu.vector_load %arg6[%swap3A_644, %swap3A_645, %swap3A_646, %swap3A_647] {strides = array<i32>} : memref<2x4x200x64xf32, #tpu.memory_space<vmem>>, vector<1x1x1x16xf32>,
        %swap3A_649 = vector.shape_cast %swap3A_648 : vector<1x1x1x16xf32> to vector<16xf32>
        %swap3A_650 = vector.shape_cast %add3A_639 : vector<16xf32> to vector<1x1x1x16xf32>
        tpu.vector_store %arg6[%swap3A_644, %swap3A_645, %swap3A_646, %swap3A_647], %swap3A_650 {strides = array<i32>} : memref<2x4x200x64xf32, #tpu.memory_space<vmem>>, vector<1x1x1x16xf32>,
        %add3A_651 = arith.constant 2 : i32
        %add3A_652 = arith.addi %mul3A_409, %add3A_651 : i32
        %get3A_653 = arith.constant 1 : i32
        %get3A_654 = arith.constant 1 : i32
        %get3A_655 = arith.index_cast %get3A_653 : i32 to index
        %get3A_656 = arith.index_cast %get3A_654 : i32 to index
        %get3A_657 = arith.index_cast %add3A_652 : i32 to index
        %get3A_658 = arith.constant 16 : index
        %get3A_659 = tpu.vector_load %arg6[%get3A_655, %get3A_656, %get3A_657, %get3A_658] {strides = array<i32>} : memref<2x4x200x64xf32, #tpu.memory_space<vmem>>, vector<1x1x1x16xf32>,
        %get3A_660 = vector.shape_cast %get3A_659 : vector<1x1x1x16xf32> to vector<16xf32>
        %mul3A_661 = arith.constant 8.000000e+00 : f32
        %mul3A_662 = vector.broadcast %mul3A_661 : f32 to vector<16xf32>
        %mul3A_663 = arith.mulf %get3A_660, %mul3A_662 : vector<16xf32>
        %add3A_664 = arith.constant 9.99999982E-14 : f32
        %add3A_665 = vector.broadcast %add3A_664 : f32 to vector<16xf32>
        %add3A_666 = arith.addf %mul3A_663, %add3A_665 : vector<16xf32>
        %add3A_667 = arith.constant 2 : i32
        %add3A_668 = arith.addi %mul3A_409, %add3A_667 : i32
        %swap3A_669 = arith.constant 1 : i32
        %swap3A_670 = arith.constant 1 : i32
        %swap3A_671 = arith.index_cast %swap3A_669 : i32 to index
        %swap3A_672 = arith.index_cast %swap3A_670 : i32 to index
        %swap3A_673 = arith.index_cast %add3A_668 : i32 to index
        %swap3A_674 = arith.constant 16 : index
        %swap3A_675 = tpu.vector_load %arg6[%swap3A_671, %swap3A_672, %swap3A_673, %swap3A_674] {strides = array<i32>} : memref<2x4x200x64xf32, #tpu.memory_space<vmem>>, vector<1x1x1x16xf32>,
        %swap3A_676 = vector.shape_cast %swap3A_675 : vector<1x1x1x16xf32> to vector<16xf32>
        %swap3A_677 = vector.shape_cast %add3A_666 : vector<16xf32> to vector<1x1x1x16xf32>
        tpu.vector_store %arg6[%swap3A_671, %swap3A_672, %swap3A_673, %swap3A_674], %swap3A_677 {strides = array<i32>} : memref<2x4x200x64xf32, #tpu.memory_space<vmem>>, vector<1x1x1x16xf32>,
        %add3A_678 = arith.constant 2 : i32
        %add3A_679 = arith.addi %mul3A_409, %add3A_678 : i32
        %get3A_680 = arith.constant 1 : i32
        %get3A_681 = arith.constant 1 : i32
        %get3A_682 = arith.index_cast %get3A_680 : i32 to index
        %get3A_683 = arith.index_cast %get3A_681 : i32 to index
        %get3A_684 = arith.index_cast %add3A_679 : i32 to index
        %get3A_685 = arith.constant 32 : index
        %get3A_686 = tpu.vector_load %arg6[%get3A_682, %get3A_683, %get3A_684, %get3A_685] {strides = array<i32>} : memref<2x4x200x64xf32, #tpu.memory_space<vmem>>, vector<1x1x1x16xf32>,
        %get3A_687 = vector.shape_cast %get3A_686 : vector<1x1x1x16xf32> to vector<16xf32>
        %mul3A_688 = arith.constant 8.000000e+00 : f32
        %mul3A_689 = vector.broadcast %mul3A_688 : f32 to vector<16xf32>
        %mul3A_690 = arith.mulf %get3A_687, %mul3A_689 : vector<16xf32>
        %add3A_691 = arith.constant 9.99999982E-14 : f32
        %add3A_692 = vector.broadcast %add3A_691 : f32 to vector<16xf32>
        %add3A_693 = arith.addf %mul3A_690, %add3A_692 : vector<16xf32>
        %add3A_694 = arith.constant 2 : i32
        %add3A_695 = arith.addi %mul3A_409, %add3A_694 : i32
        %swap3A_696 = arith.constant 1 : i32
        %swap3A_697 = arith.constant 1 : i32
        %swap3A_698 = arith.index_cast %swap3A_696 : i32 to index
        %swap3A_699 = arith.index_cast %swap3A_697 : i32 to index
        %swap3A_700 = arith.index_cast %add3A_695 : i32 to index
        %swap3A_701 = arith.constant 32 : index
        %swap3A_702 = tpu.vector_load %arg6[%swap3A_698, %swap3A_699, %swap3A_700, %swap3A_701] {strides = array<i32>} : memref<2x4x200x64xf32, #tpu.memory_space<vmem>>, vector<1x1x1x16xf32>,
        %swap3A_703 = vector.shape_cast %swap3A_702 : vector<1x1x1x16xf32> to vector<16xf32>
        %swap3A_704 = vector.shape_cast %add3A_693 : vector<16xf32> to vector<1x1x1x16xf32>
        tpu.vector_store %arg6[%swap3A_698, %swap3A_699, %swap3A_700, %swap3A_701], %swap3A_704 {strides = array<i32>} : memref<2x4x200x64xf32, #tpu.memory_space<vmem>>, vector<1x1x1x16xf32>,
        %add3A_705 = arith.constant 2 : i32
        %add3A_706 = arith.addi %mul3A_409, %add3A_705 : i32
        %get3A_707 = arith.constant 1 : i32
        %get3A_708 = arith.constant 1 : i32
        %get3A_709 = arith.index_cast %get3A_707 : i32 to index
        %get3A_710 = arith.index_cast %get3A_708 : i32 to index
        %get3A_711 = arith.index_cast %add3A_706 : i32 to index
        %get3A_712 = arith.constant 48 : index
        %get3A_713 = tpu.vector_load %arg6[%get3A_709, %get3A_710, %get3A_711, %get3A_712] {strides = array<i32>} : memref<2x4x200x64xf32, #tpu.memory_space<vmem>>, vector<1x1x1x16xf32>,
        %get3A_714 = vector.shape_cast %get3A_713 : vector<1x1x1x16xf32> to vector<16xf32>
        %mul3A_715 = arith.constant 8.000000e+00 : f32
        %mul3A_716 = vector.broadcast %mul3A_715 : f32 to vector<16xf32>
        %mul3A_717 = arith.mulf %get3A_714, %mul3A_716 : vector<16xf32>
        %add3A_718 = arith.constant 9.99999982E-14 : f32
        %add3A_719 = vector.broadcast %add3A_718 : f32 to vector<16xf32>
        %add3A_720 = arith.addf %mul3A_717, %add3A_719 : vector<16xf32>
        %add3A_721 = arith.constant 2 : i32
        %add3A_722 = arith.addi %mul3A_409, %add3A_721 : i32
        %swap3A_723 = arith.constant 1 : i32
        %swap3A_724 = arith.constant 1 : i32
        %swap3A_725 = arith.index_cast %swap3A_723 : i32 to index
        %swap3A_726 = arith.index_cast %swap3A_724 : i32 to index
        %swap3A_727 = arith.index_cast %add3A_722 : i32 to index
        %swap3A_728 = arith.constant 48 : index
        %swap3A_729 = tpu.vector_load %arg6[%swap3A_725, %swap3A_726, %swap3A_727, %swap3A_728] {strides = array<i32>} : memref<2x4x200x64xf32, #tpu.memory_space<vmem>>, vector<1x1x1x16xf32>,
        %swap3A_730 = vector.shape_cast %swap3A_729 : vector<1x1x1x16xf32> to vector<16xf32>
        %swap3A_731 = vector.shape_cast %add3A_720 : vector<16xf32> to vector<1x1x1x16xf32>
        tpu.vector_store %arg6[%swap3A_725, %swap3A_726, %swap3A_727, %swap3A_728], %swap3A_731 {strides = array<i32>} : memref<2x4x200x64xf32, #tpu.memory_space<vmem>>, vector<1x1x1x16xf32>,
        %add3A_732 = arith.constant 3 : i32
        %add3A_733 = arith.addi %mul3A_409, %add3A_732 : i32
        %get3A_734 = arith.constant 1 : i32
        %get3A_735 = arith.constant 1 : i32
        %get3A_736 = arith.index_cast %get3A_734 : i32 to index
        %get3A_737 = arith.index_cast %get3A_735 : i32 to index
        %get3A_738 = arith.index_cast %add3A_733 : i32 to index
        %get3A_739 = arith.constant 0 : index
        %get3A_740 = tpu.vector_load %arg6[%get3A_736, %get3A_737, %get3A_738, %get3A_739] {strides = array<i32>} : memref<2x4x200x64xf32, #tpu.memory_space<vmem>>, vector<1x1x1x16xf32>,
        %get3A_741 = vector.shape_cast %get3A_740 : vector<1x1x1x16xf32> to vector<16xf32>
        %mul3A_742 = arith.constant 8.000000e+00 : f32
        %mul3A_743 = vector.broadcast %mul3A_742 : f32 to vector<16xf32>
        %mul3A_744 = arith.mulf %get3A_741, %mul3A_743 : vector<16xf32>
        %add3A_745 = arith.constant 9.99999982E-14 : f32
        %add3A_746 = vector.broadcast %add3A_745 : f32 to vector<16xf32>
        %add3A_747 = arith.addf %mul3A_744, %add3A_746 : vector<16xf32>
        %add3A_748 = arith.constant 3 : i32
        %add3A_749 = arith.addi %mul3A_409, %add3A_748 : i32
        %swap3A_750 = arith.constant 1 : i32
        %swap3A_751 = arith.constant 1 : i32
        %swap3A_752 = arith.index_cast %swap3A_750 : i32 to index
        %swap3A_753 = arith.index_cast %swap3A_751 : i32 to index
        %swap3A_754 = arith.index_cast %add3A_749 : i32 to index
        %swap3A_755 = arith.constant 0 : index
        %swap3A_756 = tpu.vector_load %arg6[%swap3A_752, %swap3A_753, %swap3A_754, %swap3A_755] {strides = array<i32>} : memref<2x4x200x64xf32, #tpu.memory_space<vmem>>, vector<1x1x1x16xf32>,
        %swap3A_757 = vector.shape_cast %swap3A_756 : vector<1x1x1x16xf32> to vector<16xf32>
        %swap3A_758 = vector.shape_cast %add3A_747 : vector<16xf32> to vector<1x1x1x16xf32>
        tpu.vector_store %arg6[%swap3A_752, %swap3A_753, %swap3A_754, %swap3A_755], %swap3A_758 {strides = array<i32>} : memref<2x4x200x64xf32, #tpu.memory_space<vmem>>, vector<1x1x1x16xf32>,
        %add3A_759 = arith.constant 3 : i32
        %add3A_760 = arith.addi %mul3A_409, %add3A_759 : i32
        %get3A_761 = arith.constant 1 : i32
        %get3A_762 = arith.constant 1 : i32
        %get3A_763 = arith.index_cast %get3A_761 : i32 to index
        %get3A_764 = arith.index_cast %get3A_762 : i32 to index
        %get3A_765 = arith.index_cast %add3A_760 : i32 to index
        %get3A_766 = arith.constant 16 : index
        %get3A_767 = tpu.vector_load %arg6[%get3A_763, %get3A_764, %get3A_765, %get3A_766] {strides = array<i32>} : memref<2x4x200x64xf32, #tpu.memory_space<vmem>>, vector<1x1x1x16xf32>,
        %get3A_768 = vector.shape_cast %get3A_767 : vector<1x1x1x16xf32> to vector<16xf32>
        %mul3A_769 = arith.constant 8.000000e+00 : f32
        %mul3A_770 = vector.broadcast %mul3A_769 : f32 to vector<16xf32>
        %mul3A_771 = arith.mulf %get3A_768, %mul3A_770 : vector<16xf32>
        %add3A_772 = arith.constant 9.99999982E-14 : f32
        %add3A_773 = vector.broadcast %add3A_772 : f32 to vector<16xf32>
        %add3A_774 = arith.addf %mul3A_771, %add3A_773 : vector<16xf32>
        %add3A_775 = arith.constant 3 : i32
        %add3A_776 = arith.addi %mul3A_409, %add3A_775 : i32
        %swap3A_777 = arith.constant 1 : i32
        %swap3A_778 = arith.constant 1 : i32
        %swap3A_779 = arith.index_cast %swap3A_777 : i32 to index
        %swap3A_780 = arith.index_cast %swap3A_778 : i32 to index
        %swap3A_781 = arith.index_cast %add3A_776 : i32 to index
        %swap3A_782 = arith.constant 16 : index
        %swap3A_783 = tpu.vector_load %arg6[%swap3A_779, %swap3A_780, %swap3A_781, %swap3A_782] {strides = array<i32>} : memref<2x4x200x64xf32, #tpu.memory_space<vmem>>, vector<1x1x1x16xf32>,
        %swap3A_784 = vector.shape_cast %swap3A_783 : vector<1x1x1x16xf32> to vector<16xf32>
        %swap3A_785 = vector.shape_cast %add3A_774 : vector<16xf32> to vector<1x1x1x16xf32>
        tpu.vector_store %arg6[%swap3A_779, %swap3A_780, %swap3A_781, %swap3A_782], %swap3A_785 {strides = array<i32>} : memref<2x4x200x64xf32, #tpu.memory_space<vmem>>, vector<1x1x1x16xf32>,
        %add3A_786 = arith.constant 3 : i32
        %add3A_787 = arith.addi %mul3A_409, %add3A_786 : i32
        %get3A_788 = arith.constant 1 : i32
        %get3A_789 = arith.constant 1 : i32
        %get3A_790 = arith.index_cast %get3A_788 : i32 to index
        %get3A_791 = arith.index_cast %get3A_789 : i32 to index
        %get3A_792 = arith.index_cast %add3A_787 : i32 to index
        %get3A_793 = arith.constant 32 : index
        %get3A_794 = tpu.vector_load %arg6[%get3A_790, %get3A_791, %get3A_792, %get3A_793] {strides = array<i32>} : memref<2x4x200x64xf32, #tpu.memory_space<vmem>>, vector<1x1x1x16xf32>,
        %get3A_795 = vector.shape_cast %get3A_794 : vector<1x1x1x16xf32> to vector<16xf32>
        %mul3A_796 = arith.constant 8.000000e+00 : f32
        %mul3A_797 = vector.broadcast %mul3A_796 : f32 to vector<16xf32>
        %mul3A_798 = arith.mulf %get3A_795, %mul3A_797 : vector<16xf32>
        %add3A_799 = arith.constant 9.99999982E-14 : f32
        %add3A_800 = vector.broadcast %add3A_799 : f32 to vector<16xf32>
        %add3A_801 = arith.addf %mul3A_798, %add3A_800 : vector<16xf32>
        %add3A_802 = arith.constant 3 : i32
        %add3A_803 = arith.addi %mul3A_409, %add3A_802 : i32
        %swap3A_804 = arith.constant 1 : i32
        %swap3A_805 = arith.constant 1 : i32
        %swap3A_806 = arith.index_cast %swap3A_804 : i32 to index
        %swap3A_807 = arith.index_cast %swap3A_805 : i32 to index
        %swap3A_808 = arith.index_cast %add3A_803 : i32 to index
        %swap3A_809 = arith.constant 32 : index
        %swap3A_810 = tpu.vector_load %arg6[%swap3A_806, %swap3A_807, %swap3A_808, %swap3A_809] {strides = array<i32>} : memref<2x4x200x64xf32, #tpu.memory_space<vmem>>, vector<1x1x1x16xf32>,
        %swap3A_811 = vector.shape_cast %swap3A_810 : vector<1x1x1x16xf32> to vector<16xf32>
        %swap3A_812 = vector.shape_cast %add3A_801 : vector<16xf32> to vector<1x1x1x16xf32>
        tpu.vector_store %arg6[%swap3A_806, %swap3A_807, %swap3A_808, %swap3A_809], %swap3A_812 {strides = array<i32>} : memref<2x4x200x64xf32, #tpu.memory_space<vmem>>, vector<1x1x1x16xf32>,
        %add3A_813 = arith.constant 3 : i32
        %add3A_814 = arith.addi %mul3A_409, %add3A_813 : i32
        %get3A_815 = arith.constant 1 : i32
        %get3A_816 = arith.constant 1 : i32
        %get3A_817 = arith.index_cast %get3A_815 : i32 to index
        %get3A_818 = arith.index_cast %get3A_816 : i32 to index
        %get3A_819 = arith.index_cast %add3A_814 : i32 to index
        %get3A_820 = arith.constant 48 : index
        %get3A_821 = tpu.vector_load %arg6[%get3A_817, %get3A_818, %get3A_819, %get3A_820] {strides = array<i32>} : memref<2x4x200x64xf32, #tpu.memory_space<vmem>>, vector<1x1x1x16xf32>,
        %get3A_822 = vector.shape_cast %get3A_821 : vector<1x1x1x16xf32> to vector<16xf32>
        %mul3A_823 = arith.constant 8.000000e+00 : f32
        %mul3A_824 = vector.broadcast %mul3A_823 : f32 to vector<16xf32>
        %mul3A_825 = arith.mulf %get3A_822, %mul3A_824 : vector<16xf32>
        %add3A_826 = arith.constant 9.99999982E-14 : f32
        %add3A_827 = vector.broadcast %add3A_826 : f32 to vector<16xf32>
        %add3A_828 = arith.addf %mul3A_825, %add3A_827 : vector<16xf32>
        %add3A_829 = arith.constant 3 : i32
        %add3A_830 = arith.addi %mul3A_409, %add3A_829 : i32
        %swap3A_831 = arith.constant 1 : i32
        %swap3A_832 = arith.constant 1 : i32
        %swap3A_833 = arith.index_cast %swap3A_831 : i32 to index
        %swap3A_834 = arith.index_cast %swap3A_832 : i32 to index
        %swap3A_835 = arith.index_cast %add3A_830 : i32 to index
        %swap3A_836 = arith.constant 48 : index
        %swap3A_837 = tpu.vector_load %arg6[%swap3A_833, %swap3A_834, %swap3A_835, %swap3A_836] {strides = array<i32>} : memref<2x4x200x64xf32, #tpu.memory_space<vmem>>, vector<1x1x1x16xf32>,
        %swap3A_838 = vector.shape_cast %swap3A_837 : vector<1x1x1x16xf32> to vector<16xf32>
        %swap3A_839 = vector.shape_cast %add3A_828 : vector<16xf32> to vector<1x1x1x16xf32>
        tpu.vector_store %arg6[%swap3A_833, %swap3A_834, %swap3A_835, %swap3A_836], %swap3A_839 {strides = array<i32>} : memref<2x4x200x64xf32, #tpu.memory_space<vmem>>, vector<1x1x1x16xf32>,
        %scan3A_840 = arith.constant 0 : i32
        scf.yield %scan3A_840 : i32
      }
      %scan3A_386 = arith.constant 50 : i32
      %scan3A_387 = arith.constant 0 : i32
      %scan3A_388 = arith.constant 0 : i32
      %scan3A_389 = arith.constant 50 : i32
      %scan3A_390 = arith.addi %scan3A_388, %scan3A_389 : i32
      %scan3A_391 = arith.constant 1 : i32
      %scan3A_392 = scf.for %scan3A_406 = %scan3A_388 to %scan3A_390 step %scan3A_391 iter_args(%scan3A_407 = %scan3A_387) -> (i32)  : i32 {
        %mul3A_408 = arith.constant 4 : i32
        %mul3A_409 = arith.muli %scan3A_406, %mul3A_408 : i32
        %add3A_410 = arith.constant 0 : i32
        %add3A_411 = arith.addi %mul3A_409, %add3A_410 : i32
        %get3A = arith.constant 1 : i32
        %get3A_412 = arith.constant 2 : i32
        %get3A_413 = arith.index_cast %get3A : i32 to index
        %get3A_414 = arith.index_cast %get3A_412 : i32 to index
        %get3A_415 = arith.index_cast %add3A_411 : i32 to index
        %get3A_416 = arith.constant 0 : index
        %get3A_417 = tpu.vector_load %arg6[%get3A_413, %get3A_414, %get3A_415, %get3A_416] {strides = array<i32>} : memref<2x4x200x64xf32, #tpu.memory_space<vmem>>, vector<1x1x1x16xf32>,
        %get3A_418 = vector.shape_cast %get3A_417 : vector<1x1x1x16xf32> to vector<16xf32>
        %mul3A_419 = arith.constant 8.000000e+00 : f32
        %mul3A_420 = vector.broadcast %mul3A_419 : f32 to vector<16xf32>
        %mul3A_421 = arith.mulf %get3A_418, %mul3A_420 : vector<16xf32>
        %add3A_422 = arith.constant 9.99999982E-14 : f32
        %add3A_423 = vector.broadcast %add3A_422 : f32 to vector<16xf32>
        %add3A_424 = arith.addf %mul3A_421, %add3A_423 : vector<16xf32>
        %add3A_425 = arith.constant 0 : i32
        %add3A_426 = arith.addi %mul3A_409, %add3A_425 : i32
        %swap3A = arith.constant 1 : i32
        %swap3A_427 = arith.constant 2 : i32
        %swap3A_428 = arith.index_cast %swap3A : i32 to index
        %swap3A_429 = arith.index_cast %swap3A_427 : i32 to index
        %swap3A_430 = arith.index_cast %add3A_426 : i32 to index
        %swap3A_431 = arith.constant 0 : index
        %swap3A_432 = tpu.vector_load %arg6[%swap3A_428, %swap3A_429, %swap3A_430, %swap3A_431] {strides = array<i32>} : memref<2x4x200x64xf32, #tpu.memory_space<vmem>>, vector<1x1x1x16xf32>,
        %swap3A_433 = vector.shape_cast %swap3A_432 : vector<1x1x1x16xf32> to vector<16xf32>
        %swap3A_434 = vector.shape_cast %add3A_424 : vector<16xf32> to vector<1x1x1x16xf32>
        tpu.vector_store %arg6[%swap3A_428, %swap3A_429, %swap3A_430, %swap3A_431], %swap3A_434 {strides = array<i32>} : memref<2x4x200x64xf32, #tpu.memory_space<vmem>>, vector<1x1x1x16xf32>,
        %add3A_435 = arith.constant 0 : i32
        %add3A_436 = arith.addi %mul3A_409, %add3A_435 : i32
        %get3A_437 = arith.constant 1 : i32
        %get3A_438 = arith.constant 2 : i32
        %get3A_439 = arith.index_cast %get3A_437 : i32 to index
        %get3A_440 = arith.index_cast %get3A_438 : i32 to index
        %get3A_441 = arith.index_cast %add3A_436 : i32 to index
        %get3A_442 = arith.constant 16 : index
        %get3A_443 = tpu.vector_load %arg6[%get3A_439, %get3A_440, %get3A_441, %get3A_442] {strides = array<i32>} : memref<2x4x200x64xf32, #tpu.memory_space<vmem>>, vector<1x1x1x16xf32>,
        %get3A_444 = vector.shape_cast %get3A_443 : vector<1x1x1x16xf32> to vector<16xf32>
        %mul3A_445 = arith.constant 8.000000e+00 : f32
        %mul3A_446 = vector.broadcast %mul3A_445 : f32 to vector<16xf32>
        %mul3A_447 = arith.mulf %get3A_444, %mul3A_446 : vector<16xf32>
        %add3A_448 = arith.constant 9.99999982E-14 : f32
        %add3A_449 = vector.broadcast %add3A_448 : f32 to vector<16xf32>
        %add3A_450 = arith.addf %mul3A_447, %add3A_449 : vector<16xf32>
        %add3A_451 = arith.constant 0 : i32
        %add3A_452 = arith.addi %mul3A_409, %add3A_451 : i32
        %swap3A_453 = arith.constant 1 : i32
        %swap3A_454 = arith.constant 2 : i32
        %swap3A_455 = arith.index_cast %swap3A_453 : i32 to index
        %swap3A_456 = arith.index_cast %swap3A_454 : i32 to index
        %swap3A_457 = arith.index_cast %add3A_452 : i32 to index
        %swap3A_458 = arith.constant 16 : index
        %swap3A_459 = tpu.vector_load %arg6[%swap3A_455, %swap3A_456, %swap3A_457, %swap3A_458] {strides = array<i32>} : memref<2x4x200x64xf32, #tpu.memory_space<vmem>>, vector<1x1x1x16xf32>,
        %swap3A_460 = vector.shape_cast %swap3A_459 : vector<1x1x1x16xf32> to vector<16xf32>
        %swap3A_461 = vector.shape_cast %add3A_450 : vector<16xf32> to vector<1x1x1x16xf32>
        tpu.vector_store %arg6[%swap3A_455, %swap3A_456, %swap3A_457, %swap3A_458], %swap3A_461 {strides = array<i32>} : memref<2x4x200x64xf32, #tpu.memory_space<vmem>>, vector<1x1x1x16xf32>,
        %add3A_462 = arith.constant 0 : i32
        %add3A_463 = arith.addi %mul3A_409, %add3A_462 : i32
        %get3A_464 = arith.constant 1 : i32
        %get3A_465 = arith.constant 2 : i32
        %get3A_466 = arith.index_cast %get3A_464 : i32 to index
        %get3A_467 = arith.index_cast %get3A_465 : i32 to index
        %get3A_468 = arith.index_cast %add3A_463 : i32 to index
        %get3A_469 = arith.constant 32 : index
        %get3A_470 = tpu.vector_load %arg6[%get3A_466, %get3A_467, %get3A_468, %get3A_469] {strides = array<i32>} : memref<2x4x200x64xf32, #tpu.memory_space<vmem>>, vector<1x1x1x16xf32>,
        %get3A_471 = vector.shape_cast %get3A_470 : vector<1x1x1x16xf32> to vector<16xf32>
        %mul3A_472 = arith.constant 8.000000e+00 : f32
        %mul3A_473 = vector.broadcast %mul3A_472 : f32 to vector<16xf32>
        %mul3A_474 = arith.mulf %get3A_471, %mul3A_473 : vector<16xf32>
        %add3A_475 = arith.constant 9.99999982E-14 : f32
        %add3A_476 = vector.broadcast %add3A_475 : f32 to vector<16xf32>
        %add3A_477 = arith.addf %mul3A_474, %add3A_476 : vector<16xf32>
        %add3A_478 = arith.constant 0 : i32
        %add3A_479 = arith.addi %mul3A_409, %add3A_478 : i32
        %swap3A_480 = arith.constant 1 : i32
        %swap3A_481 = arith.constant 2 : i32
        %swap3A_482 = arith.index_cast %swap3A_480 : i32 to index
        %swap3A_483 = arith.index_cast %swap3A_481 : i32 to index
        %swap3A_484 = arith.index_cast %add3A_479 : i32 to index
        %swap3A_485 = arith.constant 32 : index
        %swap3A_486 = tpu.vector_load %arg6[%swap3A_482, %swap3A_483, %swap3A_484, %swap3A_485] {strides = array<i32>} : memref<2x4x200x64xf32, #tpu.memory_space<vmem>>, vector<1x1x1x16xf32>,
        %swap3A_487 = vector.shape_cast %swap3A_486 : vector<1x1x1x16xf32> to vector<16xf32>
        %swap3A_488 = vector.shape_cast %add3A_477 : vector<16xf32> to vector<1x1x1x16xf32>
        tpu.vector_store %arg6[%swap3A_482, %swap3A_483, %swap3A_484, %swap3A_485], %swap3A_488 {strides = array<i32>} : memref<2x4x200x64xf32, #tpu.memory_space<vmem>>, vector<1x1x1x16xf32>,
        %add3A_489 = arith.constant 0 : i32
        %add3A_490 = arith.addi %mul3A_409, %add3A_489 : i32
        %get3A_491 = arith.constant 1 : i32
        %get3A_492 = arith.constant 2 : i32
        %get3A_493 = arith.index_cast %get3A_491 : i32 to index
        %get3A_494 = arith.index_cast %get3A_492 : i32 to index
        %get3A_495 = arith.index_cast %add3A_490 : i32 to index
        %get3A_496 = arith.constant 48 : index
        %get3A_497 = tpu.vector_load %arg6[%get3A_493, %get3A_494, %get3A_495, %get3A_496] {strides = array<i32>} : memref<2x4x200x64xf32, #tpu.memory_space<vmem>>, vector<1x1x1x16xf32>,
        %get3A_498 = vector.shape_cast %get3A_497 : vector<1x1x1x16xf32> to vector<16xf32>
        %mul3A_499 = arith.constant 8.000000e+00 : f32
        %mul3A_500 = vector.broadcast %mul3A_499 : f32 to vector<16xf32>
        %mul3A_501 = arith.mulf %get3A_498, %mul3A_500 : vector<16xf32>
        %add3A_502 = arith.constant 9.99999982E-14 : f32
        %add3A_503 = vector.broadcast %add3A_502 : f32 to vector<16xf32>
        %add3A_504 = arith.addf %mul3A_501, %add3A_503 : vector<16xf32>
        %add3A_505 = arith.constant 0 : i32
        %add3A_506 = arith.addi %mul3A_409, %add3A_505 : i32
        %swap3A_507 = arith.constant 1 : i32
        %swap3A_508 = arith.constant 2 : i32
        %swap3A_509 = arith.index_cast %swap3A_507 : i32 to index
        %swap3A_510 = arith.index_cast %swap3A_508 : i32 to index
        %swap3A_511 = arith.index_cast %add3A_506 : i32 to index
        %swap3A_512 = arith.constant 48 : index
        %swap3A_513 = tpu.vector_load %arg6[%swap3A_509, %swap3A_510, %swap3A_511, %swap3A_512] {strides = array<i32>} : memref<2x4x200x64xf32, #tpu.memory_space<vmem>>, vector<1x1x1x16xf32>,
        %swap3A_514 = vector.shape_cast %swap3A_513 : vector<1x1x1x16xf32> to vector<16xf32>
        %swap3A_515 = vector.shape_cast %add3A_504 : vector<16xf32> to vector<1x1x1x16xf32>
        tpu.vector_store %arg6[%swap3A_509, %swap3A_510, %swap3A_511, %swap3A_512], %swap3A_515 {strides = array<i32>} : memref<2x4x200x64xf32, #tpu.memory_space<vmem>>, vector<1x1x1x16xf32>,
        %add3A_516 = arith.constant 1 : i32
        %add3A_517 = arith.addi %mul3A_409, %add3A_516 : i32
        %get3A_518 = arith.constant 1 : i32
        %get3A_519 = arith.constant 2 : i32
        %get3A_520 = arith.index_cast %get3A_518 : i32 to index
        %get3A_521 = arith.index_cast %get3A_519 : i32 to index
        %get3A_522 = arith.index_cast %add3A_517 : i32 to index
        %get3A_523 = arith.constant 0 : index
        %get3A_524 = tpu.vector_load %arg6[%get3A_520, %get3A_521, %get3A_522, %get3A_523] {strides = array<i32>} : memref<2x4x200x64xf32, #tpu.memory_space<vmem>>, vector<1x1x1x16xf32>,
        %get3A_525 = vector.shape_cast %get3A_524 : vector<1x1x1x16xf32> to vector<16xf32>
        %mul3A_526 = arith.constant 8.000000e+00 : f32
        %mul3A_527 = vector.broadcast %mul3A_526 : f32 to vector<16xf32>
        %mul3A_528 = arith.mulf %get3A_525, %mul3A_527 : vector<16xf32>
        %add3A_529 = arith.constant 9.99999982E-14 : f32
        %add3A_530 = vector.broadcast %add3A_529 : f32 to vector<16xf32>
        %add3A_531 = arith.addf %mul3A_528, %add3A_530 : vector<16xf32>
        %add3A_532 = arith.constant 1 : i32
        %add3A_533 = arith.addi %mul3A_409, %add3A_532 : i32
        %swap3A_534 = arith.constant 1 : i32
        %swap3A_535 = arith.constant 2 : i32
        %swap3A_536 = arith.index_cast %swap3A_534 : i32 to index
        %swap3A_537 = arith.index_cast %swap3A_535 : i32 to index
        %swap3A_538 = arith.index_cast %add3A_533 : i32 to index
        %swap3A_539 = arith.constant 0 : index
        %swap3A_540 = tpu.vector_load %arg6[%swap3A_536, %swap3A_537, %swap3A_538, %swap3A_539] {strides = array<i32>} : memref<2x4x200x64xf32, #tpu.memory_space<vmem>>, vector<1x1x1x16xf32>,
        %swap3A_541 = vector.shape_cast %swap3A_540 : vector<1x1x1x16xf32> to vector<16xf32>
        %swap3A_542 = vector.shape_cast %add3A_531 : vector<16xf32> to vector<1x1x1x16xf32>
        tpu.vector_store %arg6[%swap3A_536, %swap3A_537, %swap3A_538, %swap3A_539], %swap3A_542 {strides = array<i32>} : memref<2x4x200x64xf32, #tpu.memory_space<vmem>>, vector<1x1x1x16xf32>,
        %add3A_543 = arith.constant 1 : i32
        %add3A_544 = arith.addi %mul3A_409, %add3A_543 : i32
        %get3A_545 = arith.constant 1 : i32
        %get3A_546 = arith.constant 2 : i32
        %get3A_547 = arith.index_cast %get3A_545 : i32 to index
        %get3A_548 = arith.index_cast %get3A_546 : i32 to index
        %get3A_549 = arith.index_cast %add3A_544 : i32 to index
        %get3A_550 = arith.constant 16 : index
        %get3A_551 = tpu.vector_load %arg6[%get3A_547, %get3A_548, %get3A_549, %get3A_550] {strides = array<i32>} : memref<2x4x200x64xf32, #tpu.memory_space<vmem>>, vector<1x1x1x16xf32>,
        %get3A_552 = vector.shape_cast %get3A_551 : vector<1x1x1x16xf32> to vector<16xf32>
        %mul3A_553 = arith.constant 8.000000e+00 : f32
        %mul3A_554 = vector.broadcast %mul3A_553 : f32 to vector<16xf32>
        %mul3A_555 = arith.mulf %get3A_552, %mul3A_554 : vector<16xf32>
        %add3A_556 = arith.constant 9.99999982E-14 : f32
        %add3A_557 = vector.broadcast %add3A_556 : f32 to vector<16xf32>
        %add3A_558 = arith.addf %mul3A_555, %add3A_557 : vector<16xf32>
        %add3A_559 = arith.constant 1 : i32
        %add3A_560 = arith.addi %mul3A_409, %add3A_559 : i32
        %swap3A_561 = arith.constant 1 : i32
        %swap3A_562 = arith.constant 2 : i32
        %swap3A_563 = arith.index_cast %swap3A_561 : i32 to index
        %swap3A_564 = arith.index_cast %swap3A_562 : i32 to index
        %swap3A_565 = arith.index_cast %add3A_560 : i32 to index
        %swap3A_566 = arith.constant 16 : index
        %swap3A_567 = tpu.vector_load %arg6[%swap3A_563, %swap3A_564, %swap3A_565, %swap3A_566] {strides = array<i32>} : memref<2x4x200x64xf32, #tpu.memory_space<vmem>>, vector<1x1x1x16xf32>,
        %swap3A_568 = vector.shape_cast %swap3A_567 : vector<1x1x1x16xf32> to vector<16xf32>
        %swap3A_569 = vector.shape_cast %add3A_558 : vector<16xf32> to vector<1x1x1x16xf32>
        tpu.vector_store %arg6[%swap3A_563, %swap3A_564, %swap3A_565, %swap3A_566], %swap3A_569 {strides = array<i32>} : memref<2x4x200x64xf32, #tpu.memory_space<vmem>>, vector<1x1x1x16xf32>,
        %add3A_570 = arith.constant 1 : i32
        %add3A_571 = arith.addi %mul3A_409, %add3A_570 : i32
        %get3A_572 = arith.constant 1 : i32
        %get3A_573 = arith.constant 2 : i32
        %get3A_574 = arith.index_cast %get3A_572 : i32 to index
        %get3A_575 = arith.index_cast %get3A_573 : i32 to index
        %get3A_576 = arith.index_cast %add3A_571 : i32 to index
        %get3A_577 = arith.constant 32 : index
        %get3A_578 = tpu.vector_load %arg6[%get3A_574, %get3A_575, %get3A_576, %get3A_577] {strides = array<i32>} : memref<2x4x200x64xf32, #tpu.memory_space<vmem>>, vector<1x1x1x16xf32>,
        %get3A_579 = vector.shape_cast %get3A_578 : vector<1x1x1x16xf32> to vector<16xf32>
        %mul3A_580 = arith.constant 8.000000e+00 : f32
        %mul3A_581 = vector.broadcast %mul3A_580 : f32 to vector<16xf32>
        %mul3A_582 = arith.mulf %get3A_579, %mul3A_581 : vector<16xf32>
        %add3A_583 = arith.constant 9.99999982E-14 : f32
        %add3A_584 = vector.broadcast %add3A_583 : f32 to vector<16xf32>
        %add3A_585 = arith.addf %mul3A_582, %add3A_584 : vector<16xf32>
        %add3A_586 = arith.constant 1 : i32
        %add3A_587 = arith.addi %mul3A_409, %add3A_586 : i32
        %swap3A_588 = arith.constant 1 : i32
        %swap3A_589 = arith.constant 2 : i32
        %swap3A_590 = arith.index_cast %swap3A_588 : i32 to index
        %swap3A_591 = arith.index_cast %swap3A_589 : i32 to index
        %swap3A_592 = arith.index_cast %add3A_587 : i32 to index
        %swap3A_593 = arith.constant 32 : index
        %swap3A_594 = tpu.vector_load %arg6[%swap3A_590, %swap3A_591, %swap3A_592, %swap3A_593] {strides = array<i32>} : memref<2x4x200x64xf32, #tpu.memory_space<vmem>>, vector<1x1x1x16xf32>,
        %swap3A_595 = vector.shape_cast %swap3A_594 : vector<1x1x1x16xf32> to vector<16xf32>
        %swap3A_596 = vector.shape_cast %add3A_585 : vector<16xf32> to vector<1x1x1x16xf32>
        tpu.vector_store %arg6[%swap3A_590, %swap3A_591, %swap3A_592, %swap3A_593], %swap3A_596 {strides = array<i32>} : memref<2x4x200x64xf32, #tpu.memory_space<vmem>>, vector<1x1x1x16xf32>,
        %add3A_597 = arith.constant 1 : i32
        %add3A_598 = arith.addi %mul3A_409, %add3A_597 : i32
        %get3A_599 = arith.constant 1 : i32
        %get3A_600 = arith.constant 2 : i32
        %get3A_601 = arith.index_cast %get3A_599 : i32 to index
        %get3A_602 = arith.index_cast %get3A_600 : i32 to index
        %get3A_603 = arith.index_cast %add3A_598 : i32 to index
        %get3A_604 = arith.constant 48 : index
        %get3A_605 = tpu.vector_load %arg6[%get3A_601, %get3A_602, %get3A_603, %get3A_604] {strides = array<i32>} : memref<2x4x200x64xf32, #tpu.memory_space<vmem>>, vector<1x1x1x16xf32>,
        %get3A_606 = vector.shape_cast %get3A_605 : vector<1x1x1x16xf32> to vector<16xf32>
        %mul3A_607 = arith.constant 8.000000e+00 : f32
        %mul3A_608 = vector.broadcast %mul3A_607 : f32 to vector<16xf32>
        %mul3A_609 = arith.mulf %get3A_606, %mul3A_608 : vector<16xf32>
        %add3A_610 = arith.constant 9.99999982E-14 : f32
        %add3A_611 = vector.broadcast %add3A_610 : f32 to vector<16xf32>
        %add3A_612 = arith.addf %mul3A_609, %add3A_611 : vector<16xf32>
        %add3A_613 = arith.constant 1 : i32
        %add3A_614 = arith.addi %mul3A_409, %add3A_613 : i32
        %swap3A_615 = arith.constant 1 : i32
        %swap3A_616 = arith.constant 2 : i32
        %swap3A_617 = arith.index_cast %swap3A_615 : i32 to index
        %swap3A_618 = arith.index_cast %swap3A_616 : i32 to index
        %swap3A_619 = arith.index_cast %add3A_614 : i32 to index
        %swap3A_620 = arith.constant 48 : index
        %swap3A_621 = tpu.vector_load %arg6[%swap3A_617, %swap3A_618, %swap3A_619, %swap3A_620] {strides = array<i32>} : memref<2x4x200x64xf32, #tpu.memory_space<vmem>>, vector<1x1x1x16xf32>,
        %swap3A_622 = vector.shape_cast %swap3A_621 : vector<1x1x1x16xf32> to vector<16xf32>
        %swap3A_623 = vector.shape_cast %add3A_612 : vector<16xf32> to vector<1x1x1x16xf32>
        tpu.vector_store %arg6[%swap3A_617, %swap3A_618, %swap3A_619, %swap3A_620], %swap3A_623 {strides = array<i32>} : memref<2x4x200x64xf32, #tpu.memory_space<vmem>>, vector<1x1x1x16xf32>,
        %add3A_624 = arith.constant 2 : i32
        %add3A_625 = arith.addi %mul3A_409, %add3A_624 : i32
        %get3A_626 = arith.constant 1 : i32
        %get3A_627 = arith.constant 2 : i32
        %get3A_628 = arith.index_cast %get3A_626 : i32 to index
        %get3A_629 = arith.index_cast %get3A_627 : i32 to index
        %get3A_630 = arith.index_cast %add3A_625 : i32 to index
        %get3A_631 = arith.constant 0 : index
        %get3A_632 = tpu.vector_load %arg6[%get3A_628, %get3A_629, %get3A_630, %get3A_631] {strides = array<i32>} : memref<2x4x200x64xf32, #tpu.memory_space<vmem>>, vector<1x1x1x16xf32>,
        %get3A_633 = vector.shape_cast %get3A_632 : vector<1x1x1x16xf32> to vector<16xf32>
        %mul3A_634 = arith.constant 8.000000e+00 : f32
        %mul3A_635 = vector.broadcast %mul3A_634 : f32 to vector<16xf32>
        %mul3A_636 = arith.mulf %get3A_633, %mul3A_635 : vector<16xf32>
        %add3A_637 = arith.constant 9.99999982E-14 : f32
        %add3A_638 = vector.broadcast %add3A_637 : f32 to vector<16xf32>
        %add3A_639 = arith.addf %mul3A_636, %add3A_638 : vector<16xf32>
        %add3A_640 = arith.constant 2 : i32
        %add3A_641 = arith.addi %mul3A_409, %add3A_640 : i32
        %swap3A_642 = arith.constant 1 : i32
        %swap3A_643 = arith.constant 2 : i32
        %swap3A_644 = arith.index_cast %swap3A_642 : i32 to index
        %swap3A_645 = arith.index_cast %swap3A_643 : i32 to index
        %swap3A_646 = arith.index_cast %add3A_641 : i32 to index
        %swap3A_647 = arith.constant 0 : index
        %swap3A_648 = tpu.vector_load %arg6[%swap3A_644, %swap3A_645, %swap3A_646, %swap3A_647] {strides = array<i32>} : memref<2x4x200x64xf32, #tpu.memory_space<vmem>>, vector<1x1x1x16xf32>,
        %swap3A_649 = vector.shape_cast %swap3A_648 : vector<1x1x1x16xf32> to vector<16xf32>
        %swap3A_650 = vector.shape_cast %add3A_639 : vector<16xf32> to vector<1x1x1x16xf32>
        tpu.vector_store %arg6[%swap3A_644, %swap3A_645, %swap3A_646, %swap3A_647], %swap3A_650 {strides = array<i32>} : memref<2x4x200x64xf32, #tpu.memory_space<vmem>>, vector<1x1x1x16xf32>,
        %add3A_651 = arith.constant 2 : i32
        %add3A_652 = arith.addi %mul3A_409, %add3A_651 : i32
        %get3A_653 = arith.constant 1 : i32
        %get3A_654 = arith.constant 2 : i32
        %get3A_655 = arith.index_cast %get3A_653 : i32 to index
        %get3A_656 = arith.index_cast %get3A_654 : i32 to index
        %get3A_657 = arith.index_cast %add3A_652 : i32 to index
        %get3A_658 = arith.constant 16 : index
        %get3A_659 = tpu.vector_load %arg6[%get3A_655, %get3A_656, %get3A_657, %get3A_658] {strides = array<i32>} : memref<2x4x200x64xf32, #tpu.memory_space<vmem>>, vector<1x1x1x16xf32>,
        %get3A_660 = vector.shape_cast %get3A_659 : vector<1x1x1x16xf32> to vector<16xf32>
        %mul3A_661 = arith.constant 8.000000e+00 : f32
        %mul3A_662 = vector.broadcast %mul3A_661 : f32 to vector<16xf32>
        %mul3A_663 = arith.mulf %get3A_660, %mul3A_662 : vector<16xf32>
        %add3A_664 = arith.constant 9.99999982E-14 : f32
        %add3A_665 = vector.broadcast %add3A_664 : f32 to vector<16xf32>
        %add3A_666 = arith.addf %mul3A_663, %add3A_665 : vector<16xf32>
        %add3A_667 = arith.constant 2 : i32
        %add3A_668 = arith.addi %mul3A_409, %add3A_667 : i32
        %swap3A_669 = arith.constant 1 : i32
        %swap3A_670 = arith.constant 2 : i32
        %swap3A_671 = arith.index_cast %swap3A_669 : i32 to index
        %swap3A_672 = arith.index_cast %swap3A_670 : i32 to index
        %swap3A_673 = arith.index_cast %add3A_668 : i32 to index
        %swap3A_674 = arith.constant 16 : index
        %swap3A_675 = tpu.vector_load %arg6[%swap3A_671, %swap3A_672, %swap3A_673, %swap3A_674] {strides = array<i32>} : memref<2x4x200x64xf32, #tpu.memory_space<vmem>>, vector<1x1x1x16xf32>,
        %swap3A_676 = vector.shape_cast %swap3A_675 : vector<1x1x1x16xf32> to vector<16xf32>
        %swap3A_677 = vector.shape_cast %add3A_666 : vector<16xf32> to vector<1x1x1x16xf32>
        tpu.vector_store %arg6[%swap3A_671, %swap3A_672, %swap3A_673, %swap3A_674], %swap3A_677 {strides = array<i32>} : memref<2x4x200x64xf32, #tpu.memory_space<vmem>>, vector<1x1x1x16xf32>,
        %add3A_678 = arith.constant 2 : i32
        %add3A_679 = arith.addi %mul3A_409, %add3A_678 : i32
        %get3A_680 = arith.constant 1 : i32
        %get3A_681 = arith.constant 2 : i32
        %get3A_682 = arith.index_cast %get3A_680 : i32 to index
        %get3A_683 = arith.index_cast %get3A_681 : i32 to index
        %get3A_684 = arith.index_cast %add3A_679 : i32 to index
        %get3A_685 = arith.constant 32 : index
        %get3A_686 = tpu.vector_load %arg6[%get3A_682, %get3A_683, %get3A_684, %get3A_685] {strides = array<i32>} : memref<2x4x200x64xf32, #tpu.memory_space<vmem>>, vector<1x1x1x16xf32>,
        %get3A_687 = vector.shape_cast %get3A_686 : vector<1x1x1x16xf32> to vector<16xf32>
        %mul3A_688 = arith.constant 8.000000e+00 : f32
        %mul3A_689 = vector.broadcast %mul3A_688 : f32 to vector<16xf32>
        %mul3A_690 = arith.mulf %get3A_687, %mul3A_689 : vector<16xf32>
        %add3A_691 = arith.constant 9.99999982E-14 : f32
        %add3A_692 = vector.broadcast %add3A_691 : f32 to vector<16xf32>
        %add3A_693 = arith.addf %mul3A_690, %add3A_692 : vector<16xf32>
        %add3A_694 = arith.constant 2 : i32
        %add3A_695 = arith.addi %mul3A_409, %add3A_694 : i32
        %swap3A_696 = arith.constant 1 : i32
        %swap3A_697 = arith.constant 2 : i32
        %swap3A_698 = arith.index_cast %swap3A_696 : i32 to index
        %swap3A_699 = arith.index_cast %swap3A_697 : i32 to index
        %swap3A_700 = arith.index_cast %add3A_695 : i32 to index
        %swap3A_701 = arith.constant 32 : index
        %swap3A_702 = tpu.vector_load %arg6[%swap3A_698, %swap3A_699, %swap3A_700, %swap3A_701] {strides = array<i32>} : memref<2x4x200x64xf32, #tpu.memory_space<vmem>>, vector<1x1x1x16xf32>,
        %swap3A_703 = vector.shape_cast %swap3A_702 : vector<1x1x1x16xf32> to vector<16xf32>
        %swap3A_704 = vector.shape_cast %add3A_693 : vector<16xf32> to vector<1x1x1x16xf32>
        tpu.vector_store %arg6[%swap3A_698, %swap3A_699, %swap3A_700, %swap3A_701], %swap3A_704 {strides = array<i32>} : memref<2x4x200x64xf32, #tpu.memory_space<vmem>>, vector<1x1x1x16xf32>,
        %add3A_705 = arith.constant 2 : i32
        %add3A_706 = arith.addi %mul3A_409, %add3A_705 : i32
        %get3A_707 = arith.constant 1 : i32
        %get3A_708 = arith.constant 2 : i32
        %get3A_709 = arith.index_cast %get3A_707 : i32 to index
        %get3A_710 = arith.index_cast %get3A_708 : i32 to index
        %get3A_711 = arith.index_cast %add3A_706 : i32 to index
        %get3A_712 = arith.constant 48 : index
        %get3A_713 = tpu.vector_load %arg6[%get3A_709, %get3A_710, %get3A_711, %get3A_712] {strides = array<i32>} : memref<2x4x200x64xf32, #tpu.memory_space<vmem>>, vector<1x1x1x16xf32>,
        %get3A_714 = vector.shape_cast %get3A_713 : vector<1x1x1x16xf32> to vector<16xf32>
        %mul3A_715 = arith.constant 8.000000e+00 : f32
        %mul3A_716 = vector.broadcast %mul3A_715 : f32 to vector<16xf32>
        %mul3A_717 = arith.mulf %get3A_714, %mul3A_716 : vector<16xf32>
        %add3A_718 = arith.constant 9.99999982E-14 : f32
        %add3A_719 = vector.broadcast %add3A_718 : f32 to vector<16xf32>
        %add3A_720 = arith.addf %mul3A_717, %add3A_719 : vector<16xf32>
        %add3A_721 = arith.constant 2 : i32
        %add3A_722 = arith.addi %mul3A_409, %add3A_721 : i32
        %swap3A_723 = arith.constant 1 : i32
        %swap3A_724 = arith.constant 2 : i32
        %swap3A_725 = arith.index_cast %swap3A_723 : i32 to index
        %swap3A_726 = arith.index_cast %swap3A_724 : i32 to index
        %swap3A_727 = arith.index_cast %add3A_722 : i32 to index
        %swap3A_728 = arith.constant 48 : index
        %swap3A_729 = tpu.vector_load %arg6[%swap3A_725, %swap3A_726, %swap3A_727, %swap3A_728] {strides = array<i32>} : memref<2x4x200x64xf32, #tpu.memory_space<vmem>>, vector<1x1x1x16xf32>,
        %swap3A_730 = vector.shape_cast %swap3A_729 : vector<1x1x1x16xf32> to vector<16xf32>
        %swap3A_731 = vector.shape_cast %add3A_720 : vector<16xf32> to vector<1x1x1x16xf32>
        tpu.vector_store %arg6[%swap3A_725, %swap3A_726, %swap3A_727, %swap3A_728], %swap3A_731 {strides = array<i32>} : memref<2x4x200x64xf32, #tpu.memory_space<vmem>>, vector<1x1x1x16xf32>,
        %add3A_732 = arith.constant 3 : i32
        %add3A_733 = arith.addi %mul3A_409, %add3A_732 : i32
        %get3A_734 = arith.constant 1 : i32
        %get3A_735 = arith.constant 2 : i32
        %get3A_736 = arith.index_cast %get3A_734 : i32 to index
        %get3A_737 = arith.index_cast %get3A_735 : i32 to index
        %get3A_738 = arith.index_cast %add3A_733 : i32 to index
        %get3A_739 = arith.constant 0 : index
        %get3A_740 = tpu.vector_load %arg6[%get3A_736, %get3A_737, %get3A_738, %get3A_739] {strides = array<i32>} : memref<2x4x200x64xf32, #tpu.memory_space<vmem>>, vector<1x1x1x16xf32>,
        %get3A_741 = vector.shape_cast %get3A_740 : vector<1x1x1x16xf32> to vector<16xf32>
        %mul3A_742 = arith.constant 8.000000e+00 : f32
        %mul3A_743 = vector.broadcast %mul3A_742 : f32 to vector<16xf32>
        %mul3A_744 = arith.mulf %get3A_741, %mul3A_743 : vector<16xf32>
        %add3A_745 = arith.constant 9.99999982E-14 : f32
        %add3A_746 = vector.broadcast %add3A_745 : f32 to vector<16xf32>
        %add3A_747 = arith.addf %mul3A_744, %add3A_746 : vector<16xf32>
        %add3A_748 = arith.constant 3 : i32
        %add3A_749 = arith.addi %mul3A_409, %add3A_748 : i32
        %swap3A_750 = arith.constant 1 : i32
        %swap3A_751 = arith.constant 2 : i32
        %swap3A_752 = arith.index_cast %swap3A_750 : i32 to index
        %swap3A_753 = arith.index_cast %swap3A_751 : i32 to index
        %swap3A_754 = arith.index_cast %add3A_749 : i32 to index
        %swap3A_755 = arith.constant 0 : index
        %swap3A_756 = tpu.vector_load %arg6[%swap3A_752, %swap3A_753, %swap3A_754, %swap3A_755] {strides = array<i32>} : memref<2x4x200x64xf32, #tpu.memory_space<vmem>>, vector<1x1x1x16xf32>,
        %swap3A_757 = vector.shape_cast %swap3A_756 : vector<1x1x1x16xf32> to vector<16xf32>
        %swap3A_758 = vector.shape_cast %add3A_747 : vector<16xf32> to vector<1x1x1x16xf32>
        tpu.vector_store %arg6[%swap3A_752, %swap3A_753, %swap3A_754, %swap3A_755], %swap3A_758 {strides = array<i32>} : memref<2x4x200x64xf32, #tpu.memory_space<vmem>>, vector<1x1x1x16xf32>,
        %add3A_759 = arith.constant 3 : i32
        %add3A_760 = arith.addi %mul3A_409, %add3A_759 : i32
        %get3A_761 = arith.constant 1 : i32
        %get3A_762 = arith.constant 2 : i32
        %get3A_763 = arith.index_cast %get3A_761 : i32 to index
        %get3A_764 = arith.index_cast %get3A_762 : i32 to index
        %get3A_765 = arith.index_cast %add3A_760 : i32 to index
        %get3A_766 = arith.constant 16 : index
        %get3A_767 = tpu.vector_load %arg6[%get3A_763, %get3A_764, %get3A_765, %get3A_766] {strides = array<i32>} : memref<2x4x200x64xf32, #tpu.memory_space<vmem>>, vector<1x1x1x16xf32>,
        %get3A_768 = vector.shape_cast %get3A_767 : vector<1x1x1x16xf32> to vector<16xf32>
        %mul3A_769 = arith.constant 8.000000e+00 : f32
        %mul3A_770 = vector.broadcast %mul3A_769 : f32 to vector<16xf32>
        %mul3A_771 = arith.mulf %get3A_768, %mul3A_770 : vector<16xf32>
        %add3A_772 = arith.constant 9.99999982E-14 : f32
        %add3A_773 = vector.broadcast %add3A_772 : f32 to vector<16xf32>
        %add3A_774 = arith.addf %mul3A_771, %add3A_773 : vector<16xf32>
        %add3A_775 = arith.constant 3 : i32
        %add3A_776 = arith.addi %mul3A_409, %add3A_775 : i32
        %swap3A_777 = arith.constant 1 : i32
        %swap3A_778 = arith.constant 2 : i32
        %swap3A_779 = arith.index_cast %swap3A_777 : i32 to index
        %swap3A_780 = arith.index_cast %swap3A_778 : i32 to index
        %swap3A_781 = arith.index_cast %add3A_776 : i32 to index
        %swap3A_782 = arith.constant 16 : index
        %swap3A_783 = tpu.vector_load %arg6[%swap3A_779, %swap3A_780, %swap3A_781, %swap3A_782] {strides = array<i32>} : memref<2x4x200x64xf32, #tpu.memory_space<vmem>>, vector<1x1x1x16xf32>,
        %swap3A_784 = vector.shape_cast %swap3A_783 : vector<1x1x1x16xf32> to vector<16xf32>
        %swap3A_785 = vector.shape_cast %add3A_774 : vector<16xf32> to vector<1x1x1x16xf32>
        tpu.vector_store %arg6[%swap3A_779, %swap3A_780, %swap3A_781, %swap3A_782], %swap3A_785 {strides = array<i32>} : memref<2x4x200x64xf32, #tpu.memory_space<vmem>>, vector<1x1x1x16xf32>,
        %add3A_786 = arith.constant 3 : i32
        %add3A_787 = arith.addi %mul3A_409, %add3A_786 : i32
        %get3A_788 = arith.constant 1 : i32
        %get3A_789 = arith.constant 2 : i32
        %get3A_790 = arith.index_cast %get3A_788 : i32 to index
        %get3A_791 = arith.index_cast %get3A_789 : i32 to index
        %get3A_792 = arith.index_cast %add3A_787 : i32 to index
        %get3A_793 = arith.constant 32 : index
        %get3A_794 = tpu.vector_load %arg6[%get3A_790, %get3A_791, %get3A_792, %get3A_793] {strides = array<i32>} : memref<2x4x200x64xf32, #tpu.memory_space<vmem>>, vector<1x1x1x16xf32>,
        %get3A_795 = vector.shape_cast %get3A_794 : vector<1x1x1x16xf32> to vector<16xf32>
        %mul3A_796 = arith.constant 8.000000e+00 : f32
        %mul3A_797 = vector.broadcast %mul3A_796 : f32 to vector<16xf32>
        %mul3A_798 = arith.mulf %get3A_795, %mul3A_797 : vector<16xf32>
        %add3A_799 = arith.constant 9.99999982E-14 : f32
        %add3A_800 = vector.broadcast %add3A_799 : f32 to vector<16xf32>
        %add3A_801 = arith.addf %mul3A_798, %add3A_800 : vector<16xf32>
        %add3A_802 = arith.constant 3 : i32
        %add3A_803 = arith.addi %mul3A_409, %add3A_802 : i32
        %swap3A_804 = arith.constant 1 : i32
        %swap3A_805 = arith.constant 2 : i32
        %swap3A_806 = arith.index_cast %swap3A_804 : i32 to index
        %swap3A_807 = arith.index_cast %swap3A_805 : i32 to index
        %swap3A_808 = arith.index_cast %add3A_803 : i32 to index
        %swap3A_809 = arith.constant 32 : index
        %swap3A_810 = tpu.vector_load %arg6[%swap3A_806, %swap3A_807, %swap3A_808, %swap3A_809] {strides = array<i32>} : memref<2x4x200x64xf32, #tpu.memory_space<vmem>>, vector<1x1x1x16xf32>,
        %swap3A_811 = vector.shape_cast %swap3A_810 : vector<1x1x1x16xf32> to vector<16xf32>
        %swap3A_812 = vector.shape_cast %add3A_801 : vector<16xf32> to vector<1x1x1x16xf32>
        tpu.vector_store %arg6[%swap3A_806, %swap3A_807, %swap3A_808, %swap3A_809], %swap3A_812 {strides = array<i32>} : memref<2x4x200x64xf32, #tpu.memory_space<vmem>>, vector<1x1x1x16xf32>,
        %add3A_813 = arith.constant 3 : i32
        %add3A_814 = arith.addi %mul3A_409, %add3A_813 : i32
        %get3A_815 = arith.constant 1 : i32
        %get3A_816 = arith.constant 2 : i32
        %get3A_817 = arith.index_cast %get3A_815 : i32 to index
        %get3A_818 = arith.index_cast %get3A_816 : i32 to index
        %get3A_819 = arith.index_cast %add3A_814 : i32 to index
        %get3A_820 = arith.constant 48 : index
        %get3A_821 = tpu.vector_load %arg6[%get3A_817, %get3A_818, %get3A_819, %get3A_820] {strides = array<i32>} : memref<2x4x200x64xf32, #tpu.memory_space<vmem>>, vector<1x1x1x16xf32>,
        %get3A_822 = vector.shape_cast %get3A_821 : vector<1x1x1x16xf32> to vector<16xf32>
        %mul3A_823 = arith.constant 8.000000e+00 : f32
        %mul3A_824 = vector.broadcast %mul3A_823 : f32 to vector<16xf32>
        %mul3A_825 = arith.mulf %get3A_822, %mul3A_824 : vector<16xf32>
        %add3A_826 = arith.constant 9.99999982E-14 : f32
        %add3A_827 = vector.broadcast %add3A_826 : f32 to vector<16xf32>
        %add3A_828 = arith.addf %mul3A_825, %add3A_827 : vector<16xf32>
        %add3A_829 = arith.constant 3 : i32
        %add3A_830 = arith.addi %mul3A_409, %add3A_829 : i32
        %swap3A_831 = arith.constant 1 : i32
        %swap3A_832 = arith.constant 2 : i32
        %swap3A_833 = arith.index_cast %swap3A_831 : i32 to index
        %swap3A_834 = arith.index_cast %swap3A_832 : i32 to index
        %swap3A_835 = arith.index_cast %add3A_830 : i32 to index
        %swap3A_836 = arith.constant 48 : index
        %swap3A_837 = tpu.vector_load %arg6[%swap3A_833, %swap3A_834, %swap3A_835, %swap3A_836] {strides = array<i32>} : memref<2x4x200x64xf32, #tpu.memory_space<vmem>>, vector<1x1x1x16xf32>,
        %swap3A_838 = vector.shape_cast %swap3A_837 : vector<1x1x1x16xf32> to vector<16xf32>
        %swap3A_839 = vector.shape_cast %add3A_828 : vector<16xf32> to vector<1x1x1x16xf32>
        tpu.vector_store %arg6[%swap3A_833, %swap3A_834, %swap3A_835, %swap3A_836], %swap3A_839 {strides = array<i32>} : memref<2x4x200x64xf32, #tpu.memory_space<vmem>>, vector<1x1x1x16xf32>,
        %scan3A_840 = arith.constant 0 : i32
        scf.yield %scan3A_840 : i32
      }
      %scan3A_393 = arith.constant 50 : i32
      %scan3A_394 = arith.constant 0 : i32
      %scan3A_395 = arith.constant 0 : i32
      %scan3A_396 = arith.constant 50 : i32
      %scan3A_397 = arith.addi %scan3A_395, %scan3A_396 : i32
      %scan3A_398 = arith.constant 1 : i32
      %scan3A_399 = scf.for %scan3A_406 = %scan3A_395 to %scan3A_397 step %scan3A_398 iter_args(%scan3A_407 = %scan3A_394) -> (i32)  : i32 {
        %mul3A_408 = arith.constant 4 : i32
        %mul3A_409 = arith.muli %scan3A_406, %mul3A_408 : i32
        %add3A_410 = arith.constant 0 : i32
        %add3A_411 = arith.addi %mul3A_409, %add3A_410 : i32
        %get3A = arith.constant 1 : i32
        %get3A_412 = arith.constant 3 : i32
        %get3A_413 = arith.index_cast %get3A : i32 to index
        %get3A_414 = arith.index_cast %get3A_412 : i32 to index
        %get3A_415 = arith.index_cast %add3A_411 : i32 to index
        %get3A_416 = arith.constant 0 : index
        %get3A_417 = tpu.vector_load %arg6[%get3A_413, %get3A_414, %get3A_415, %get3A_416] {strides = array<i32>} : memref<2x4x200x64xf32, #tpu.memory_space<vmem>>, vector<1x1x1x16xf32>,
        %get3A_418 = vector.shape_cast %get3A_417 : vector<1x1x1x16xf32> to vector<16xf32>
        %mul3A_419 = arith.constant 8.000000e+00 : f32
        %mul3A_420 = vector.broadcast %mul3A_419 : f32 to vector<16xf32>
        %mul3A_421 = arith.mulf %get3A_418, %mul3A_420 : vector<16xf32>
        %add3A_422 = arith.constant 9.99999982E-14 : f32
        %add3A_423 = vector.broadcast %add3A_422 : f32 to vector<16xf32>
        %add3A_424 = arith.addf %mul3A_421, %add3A_423 : vector<16xf32>
        %add3A_425 = arith.constant 0 : i32
        %add3A_426 = arith.addi %mul3A_409, %add3A_425 : i32
        %swap3A = arith.constant 1 : i32
        %swap3A_427 = arith.constant 3 : i32
        %swap3A_428 = arith.index_cast %swap3A : i32 to index
        %swap3A_429 = arith.index_cast %swap3A_427 : i32 to index
        %swap3A_430 = arith.index_cast %add3A_426 : i32 to index
        %swap3A_431 = arith.constant 0 : index
        %swap3A_432 = tpu.vector_load %arg6[%swap3A_428, %swap3A_429, %swap3A_430, %swap3A_431] {strides = array<i32>} : memref<2x4x200x64xf32, #tpu.memory_space<vmem>>, vector<1x1x1x16xf32>,
        %swap3A_433 = vector.shape_cast %swap3A_432 : vector<1x1x1x16xf32> to vector<16xf32>
        %swap3A_434 = vector.shape_cast %add3A_424 : vector<16xf32> to vector<1x1x1x16xf32>
        tpu.vector_store %arg6[%swap3A_428, %swap3A_429, %swap3A_430, %swap3A_431], %swap3A_434 {strides = array<i32>} : memref<2x4x200x64xf32, #tpu.memory_space<vmem>>, vector<1x1x1x16xf32>,
        %add3A_435 = arith.constant 0 : i32
        %add3A_436 = arith.addi %mul3A_409, %add3A_435 : i32
        %get3A_437 = arith.constant 1 : i32
        %get3A_438 = arith.constant 3 : i32
        %get3A_439 = arith.index_cast %get3A_437 : i32 to index
        %get3A_440 = arith.index_cast %get3A_438 : i32 to index
        %get3A_441 = arith.index_cast %add3A_436 : i32 to index
        %get3A_442 = arith.constant 16 : index
        %get3A_443 = tpu.vector_load %arg6[%get3A_439, %get3A_440, %get3A_441, %get3A_442] {strides = array<i32>} : memref<2x4x200x64xf32, #tpu.memory_space<vmem>>, vector<1x1x1x16xf32>,
        %get3A_444 = vector.shape_cast %get3A_443 : vector<1x1x1x16xf32> to vector<16xf32>
        %mul3A_445 = arith.constant 8.000000e+00 : f32
        %mul3A_446 = vector.broadcast %mul3A_445 : f32 to vector<16xf32>
        %mul3A_447 = arith.mulf %get3A_444, %mul3A_446 : vector<16xf32>
        %add3A_448 = arith.constant 9.99999982E-14 : f32
        %add3A_449 = vector.broadcast %add3A_448 : f32 to vector<16xf32>
        %add3A_450 = arith.addf %mul3A_447, %add3A_449 : vector<16xf32>
        %add3A_451 = arith.constant 0 : i32
        %add3A_452 = arith.addi %mul3A_409, %add3A_451 : i32
        %swap3A_453 = arith.constant 1 : i32
        %swap3A_454 = arith.constant 3 : i32
        %swap3A_455 = arith.index_cast %swap3A_453 : i32 to index
        %swap3A_456 = arith.index_cast %swap3A_454 : i32 to index
        %swap3A_457 = arith.index_cast %add3A_452 : i32 to index
        %swap3A_458 = arith.constant 16 : index
        %swap3A_459 = tpu.vector_load %arg6[%swap3A_455, %swap3A_456, %swap3A_457, %swap3A_458] {strides = array<i32>} : memref<2x4x200x64xf32, #tpu.memory_space<vmem>>, vector<1x1x1x16xf32>,
        %swap3A_460 = vector.shape_cast %swap3A_459 : vector<1x1x1x16xf32> to vector<16xf32>
        %swap3A_461 = vector.shape_cast %add3A_450 : vector<16xf32> to vector<1x1x1x16xf32>
        tpu.vector_store %arg6[%swap3A_455, %swap3A_456, %swap3A_457, %swap3A_458], %swap3A_461 {strides = array<i32>} : memref<2x4x200x64xf32, #tpu.memory_space<vmem>>, vector<1x1x1x16xf32>,
        %add3A_462 = arith.constant 0 : i32
        %add3A_463 = arith.addi %mul3A_409, %add3A_462 : i32
        %get3A_464 = arith.constant 1 : i32
        %get3A_465 = arith.constant 3 : i32
        %get3A_466 = arith.index_cast %get3A_464 : i32 to index
        %get3A_467 = arith.index_cast %get3A_465 : i32 to index
        %get3A_468 = arith.index_cast %add3A_463 : i32 to index
        %get3A_469 = arith.constant 32 : index
        %get3A_470 = tpu.vector_load %arg6[%get3A_466, %get3A_467, %get3A_468, %get3A_469] {strides = array<i32>} : memref<2x4x200x64xf32, #tpu.memory_space<vmem>>, vector<1x1x1x16xf32>,
        %get3A_471 = vector.shape_cast %get3A_470 : vector<1x1x1x16xf32> to vector<16xf32>
        %mul3A_472 = arith.constant 8.000000e+00 : f32
        %mul3A_473 = vector.broadcast %mul3A_472 : f32 to vector<16xf32>
        %mul3A_474 = arith.mulf %get3A_471, %mul3A_473 : vector<16xf32>
        %add3A_475 = arith.constant 9.99999982E-14 : f32
        %add3A_476 = vector.broadcast %add3A_475 : f32 to vector<16xf32>
        %add3A_477 = arith.addf %mul3A_474, %add3A_476 : vector<16xf32>
        %add3A_478 = arith.constant 0 : i32
        %add3A_479 = arith.addi %mul3A_409, %add3A_478 : i32
        %swap3A_480 = arith.constant 1 : i32
        %swap3A_481 = arith.constant 3 : i32
        %swap3A_482 = arith.index_cast %swap3A_480 : i32 to index
        %swap3A_483 = arith.index_cast %swap3A_481 : i32 to index
        %swap3A_484 = arith.index_cast %add3A_479 : i32 to index
        %swap3A_485 = arith.constant 32 : index
        %swap3A_486 = tpu.vector_load %arg6[%swap3A_482, %swap3A_483, %swap3A_484, %swap3A_485] {strides = array<i32>} : memref<2x4x200x64xf32, #tpu.memory_space<vmem>>, vector<1x1x1x16xf32>,
        %swap3A_487 = vector.shape_cast %swap3A_486 : vector<1x1x1x16xf32> to vector<16xf32>
        %swap3A_488 = vector.shape_cast %add3A_477 : vector<16xf32> to vector<1x1x1x16xf32>
        tpu.vector_store %arg6[%swap3A_482, %swap3A_483, %swap3A_484, %swap3A_485], %swap3A_488 {strides = array<i32>} : memref<2x4x200x64xf32, #tpu.memory_space<vmem>>, vector<1x1x1x16xf32>,
        %add3A_489 = arith.constant 0 : i32
        %add3A_490 = arith.addi %mul3A_409, %add3A_489 : i32
        %get3A_491 = arith.constant 1 : i32
        %get3A_492 = arith.constant 3 : i32
        %get3A_493 = arith.index_cast %get3A_491 : i32 to index
        %get3A_494 = arith.index_cast %get3A_492 : i32 to index
        %get3A_495 = arith.index_cast %add3A_490 : i32 to index
        %get3A_496 = arith.constant 48 : index
        %get3A_497 = tpu.vector_load %arg6[%get3A_493, %get3A_494, %get3A_495, %get3A_496] {strides = array<i32>} : memref<2x4x200x64xf32, #tpu.memory_space<vmem>>, vector<1x1x1x16xf32>,
        %get3A_498 = vector.shape_cast %get3A_497 : vector<1x1x1x16xf32> to vector<16xf32>
        %mul3A_499 = arith.constant 8.000000e+00 : f32
        %mul3A_500 = vector.broadcast %mul3A_499 : f32 to vector<16xf32>
        %mul3A_501 = arith.mulf %get3A_498, %mul3A_500 : vector<16xf32>
        %add3A_502 = arith.constant 9.99999982E-14 : f32
        %add3A_503 = vector.broadcast %add3A_502 : f32 to vector<16xf32>
        %add3A_504 = arith.addf %mul3A_501, %add3A_503 : vector<16xf32>
        %add3A_505 = arith.constant 0 : i32
        %add3A_506 = arith.addi %mul3A_409, %add3A_505 : i32
        %swap3A_507 = arith.constant 1 : i32
        %swap3A_508 = arith.constant 3 : i32
        %swap3A_509 = arith.index_cast %swap3A_507 : i32 to index
        %swap3A_510 = arith.index_cast %swap3A_508 : i32 to index
        %swap3A_511 = arith.index_cast %add3A_506 : i32 to index
        %swap3A_512 = arith.constant 48 : index
        %swap3A_513 = tpu.vector_load %arg6[%swap3A_509, %swap3A_510, %swap3A_511, %swap3A_512] {strides = array<i32>} : memref<2x4x200x64xf32, #tpu.memory_space<vmem>>, vector<1x1x1x16xf32>,
        %swap3A_514 = vector.shape_cast %swap3A_513 : vector<1x1x1x16xf32> to vector<16xf32>
        %swap3A_515 = vector.shape_cast %add3A_504 : vector<16xf32> to vector<1x1x1x16xf32>
        tpu.vector_store %arg6[%swap3A_509, %swap3A_510, %swap3A_511, %swap3A_512], %swap3A_515 {strides = array<i32>} : memref<2x4x200x64xf32, #tpu.memory_space<vmem>>, vector<1x1x1x16xf32>,
        %add3A_516 = arith.constant 1 : i32
        %add3A_517 = arith.addi %mul3A_409, %add3A_516 : i32
        %get3A_518 = arith.constant 1 : i32
        %get3A_519 = arith.constant 3 : i32
        %get3A_520 = arith.index_cast %get3A_518 : i32 to index
        %get3A_521 = arith.index_cast %get3A_519 : i32 to index
        %get3A_522 = arith.index_cast %add3A_517 : i32 to index
        %get3A_523 = arith.constant 0 : index
        %get3A_524 = tpu.vector_load %arg6[%get3A_520, %get3A_521, %get3A_522, %get3A_523] {strides = array<i32>} : memref<2x4x200x64xf32, #tpu.memory_space<vmem>>, vector<1x1x1x16xf32>,
        %get3A_525 = vector.shape_cast %get3A_524 : vector<1x1x1x16xf32> to vector<16xf32>
        %mul3A_526 = arith.constant 8.000000e+00 : f32
        %mul3A_527 = vector.broadcast %mul3A_526 : f32 to vector<16xf32>
        %mul3A_528 = arith.mulf %get3A_525, %mul3A_527 : vector<16xf32>
        %add3A_529 = arith.constant 9.99999982E-14 : f32
        %add3A_530 = vector.broadcast %add3A_529 : f32 to vector<16xf32>
        %add3A_531 = arith.addf %mul3A_528, %add3A_530 : vector<16xf32>
        %add3A_532 = arith.constant 1 : i32
        %add3A_533 = arith.addi %mul3A_409, %add3A_532 : i32
        %swap3A_534 = arith.constant 1 : i32
        %swap3A_535 = arith.constant 3 : i32
        %swap3A_536 = arith.index_cast %swap3A_534 : i32 to index
        %swap3A_537 = arith.index_cast %swap3A_535 : i32 to index
        %swap3A_538 = arith.index_cast %add3A_533 : i32 to index
        %swap3A_539 = arith.constant 0 : index
        %swap3A_540 = tpu.vector_load %arg6[%swap3A_536, %swap3A_537, %swap3A_538, %swap3A_539] {strides = array<i32>} : memref<2x4x200x64xf32, #tpu.memory_space<vmem>>, vector<1x1x1x16xf32>,
        %swap3A_541 = vector.shape_cast %swap3A_540 : vector<1x1x1x16xf32> to vector<16xf32>
        %swap3A_542 = vector.shape_cast %add3A_531 : vector<16xf32> to vector<1x1x1x16xf32>
        tpu.vector_store %arg6[%swap3A_536, %swap3A_537, %swap3A_538, %swap3A_539], %swap3A_542 {strides = array<i32>} : memref<2x4x200x64xf32, #tpu.memory_space<vmem>>, vector<1x1x1x16xf32>,
        %add3A_543 = arith.constant 1 : i32
        %add3A_544 = arith.addi %mul3A_409, %add3A_543 : i32
        %get3A_545 = arith.constant 1 : i32
        %get3A_546 = arith.constant 3 : i32
        %get3A_547 = arith.index_cast %get3A_545 : i32 to index
        %get3A_548 = arith.index_cast %get3A_546 : i32 to index
        %get3A_549 = arith.index_cast %add3A_544 : i32 to index
        %get3A_550 = arith.constant 16 : index
        %get3A_551 = tpu.vector_load %arg6[%get3A_547, %get3A_548, %get3A_549, %get3A_550] {strides = array<i32>} : memref<2x4x200x64xf32, #tpu.memory_space<vmem>>, vector<1x1x1x16xf32>,
        %get3A_552 = vector.shape_cast %get3A_551 : vector<1x1x1x16xf32> to vector<16xf32>
        %mul3A_553 = arith.constant 8.000000e+00 : f32
        %mul3A_554 = vector.broadcast %mul3A_553 : f32 to vector<16xf32>
        %mul3A_555 = arith.mulf %get3A_552, %mul3A_554 : vector<16xf32>
        %add3A_556 = arith.constant 9.99999982E-14 : f32
        %add3A_557 = vector.broadcast %add3A_556 : f32 to vector<16xf32>
        %add3A_558 = arith.addf %mul3A_555, %add3A_557 : vector<16xf32>
        %add3A_559 = arith.constant 1 : i32
        %add3A_560 = arith.addi %mul3A_409, %add3A_559 : i32
        %swap3A_561 = arith.constant 1 : i32
        %swap3A_562 = arith.constant 3 : i32
        %swap3A_563 = arith.index_cast %swap3A_561 : i32 to index
        %swap3A_564 = arith.index_cast %swap3A_562 : i32 to index
        %swap3A_565 = arith.index_cast %add3A_560 : i32 to index
        %swap3A_566 = arith.constant 16 : index
        %swap3A_567 = tpu.vector_load %arg6[%swap3A_563, %swap3A_564, %swap3A_565, %swap3A_566] {strides = array<i32>} : memref<2x4x200x64xf32, #tpu.memory_space<vmem>>, vector<1x1x1x16xf32>,
        %swap3A_568 = vector.shape_cast %swap3A_567 : vector<1x1x1x16xf32> to vector<16xf32>
        %swap3A_569 = vector.shape_cast %add3A_558 : vector<16xf32> to vector<1x1x1x16xf32>
        tpu.vector_store %arg6[%swap3A_563, %swap3A_564, %swap3A_565, %swap3A_566], %swap3A_569 {strides = array<i32>} : memref<2x4x200x64xf32, #tpu.memory_space<vmem>>, vector<1x1x1x16xf32>,
        %add3A_570 = arith.constant 1 : i32
        %add3A_571 = arith.addi %mul3A_409, %add3A_570 : i32
        %get3A_572 = arith.constant 1 : i32
        %get3A_573 = arith.constant 3 : i32
        %get3A_574 = arith.index_cast %get3A_572 : i32 to index
        %get3A_575 = arith.index_cast %get3A_573 : i32 to index
        %get3A_576 = arith.index_cast %add3A_571 : i32 to index
        %get3A_577 = arith.constant 32 : index
        %get3A_578 = tpu.vector_load %arg6[%get3A_574, %get3A_575, %get3A_576, %get3A_577] {strides = array<i32>} : memref<2x4x200x64xf32, #tpu.memory_space<vmem>>, vector<1x1x1x16xf32>,
        %get3A_579 = vector.shape_cast %get3A_578 : vector<1x1x1x16xf32> to vector<16xf32>
        %mul3A_580 = arith.constant 8.000000e+00 : f32
        %mul3A_581 = vector.broadcast %mul3A_580 : f32 to vector<16xf32>
        %mul3A_582 = arith.mulf %get3A_579, %mul3A_581 : vector<16xf32>
        %add3A_583 = arith.constant 9.99999982E-14 : f32
        %add3A_584 = vector.broadcast %add3A_583 : f32 to vector<16xf32>
        %add3A_585 = arith.addf %mul3A_582, %add3A_584 : vector<16xf32>
        %add3A_586 = arith.constant 1 : i32
        %add3A_587 = arith.addi %mul3A_409, %add3A_586 : i32
        %swap3A_588 = arith.constant 1 : i32
        %swap3A_589 = arith.constant 3 : i32
        %swap3A_590 = arith.index_cast %swap3A_588 : i32 to index
        %swap3A_591 = arith.index_cast %swap3A_589 : i32 to index
        %swap3A_592 = arith.index_cast %add3A_587 : i32 to index
        %swap3A_593 = arith.constant 32 : index
        %swap3A_594 = tpu.vector_load %arg6[%swap3A_590, %swap3A_591, %swap3A_592, %swap3A_593] {strides = array<i32>} : memref<2x4x200x64xf32, #tpu.memory_space<vmem>>, vector<1x1x1x16xf32>,
        %swap3A_595 = vector.shape_cast %swap3A_594 : vector<1x1x1x16xf32> to vector<16xf32>
        %swap3A_596 = vector.shape_cast %add3A_585 : vector<16xf32> to vector<1x1x1x16xf32>
        tpu.vector_store %arg6[%swap3A_590, %swap3A_591, %swap3A_592, %swap3A_593], %swap3A_596 {strides = array<i32>} : memref<2x4x200x64xf32, #tpu.memory_space<vmem>>, vector<1x1x1x16xf32>,
        %add3A_597 = arith.constant 1 : i32
        %add3A_598 = arith.addi %mul3A_409, %add3A_597 : i32
        %get3A_599 = arith.constant 1 : i32
        %get3A_600 = arith.constant 3 : i32
        %get3A_601 = arith.index_cast %get3A_599 : i32 to index
        %get3A_602 = arith.index_cast %get3A_600 : i32 to index
        %get3A_603 = arith.index_cast %add3A_598 : i32 to index
        %get3A_604 = arith.constant 48 : index
        %get3A_605 = tpu.vector_load %arg6[%get3A_601, %get3A_602, %get3A_603, %get3A_604] {strides = array<i32>} : memref<2x4x200x64xf32, #tpu.memory_space<vmem>>, vector<1x1x1x16xf32>,
        %get3A_606 = vector.shape_cast %get3A_605 : vector<1x1x1x16xf32> to vector<16xf32>
        %mul3A_607 = arith.constant 8.000000e+00 : f32
        %mul3A_608 = vector.broadcast %mul3A_607 : f32 to vector<16xf32>
        %mul3A_609 = arith.mulf %get3A_606, %mul3A_608 : vector<16xf32>
        %add3A_610 = arith.constant 9.99999982E-14 : f32
        %add3A_611 = vector.broadcast %add3A_610 : f32 to vector<16xf32>
        %add3A_612 = arith.addf %mul3A_609, %add3A_611 : vector<16xf32>
        %add3A_613 = arith.constant 1 : i32
        %add3A_614 = arith.addi %mul3A_409, %add3A_613 : i32
        %swap3A_615 = arith.constant 1 : i32
        %swap3A_616 = arith.constant 3 : i32
        %swap3A_617 = arith.index_cast %swap3A_615 : i32 to index
        %swap3A_618 = arith.index_cast %swap3A_616 : i32 to index
        %swap3A_619 = arith.index_cast %add3A_614 : i32 to index
        %swap3A_620 = arith.constant 48 : index
        %swap3A_621 = tpu.vector_load %arg6[%swap3A_617, %swap3A_618, %swap3A_619, %swap3A_620] {strides = array<i32>} : memref<2x4x200x64xf32, #tpu.memory_space<vmem>>, vector<1x1x1x16xf32>,
        %swap3A_622 = vector.shape_cast %swap3A_621 : vector<1x1x1x16xf32> to vector<16xf32>
        %swap3A_623 = vector.shape_cast %add3A_612 : vector<16xf32> to vector<1x1x1x16xf32>
        tpu.vector_store %arg6[%swap3A_617, %swap3A_618, %swap3A_619, %swap3A_620], %swap3A_623 {strides = array<i32>} : memref<2x4x200x64xf32, #tpu.memory_space<vmem>>, vector<1x1x1x16xf32>,
        %add3A_624 = arith.constant 2 : i32
        %add3A_625 = arith.addi %mul3A_409, %add3A_624 : i32
        %get3A_626 = arith.constant 1 : i32
        %get3A_627 = arith.constant 3 : i32
        %get3A_628 = arith.index_cast %get3A_626 : i32 to index
        %get3A_629 = arith.index_cast %get3A_627 : i32 to index
        %get3A_630 = arith.index_cast %add3A_625 : i32 to index
        %get3A_631 = arith.constant 0 : index
        %get3A_632 = tpu.vector_load %arg6[%get3A_628, %get3A_629, %get3A_630, %get3A_631] {strides = array<i32>} : memref<2x4x200x64xf32, #tpu.memory_space<vmem>>, vector<1x1x1x16xf32>,
        %get3A_633 = vector.shape_cast %get3A_632 : vector<1x1x1x16xf32> to vector<16xf32>
        %mul3A_634 = arith.constant 8.000000e+00 : f32
        %mul3A_635 = vector.broadcast %mul3A_634 : f32 to vector<16xf32>
        %mul3A_636 = arith.mulf %get3A_633, %mul3A_635 : vector<16xf32>
        %add3A_637 = arith.constant 9.99999982E-14 : f32
        %add3A_638 = vector.broadcast %add3A_637 : f32 to vector<16xf32>
        %add3A_639 = arith.addf %mul3A_636, %add3A_638 : vector<16xf32>
        %add3A_640 = arith.constant 2 : i32
        %add3A_641 = arith.addi %mul3A_409, %add3A_640 : i32
        %swap3A_642 = arith.constant 1 : i32
        %swap3A_643 = arith.constant 3 : i32
        %swap3A_644 = arith.index_cast %swap3A_642 : i32 to index
        %swap3A_645 = arith.index_cast %swap3A_643 : i32 to index
        %swap3A_646 = arith.index_cast %add3A_641 : i32 to index
        %swap3A_647 = arith.constant 0 : index
        %swap3A_648 = tpu.vector_load %arg6[%swap3A_644, %swap3A_645, %swap3A_646, %swap3A_647] {strides = array<i32>} : memref<2x4x200x64xf32, #tpu.memory_space<vmem>>, vector<1x1x1x16xf32>,
        %swap3A_649 = vector.shape_cast %swap3A_648 : vector<1x1x1x16xf32> to vector<16xf32>
        %swap3A_650 = vector.shape_cast %add3A_639 : vector<16xf32> to vector<1x1x1x16xf32>
        tpu.vector_store %arg6[%swap3A_644, %swap3A_645, %swap3A_646, %swap3A_647], %swap3A_650 {strides = array<i32>} : memref<2x4x200x64xf32, #tpu.memory_space<vmem>>, vector<1x1x1x16xf32>,
        %add3A_651 = arith.constant 2 : i32
        %add3A_652 = arith.addi %mul3A_409, %add3A_651 : i32
        %get3A_653 = arith.constant 1 : i32
        %get3A_654 = arith.constant 3 : i32
        %get3A_655 = arith.index_cast %get3A_653 : i32 to index
        %get3A_656 = arith.index_cast %get3A_654 : i32 to index
        %get3A_657 = arith.index_cast %add3A_652 : i32 to index
        %get3A_658 = arith.constant 16 : index
        %get3A_659 = tpu.vector_load %arg6[%get3A_655, %get3A_656, %get3A_657, %get3A_658] {strides = array<i32>} : memref<2x4x200x64xf32, #tpu.memory_space<vmem>>, vector<1x1x1x16xf32>,
        %get3A_660 = vector.shape_cast %get3A_659 : vector<1x1x1x16xf32> to vector<16xf32>
        %mul3A_661 = arith.constant 8.000000e+00 : f32
        %mul3A_662 = vector.broadcast %mul3A_661 : f32 to vector<16xf32>
        %mul3A_663 = arith.mulf %get3A_660, %mul3A_662 : vector<16xf32>
        %add3A_664 = arith.constant 9.99999982E-14 : f32
        %add3A_665 = vector.broadcast %add3A_664 : f32 to vector<16xf32>
        %add3A_666 = arith.addf %mul3A_663, %add3A_665 : vector<16xf32>
        %add3A_667 = arith.constant 2 : i32
        %add3A_668 = arith.addi %mul3A_409, %add3A_667 : i32
        %swap3A_669 = arith.constant 1 : i32
        %swap3A_670 = arith.constant 3 : i32
        %swap3A_671 = arith.index_cast %swap3A_669 : i32 to index
        %swap3A_672 = arith.index_cast %swap3A_670 : i32 to index
        %swap3A_673 = arith.index_cast %add3A_668 : i32 to index
        %swap3A_674 = arith.constant 16 : index
        %swap3A_675 = tpu.vector_load %arg6[%swap3A_671, %swap3A_672, %swap3A_673, %swap3A_674] {strides = array<i32>} : memref<2x4x200x64xf32, #tpu.memory_space<vmem>>, vector<1x1x1x16xf32>,
        %swap3A_676 = vector.shape_cast %swap3A_675 : vector<1x1x1x16xf32> to vector<16xf32>
        %swap3A_677 = vector.shape_cast %add3A_666 : vector<16xf32> to vector<1x1x1x16xf32>
        tpu.vector_store %arg6[%swap3A_671, %swap3A_672, %swap3A_673, %swap3A_674], %swap3A_677 {strides = array<i32>} : memref<2x4x200x64xf32, #tpu.memory_space<vmem>>, vector<1x1x1x16xf32>,
        %add3A_678 = arith.constant 2 : i32
        %add3A_679 = arith.addi %mul3A_409, %add3A_678 : i32
        %get3A_680 = arith.constant 1 : i32
        %get3A_681 = arith.constant 3 : i32
        %get3A_682 = arith.index_cast %get3A_680 : i32 to index
        %get3A_683 = arith.index_cast %get3A_681 : i32 to index
        %get3A_684 = arith.index_cast %add3A_679 : i32 to index
        %get3A_685 = arith.constant 32 : index
        %get3A_686 = tpu.vector_load %arg6[%get3A_682, %get3A_683, %get3A_684, %get3A_685] {strides = array<i32>} : memref<2x4x200x64xf32, #tpu.memory_space<vmem>>, vector<1x1x1x16xf32>,
        %get3A_687 = vector.shape_cast %get3A_686 : vector<1x1x1x16xf32> to vector<16xf32>
        %mul3A_688 = arith.constant 8.000000e+00 : f32
        %mul3A_689 = vector.broadcast %mul3A_688 : f32 to vector<16xf32>
        %mul3A_690 = arith.mulf %get3A_687, %mul3A_689 : vector<16xf32>
        %add3A_691 = arith.constant 9.99999982E-14 : f32
        %add3A_692 = vector.broadcast %add3A_691 : f32 to vector<16xf32>
        %add3A_693 = arith.addf %mul3A_690, %add3A_692 : vector<16xf32>
        %add3A_694 = arith.constant 2 : i32
        %add3A_695 = arith.addi %mul3A_409, %add3A_694 : i32
        %swap3A_696 = arith.constant 1 : i32
        %swap3A_697 = arith.constant 3 : i32
        %swap3A_698 = arith.index_cast %swap3A_696 : i32 to index
        %swap3A_699 = arith.index_cast %swap3A_697 : i32 to index
        %swap3A_700 = arith.index_cast %add3A_695 : i32 to index
        %swap3A_701 = arith.constant 32 : index
        %swap3A_702 = tpu.vector_load %arg6[%swap3A_698, %swap3A_699, %swap3A_700, %swap3A_701] {strides = array<i32>} : memref<2x4x200x64xf32, #tpu.memory_space<vmem>>, vector<1x1x1x16xf32>,
        %swap3A_703 = vector.shape_cast %swap3A_702 : vector<1x1x1x16xf32> to vector<16xf32>
        %swap3A_704 = vector.shape_cast %add3A_693 : vector<16xf32> to vector<1x1x1x16xf32>
        tpu.vector_store %arg6[%swap3A_698, %swap3A_699, %swap3A_700, %swap3A_701], %swap3A_704 {strides = array<i32>} : memref<2x4x200x64xf32, #tpu.memory_space<vmem>>, vector<1x1x1x16xf32>,
        %add3A_705 = arith.constant 2 : i32
        %add3A_706 = arith.addi %mul3A_409, %add3A_705 : i32
        %get3A_707 = arith.constant 1 : i32
        %get3A_708 = arith.constant 3 : i32
        %get3A_709 = arith.index_cast %get3A_707 : i32 to index
        %get3A_710 = arith.index_cast %get3A_708 : i32 to index
        %get3A_711 = arith.index_cast %add3A_706 : i32 to index
        %get3A_712 = arith.constant 48 : index
        %get3A_713 = tpu.vector_load %arg6[%get3A_709, %get3A_710, %get3A_711, %get3A_712] {strides = array<i32>} : memref<2x4x200x64xf32, #tpu.memory_space<vmem>>, vector<1x1x1x16xf32>,
        %get3A_714 = vector.shape_cast %get3A_713 : vector<1x1x1x16xf32> to vector<16xf32>
        %mul3A_715 = arith.constant 8.000000e+00 : f32
        %mul3A_716 = vector.broadcast %mul3A_715 : f32 to vector<16xf32>
        %mul3A_717 = arith.mulf %get3A_714, %mul3A_716 : vector<16xf32>
        %add3A_718 = arith.constant 9.99999982E-14 : f32
        %add3A_719 = vector.broadcast %add3A_718 : f32 to vector<16xf32>
        %add3A_720 = arith.addf %mul3A_717, %add3A_719 : vector<16xf32>
        %add3A_721 = arith.constant 2 : i32
        %add3A_722 = arith.addi %mul3A_409, %add3A_721 : i32
        %swap3A_723 = arith.constant 1 : i32
        %swap3A_724 = arith.constant 3 : i32
        %swap3A_725 = arith.index_cast %swap3A_723 : i32 to index
        %swap3A_726 = arith.index_cast %swap3A_724 : i32 to index
        %swap3A_727 = arith.index_cast %add3A_722 : i32 to index
        %swap3A_728 = arith.constant 48 : index
        %swap3A_729 = tpu.vector_load %arg6[%swap3A_725, %swap3A_726, %swap3A_727, %swap3A_728] {strides = array<i32>} : memref<2x4x200x64xf32, #tpu.memory_space<vmem>>, vector<1x1x1x16xf32>,
        %swap3A_730 = vector.shape_cast %swap3A_729 : vector<1x1x1x16xf32> to vector<16xf32>
        %swap3A_731 = vector.shape_cast %add3A_720 : vector<16xf32> to vector<1x1x1x16xf32>
        tpu.vector_store %arg6[%swap3A_725, %swap3A_726, %swap3A_727, %swap3A_728], %swap3A_731 {strides = array<i32>} : memref<2x4x200x64xf32, #tpu.memory_space<vmem>>, vector<1x1x1x16xf32>,
        %add3A_732 = arith.constant 3 : i32
        %add3A_733 = arith.addi %mul3A_409, %add3A_732 : i32
        %get3A_734 = arith.constant 1 : i32
        %get3A_735 = arith.constant 3 : i32
        %get3A_736 = arith.index_cast %get3A_734 : i32 to index
        %get3A_737 = arith.index_cast %get3A_735 : i32 to index
        %get3A_738 = arith.index_cast %add3A_733 : i32 to index
        %get3A_739 = arith.constant 0 : index
        %get3A_740 = tpu.vector_load %arg6[%get3A_736, %get3A_737, %get3A_738, %get3A_739] {strides = array<i32>} : memref<2x4x200x64xf32, #tpu.memory_space<vmem>>, vector<1x1x1x16xf32>,
        %get3A_741 = vector.shape_cast %get3A_740 : vector<1x1x1x16xf32> to vector<16xf32>
        %mul3A_742 = arith.constant 8.000000e+00 : f32
        %mul3A_743 = vector.broadcast %mul3A_742 : f32 to vector<16xf32>
        %mul3A_744 = arith.mulf %get3A_741, %mul3A_743 : vector<16xf32>
        %add3A_745 = arith.constant 9.99999982E-14 : f32
        %add3A_746 = vector.broadcast %add3A_745 : f32 to vector<16xf32>
        %add3A_747 = arith.addf %mul3A_744, %add3A_746 : vector<16xf32>
        %add3A_748 = arith.constant 3 : i32
        %add3A_749 = arith.addi %mul3A_409, %add3A_748 : i32
        %swap3A_750 = arith.constant 1 : i32
        %swap3A_751 = arith.constant 3 : i32
        %swap3A_752 = arith.index_cast %swap3A_750 : i32 to index
        %swap3A_753 = arith.index_cast %swap3A_751 : i32 to index
        %swap3A_754 = arith.index_cast %add3A_749 : i32 to index
        %swap3A_755 = arith.constant 0 : index
        %swap3A_756 = tpu.vector_load %arg6[%swap3A_752, %swap3A_753, %swap3A_754, %swap3A_755] {strides = array<i32>} : memref<2x4x200x64xf32, #tpu.memory_space<vmem>>, vector<1x1x1x16xf32>,
        %swap3A_757 = vector.shape_cast %swap3A_756 : vector<1x1x1x16xf32> to vector<16xf32>
        %swap3A_758 = vector.shape_cast %add3A_747 : vector<16xf32> to vector<1x1x1x16xf32>
        tpu.vector_store %arg6[%swap3A_752, %swap3A_753, %swap3A_754, %swap3A_755], %swap3A_758 {strides = array<i32>} : memref<2x4x200x64xf32, #tpu.memory_space<vmem>>, vector<1x1x1x16xf32>,
        %add3A_759 = arith.constant 3 : i32
        %add3A_760 = arith.addi %mul3A_409, %add3A_759 : i32
        %get3A_761 = arith.constant 1 : i32
        %get3A_762 = arith.constant 3 : i32
        %get3A_763 = arith.index_cast %get3A_761 : i32 to index
        %get3A_764 = arith.index_cast %get3A_762 : i32 to index
        %get3A_765 = arith.index_cast %add3A_760 : i32 to index
        %get3A_766 = arith.constant 16 : index
        %get3A_767 = tpu.vector_load %arg6[%get3A_763, %get3A_764, %get3A_765, %get3A_766] {strides = array<i32>} : memref<2x4x200x64xf32, #tpu.memory_space<vmem>>, vector<1x1x1x16xf32>,
        %get3A_768 = vector.shape_cast %get3A_767 : vector<1x1x1x16xf32> to vector<16xf32>
        %mul3A_769 = arith.constant 8.000000e+00 : f32
        %mul3A_770 = vector.broadcast %mul3A_769 : f32 to vector<16xf32>
        %mul3A_771 = arith.mulf %get3A_768, %mul3A_770 : vector<16xf32>
        %add3A_772 = arith.constant 9.99999982E-14 : f32
        %add3A_773 = vector.broadcast %add3A_772 : f32 to vector<16xf32>
        %add3A_774 = arith.addf %mul3A_771, %add3A_773 : vector<16xf32>
        %add3A_775 = arith.constant 3 : i32
        %add3A_776 = arith.addi %mul3A_409, %add3A_775 : i32
        %swap3A_777 = arith.constant 1 : i32
        %swap3A_778 = arith.constant 3 : i32
        %swap3A_779 = arith.index_cast %swap3A_777 : i32 to index
        %swap3A_780 = arith.index_cast %swap3A_778 : i32 to index
        %swap3A_781 = arith.index_cast %add3A_776 : i32 to index
        %swap3A_782 = arith.constant 16 : index
        %swap3A_783 = tpu.vector_load %arg6[%swap3A_779, %swap3A_780, %swap3A_781, %swap3A_782] {strides = array<i32>} : memref<2x4x200x64xf32, #tpu.memory_space<vmem>>, vector<1x1x1x16xf32>,
        %swap3A_784 = vector.shape_cast %swap3A_783 : vector<1x1x1x16xf32> to vector<16xf32>
        %swap3A_785 = vector.shape_cast %add3A_774 : vector<16xf32> to vector<1x1x1x16xf32>
        tpu.vector_store %arg6[%swap3A_779, %swap3A_780, %swap3A_781, %swap3A_782], %swap3A_785 {strides = array<i32>} : memref<2x4x200x64xf32, #tpu.memory_space<vmem>>, vector<1x1x1x16xf32>,
        %add3A_786 = arith.constant 3 : i32
        %add3A_787 = arith.addi %mul3A_409, %add3A_786 : i32
        %get3A_788 = arith.constant 1 : i32
        %get3A_789 = arith.constant 3 : i32
        %get3A_790 = arith.index_cast %get3A_788 : i32 to index
        %get3A_791 = arith.index_cast %get3A_789 : i32 to index
        %get3A_792 = arith.index_cast %add3A_787 : i32 to index
        %get3A_793 = arith.constant 32 : index
        %get3A_794 = tpu.vector_load %arg6[%get3A_790, %get3A_791, %get3A_792, %get3A_793] {strides = array<i32>} : memref<2x4x200x64xf32, #tpu.memory_space<vmem>>, vector<1x1x1x16xf32>,
        %get3A_795 = vector.shape_cast %get3A_794 : vector<1x1x1x16xf32> to vector<16xf32>
        %mul3A_796 = arith.constant 8.000000e+00 : f32
        %mul3A_797 = vector.broadcast %mul3A_796 : f32 to vector<16xf32>
        %mul3A_798 = arith.mulf %get3A_795, %mul3A_797 : vector<16xf32>
        %add3A_799 = arith.constant 9.99999982E-14 : f32
        %add3A_800 = vector.broadcast %add3A_799 : f32 to vector<16xf32>
        %add3A_801 = arith.addf %mul3A_798, %add3A_800 : vector<16xf32>
        %add3A_802 = arith.constant 3 : i32
        %add3A_803 = arith.addi %mul3A_409, %add3A_802 : i32
        %swap3A_804 = arith.constant 1 : i32
        %swap3A_805 = arith.constant 3 : i32
        %swap3A_806 = arith.index_cast %swap3A_804 : i32 to index
        %swap3A_807 = arith.index_cast %swap3A_805 : i32 to index
        %swap3A_808 = arith.index_cast %add3A_803 : i32 to index
        %swap3A_809 = arith.constant 32 : index
        %swap3A_810 = tpu.vector_load %arg6[%swap3A_806, %swap3A_807, %swap3A_808, %swap3A_809] {strides = array<i32>} : memref<2x4x200x64xf32, #tpu.memory_space<vmem>>, vector<1x1x1x16xf32>,
        %swap3A_811 = vector.shape_cast %swap3A_810 : vector<1x1x1x16xf32> to vector<16xf32>
        %swap3A_812 = vector.shape_cast %add3A_801 : vector<16xf32> to vector<1x1x1x16xf32>
        tpu.vector_store %arg6[%swap3A_806, %swap3A_807, %swap3A_808, %swap3A_809], %swap3A_812 {strides = array<i32>} : memref<2x4x200x64xf32, #tpu.memory_space<vmem>>, vector<1x1x1x16xf32>,
        %add3A_813 = arith.constant 3 : i32
        %add3A_814 = arith.addi %mul3A_409, %add3A_813 : i32
        %get3A_815 = arith.constant 1 : i32
        %get3A_816 = arith.constant 3 : i32
        %get3A_817 = arith.index_cast %get3A_815 : i32 to index
        %get3A_818 = arith.index_cast %get3A_816 : i32 to index
        %get3A_819 = arith.index_cast %add3A_814 : i32 to index
        %get3A_820 = arith.constant 48 : index
        %get3A_821 = tpu.vector_load %arg6[%get3A_817, %get3A_818, %get3A_819, %get3A_820] {strides = array<i32>} : memref<2x4x200x64xf32, #tpu.memory_space<vmem>>, vector<1x1x1x16xf32>,
        %get3A_822 = vector.shape_cast %get3A_821 : vector<1x1x1x16xf32> to vector<16xf32>
        %mul3A_823 = arith.constant 8.000000e+00 : f32
        %mul3A_824 = vector.broadcast %mul3A_823 : f32 to vector<16xf32>
        %mul3A_825 = arith.mulf %get3A_822, %mul3A_824 : vector<16xf32>
        %add3A_826 = arith.constant 9.99999982E-14 : f32
        %add3A_827 = vector.broadcast %add3A_826 : f32 to vector<16xf32>
        %add3A_828 = arith.addf %mul3A_825, %add3A_827 : vector<16xf32>
        %add3A_829 = arith.constant 3 : i32
        %add3A_830 = arith.addi %mul3A_409, %add3A_829 : i32
        %swap3A_831 = arith.constant 1 : i32
        %swap3A_832 = arith.constant 3 : i32
        %swap3A_833 = arith.index_cast %swap3A_831 : i32 to index
        %swap3A_834 = arith.index_cast %swap3A_832 : i32 to index
        %swap3A_835 = arith.index_cast %add3A_830 : i32 to index
        %swap3A_836 = arith.constant 48 : index
        %swap3A_837 = tpu.vector_load %arg6[%swap3A_833, %swap3A_834, %swap3A_835, %swap3A_836] {strides = array<i32>} : memref<2x4x200x64xf32, #tpu.memory_space<vmem>>, vector<1x1x1x16xf32>,
        %swap3A_838 = vector.shape_cast %swap3A_837 : vector<1x1x1x16xf32> to vector<16xf32>
        %swap3A_839 = vector.shape_cast %add3A_828 : vector<16xf32> to vector<1x1x1x16xf32>
        tpu.vector_store %arg6[%swap3A_833, %swap3A_834, %swap3A_835, %swap3A_836], %swap3A_839 {strides = array<i32>} : memref<2x4x200x64xf32, #tpu.memory_space<vmem>>, vector<1x1x1x16xf32>,
        %scan3A_840 = arith.constant 0 : i32
        scf.yield %scan3A_840 : i32
      }
      %scan3A_400 = arith.constant 50 : i32
      %mul3A_401 = arith.constant 4 : i32
      %mul3A_402 = arith.muli %add3A_350, %mul3A_401 : i32
      %add3A_403 = arith.addi %mul3A_2, %mul3A_402 : i32
      %run_scoped3A_404 = arith.constant 1 : i32
      "tpu.region"() ({
        %run_scoped3A_406 = tpu.sem_alloc : memref<!tpu.dma_semaphore, #tpu.memory_space<semaphore_mem>>
        %dma_start3A_407 = arith.constant 0 : i32
        %dma_start3A_408 = arith.constant 0 : i32
        %dma_start3A_409 = arith.constant 0 : i32
        %dma_start3A_410 = tpu.memref_slice %arg6[%run_scoped3A_404, %dma_start3A_407, %dma_start3A_408, %dma_start3A_409] : memref<2x4x200x64xf32, #tpu.memory_space<vmem>> -> memref<1x4x200x64xf32, #tpu.memory_space<vmem>>
        %dma_start3A_411 = tpu.memref_squeeze %dma_start3A_410 : memref<1x4x200x64xf32, #tpu.memory_space<vmem>> -> memref<4x200x64xf32, #tpu.memory_space<vmem>>
        %dma_start3A_412 = arith.constant 0 : i32
        %dma_start3A_413 = arith.constant 0 : i32
        %dma_start3A_414 = tpu.memref_slice %arg4[%add3A_403, %dma_start3A_412, %dma_start3A_413] : memref<4096x200x128xf32, #tpu.memory_space<hbm>> -> memref<4x200x64xf32, #tpu.memory_space<hbm>>
        %dma_start3A_415 = arith.constant 0 : i32
        %dma_start3A_416 = arith.constant 0 : i32
        %dma_start3A_417 = tpu.memref_slice %arg4[%add3A_403, %dma_start3A_415, %dma_start3A_416] : memref<4096x200x128xf32, #tpu.memory_space<hbm>> -> memref<4x200x64xf32, #tpu.memory_space<hbm>>
        %dma_start3A_418 = arith.constant 0 : i32
        %dma_start3A_419 = arith.constant 0 : i32
        %dma_start3A_420 = arith.constant 0 : i32
        %dma_start3A_421 = tpu.memref_slice %arg6[%run_scoped3A_404, %dma_start3A_418, %dma_start3A_419, %dma_start3A_420] : memref<2x4x200x64xf32, #tpu.memory_space<vmem>> -> memref<1x4x200x64xf32, #tpu.memory_space<vmem>>
        %dma_start3A_422 = tpu.memref_squeeze %dma_start3A_421 : memref<1x4x200x64xf32, #tpu.memory_space<vmem>> -> memref<4x200x64xf32, #tpu.memory_space<vmem>>
        tpu.enqueue_dma source(%dma_start3A_422 : memref<4x200x64xf32, #tpu.memory_space<vmem>>) target(%dma_start3A_417 : memref<4x200x64xf32, #tpu.memory_space<hbm>>) target_semaphore(%run_scoped3A_406 : memref<!tpu.dma_semaphore, #tpu.memory_space<semaphore_mem>>)
        %dma_wait3A_423 = arith.constant 0 : i32
        %dma_wait3A_424 = arith.constant 0 : i32
        %dma_wait3A_425 = arith.constant 0 : i32
        %dma_wait3A_426 = tpu.memref_slice %arg6[%run_scoped3A_404, %dma_wait3A_423, %dma_wait3A_424, %dma_wait3A_425] : memref<2x4x200x64xf32, #tpu.memory_space<vmem>> -> memref<1x4x200x64xf32, #tpu.memory_space<vmem>>
        %dma_wait3A_427 = tpu.memref_squeeze %dma_wait3A_426 : memref<1x4x200x64xf32, #tpu.memory_space<vmem>> -> memref<4x200x64xf32, #tpu.memory_space<vmem>>
        %dma_wait3A_428 = arith.constant 0 : i32
        %dma_wait3A_429 = arith.constant 0 : i32
        %dma_wait3A_430 = tpu.memref_slice %arg4[%add3A_403, %dma_wait3A_428, %dma_wait3A_429] : memref<4096x200x128xf32, #tpu.memory_space<hbm>> -> memref<4x200x64xf32, #tpu.memory_space<hbm>>
        %dma_wait3A_431 = arith.constant 0 : i32
        %dma_wait3A_432 = arith.constant 0 : i32
        %dma_wait3A_433 = tpu.memref_slice %arg4[%add3A_403, %dma_wait3A_431, %dma_wait3A_432] : memref<4096x200x128xf32, #tpu.memory_space<hbm>> -> memref<4x200x64xf32, #tpu.memory_space<hbm>>
        %dma_wait3A_434 = arith.constant 0 : i32
        %dma_wait3A_435 = arith.constant 0 : i32
        %dma_wait3A_436 = arith.constant 0 : i32
        %dma_wait3A_437 = tpu.memref_slice %arg6[%run_scoped3A_404, %dma_wait3A_434, %dma_wait3A_435, %dma_wait3A_436] : memref<2x4x200x64xf32, #tpu.memory_space<vmem>> -> memref<1x4x200x64xf32, #tpu.memory_space<vmem>>
        %dma_wait3A_438 = tpu.memref_squeeze %dma_wait3A_437 : memref<1x4x200x64xf32, #tpu.memory_space<vmem>> -> memref<4x200x64xf32, #tpu.memory_space<vmem>>
        tpu.wait_dma2 semaphore(%run_scoped3A_406 : memref<!tpu.dma_semaphore, #tpu.memory_space<semaphore_mem>>) src(%dma_wait3A_438 : memref<4x200x64xf32, #tpu.memory_space<vmem>>) dst(%dma_wait3A_433 : memref<4x200x64xf32, #tpu.memory_space<hbm>>)
        tpu.yield
      }) : () -> ()
      %scan3A_405 = arith.constant 0 : i32
      scf.yield %scan3A_405 : i32
    }
    %scan3A_145 = arith.constant 16 : i32
    return
  }
}

</mosaic_0001>

<sc_bundles>
// kernel: _emb_lookup.3.cloned.1.call-start
scs
__scs_entry_jumppad:
0x0: {  	(pc) =	sbr.rel $0x88, $3  }
0x1: {  	(tag) =	ssettag $0x0;
	lr =	simm.s32 $0x1  }
0x2: {  	[smem:$0x3F9F] =	sst lr;
	_ =	strace $0xD0000000  }
0x3: {  	_ = 	snop  }
0x4: {  	_ = 	snop  }
0x5: {  	_ = 	snop  }
0x6: {  	_ = 	snop  }
0x7: {  	_ = 	snop  }
__scs_overlays_trampoline_lowered:
0x8: {  	[smem:$0x3FAE] =	sst s0  }
0x9: {  	[smem:$0x3FAF] =	sst s1  }
0xa: {  	[smem:$0x3FB0] =	sst s2  }
0xb: {  	[smem:$0x3FB1] =	sst s3  }
0xc: {  	[smem:$0x3FB2] =	sst s4  }
0xd: {  	[smem:$0x3FB3] =	sst s5  }
0xe: {  	[smem:$0x3FB4] =	sst s6  }
0xf: {  	[smem:$0x3FB5] =	sst s7  }
0x10: {  	[smem:$0x3FB6] =	sst s8  }
0x11: {  	[smem:$0x3FB7] =	sst s9;
	s0 =	simm.s32 @!p0 $0x0  }
0x12: {  	s1 =	sld [smem:$0x3F9D];
	s0 =	simm.s32 @p0 $0x1  }
0x13: {  	[smem:$0x3FB8] =	sst s0;
	s0 =	simm.s32 @!p1 $0x0  }
0x14: {  	s2 =	sld [smem:$0x3F9C];
	s0 =	simm.s32 @p1 $0x1  }
0x15: {  	[smem:$0x3FB9] =	sst s0;
	s0 =	simm.s32 @!p2 $0x0  }
0x16: {  	s3 =	sld [smem:$0x3FDB];
	s0 =	simm.s32 @p2 $0x1  }
0x17: {  	s4 =	simm.s32 $0x1BF5;
	[smem:$0x3FBB] =	sst s0  }
0x18: {  	s0 =	sld [smem:$0x3F9E];
	_ =	swait.ge [sflag:s4], $0x0  }
0x19: {  	s7 =	sld [smem:$0x3F9F]  }
0x1a: {  	s8 =	sadd.s32 $0xFFFFE003, lr  }
0x1b: {  	s9 =	sadd.s32 $0xFFFFFEF7, lr;
	s5 =	simm.s32 $0xFFFFFFFF;
	p2 =	slt.u32 s8, $0xFFFFF086  }
0x1c: {  	p1 =	slt.u32 s9, $0xF7A;
	s5 =	simm.s32 @!p2 $0x0  }
0x1d: {  	s5 =	simm.s32 @p1 $0x1;
	p0 =	seq.s32 s7, s2  }
0x1e: {  	s7 =	smul.u32 @!p0 $0xF7A, s2;
	p2 =	seq.s32 @!p0 s5, $0x0  }
0x1f: {  	s9 =	smul.u32 $0xF7A, s1;
	s8 =	simm.s32 @!p0 $0x1BF5;
	p2 =	por !p2, p0  }
0x20: {  	[sflag:s8] =	ssyncset.s32 @!p0 $0xFFFFF086;
	s6 =	sadd.s32 @!p0 s3, s7;
	s7 =	simm.s32 @!p0 $0x108  }
0x21: {  	s3 =	sadd.s32 s3, s9;
	s6 =	sadd.s32 @!p0 $0x88, s6;
	s7 =	simm.s32 @p2 $0x1082  }
0x22: {  	[simem:s7], [sflag:s8] =	dma.local @!p0 [hbm:s6], $0xF7A  }
0x23: {  	s9 =	sor.u32 $0xD0000000, s2;
	s6 =	simm.s32 $0x108;
	_ =	swait.ge @!p0 [sflag:s8], $0x0  }
0x24: {  	s3 =	sadd.s32 $0x88, s3;
	s6 =	simm.s32 @!p1 $0x1082;
	[sflag:s4] =	ssyncset.s32 $0xFFFFF086  }
0x25: {  	[simem:s6], [sflag:s4] =	dma.local [hbm:s3], $0xF7A  }
0x26: {  	[smem:$0x3F9F] =	sst s1;
	(tag) =	ssettag s2;
	_ =	strace s9  }
0x27: {  	s1 =	sld [smem:$0x3FAF]  }
0x28: {  	s2 =	sld [smem:$0x3FB0]  }
0x29: {  	s4 =	sld [smem:$0x3FB2]  }
0x2a: {  	p0 =	seq.s32 s5, $0x0;
	s5 =	sld [smem:$0x3FB3]  }
0x2b: {  	s6 =	sld [smem:$0x3FB4]  }
0x2c: {  	s7 =	sld [smem:$0x3FB5]  }
0x2d: {  	s3 =	simm.s32 $0x108;
	s8 =	sld [smem:$0x3FB6]  }
0x2e: {  	s3 =	simm.s32 @!p0 $0x1082;
	s9 =	sld [smem:$0x3FB7]  }
0x2f: {  	lr =	sadd.s32 s0, s3;
	s0 =	sld [smem:$0x3FAE]  }
0x30: {  	s3 =	sld [smem:$0x3FB1]  }
0x31: {  	[smem:$0x3FBA] =	sst s10  }
0x32: {  	s10 =	sld [smem:$0x3FB8];
	_ =	sdelay $0x3  }
0x33: {  	p0 =	seq.s32 s10, $0x1;
	s10 =	sld [smem:$0x3FBA];
	_ =	sdelay $0x3  }
0x34: {  	[smem:$0x3FBA] =	sst s10  }
0x35: {  	s10 =	sld [smem:$0x3FB9];
	_ =	sdelay $0x3  }
0x36: {  	p1 =	seq.s32 s10, $0x1;
	s10 =	sld [smem:$0x3FBA];
	_ =	sdelay $0x3  }
0x37: {  	[smem:$0x3FBA] =	sst s10  }
0x38: {  	s10 =	sld [smem:$0x3FBB]  }
0x39: {  	_ = 	snop;
	(pc) =	sbr.ind lr, $3  }
0x3a: {  	_ = 	snop  }
0x3b: {  	_ = 	snop  }
0x3c: {  	p2 =	seq.s32 s10, $0x1;
	s10 =	sld [smem:$0x3FBA]  }
0x3d: {  	_ =	shalt  }
0x3e: {  	_ =	shalt  }
0x3f: {  	_ =	shalt  }
0x40: {  	_ =	shalt  }
0x41: {  	_ =	shalt  }
0x42: {  	_ =	shalt  }
0x43: {  	_ =	shalt  }
0x44: {  	_ =	shalt  }
0x45: {  	_ =	shalt  }
0x46: {  	_ =	shalt  }
0x47: {  	_ =	shalt  }
0x48: {  	_ =	shalt  }
0x49: {  	_ =	shalt  }
0x4a: {  	_ =	shalt  }
0x4b: {  	_ =	shalt  }
0x4c: {  	_ =	shalt  }
0x4d: {  	_ =	shalt  }
0x4e: {  	_ =	shalt  }
0x4f: {  	_ =	shalt  }
0x50: {  	_ =	shalt  }
0x51: {  	_ =	shalt  }
0x52: {  	_ =	shalt  }
0x53: {  	_ =	shalt  }
0x54: {  	_ =	shalt  }
0x55: {  	_ =	shalt  }
0x56: {  	_ =	shalt  }
0x57: {  	_ =	shalt  }
0x58: {  	_ =	shalt  }
0x59: {  	_ =	shalt  }
0x5a: {  	_ =	shalt  }
0x5b: {  	_ =	shalt  }
0x5c: {  	_ =	shalt  }
0x5d: {  	_ =	shalt  }
0x5e: {  	_ =	shalt  }
0x5f: {  	_ =	shalt  }
0x60: {  	_ =	shalt  }
0x61: {  	_ =	shalt  }
0x62: {  	_ =	shalt  }
0x63: {  	_ =	shalt  }
0x64: {  	_ =	shalt  }
0x65: {  	_ =	shalt  }
0x66: {  	_ =	shalt  }
0x67: {  	_ =	shalt  }
0x68: {  	_ =	shalt  }
0x69: {  	_ =	shalt  }
0x6a: {  	_ =	shalt  }
0x6b: {  	_ =	shalt  }
0x6c: {  	_ =	shalt  }
0x6d: {  	_ =	shalt  }
0x6e: {  	_ =	shalt  }
0x6f: {  	_ =	shalt  }
0x70: {  	_ =	shalt  }
0x71: {  	_ =	shalt  }
0x72: {  	_ =	shalt  }
0x73: {  	_ =	shalt  }
0x74: {  	_ =	shalt  }
0x75: {  	_ =	shalt  }
0x76: {  	_ =	shalt  }
0x77: {  	_ =	shalt  }
0x78: {  	_ =	shalt  }
0x79: {  	_ =	shalt  }
0x7a: {  	_ =	shalt  }
0x7b: {  	_ =	shalt  }
0x7c: {  	_ =	shalt  }
0x7d: {  	_ =	shalt  }
0x7e: {  	_ =	shalt  }
0x7f: {  	_ =	shalt  }
0x80: {  	_ =	shalt  }
0x81: {  	_ =	shalt  }
0x82: {  	_ =	shalt  }
0x83: {  	_ =	shalt  }
0x84: {  	_ =	shalt  }
0x85: {  	_ =	shalt  }
0x86: {  	_ =	shalt  }
0x87: {  	_ =	shalt  }
.Lfunc_end0:
.L_simem_size_0:
called_computation.1_lowered:
.L_overlay_start_0:
0x88: {  	s2 =	sld [smem:$0x3FD9]  }
0x89: {  	s3 =	sld [smem:$0x3FFE];
	_ =	sdelay $0x1  }
0x8a: {  	s1 =	srdreg.scid  }
0x8b: {  	s0 =	sand.u32 $0x1, s1  }
0x8c: {  	s17 =	sshll.u32 s0, $0xA;
	s2 =	sadd.s32 s3, s2  }
0x8d: {  	s2 =	sadd.s32 s2, s17  }
0x8e: {  	[smem:$0x3FC6] =	sst s2  }
0x8f: {  	_ = 	snop  }
0x90: {  	s2 =	sld [smem:$0x3FD0];
	(tm) =	ssettm $0x1  }
0x91: {  	s18 =	sld [smem:$0x3FFB];
	_ =	sdelay $0x3  }
0x92: {  	_ =	strace s18  }
0x93: {  	s3 =	sld [smem:$0x3FFC];
	_ =	sdelay $0x3  }
0x94: {  	_ =	strace s3  }
0x95: {  	s3 =	sld [smem:$0x3FFD];
	_ =	sdelay $0x3  }
0x96: {  	_ =	strace s3  }
0x97: {  	_ =	strace $0x8FFFFFFF  }
0x98: {  	s19 =	sld [smem:$0x3FDB];
	_ =	sdelay $0x1  }
0x99: {  	s4 =	simm.s32 $_scs_section_size  }
0x9a: {  	s5 =	simm.s32 $_size__tile_overlayer_lowered;
	s6 =	simm.s32 $_tile_overlayer_lowered  }
0x9b: {  	s22 =	simm.s32 $0x1BFF;
	s21 =	sshll.u32 s6, $0x1;
	s3 =	sadd.s32 s4, s19  }
0x9c: {  	s7 =	simm.s32 $0x0;
	s20 =	sshll.u32 s5, $0x1;
	s5 =	sadd.s32 s21, s3  }
0x9d: {  	[timem:s7], [sflag:s22] =	dma.local [hbm:s5], s20  }
0x9e: {  	_ =	swait.ge [sflag:s22], s20  }
0x9f: {  	s4 =	ssub.s32 $0x0, s20;
	[sflag:s22] =	ssyncset.done $0x0  }
0xa0: {  	[sflag:s22] =	ssyncadd.s32 s4;
	_ =	sdelay $0x1  }
0xa1: {  	s23 =	simm.s32 $0x1B8B  }
0xa2: {  	_ =	swait.ge [sflag:s23], $0x1  }
0xa3: {  	[sflag:s23] =	ssyncset.done $0x0  }
0xa4: {  	s25 =	simm.s32 $0x1B8E;
	s24 =	sld [smem:$0x3FFE];
	[sflag:s23] =	ssyncadd.s32 $0xFFFFFFFF  }
0xa5: {  	s26 =	simm.s32 $execute0_lowered;
	[smem:$0x3FD2] =	sst s25  }
0xa6: {  	s5 =	sshll.u32 s26, $0x1;
	_ =	strace $0x80000046;
	[dreg:$0x1] =	wrdreg $0xFFFFFFFF  }
0xa7: {  	s28 =	simm.s32 $_size_execute0_lowered;
	s3 =	sadd.s32 s3, s5;
	[dreg:$0x0] =	wrdreg $0x0  }
0xa8: {  	s5 =	sshll.u32 s28, $0x1;
	[dreg:$0x2] =	wrdreg s3  }
0xa9: {  	[dreg:$0x3] =	wrdreg s5  }
0xaa: {  	[dreg:$0x4] =	wrdreg $0xC0  }
0xab: {  	_ =	task [dreg:s7], $0x5FFFF  }
0xac: {  	[dreg:$0x1] =	wrdreg $0xFFFFFFFF  }
0xad: {  	[dreg:$0x0] =	wrdreg $0x60  }
0xae: {  	[dreg:$0x2] =	wrdreg s2  }
0xaf: {  	[dreg:$0x3] =	wrdreg s24  }
0xb0: {  	[dreg:$0x4] =	wrdreg $0x9  }
0xb1: {  	_ =	task.clear_ibuf [dreg:s7], $0x5FFFF;
	_ =	strace $0x90000046  }
0xb2: {  	s29 =	simm.s32 $0x9;
	_ =	strace $0x80000048  }
0xb3: {  	_ =	swait.ge [sflag:s29], $0x1  }
0xb4: {  	[sflag:s29] =	ssyncadd.s32 $0xFFFFFFFF  }
0xb5: {  	_ =	strace $0x90000048  }
0xb6: {  	_ =	sfence  }
0xb7: {  	s30 =	sld [smem:$0x0];
	_ =	sdelay $0x2  }
0xb8: {  	s31 =	sshll.u32 s1, $0xD;
	s1 =	sshrl.u32 s1, $0x2  }
0xb9: {  	s3 =	sand.u32 $0x4000, s31;
	s1 =	sadd.s32 s1, s30  }
0xba: {  	s0 =	sor.u32 s3, s0;
	s1 =	sshll.u32 s1, $0x11  }
0xbb: {  	s0 =	sor.u32 s1, s0  }
0xbc: {  	s0 =	sadd.s32 $0x8F2B, s0  }
0xbd: {  	[sflag:s0] =	ssyncadd.remote.s32 $0x1  }
0xbe: {  	_ =	sfence.sel $0xFFFF  }
0xbf: {  	[dreg:$0x0] =	wrdreg $0xFFFFFFFF;
	(pc) =	sbr.abs _section_cstart, $3  }
0xc0: {  	[dreg:$0x1] =	wrdreg $0xFFFFFFFF  }
0xc1: {  	_ =	task.clear_ibuf [dreg:s7], $0x2FFFF;
	_ =	strace $0x9FFFFFFF  }
0xc2: {  	(tm) =	ssettm $0x7FFFFFFF  }
0xc3: {  	_ =	shalt  }
tec
execute0_lowered:
.L_overlay_start_1:
0x0: {  	(tag) =	ssettag $0x1  }
0x1: {  	s2 =	rddreg [dreg:$0x0]  }
0x2: {  	s0 =	rddreg [dreg:$0x1];
	s1 =	srdreg.scid  }
0x3: {  	s3 =	stileid.u32;
	s5 =	simm.s32 $0x0;
	s11 =	simm.s32 $0x3  }
0x4: {  	s12 =	simm.s32 $0x80;
	s13 =	simm.s32 $0x640;
	s14 =	simm.s32 $0x48  }
0x5: {  	s29 =	simm.s32 $0x320;
	s30 =	simm.s32 $0xCE40;
	s17 =	simm.s32 $0x12040  }
0x6: {  	s18 =	simm.s32 $0x4B0;
	s19 =	simm.s32 $0x13240;
	s20 =	simm.s32 $0x530  }
0x7: {  	s21 =	simm.s32 $0x15240;
	s22 =	simm.s32 $0x578;
	s23 =	simm.s32 $0x16440  }
0x8: {  	s24 =	simm.s32 $0x5F8;
	s25 =	simm.s32 $0x18440;
	s28 =	simm.s32 $0x40  }
0x9: {  	s1 =	sand.u32 $0x1, s1;
	s3 =	sshll.u32 s3, $0x8;
	[smem:$0x7FF] =	sst s5  }
0xa: {  	s5 =	sadd.s32 $0xF42E00, s0;
	s4 =	sshll.u32 s1, $0x7;
	s1 =	ssub.s32 $0x2, s1  }
0xb: {  	s6 =	sadd.s32 $0xA00, s0;
	s4 =	sor.u32 s4, s3;
	s26 =	sshrl.u32 s1, $0x1  }
0xc: {  	_ =	strace $0x80000047;
	s3 =	smul.u32 $0x19, s4;
	s0 =	ssub.s32 s1, s26  }
0xd: {  	s8 =	sor.u32 $0x8, s4;
	s10 =	sor.u32 $0x4, s4;
	s0 =	smax.u32 s0, $0x1  }
0xe: {  	s26 =	simm.s32 $0x1;
	s31 =	sadd.s32 s2, s3;
	[dreg:$0x4] =	wrdreg s0  }
0xf: {  	s1 =	simm.s32 $0x0;
	s3 =	simm.s32 $0x2;
	[dreg:$0x3] =	wrdreg s31  }
.LBB2_1:
0x10: {  	[dreg:$0x5] =	wrdreg s1  }
0x11: {  	s0 =	simm.s32 $0x0;
	s16 =	rddreg [dreg:$0x3]  }
0x12: {  	[tilespmem:s0], [sflag:$0x3] =	stream.linear.gather [hbm4b:s16+s0], $0x320, $0x38;
	[tilespmem:$0x19640] =	vst v63  }
0x13: {  	_ =	swait.ge [sflag:s11], $0x320  }
0x14: {  	[sflag:s11] =	ssyncset.done $0x0  }
0x15: {  	[sflag:s11] =	ssyncadd.s32 $0xFFFFFCE0  }
0x16: {  	[tilespmem:s13], [sflag:$0x1] =	stream.indirect.gather [hbm4b:s5+s12], $0x40, s0, s12, $0xb8;
	[tilespmem:$0x19640] =	vst v63  }
0x17: {  	s31 =	simm.s32 $0x2640  }
0x18: {  	[tilespmem:s31], [sflag:$0x1] =	stream.indirect.gather [hbm4b:s5+s14], $0x40, s12, s14, $0xb8;
	[tilespmem:$0x19640] =	vst v63  }
0x19: {  	s1 =	simm.s32 $0xC8;
	s7 =	simm.s32 $0x3840  }
0x1a: {  	[tilespmem:s7], [sflag:$0x1] =	stream.indirect.gather [hbm4b:s5+s12], $0x40, s1, s12, $0xb8;
	[tilespmem:$0x19640] =	vst v63  }
0x1b: {  	s9 =	simm.s32 $0x148;
	s15 =	simm.s32 $0x5840  }
0x1c: {  	[tilespmem:s15], [sflag:$0x1] =	stream.indirect.gather [hbm4b:s5+s14], $0x40, s9, s14, $0xb8;
	[tilespmem:$0x19640] =	vst v63  }
0x1d: {  	s16 =	simm.s32 $0x190;
	s31 =	simm.s32 $0x6A40  }
0x1e: {  	[tilespmem:s31], [sflag:$0x1] =	stream.indirect.gather [hbm4b:s5+s12], $0x40, s16, s12, $0xb8;
	[tilespmem:$0x19640] =	vst v63  }
0x1f: {  	s1 =	simm.s32 $0x210;
	s7 =	simm.s32 $0x8A40  }
0x20: {  	[tilespmem:s7], [sflag:$0x1] =	stream.indirect.gather [hbm4b:s5+s14], $0x40, s1, s14, $0xb8;
	[tilespmem:$0x19640] =	vst v63  }
0x21: {  	s9 =	simm.s32 $0x258;
	s15 =	simm.s32 $0x9C40  }
0x22: {  	[tilespmem:s15], [sflag:$0x1] =	stream.indirect.gather [hbm4b:s5+s12], $0x40, s9, s12, $0xb8;
	[tilespmem:$0x19640] =	vst v63  }
0x23: {  	s16 =	simm.s32 $0x2D8;
	s31 =	simm.s32 $0xBC40;
	s9 =	simm.s32 $0x0  }
0x24: {  	[tilespmem:s31], [sflag:$0x1] =	stream.indirect.gather [hbm4b:s5+s14], $0x40, s16, s14, $0xb8;
	[tilespmem:$0x19640] =	vst v63  }
.LBB2_2:
0x25: {  	s31 =	sshll.u32 s9, $0x3  }
0x26: {  	s7 =	sor.u32 s10, s31  }
0x27: {  	s0 =	smul.u32 $0x19, s7;
	_ =	sdelay $0x1  }
0x28: {  	s1 =	simm.s32 $0x0;
	s0 =	sadd.s32 s2, s0  }
0x29: {  	[tilespmem:s29], [sflag:$0x3] =	stream.linear.gather [hbm4b:s0+s1], $0x320, $0x38;
	[tilespmem:$0x19640] =	vst v63  }
0x2a: {  	_ =	swait.ge [sflag:s11], $0x320  }
0x2b: {  	[sflag:s11] =	ssyncset.done $0x0  }
0x2c: {  	[sflag:s11] =	ssyncadd.s32 $0xFFFFFCE0  }
0x2d: {  	[tilespmem:s30], [sflag:$0x2] =	stream.indirect.gather [hbm4b:s5+s12], $0x40, s29, s12, $0xb8;
	[tilespmem:$0x19640] =	vst v63  }
0x2e: {  	s15 =	simm.s32 $0x3A0;
	s16 =	simm.s32 $0xEE40  }
0x2f: {  	[tilespmem:s16], [sflag:$0x2] =	stream.indirect.gather [hbm4b:s5+s14], $0x40, s15, s14, $0xb8;
	[tilespmem:$0x19640] =	vst v63  }
0x30: {  	s1 =	simm.s32 $0x3E8;
	s15 =	simm.s32 $0x10040  }
0x31: {  	[tilespmem:s15], [sflag:$0x2] =	stream.indirect.gather [hbm4b:s5+s12], $0x40, s1, s12, $0xb8;
	[tilespmem:$0x19640] =	vst v63  }
0x32: {  	s16 =	simm.s32 $0x468  }
0x33: {  	[tilespmem:s17], [sflag:$0x2] =	stream.indirect.gather [hbm4b:s5+s14], $0x40, s16, s14, $0xb8;
	[tilespmem:$0x19640] =	vst v63  }
0x34: {  	_ = 	snop  }
0x35: {  	[tilespmem:s19], [sflag:$0x2] =	stream.indirect.gather [hbm4b:s5+s12], $0x40, s18, s12, $0xb8;
	[tilespmem:$0x19640] =	vst v63  }
0x36: {  	_ = 	snop  }
0x37: {  	[tilespmem:s21], [sflag:$0x2] =	stream.indirect.gather [hbm4b:s5+s14], $0x40, s20, s14, $0xb8;
	[tilespmem:$0x19640] =	vst v63  }
0x38: {  	_ = 	snop  }
0x39: {  	[tilespmem:s23], [sflag:$0x2] =	stream.indirect.gather [hbm4b:s5+s12], $0x40, s22, s12, $0xb8;
	[tilespmem:$0x19640] =	vst v63  }
0x3a: {  	_ = 	snop  }
0x3b: {  	[tilespmem:s25], [sflag:$0x2] =	stream.indirect.gather [hbm4b:s5+s14], $0x40, s24, s14, $0xb8;
	[tilespmem:$0x19640] =	vst v63  }
0x3c: {  	_ =	swait.ge [sflag:s26], $0xC800  }
0x3d: {  	[sflag:s26] =	ssyncset.done $0x0  }
0x3e: {  	s0 =	simm.s32 $0x0;
	[sflag:s26] =	ssyncadd.s32 $0xFFFF3800  }
0x3f: {  	v0 =	vld [tilespmem:s0+$0x640];
	_ =	sdelay $0x2  }
0x40: {  	v1 =	vld [tilespmem:s0+$0x650]  }
0x41: {  	v3 =	vld [tilespmem:s0+$0x670]  }
0x42: {  	v2 =	vld [tilespmem:s0+$0x660];
	v0 =	vmul.f32 $8.000000000e+00, v0  }
0x43: {  	v4 =	vld [tilespmem:s0+$0x680]  }
0x44: {  	v5 =	vld [tilespmem:s0+$0x690];
	v0 =	vadd.f32 $9.999999820e-14, v0  }
0x45: {  	v6 =	vld [tilespmem:s0+$0x6A0];
	v1 =	vmul.f32 $8.000000000e+00, v1  }
0x46: {  	v7 =	vld [tilespmem:s0+$0x6B0];
	[tilespmem:s0+$0x640] =	vst v0;
	v0 =	vmul.f32 $8.000000000e+00, v3  }
0x47: {  	v8 =	vld [tilespmem:s0+$0x6C0];
	v2 =	vmul.f32 $8.000000000e+00, v2;
	v1 =	vadd.f32 $9.999999820e-14, v1  }
0x48: {  	v9 =	vld [tilespmem:s0+$0x6D0];
	v3 =	vmul.f32 $8.000000000e+00, v4;
	v4 =	vadd.f32 $9.999999820e-14, v0  }
0x49: {  	v5 =	vmul.f32 $8.000000000e+00, v5;
	v2 =	vadd.f32 $9.999999820e-14, v2;
	[tilespmem:s0+$0x650] =	vst v1;
	v1 =	vld [tilespmem:s0+$0x6E0]  }
0x4a: {  	v0 =	vld [tilespmem:s0+$0x6F0];
	v3 =	vadd.f32 $9.999999820e-14, v3;
	[tilespmem:s0+$0x670] =	vst v4;
	v4 =	vmul.f32 $8.000000000e+00, v6  }
0x4b: {  	v5 =	vadd.f32 $9.999999820e-14, v5;
	[tilespmem:s0+$0x660] =	vst v2;
	v2 =	vld [tilespmem:s0+$0x700];
	v6 =	vmul.f32 $8.000000000e+00, v7  }
0x4c: {  	v8 =	vmul.f32 $8.000000000e+00, v8;
	[tilespmem:s0+$0x680] =	vst v3;
	v3 =	vld [tilespmem:s0+$0x710];
	v7 =	vadd.f32 $9.999999820e-14, v4  }
0x4d: {  	s15 =	simm.s32 $0x400;
	s1 =	simm.s32 $0x0;
	[tilespmem:s0+$0x690] =	vst v5;
	v5 =	vadd.f32 $9.999999820e-14, v6;
	v6 =	vmul.f32 $8.000000000e+00, v9;
	v4 =	vld [tilespmem:s0+$0x720]  }
.LBB2_3:
0x4e: {  	s16 =	sshra.s32 s15, $0x2;
	p0 =	sne.s32 s15, $0xC400;
	[tilespmem:s1+$0x6A0] =	vst v7;
	v7 =	vadd.f32 $9.999999820e-14, v8;
	v1 =	vmul.f32 $8.000000000e+00, v1;
	v8 =	vld [tilespmem:s1+$0x730]  }
0x4f: {  	v9 =	vld [tilespmem:s16+$0x640];
	[tilespmem:s1+$0x6B0] =	vst v5;
	v5 =	vadd.f32 $9.999999820e-14, v6;
	v0 =	vmul.f32 $8.000000000e+00, v0  }
0x50: {  	v6 =	vld [tilespmem:s16+$0x650];
	[tilespmem:s1+$0x6C0] =	vst v7;
	v1 =	vadd.f32 $9.999999820e-14, v1;
	v2 =	vmul.f32 $8.000000000e+00, v2  }
0x51: {  	v7 =	vld [tilespmem:s16+$0x660];
	[tilespmem:s1+$0x6D0] =	vst v5;
	v0 =	vadd.f32 $9.999999820e-14, v0;
	v3 =	vmul.f32 $8.000000000e+00, v3  }
0x52: {  	v5 =	vld [tilespmem:s16+$0x670];
	[tilespmem:s1+$0x6E0] =	vst v1;
	v1 =	vadd.f32 $9.999999820e-14, v2;
	v2 =	vmul.f32 $8.000000000e+00, v4  }
0x53: {  	v4 =	vld [tilespmem:s16+$0x680];
	[tilespmem:s1+$0x6F0] =	vst v0;
	v0 =	vadd.f32 $9.999999820e-14, v3;
	v3 =	vmul.f32 $8.000000000e+00, v8  }
0x54: {  	v8 =	vmul.f32 $8.000000000e+00, v9;
	v9 =	vld [tilespmem:s16+$0x690];
	[tilespmem:s1+$0x700] =	vst v1;
	v1 =	vadd.f32 $9.999999820e-14, v2  }
0x55: {  	v2 =	vmul.f32 $8.000000000e+00, v6;
	v6 =	vld [tilespmem:s16+$0x6A0];
	[tilespmem:s1+$0x710] =	vst v0;
	v0 =	vadd.f32 $9.999999820e-14, v3  }
0x56: {  	v3 =	vadd.f32 $9.999999820e-14, v8;
	v7 =	vmul.f32 $8.000000000e+00, v7;
	v8 =	vld [tilespmem:s16+$0x6B0];
	[tilespmem:s1+$0x720] =	vst v1  }
0x57: {  	v1 =	vadd.f32 $9.999999820e-14, v2;
	v2 =	vmul.f32 $8.000000000e+00, v5;
	v5 =	vld [tilespmem:s16+$0x6C0];
	[tilespmem:s1+$0x730] =	vst v0;
	s1 =	smov.u32 s16  }
0x58: {  	[tilespmem:s1+$0x640] =	vst v3;
	v0 =	vadd.f32 $9.999999820e-14, v7;
	v3 =	vmul.f32 $8.000000000e+00, v4;
	v4 =	vld [tilespmem:s1+$0x6D0]  }
.Ltmp0:
0x59: {  	[tilespmem:s1+$0x650] =	vst v1;
	v2 =	vadd.f32 $9.999999820e-14, v2;
	v7 =	vmul.f32 $8.000000000e+00, v9;
	v1 =	vld [tilespmem:s1+$0x6E0];
	(pc) =	sbr.rel @p0 .LBB2_3-.Ltmp0, $4  }
0x5a: {  	[tilespmem:s1+$0x660] =	vst v0;
	v3 =	vadd.f32 $9.999999820e-14, v3;
	v6 =	vmul.f32 $8.000000000e+00, v6;
	v0 =	vld [tilespmem:s1+$0x6F0]  }
0x5b: {  	[tilespmem:s1+$0x670] =	vst v2;
	v9 =	vadd.f32 $9.999999820e-14, v7;
	v10 =	vmul.f32 $8.000000000e+00, v8;
	v2 =	vld [tilespmem:s1+$0x700]  }
0x5c: {  	[tilespmem:s1+$0x680] =	vst v3;
	v7 =	vadd.f32 $9.999999820e-14, v6;
	v8 =	vmul.f32 $8.000000000e+00, v5;
	v3 =	vld [tilespmem:s1+$0x710]  }
0x5d: {  	s15 =	sadd.s32 $0x400, s15;
	[tilespmem:s1+$0x690] =	vst v9;
	v5 =	vadd.f32 $9.999999820e-14, v10;
	v6 =	vmul.f32 $8.000000000e+00, v4;
	v4 =	vld [tilespmem:s1+$0x720]  }
0x5e: {  	[tilespmem:s1+$0x6A0] =	vst v7;
	v7 =	vadd.f32 $9.999999820e-14, v8;
	v1 =	vmul.f32 $8.000000000e+00, v1;
	v8 =	vld [tilespmem:s1+$0x730]  }
0x5f: {  	[tilespmem:s1+$0x6B0] =	vst v5;
	v5 =	vadd.f32 $9.999999820e-14, v6;
	v0 =	vmul.f32 $8.000000000e+00, v0  }
0x60: {  	[tilespmem:s1+$0x6C0] =	vst v7;
	v1 =	vadd.f32 $9.999999820e-14, v1;
	v2 =	vmul.f32 $8.000000000e+00, v2  }
0x61: {  	[tilespmem:s1+$0x6D0] =	vst v5;
	v0 =	vadd.f32 $9.999999820e-14, v0;
	v3 =	vmul.f32 $8.000000000e+00, v3  }
0x62: {  	[tilespmem:s1+$0x6E0] =	vst v1;
	v1 =	vadd.f32 $9.999999820e-14, v2;
	v2 =	vmul.f32 $8.000000000e+00, v4  }
0x63: {  	[tilespmem:s1+$0x6F0] =	vst v0;
	v0 =	vadd.f32 $9.999999820e-14, v3;
	v3 =	vmul.f32 $8.000000000e+00, v8  }
0x64: {  	[tilespmem:s1+$0x700] =	vst v1;
	v1 =	vadd.f32 $9.999999820e-14, v2  }
0x65: {  	[tilespmem:s1+$0x710] =	vst v0;
	v0 =	vadd.f32 $9.999999820e-14, v3  }
0x66: {  	[tilespmem:s1+$0x720] =	vst v1  }
0x67: {  	[tilespmem:s1+$0x730] =	vst v0  }
0x68: {  	v0 =	vld [tilespmem:s0+$0x3840];
	_ =	sdelay $0x2  }
0x69: {  	v1 =	vld [tilespmem:s0+$0x3850]  }
0x6a: {  	v3 =	vld [tilespmem:s0+$0x3870]  }
0x6b: {  	v2 =	vld [tilespmem:s0+$0x3860];
	v0 =	vmul.f32 $8.000000000e+00, v0  }
0x6c: {  	v4 =	vld [tilespmem:s0+$0x3880]  }
0x6d: {  	v5 =	vld [tilespmem:s0+$0x3890];
	v0 =	vadd.f32 $9.999999820e-14, v0  }
0x6e: {  	v6 =	vld [tilespmem:s0+$0x38A0];
	v1 =	vmul.f32 $8.000000000e+00, v1  }
0x6f: {  	v7 =	vld [tilespmem:s0+$0x38B0];
	[tilespmem:s0+$0x3840] =	vst v0;
	v0 =	vmul.f32 $8.000000000e+00, v3  }
0x70: {  	v8 =	vld [tilespmem:s0+$0x38C0];
	v2 =	vmul.f32 $8.000000000e+00, v2;
	v1 =	vadd.f32 $9.999999820e-14, v1  }
0x71: {  	v9 =	vld [tilespmem:s0+$0x38D0];
	v3 =	vmul.f32 $8.000000000e+00, v4;
	v4 =	vadd.f32 $9.999999820e-14, v0  }
0x72: {  	v5 =	vmul.f32 $8.000000000e+00, v5;
	v2 =	vadd.f32 $9.999999820e-14, v2;
	[tilespmem:s0+$0x3850] =	vst v1;
	v1 =	vld [tilespmem:s0+$0x38E0]  }
0x73: {  	v0 =	vld [tilespmem:s0+$0x38F0];
	v3 =	vadd.f32 $9.999999820e-14, v3;
	[tilespmem:s0+$0x3870] =	vst v4;
	v4 =	vmul.f32 $8.000000000e+00, v6  }
0x74: {  	v5 =	vadd.f32 $9.999999820e-14, v5;
	[tilespmem:s0+$0x3860] =	vst v2;
	v2 =	vld [tilespmem:s0+$0x3900];
	v6 =	vmul.f32 $8.000000000e+00, v7  }
0x75: {  	v8 =	vmul.f32 $8.000000000e+00, v8;
	[tilespmem:s0+$0x3880] =	vst v3;
	v3 =	vld [tilespmem:s0+$0x3910];
	v7 =	vadd.f32 $9.999999820e-14, v4  }
0x76: {  	s1 =	simm.s32 $0x400;
	[tilespmem:s0+$0x3890] =	vst v5;
	v5 =	vadd.f32 $9.999999820e-14, v6;
	v6 =	vmul.f32 $8.000000000e+00, v9;
	v4 =	vld [tilespmem:s0+$0x3920]  }
.LBB2_5:
0x77: {  	s15 =	sshra.s32 s1, $0x2;
	p0 =	sne.s32 s1, $0xC400;
	[tilespmem:s0+$0x38A0] =	vst v7;
	v7 =	vadd.f32 $9.999999820e-14, v8;
	v1 =	vmul.f32 $8.000000000e+00, v1;
	v8 =	vld [tilespmem:s0+$0x3930]  }
0x78: {  	v9 =	vld [tilespmem:s15+$0x3840];
	[tilespmem:s0+$0x38B0] =	vst v5;
	v5 =	vadd.f32 $9.999999820e-14, v6;
	v0 =	vmul.f32 $8.000000000e+00, v0  }
0x79: {  	v6 =	vld [tilespmem:s15+$0x3850];
	[tilespmem:s0+$0x38C0] =	vst v7;
	v1 =	vadd.f32 $9.999999820e-14, v1;
	v2 =	vmul.f32 $8.000000000e+00, v2  }
0x7a: {  	v7 =	vld [tilespmem:s15+$0x3860];
	[tilespmem:s0+$0x38D0] =	vst v5;
	v0 =	vadd.f32 $9.999999820e-14, v0;
	v3 =	vmul.f32 $8.000000000e+00, v3  }
0x7b: {  	v5 =	vld [tilespmem:s15+$0x3870];
	[tilespmem:s0+$0x38E0] =	vst v1;
	v1 =	vadd.f32 $9.999999820e-14, v2;
	v2 =	vmul.f32 $8.000000000e+00, v4  }
0x7c: {  	v4 =	vld [tilespmem:s15+$0x3880];
	[tilespmem:s0+$0x38F0] =	vst v0;
	v0 =	vadd.f32 $9.999999820e-14, v3;
	v3 =	vmul.f32 $8.000000000e+00, v8  }
0x7d: {  	v8 =	vmul.f32 $8.000000000e+00, v9;
	v9 =	vld [tilespmem:s15+$0x3890];
	[tilespmem:s0+$0x3900] =	vst v1;
	v1 =	vadd.f32 $9.999999820e-14, v2  }
0x7e: {  	v2 =	vmul.f32 $8.000000000e+00, v6;
	v6 =	vld [tilespmem:s15+$0x38A0];
	[tilespmem:s0+$0x3910] =	vst v0;
	v0 =	vadd.f32 $9.999999820e-14, v3  }
0x7f: {  	v3 =	vadd.f32 $9.999999820e-14, v8;
	v7 =	vmul.f32 $8.000000000e+00, v7;
	v8 =	vld [tilespmem:s15+$0x38B0];
	[tilespmem:s0+$0x3920] =	vst v1  }
0x80: {  	v1 =	vadd.f32 $9.999999820e-14, v2;
	v2 =	vmul.f32 $8.000000000e+00, v5;
	v5 =	vld [tilespmem:s15+$0x38C0];
	[tilespmem:s0+$0x3930] =	vst v0;
	s0 =	smov.u32 s15  }
0x81: {  	[tilespmem:s0+$0x3840] =	vst v3;
	v0 =	vadd.f32 $9.999999820e-14, v7;
	v3 =	vmul.f32 $8.000000000e+00, v4;
	v4 =	vld [tilespmem:s0+$0x38D0]  }
.Ltmp1:
0x82: {  	[tilespmem:s0+$0x3850] =	vst v1;
	v2 =	vadd.f32 $9.999999820e-14, v2;
	v7 =	vmul.f32 $8.000000000e+00, v9;
	v1 =	vld [tilespmem:s0+$0x38E0];
	(pc) =	sbr.rel @p0 .LBB2_5-.Ltmp1, $4  }
0x83: {  	[tilespmem:s0+$0x3860] =	vst v0;
	v3 =	vadd.f32 $9.999999820e-14, v3;
	v6 =	vmul.f32 $8.000000000e+00, v6;
	v0 =	vld [tilespmem:s0+$0x38F0]  }
0x84: {  	[tilespmem:s0+$0x3870] =	vst v2;
	v9 =	vadd.f32 $9.999999820e-14, v7;
	v10 =	vmul.f32 $8.000000000e+00, v8;
	v2 =	vld [tilespmem:s0+$0x3900]  }
0x85: {  	[tilespmem:s0+$0x3880] =	vst v3;
	v7 =	vadd.f32 $9.999999820e-14, v6;
	v8 =	vmul.f32 $8.000000000e+00, v5;
	v3 =	vld [tilespmem:s0+$0x3910]  }
0x86: {  	s1 =	sadd.s32 $0x400, s1;
	[tilespmem:s0+$0x3890] =	vst v9;
	v5 =	vadd.f32 $9.999999820e-14, v10;
	v6 =	vmul.f32 $8.000000000e+00, v4;
	v4 =	vld [tilespmem:s0+$0x3920]  }
0x87: {  	[tilespmem:s0+$0x38A0] =	vst v7;
	v7 =	vadd.f32 $9.999999820e-14, v8;
	v1 =	vmul.f32 $8.000000000e+00, v1;
	v8 =	vld [tilespmem:s0+$0x3930]  }
0x88: {  	[tilespmem:s0+$0x38B0] =	vst v5;
	v5 =	vadd.f32 $9.999999820e-14, v6;
	v0 =	vmul.f32 $8.000000000e+00, v0  }
0x89: {  	[tilespmem:s0+$0x38C0] =	vst v7;
	v1 =	vadd.f32 $9.999999820e-14, v1;
	v2 =	vmul.f32 $8.000000000e+00, v2  }
0x8a: {  	[tilespmem:s0+$0x38D0] =	vst v5;
	v0 =	vadd.f32 $9.999999820e-14, v0;
	v3 =	vmul.f32 $8.000000000e+00, v3  }
0x8b: {  	[tilespmem:s0+$0x38E0] =	vst v1;
	v1 =	vadd.f32 $9.999999820e-14, v2;
	v2 =	vmul.f32 $8.000000000e+00, v4  }
0x8c: {  	[tilespmem:s0+$0x38F0] =	vst v0;
	v0 =	vadd.f32 $9.999999820e-14, v3;
	v3 =	vmul.f32 $8.000000000e+00, v8  }
0x8d: {  	[tilespmem:s0+$0x3900] =	vst v1;
	v1 =	vadd.f32 $9.999999820e-14, v2  }
0x8e: {  	[tilespmem:s0+$0x3910] =	vst v0;
	v0 =	vadd.f32 $9.999999820e-14, v3  }
0x8f: {  	[tilespmem:s0+$0x3920] =	vst v1  }
0x90: {  	[tilespmem:s0+$0x3930] =	vst v0;
	s0 =	simm.s32 $0x0  }
0x91: {  	v0 =	vld [tilespmem:s0+$0x6A40];
	_ =	sdelay $0x2  }
0x92: {  	v1 =	vld [tilespmem:s0+$0x6A50]  }
0x93: {  	v3 =	vld [tilespmem:s0+$0x6A70]  }
0x94: {  	v2 =	vld [tilespmem:s0+$0x6A60];
	v0 =	vmul.f32 $8.000000000e+00, v0  }
0x95: {  	v4 =	vld [tilespmem:s0+$0x6A80]  }
0x96: {  	v5 =	vld [tilespmem:s0+$0x6A90];
	v0 =	vadd.f32 $9.999999820e-14, v0  }
0x97: {  	v6 =	vld [tilespmem:s0+$0x6AA0];
	v1 =	vmul.f32 $8.000000000e+00, v1  }
0x98: {  	v7 =	vld [tilespmem:s0+$0x6AB0];
	[tilespmem:s0+$0x6A40] =	vst v0;
	v0 =	vmul.f32 $8.000000000e+00, v3  }
0x99: {  	v8 =	vld [tilespmem:s0+$0x6AC0];
	v2 =	vmul.f32 $8.000000000e+00, v2;
	v1 =	vadd.f32 $9.999999820e-14, v1  }
0x9a: {  	v9 =	vld [tilespmem:s0+$0x6AD0];
	v3 =	vmul.f32 $8.000000000e+00, v4;
	v4 =	vadd.f32 $9.999999820e-14, v0  }
0x9b: {  	v5 =	vmul.f32 $8.000000000e+00, v5;
	v2 =	vadd.f32 $9.999999820e-14, v2;
	[tilespmem:s0+$0x6A50] =	vst v1;
	v1 =	vld [tilespmem:s0+$0x6AE0]  }
0x9c: {  	v0 =	vld [tilespmem:s0+$0x6AF0];
	v3 =	vadd.f32 $9.999999820e-14, v3;
	[tilespmem:s0+$0x6A70] =	vst v4;
	v4 =	vmul.f32 $8.000000000e+00, v6  }
0x9d: {  	v5 =	vadd.f32 $9.999999820e-14, v5;
	[tilespmem:s0+$0x6A60] =	vst v2;
	v2 =	vld [tilespmem:s0+$0x6B00];
	v6 =	vmul.f32 $8.000000000e+00, v7  }
0x9e: {  	v8 =	vmul.f32 $8.000000000e+00, v8;
	[tilespmem:s0+$0x6A80] =	vst v3;
	v3 =	vld [tilespmem:s0+$0x6B10];
	v7 =	vadd.f32 $9.999999820e-14, v4  }
0x9f: {  	s15 =	simm.s32 $0x400;
	s1 =	simm.s32 $0x0;
	[tilespmem:s0+$0x6A90] =	vst v5;
	v5 =	vadd.f32 $9.999999820e-14, v6;
	v6 =	vmul.f32 $8.000000000e+00, v9;
	v4 =	vld [tilespmem:s0+$0x6B20]  }
.LBB2_7:
0xa0: {  	s16 =	sshra.s32 s15, $0x2;
	p0 =	sne.s32 s15, $0xC400;
	[tilespmem:s1+$0x6AA0] =	vst v7;
	v7 =	vadd.f32 $9.999999820e-14, v8;
	v1 =	vmul.f32 $8.000000000e+00, v1;
	v8 =	vld [tilespmem:s1+$0x6B30]  }
0xa1: {  	v9 =	vld [tilespmem:s16+$0x6A40];
	[tilespmem:s1+$0x6AB0] =	vst v5;
	v5 =	vadd.f32 $9.999999820e-14, v6;
	v0 =	vmul.f32 $8.000000000e+00, v0  }
0xa2: {  	v6 =	vld [tilespmem:s16+$0x6A50];
	[tilespmem:s1+$0x6AC0] =	vst v7;
	v1 =	vadd.f32 $9.999999820e-14, v1;
	v2 =	vmul.f32 $8.000000000e+00, v2  }
0xa3: {  	v7 =	vld [tilespmem:s16+$0x6A60];
	[tilespmem:s1+$0x6AD0] =	vst v5;
	v0 =	vadd.f32 $9.999999820e-14, v0;
	v3 =	vmul.f32 $8.000000000e+00, v3  }
0xa4: {  	v5 =	vld [tilespmem:s16+$0x6A70];
	[tilespmem:s1+$0x6AE0] =	vst v1;
	v1 =	vadd.f32 $9.999999820e-14, v2;
	v2 =	vmul.f32 $8.000000000e+00, v4  }
0xa5: {  	v4 =	vld [tilespmem:s16+$0x6A80];
	[tilespmem:s1+$0x6AF0] =	vst v0;
	v0 =	vadd.f32 $9.999999820e-14, v3;
	v3 =	vmul.f32 $8.000000000e+00, v8  }
0xa6: {  	v8 =	vmul.f32 $8.000000000e+00, v9;
	v9 =	vld [tilespmem:s16+$0x6A90];
	[tilespmem:s1+$0x6B00] =	vst v1;
	v1 =	vadd.f32 $9.999999820e-14, v2  }
0xa7: {  	v2 =	vmul.f32 $8.000000000e+00, v6;
	v6 =	vld [tilespmem:s16+$0x6AA0];
	[tilespmem:s1+$0x6B10] =	vst v0;
	v0 =	vadd.f32 $9.999999820e-14, v3  }
0xa8: {  	v3 =	vadd.f32 $9.999999820e-14, v8;
	v7 =	vmul.f32 $8.000000000e+00, v7;
	v8 =	vld [tilespmem:s16+$0x6AB0];
	[tilespmem:s1+$0x6B20] =	vst v1  }
0xa9: {  	v1 =	vadd.f32 $9.999999820e-14, v2;
	v2 =	vmul.f32 $8.000000000e+00, v5;
	v5 =	vld [tilespmem:s16+$0x6AC0];
	[tilespmem:s1+$0x6B30] =	vst v0;
	s1 =	smov.u32 s16  }
0xaa: {  	[tilespmem:s1+$0x6A40] =	vst v3;
	v0 =	vadd.f32 $9.999999820e-14, v7;
	v3 =	vmul.f32 $8.000000000e+00, v4;
	v4 =	vld [tilespmem:s1+$0x6AD0]  }
.Ltmp2:
0xab: {  	[tilespmem:s1+$0x6A50] =	vst v1;
	v2 =	vadd.f32 $9.999999820e-14, v2;
	v7 =	vmul.f32 $8.000000000e+00, v9;
	v1 =	vld [tilespmem:s1+$0x6AE0];
	(pc) =	sbr.rel @p0 .LBB2_7-.Ltmp2, $4  }
0xac: {  	[tilespmem:s1+$0x6A60] =	vst v0;
	v3 =	vadd.f32 $9.999999820e-14, v3;
	v6 =	vmul.f32 $8.000000000e+00, v6;
	v0 =	vld [tilespmem:s1+$0x6AF0]  }
0xad: {  	[tilespmem:s1+$0x6A70] =	vst v2;
	v9 =	vadd.f32 $9.999999820e-14, v7;
	v10 =	vmul.f32 $8.000000000e+00, v8;
	v2 =	vld [tilespmem:s1+$0x6B00]  }
0xae: {  	[tilespmem:s1+$0x6A80] =	vst v3;
	v7 =	vadd.f32 $9.999999820e-14, v6;
	v8 =	vmul.f32 $8.000000000e+00, v5;
	v3 =	vld [tilespmem:s1+$0x6B10]  }
0xaf: {  	s15 =	sadd.s32 $0x400, s15;
	[tilespmem:s1+$0x6A90] =	vst v9;
	v5 =	vadd.f32 $9.999999820e-14, v10;
	v6 =	vmul.f32 $8.000000000e+00, v4;
	v4 =	vld [tilespmem:s1+$0x6B20]  }
0xb0: {  	[tilespmem:s1+$0x6AA0] =	vst v7;
	v7 =	vadd.f32 $9.999999820e-14, v8;
	v1 =	vmul.f32 $8.000000000e+00, v1;
	v8 =	vld [tilespmem:s1+$0x6B30]  }
0xb1: {  	[tilespmem:s1+$0x6AB0] =	vst v5;
	v5 =	vadd.f32 $9.999999820e-14, v6;
	v0 =	vmul.f32 $8.000000000e+00, v0  }
0xb2: {  	[tilespmem:s1+$0x6AC0] =	vst v7;
	v1 =	vadd.f32 $9.999999820e-14, v1;
	v2 =	vmul.f32 $8.000000000e+00, v2  }
0xb3: {  	[tilespmem:s1+$0x6AD0] =	vst v5;
	v0 =	vadd.f32 $9.999999820e-14, v0;
	v3 =	vmul.f32 $8.000000000e+00, v3  }
0xb4: {  	[tilespmem:s1+$0x6AE0] =	vst v1;
	v1 =	vadd.f32 $9.999999820e-14, v2;
	v2 =	vmul.f32 $8.000000000e+00, v4  }
0xb5: {  	[tilespmem:s1+$0x6AF0] =	vst v0;
	v0 =	vadd.f32 $9.999999820e-14, v3;
	v3 =	vmul.f32 $8.000000000e+00, v8  }
0xb6: {  	[tilespmem:s1+$0x6B00] =	vst v1;
	v1 =	vadd.f32 $9.999999820e-14, v2  }
0xb7: {  	[tilespmem:s1+$0x6B10] =	vst v0;
	v0 =	vadd.f32 $9.999999820e-14, v3  }
0xb8: {  	[tilespmem:s1+$0x6B20] =	vst v1  }
0xb9: {  	[tilespmem:s1+$0x6B30] =	vst v0  }
0xba: {  	v0 =	vld [tilespmem:s0+$0x9C40];
	_ =	sdelay $0x2  }
0xbb: {  	v1 =	vld [tilespmem:s0+$0x9C50]  }
0xbc: {  	v3 =	vld [tilespmem:s0+$0x9C70]  }
0xbd: {  	v2 =	vld [tilespmem:s0+$0x9C60];
	v0 =	vmul.f32 $8.000000000e+00, v0  }
0xbe: {  	v4 =	vld [tilespmem:s0+$0x9C80]  }
0xbf: {  	v5 =	vld [tilespmem:s0+$0x9C90];
	v0 =	vadd.f32 $9.999999820e-14, v0  }
0xc0: {  	v6 =	vld [tilespmem:s0+$0x9CA0];
	v1 =	vmul.f32 $8.000000000e+00, v1  }
0xc1: {  	v7 =	vld [tilespmem:s0+$0x9CB0];
	[tilespmem:s0+$0x9C40] =	vst v0;
	v0 =	vmul.f32 $8.000000000e+00, v3  }
0xc2: {  	v8 =	vld [tilespmem:s0+$0x9CC0];
	v2 =	vmul.f32 $8.000000000e+00, v2;
	v1 =	vadd.f32 $9.999999820e-14, v1  }
0xc3: {  	v9 =	vld [tilespmem:s0+$0x9CD0];
	v3 =	vmul.f32 $8.000000000e+00, v4;
	v4 =	vadd.f32 $9.999999820e-14, v0  }
0xc4: {  	v5 =	vmul.f32 $8.000000000e+00, v5;
	v2 =	vadd.f32 $9.999999820e-14, v2;
	[tilespmem:s0+$0x9C50] =	vst v1;
	v1 =	vld [tilespmem:s0+$0x9CE0]  }
0xc5: {  	v0 =	vld [tilespmem:s0+$0x9CF0];
	v3 =	vadd.f32 $9.999999820e-14, v3;
	[tilespmem:s0+$0x9C70] =	vst v4;
	v4 =	vmul.f32 $8.000000000e+00, v6  }
0xc6: {  	v5 =	vadd.f32 $9.999999820e-14, v5;
	[tilespmem:s0+$0x9C60] =	vst v2;
	v2 =	vld [tilespmem:s0+$0x9D00];
	v6 =	vmul.f32 $8.000000000e+00, v7  }
0xc7: {  	v8 =	vmul.f32 $8.000000000e+00, v8;
	[tilespmem:s0+$0x9C80] =	vst v3;
	v3 =	vld [tilespmem:s0+$0x9D10];
	v7 =	vadd.f32 $9.999999820e-14, v4  }
0xc8: {  	s1 =	simm.s32 $0x400;
	[tilespmem:s0+$0x9C90] =	vst v5;
	v5 =	vadd.f32 $9.999999820e-14, v6;
	v6 =	vmul.f32 $8.000000000e+00, v9;
	v4 =	vld [tilespmem:s0+$0x9D20]  }
.LBB2_9:
0xc9: {  	s15 =	sshra.s32 s1, $0x2;
	p0 =	sne.s32 s1, $0xC400;
	[tilespmem:s0+$0x9CA0] =	vst v7;
	v7 =	vadd.f32 $9.999999820e-14, v8;
	v1 =	vmul.f32 $8.000000000e+00, v1;
	v8 =	vld [tilespmem:s0+$0x9D30]  }
0xca: {  	v9 =	vld [tilespmem:s15+$0x9C40];
	[tilespmem:s0+$0x9CB0] =	vst v5;
	v5 =	vadd.f32 $9.999999820e-14, v6;
	v0 =	vmul.f32 $8.000000000e+00, v0  }
0xcb: {  	v6 =	vld [tilespmem:s15+$0x9C50];
	[tilespmem:s0+$0x9CC0] =	vst v7;
	v1 =	vadd.f32 $9.999999820e-14, v1;
	v2 =	vmul.f32 $8.000000000e+00, v2  }
0xcc: {  	v7 =	vld [tilespmem:s15+$0x9C60];
	[tilespmem:s0+$0x9CD0] =	vst v5;
	v0 =	vadd.f32 $9.999999820e-14, v0;
	v3 =	vmul.f32 $8.000000000e+00, v3  }
0xcd: {  	v5 =	vld [tilespmem:s15+$0x9C70];
	[tilespmem:s0+$0x9CE0] =	vst v1;
	v1 =	vadd.f32 $9.999999820e-14, v2;
	v2 =	vmul.f32 $8.000000000e+00, v4  }
0xce: {  	v4 =	vld [tilespmem:s15+$0x9C80];
	[tilespmem:s0+$0x9CF0] =	vst v0;
	v0 =	vadd.f32 $9.999999820e-14, v3;
	v3 =	vmul.f32 $8.000000000e+00, v8  }
0xcf: {  	v8 =	vmul.f32 $8.000000000e+00, v9;
	v9 =	vld [tilespmem:s15+$0x9C90];
	[tilespmem:s0+$0x9D00] =	vst v1;
	v1 =	vadd.f32 $9.999999820e-14, v2  }
0xd0: {  	v2 =	vmul.f32 $8.000000000e+00, v6;
	v6 =	vld [tilespmem:s15+$0x9CA0];
	[tilespmem:s0+$0x9D10] =	vst v0;
	v0 =	vadd.f32 $9.999999820e-14, v3  }
0xd1: {  	v3 =	vadd.f32 $9.999999820e-14, v8;
	v7 =	vmul.f32 $8.000000000e+00, v7;
	v8 =	vld [tilespmem:s15+$0x9CB0];
	[tilespmem:s0+$0x9D20] =	vst v1  }
0xd2: {  	v1 =	vadd.f32 $9.999999820e-14, v2;
	v2 =	vmul.f32 $8.000000000e+00, v5;
	v5 =	vld [tilespmem:s15+$0x9CC0];
	[tilespmem:s0+$0x9D30] =	vst v0;
	s0 =	smov.u32 s15  }
0xd3: {  	[tilespmem:s0+$0x9C40] =	vst v3;
	v0 =	vadd.f32 $9.999999820e-14, v7;
	v3 =	vmul.f32 $8.000000000e+00, v4;
	v4 =	vld [tilespmem:s0+$0x9CD0]  }
.Ltmp3:
0xd4: {  	[tilespmem:s0+$0x9C50] =	vst v1;
	v2 =	vadd.f32 $9.999999820e-14, v2;
	v7 =	vmul.f32 $8.000000000e+00, v9;
	v1 =	vld [tilespmem:s0+$0x9CE0];
	(pc) =	sbr.rel @p0 .LBB2_9-.Ltmp3, $4  }
0xd5: {  	[tilespmem:s0+$0x9C60] =	vst v0;
	v3 =	vadd.f32 $9.999999820e-14, v3;
	v6 =	vmul.f32 $8.000000000e+00, v6;
	v0 =	vld [tilespmem:s0+$0x9CF0]  }
0xd6: {  	[tilespmem:s0+$0x9C70] =	vst v2;
	v9 =	vadd.f32 $9.999999820e-14, v7;
	v10 =	vmul.f32 $8.000000000e+00, v8;
	v2 =	vld [tilespmem:s0+$0x9D00]  }
0xd7: {  	[tilespmem:s0+$0x9C80] =	vst v3;
	v7 =	vadd.f32 $9.999999820e-14, v6;
	v8 =	vmul.f32 $8.000000000e+00, v5;
	v3 =	vld [tilespmem:s0+$0x9D10]  }
0xd8: {  	s1 =	sadd.s32 $0x400, s1;
	[tilespmem:s0+$0x9C90] =	vst v9;
	v5 =	vadd.f32 $9.999999820e-14, v10;
	v6 =	vmul.f32 $8.000000000e+00, v4;
	v4 =	vld [tilespmem:s0+$0x9D20]  }
0xd9: {  	[tilespmem:s0+$0x9CA0] =	vst v7;
	v7 =	vadd.f32 $9.999999820e-14, v8;
	v1 =	vmul.f32 $8.000000000e+00, v1;
	v8 =	vld [tilespmem:s0+$0x9D30]  }
0xda: {  	[tilespmem:s0+$0x9CB0] =	vst v5;
	v5 =	vadd.f32 $9.999999820e-14, v6;
	v0 =	vmul.f32 $8.000000000e+00, v0  }
0xdb: {  	[tilespmem:s0+$0x9CC0] =	vst v7;
	v1 =	vadd.f32 $9.999999820e-14, v1;
	v2 =	vmul.f32 $8.000000000e+00, v2  }
0xdc: {  	[tilespmem:s0+$0x9CD0] =	vst v5;
	v0 =	vadd.f32 $9.999999820e-14, v0;
	v3 =	vmul.f32 $8.000000000e+00, v3  }
0xdd: {  	[tilespmem:s0+$0x9CE0] =	vst v1;
	v1 =	vadd.f32 $9.999999820e-14, v2;
	v2 =	vmul.f32 $8.000000000e+00, v4  }
0xde: {  	[tilespmem:s0+$0x9CF0] =	vst v0;
	v0 =	vadd.f32 $9.999999820e-14, v3;
	v3 =	vmul.f32 $8.000000000e+00, v8  }
0xdf: {  	s1 =	sadd.s32 s4, s31;
	[tilespmem:s0+$0x9D00] =	vst v1;
	v1 =	vadd.f32 $9.999999820e-14, v2  }
0xe0: {  	s1 =	smul.u32 $0xC80, s1;
	[tilespmem:s0+$0x9D10] =	vst v0;
	v0 =	vadd.f32 $9.999999820e-14, v3  }
0xe1: {  	p0 =	seq.s32 s9, $0xF;
	[tilespmem:s0+$0x9D20] =	vst v1  }
0xe2: {  	s16 =	sadd.s32 s6, s1;
	[tilespmem:s0+$0x9D30] =	vst v0;
	s0 =	sadd.s32 @!p0 s31, s8  }
0xe3: {  	[hbm4b:s16+s28] =	stream.strided.scatter [tilespmem:s13], [sflag:$0x3], $0xC800, s12, s28, $0x38;
	[tilespmem:$0x19640] =	vst v63  }
0xe4: {  	s0 =	smul.u32 @!p0 $0x19, s0;
	_ =	swait.ge [sflag:s11], $0xC800  }
0xe5: {  	[sflag:s11] =	ssyncset.done $0x0  }
0xe6: {  	s1 =	simm.s32 @!p0 $0x0;
	s0 =	sadd.s32 @!p0 s2, s0;
	[sflag:s11] =	ssyncadd.s32 $0xFFFF3800  }
0xe7: {  	[tilespmem:s1], [sflag:$0x3] =	stream.linear.gather @!p0 [hbm4b:s0+s1], $0x320, $0x38;
	[tilespmem:$0x19640] =	vst v63  }
0xe8: {  	s0 =	simm.s32 @!p0 $0x3  }
0xe9: {  	_ =	swait.ge @!p0 [sflag:s0], $0x320  }
0xea: {  	[sflag:s0] =	ssyncset.done @!p0 $0x0  }
0xeb: {  	s15 =	simm.s32 @!p0 $0x640;
	[sflag:s0] =	ssyncadd.s32 @!p0 $0xFFFFFCE0;
	s0 =	simm.s32 @!p0 $0x80  }
0xec: {  	[tilespmem:s15], [sflag:$0x1] =	stream.indirect.gather @!p0 [hbm4b:s5+s0], $0x40, s1, s0, $0xb8;
	[tilespmem:$0x19640] =	vst v63  }
0xed: {  	s1 =	simm.s32 @!p0 $0x48;
	s15 =	simm.s32 @!p0 $0x2640  }
0xee: {  	[tilespmem:s15], [sflag:$0x1] =	stream.indirect.gather @!p0 [hbm4b:s5+s1], $0x40, s0, s1, $0xb8;
	[tilespmem:$0x19640] =	vst v63  }
0xef: {  	s16 =	simm.s32 @!p0 $0x3840;
	s15 =	simm.s32 @!p0 $0xC8  }
0xf0: {  	[tilespmem:s16], [sflag:$0x1] =	stream.indirect.gather @!p0 [hbm4b:s5+s0], $0x40, s15, s0, $0xb8;
	[tilespmem:$0x19640] =	vst v63  }
0xf1: {  	s15 =	simm.s32 @!p0 $0x148;
	s16 =	simm.s32 @!p0 $0x5840  }
0xf2: {  	[tilespmem:s16], [sflag:$0x1] =	stream.indirect.gather @!p0 [hbm4b:s5+s1], $0x40, s15, s1, $0xb8;
	[tilespmem:$0x19640] =	vst v63  }
0xf3: {  	s15 =	simm.s32 @!p0 $0x190;
	s16 =	simm.s32 @!p0 $0x6A40  }
0xf4: {  	[tilespmem:s16], [sflag:$0x1] =	stream.indirect.gather @!p0 [hbm4b:s5+s0], $0x40, s15, s0, $0xb8;
	[tilespmem:$0x19640] =	vst v63  }
0xf5: {  	s15 =	simm.s32 @!p0 $0x210;
	s16 =	simm.s32 @!p0 $0x8A40  }
0xf6: {  	[tilespmem:s16], [sflag:$0x1] =	stream.indirect.gather @!p0 [hbm4b:s5+s1], $0x40, s15, s1, $0xb8;
	[tilespmem:$0x19640] =	vst v63  }
0xf7: {  	s15 =	simm.s32 @!p0 $0x258;
	s16 =	simm.s32 @!p0 $0x9C40  }
0xf8: {  	[tilespmem:s16], [sflag:$0x1] =	stream.indirect.gather @!p0 [hbm4b:s5+s0], $0x40, s15, s0, $0xb8;
	[tilespmem:$0x19640] =	vst v63  }
0xf9: {  	s0 =	simm.s32 @!p0 $0x2D8;
	s15 =	simm.s32 @!p0 $0xBC40  }
0xfa: {  	[tilespmem:s15], [sflag:$0x1] =	stream.indirect.gather @!p0 [hbm4b:s5+s1], $0x40, s0, s1, $0xb8;
	[tilespmem:$0x19640] =	vst v63  }
0xfb: {  	_ =	swait.ge [sflag:s3], $0xC800  }
0xfc: {  	[sflag:s3] =	ssyncset.done $0x0  }
0xfd: {  	s0 =	simm.s32 $0x0;
	[sflag:s3] =	ssyncadd.s32 $0xFFFF3800  }
0xfe: {  	v0 =	vld [tilespmem:s0+$0xCE40];
	_ =	sdelay $0x2  }
0xff: {  	v1 =	vld [tilespmem:s0+$0xCE50]  }
0x100: {  	v3 =	vld [tilespmem:s0+$0xCE70]  }
0x101: {  	v2 =	vld [tilespmem:s0+$0xCE60];
	v0 =	vmul.f32 $8.000000000e+00, v0  }
0x102: {  	v4 =	vld [tilespmem:s0+$0xCE80]  }
0x103: {  	v5 =	vld [tilespmem:s0+$0xCE90];
	v0 =	vadd.f32 $9.999999820e-14, v0  }
0x104: {  	v6 =	vld [tilespmem:s0+$0xCEA0];
	v1 =	vmul.f32 $8.000000000e+00, v1  }
0x105: {  	v7 =	vld [tilespmem:s0+$0xCEB0];
	[tilespmem:s0+$0xCE40] =	vst v0;
	v0 =	vmul.f32 $8.000000000e+00, v3  }
0x106: {  	v8 =	vld [tilespmem:s0+$0xCEC0];
	v2 =	vmul.f32 $8.000000000e+00, v2;
	v1 =	vadd.f32 $9.999999820e-14, v1  }
0x107: {  	v9 =	vld [tilespmem:s0+$0xCED0];
	v3 =	vmul.f32 $8.000000000e+00, v4;
	v4 =	vadd.f32 $9.999999820e-14, v0  }
0x108: {  	v5 =	vmul.f32 $8.000000000e+00, v5;
	v2 =	vadd.f32 $9.999999820e-14, v2;
	[tilespmem:s0+$0xCE50] =	vst v1;
	v1 =	vld [tilespmem:s0+$0xCEE0]  }
0x109: {  	v0 =	vld [tilespmem:s0+$0xCEF0];
	v3 =	vadd.f32 $9.999999820e-14, v3;
	[tilespmem:s0+$0xCE70] =	vst v4;
	v4 =	vmul.f32 $8.000000000e+00, v6  }
0x10a: {  	v5 =	vadd.f32 $9.999999820e-14, v5;
	[tilespmem:s0+$0xCE60] =	vst v2;
	v2 =	vld [tilespmem:s0+$0xCF00];
	v6 =	vmul.f32 $8.000000000e+00, v7  }
0x10b: {  	v8 =	vmul.f32 $8.000000000e+00, v8;
	[tilespmem:s0+$0xCE80] =	vst v3;
	v3 =	vld [tilespmem:s0+$0xCF10];
	v7 =	vadd.f32 $9.999999820e-14, v4  }
0x10c: {  	s15 =	simm.s32 $0x400;
	s1 =	simm.s32 $0x0;
	[tilespmem:s0+$0xCE90] =	vst v5;
	v5 =	vadd.f32 $9.999999820e-14, v6;
	v6 =	vmul.f32 $8.000000000e+00, v9;
	v4 =	vld [tilespmem:s0+$0xCF20]  }
.LBB2_11:
0x10d: {  	s16 =	sshra.s32 s15, $0x2;
	p0 =	sne.s32 s15, $0xC400;
	[tilespmem:s1+$0xCEA0] =	vst v7;
	v7 =	vadd.f32 $9.999999820e-14, v8;
	v1 =	vmul.f32 $8.000000000e+00, v1;
	v8 =	vld [tilespmem:s1+$0xCF30]  }
0x10e: {  	v9 =	vld [tilespmem:s16+$0xCE40];
	[tilespmem:s1+$0xCEB0] =	vst v5;
	v5 =	vadd.f32 $9.999999820e-14, v6;
	v0 =	vmul.f32 $8.000000000e+00, v0  }
0x10f: {  	v6 =	vld [tilespmem:s16+$0xCE50];
	[tilespmem:s1+$0xCEC0] =	vst v7;
	v1 =	vadd.f32 $9.999999820e-14, v1;
	v2 =	vmul.f32 $8.000000000e+00, v2  }
0x110: {  	v7 =	vld [tilespmem:s16+$0xCE60];
	[tilespmem:s1+$0xCED0] =	vst v5;
	v0 =	vadd.f32 $9.999999820e-14, v0;
	v3 =	vmul.f32 $8.000000000e+00, v3  }
0x111: {  	v5 =	vld [tilespmem:s16+$0xCE70];
	[tilespmem:s1+$0xCEE0] =	vst v1;
	v1 =	vadd.f32 $9.999999820e-14, v2;
	v2 =	vmul.f32 $8.000000000e+00, v4  }
0x112: {  	v4 =	vld [tilespmem:s16+$0xCE80];
	[tilespmem:s1+$0xCEF0] =	vst v0;
	v0 =	vadd.f32 $9.999999820e-14, v3;
	v3 =	vmul.f32 $8.000000000e+00, v8  }
0x113: {  	v8 =	vmul.f32 $8.000000000e+00, v9;
	v9 =	vld [tilespmem:s16+$0xCE90];
	[tilespmem:s1+$0xCF00] =	vst v1;
	v1 =	vadd.f32 $9.999999820e-14, v2  }
0x114: {  	v2 =	vmul.f32 $8.000000000e+00, v6;
	v6 =	vld [tilespmem:s16+$0xCEA0];
	[tilespmem:s1+$0xCF10] =	vst v0;
	v0 =	vadd.f32 $9.999999820e-14, v3  }
0x115: {  	v3 =	vadd.f32 $9.999999820e-14, v8;
	v7 =	vmul.f32 $8.000000000e+00, v7;
	v8 =	vld [tilespmem:s16+$0xCEB0];
	[tilespmem:s1+$0xCF20] =	vst v1  }
0x116: {  	v1 =	vadd.f32 $9.999999820e-14, v2;
	v2 =	vmul.f32 $8.000000000e+00, v5;
	v5 =	vld [tilespmem:s16+$0xCEC0];
	[tilespmem:s1+$0xCF30] =	vst v0;
	s1 =	smov.u32 s16  }
0x117: {  	[tilespmem:s1+$0xCE40] =	vst v3;
	v0 =	vadd.f32 $9.999999820e-14, v7;
	v3 =	vmul.f32 $8.000000000e+00, v4;
	v4 =	vld [tilespmem:s1+$0xCED0]  }
.Ltmp4:
0x118: {  	[tilespmem:s1+$0xCE50] =	vst v1;
	v2 =	vadd.f32 $9.999999820e-14, v2;
	v7 =	vmul.f32 $8.000000000e+00, v9;
	v1 =	vld [tilespmem:s1+$0xCEE0];
	(pc) =	sbr.rel @p0 .LBB2_11-.Ltmp4, $4  }
0x119: {  	[tilespmem:s1+$0xCE60] =	vst v0;
	v3 =	vadd.f32 $9.999999820e-14, v3;
	v6 =	vmul.f32 $8.000000000e+00, v6;
	v0 =	vld [tilespmem:s1+$0xCEF0]  }
0x11a: {  	[tilespmem:s1+$0xCE70] =	vst v2;
	v9 =	vadd.f32 $9.999999820e-14, v7;
	v10 =	vmul.f32 $8.000000000e+00, v8;
	v2 =	vld [tilespmem:s1+$0xCF00]  }
0x11b: {  	[tilespmem:s1+$0xCE80] =	vst v3;
	v7 =	vadd.f32 $9.999999820e-14, v6;
	v8 =	vmul.f32 $8.000000000e+00, v5;
	v3 =	vld [tilespmem:s1+$0xCF10]  }
0x11c: {  	s15 =	sadd.s32 $0x400, s15;
	[tilespmem:s1+$0xCE90] =	vst v9;
	v5 =	vadd.f32 $9.999999820e-14, v10;
	v6 =	vmul.f32 $8.000000000e+00, v4;
	v4 =	vld [tilespmem:s1+$0xCF20]  }
0x11d: {  	[tilespmem:s1+$0xCEA0] =	vst v7;
	v7 =	vadd.f32 $9.999999820e-14, v8;
	v1 =	vmul.f32 $8.000000000e+00, v1;
	v8 =	vld [tilespmem:s1+$0xCF30]  }
0x11e: {  	[tilespmem:s1+$0xCEB0] =	vst v5;
	v5 =	vadd.f32 $9.999999820e-14, v6;
	v0 =	vmul.f32 $8.000000000e+00, v0  }
0x11f: {  	[tilespmem:s1+$0xCEC0] =	vst v7;
	v1 =	vadd.f32 $9.999999820e-14, v1;
	v2 =	vmul.f32 $8.000000000e+00, v2  }
0x120: {  	[tilespmem:s1+$0xCED0] =	vst v5;
	v0 =	vadd.f32 $9.999999820e-14, v0;
	v3 =	vmul.f32 $8.000000000e+00, v3  }
0x121: {  	[tilespmem:s1+$0xCEE0] =	vst v1;
	v1 =	vadd.f32 $9.999999820e-14, v2;
	v2 =	vmul.f32 $8.000000000e+00, v4  }
0x122: {  	[tilespmem:s1+$0xCEF0] =	vst v0;
	v0 =	vadd.f32 $9.999999820e-14, v3;
	v3 =	vmul.f32 $8.000000000e+00, v8  }
0x123: {  	[tilespmem:s1+$0xCF00] =	vst v1;
	v1 =	vadd.f32 $9.999999820e-14, v2  }
0x124: {  	[tilespmem:s1+$0xCF10] =	vst v0;
	v0 =	vadd.f32 $9.999999820e-14, v3  }
0x125: {  	[tilespmem:s1+$0xCF20] =	vst v1  }
0x126: {  	[tilespmem:s1+$0xCF30] =	vst v0  }
0x127: {  	v0 =	vld [tilespmem:s0+$0x10040];
	_ =	sdelay $0x2  }
0x128: {  	v1 =	vld [tilespmem:s0+$0x10050]  }
0x129: {  	v3 =	vld [tilespmem:s0+$0x10070]  }
0x12a: {  	v2 =	vld [tilespmem:s0+$0x10060];
	v0 =	vmul.f32 $8.000000000e+00, v0  }
0x12b: {  	v4 =	vld [tilespmem:s0+$0x10080]  }
0x12c: {  	v5 =	vld [tilespmem:s0+$0x10090];
	v0 =	vadd.f32 $9.999999820e-14, v0  }
0x12d: {  	v6 =	vld [tilespmem:s0+$0x100A0];
	v1 =	vmul.f32 $8.000000000e+00, v1  }
0x12e: {  	v7 =	vld [tilespmem:s0+$0x100B0];
	[tilespmem:s0+$0x10040] =	vst v0;
	v0 =	vmul.f32 $8.000000000e+00, v3  }
0x12f: {  	v8 =	vld [tilespmem:s0+$0x100C0];
	v2 =	vmul.f32 $8.000000000e+00, v2;
	v1 =	vadd.f32 $9.999999820e-14, v1  }
0x130: {  	v9 =	vld [tilespmem:s0+$0x100D0];
	v3 =	vmul.f32 $8.000000000e+00, v4;
	v4 =	vadd.f32 $9.999999820e-14, v0  }
0x131: {  	v5 =	vmul.f32 $8.000000000e+00, v5;
	v2 =	vadd.f32 $9.999999820e-14, v2;
	[tilespmem:s0+$0x10050] =	vst v1;
	v1 =	vld [tilespmem:s0+$0x100E0]  }
0x132: {  	v0 =	vld [tilespmem:s0+$0x100F0];
	v3 =	vadd.f32 $9.999999820e-14, v3;
	[tilespmem:s0+$0x10070] =	vst v4;
	v4 =	vmul.f32 $8.000000000e+00, v6  }
0x133: {  	v5 =	vadd.f32 $9.999999820e-14, v5;
	[tilespmem:s0+$0x10060] =	vst v2;
	v2 =	vld [tilespmem:s0+$0x10100];
	v6 =	vmul.f32 $8.000000000e+00, v7  }
0x134: {  	v8 =	vmul.f32 $8.000000000e+00, v8;
	[tilespmem:s0+$0x10080] =	vst v3;
	v3 =	vld [tilespmem:s0+$0x10110];
	v7 =	vadd.f32 $9.999999820e-14, v4  }
0x135: {  	s1 =	simm.s32 $0x400;
	[tilespmem:s0+$0x10090] =	vst v5;
	v5 =	vadd.f32 $9.999999820e-14, v6;
	v6 =	vmul.f32 $8.000000000e+00, v9;
	v4 =	vld [tilespmem:s0+$0x10120]  }
.LBB2_13:
0x136: {  	s15 =	sshra.s32 s1, $0x2;
	p0 =	sne.s32 s1, $0xC400;
	[tilespmem:s0+$0x100A0] =	vst v7;
	v7 =	vadd.f32 $9.999999820e-14, v8;
	v1 =	vmul.f32 $8.000000000e+00, v1;
	v8 =	vld [tilespmem:s0+$0x10130]  }
0x137: {  	v9 =	vld [tilespmem:s15+$0x10040];
	[tilespmem:s0+$0x100B0] =	vst v5;
	v5 =	vadd.f32 $9.999999820e-14, v6;
	v0 =	vmul.f32 $8.000000000e+00, v0  }
0x138: {  	v6 =	vld [tilespmem:s15+$0x10050];
	[tilespmem:s0+$0x100C0] =	vst v7;
	v1 =	vadd.f32 $9.999999820e-14, v1;
	v2 =	vmul.f32 $8.000000000e+00, v2  }
0x139: {  	v7 =	vld [tilespmem:s15+$0x10060];
	[tilespmem:s0+$0x100D0] =	vst v5;
	v0 =	vadd.f32 $9.999999820e-14, v0;
	v3 =	vmul.f32 $8.000000000e+00, v3  }
0x13a: {  	v5 =	vld [tilespmem:s15+$0x10070];
	[tilespmem:s0+$0x100E0] =	vst v1;
	v1 =	vadd.f32 $9.999999820e-14, v2;
	v2 =	vmul.f32 $8.000000000e+00, v4  }
0x13b: {  	v4 =	vld [tilespmem:s15+$0x10080];
	[tilespmem:s0+$0x100F0] =	vst v0;
	v0 =	vadd.f32 $9.999999820e-14, v3;
	v3 =	vmul.f32 $8.000000000e+00, v8  }
0x13c: {  	v8 =	vmul.f32 $8.000000000e+00, v9;
	v9 =	vld [tilespmem:s15+$0x10090];
	[tilespmem:s0+$0x10100] =	vst v1;
	v1 =	vadd.f32 $9.999999820e-14, v2  }
0x13d: {  	v2 =	vmul.f32 $8.000000000e+00, v6;
	v6 =	vld [tilespmem:s15+$0x100A0];
	[tilespmem:s0+$0x10110] =	vst v0;
	v0 =	vadd.f32 $9.999999820e-14, v3  }
0x13e: {  	v3 =	vadd.f32 $9.999999820e-14, v8;
	v7 =	vmul.f32 $8.000000000e+00, v7;
	v8 =	vld [tilespmem:s15+$0x100B0];
	[tilespmem:s0+$0x10120] =	vst v1  }
0x13f: {  	v1 =	vadd.f32 $9.999999820e-14, v2;
	v2 =	vmul.f32 $8.000000000e+00, v5;
	v5 =	vld [tilespmem:s15+$0x100C0];
	[tilespmem:s0+$0x10130] =	vst v0;
	s0 =	smov.u32 s15  }
0x140: {  	[tilespmem:s0+$0x10040] =	vst v3;
	v0 =	vadd.f32 $9.999999820e-14, v7;
	v3 =	vmul.f32 $8.000000000e+00, v4;
	v4 =	vld [tilespmem:s0+$0x100D0]  }
.Ltmp5:
0x141: {  	[tilespmem:s0+$0x10050] =	vst v1;
	v2 =	vadd.f32 $9.999999820e-14, v2;
	v7 =	vmul.f32 $8.000000000e+00, v9;
	v1 =	vld [tilespmem:s0+$0x100E0];
	(pc) =	sbr.rel @p0 .LBB2_13-.Ltmp5, $4  }
0x142: {  	[tilespmem:s0+$0x10060] =	vst v0;
	v3 =	vadd.f32 $9.999999820e-14, v3;
	v6 =	vmul.f32 $8.000000000e+00, v6;
	v0 =	vld [tilespmem:s0+$0x100F0]  }
0x143: {  	[tilespmem:s0+$0x10070] =	vst v2;
	v9 =	vadd.f32 $9.999999820e-14, v7;
	v10 =	vmul.f32 $8.000000000e+00, v8;
	v2 =	vld [tilespmem:s0+$0x10100]  }
0x144: {  	[tilespmem:s0+$0x10080] =	vst v3;
	v7 =	vadd.f32 $9.999999820e-14, v6;
	v8 =	vmul.f32 $8.000000000e+00, v5;
	v3 =	vld [tilespmem:s0+$0x10110]  }
0x145: {  	s1 =	sadd.s32 $0x400, s1;
	[tilespmem:s0+$0x10090] =	vst v9;
	v5 =	vadd.f32 $9.999999820e-14, v10;
	v6 =	vmul.f32 $8.000000000e+00, v4;
	v4 =	vld [tilespmem:s0+$0x10120]  }
0x146: {  	[tilespmem:s0+$0x100A0] =	vst v7;
	v7 =	vadd.f32 $9.999999820e-14, v8;
	v1 =	vmul.f32 $8.000000000e+00, v1;
	v8 =	vld [tilespmem:s0+$0x10130]  }
0x147: {  	[tilespmem:s0+$0x100B0] =	vst v5;
	v5 =	vadd.f32 $9.999999820e-14, v6;
	v0 =	vmul.f32 $8.000000000e+00, v0  }
0x148: {  	[tilespmem:s0+$0x100C0] =	vst v7;
	v1 =	vadd.f32 $9.999999820e-14, v1;
	v2 =	vmul.f32 $8.000000000e+00, v2  }
0x149: {  	[tilespmem:s0+$0x100D0] =	vst v5;
	v0 =	vadd.f32 $9.999999820e-14, v0;
	v3 =	vmul.f32 $8.000000000e+00, v3  }
0x14a: {  	[tilespmem:s0+$0x100E0] =	vst v1;
	v1 =	vadd.f32 $9.999999820e-14, v2;
	v2 =	vmul.f32 $8.000000000e+00, v4  }
0x14b: {  	[tilespmem:s0+$0x100F0] =	vst v0;
	v0 =	vadd.f32 $9.999999820e-14, v3;
	v3 =	vmul.f32 $8.000000000e+00, v8  }
0x14c: {  	[tilespmem:s0+$0x10100] =	vst v1;
	v1 =	vadd.f32 $9.999999820e-14, v2  }
0x14d: {  	[tilespmem:s0+$0x10110] =	vst v0;
	v0 =	vadd.f32 $9.999999820e-14, v3  }
0x14e: {  	[tilespmem:s0+$0x10120] =	vst v1  }
0x14f: {  	[tilespmem:s0+$0x10130] =	vst v0;
	s0 =	simm.s32 $0x0  }
0x150: {  	v0 =	vld [tilespmem:s0+$0x13240];
	_ =	sdelay $0x2  }
0x151: {  	v1 =	vld [tilespmem:s0+$0x13250]  }
0x152: {  	v3 =	vld [tilespmem:s0+$0x13270]  }
0x153: {  	v2 =	vld [tilespmem:s0+$0x13260];
	v0 =	vmul.f32 $8.000000000e+00, v0  }
0x154: {  	v4 =	vld [tilespmem:s0+$0x13280]  }
0x155: {  	v5 =	vld [tilespmem:s0+$0x13290];
	v0 =	vadd.f32 $9.999999820e-14, v0  }
0x156: {  	v6 =	vld [tilespmem:s0+$0x132A0];
	v1 =	vmul.f32 $8.000000000e+00, v1  }
0x157: {  	v7 =	vld [tilespmem:s0+$0x132B0];
	[tilespmem:s0+$0x13240] =	vst v0;
	v0 =	vmul.f32 $8.000000000e+00, v3  }
0x158: {  	v8 =	vld [tilespmem:s0+$0x132C0];
	v2 =	vmul.f32 $8.000000000e+00, v2;
	v1 =	vadd.f32 $9.999999820e-14, v1  }
0x159: {  	v9 =	vld [tilespmem:s0+$0x132D0];
	v3 =	vmul.f32 $8.000000000e+00, v4;
	v4 =	vadd.f32 $9.999999820e-14, v0  }
0x15a: {  	v5 =	vmul.f32 $8.000000000e+00, v5;
	v2 =	vadd.f32 $9.999999820e-14, v2;
	[tilespmem:s0+$0x13250] =	vst v1;
	v1 =	vld [tilespmem:s0+$0x132E0]  }
0x15b: {  	v0 =	vld [tilespmem:s0+$0x132F0];
	v3 =	vadd.f32 $9.999999820e-14, v3;
	[tilespmem:s0+$0x13270] =	vst v4;
	v4 =	vmul.f32 $8.000000000e+00, v6  }
0x15c: {  	v5 =	vadd.f32 $9.999999820e-14, v5;
	[tilespmem:s0+$0x13260] =	vst v2;
	v2 =	vld [tilespmem:s0+$0x13300];
	v6 =	vmul.f32 $8.000000000e+00, v7  }
0x15d: {  	v8 =	vmul.f32 $8.000000000e+00, v8;
	[tilespmem:s0+$0x13280] =	vst v3;
	v3 =	vld [tilespmem:s0+$0x13310];
	v7 =	vadd.f32 $9.999999820e-14, v4  }
0x15e: {  	s15 =	simm.s32 $0x400;
	s1 =	simm.s32 $0x0;
	[tilespmem:s0+$0x13290] =	vst v5;
	v5 =	vadd.f32 $9.999999820e-14, v6;
	v6 =	vmul.f32 $8.000000000e+00, v9;
	v4 =	vld [tilespmem:s0+$0x13320]  }
.LBB2_15:
0x15f: {  	s16 =	sshra.s32 s15, $0x2;
	p0 =	sne.s32 s15, $0xC400;
	[tilespmem:s1+$0x132A0] =	vst v7;
	v7 =	vadd.f32 $9.999999820e-14, v8;
	v1 =	vmul.f32 $8.000000000e+00, v1;
	v8 =	vld [tilespmem:s1+$0x13330]  }
0x160: {  	v9 =	vld [tilespmem:s16+$0x13240];
	[tilespmem:s1+$0x132B0] =	vst v5;
	v5 =	vadd.f32 $9.999999820e-14, v6;
	v0 =	vmul.f32 $8.000000000e+00, v0  }
0x161: {  	v6 =	vld [tilespmem:s16+$0x13250];
	[tilespmem:s1+$0x132C0] =	vst v7;
	v1 =	vadd.f32 $9.999999820e-14, v1;
	v2 =	vmul.f32 $8.000000000e+00, v2  }
0x162: {  	v7 =	vld [tilespmem:s16+$0x13260];
	[tilespmem:s1+$0x132D0] =	vst v5;
	v0 =	vadd.f32 $9.999999820e-14, v0;
	v3 =	vmul.f32 $8.000000000e+00, v3  }
0x163: {  	v5 =	vld [tilespmem:s16+$0x13270];
	[tilespmem:s1+$0x132E0] =	vst v1;
	v1 =	vadd.f32 $9.999999820e-14, v2;
	v2 =	vmul.f32 $8.000000000e+00, v4  }
0x164: {  	v4 =	vld [tilespmem:s16+$0x13280];
	[tilespmem:s1+$0x132F0] =	vst v0;
	v0 =	vadd.f32 $9.999999820e-14, v3;
	v3 =	vmul.f32 $8.000000000e+00, v8  }
0x165: {  	v8 =	vmul.f32 $8.000000000e+00, v9;
	v9 =	vld [tilespmem:s16+$0x13290];
	[tilespmem:s1+$0x13300] =	vst v1;
	v1 =	vadd.f32 $9.999999820e-14, v2  }
0x166: {  	v2 =	vmul.f32 $8.000000000e+00, v6;
	v6 =	vld [tilespmem:s16+$0x132A0];
	[tilespmem:s1+$0x13310] =	vst v0;
	v0 =	vadd.f32 $9.999999820e-14, v3  }
0x167: {  	v3 =	vadd.f32 $9.999999820e-14, v8;
	v7 =	vmul.f32 $8.000000000e+00, v7;
	v8 =	vld [tilespmem:s16+$0x132B0];
	[tilespmem:s1+$0x13320] =	vst v1  }
0x168: {  	v1 =	vadd.f32 $9.999999820e-14, v2;
	v2 =	vmul.f32 $8.000000000e+00, v5;
	v5 =	vld [tilespmem:s16+$0x132C0];
	[tilespmem:s1+$0x13330] =	vst v0;
	s1 =	smov.u32 s16  }
0x169: {  	[tilespmem:s1+$0x13240] =	vst v3;
	v0 =	vadd.f32 $9.999999820e-14, v7;
	v3 =	vmul.f32 $8.000000000e+00, v4;
	v4 =	vld [tilespmem:s1+$0x132D0]  }
.Ltmp6:
0x16a: {  	[tilespmem:s1+$0x13250] =	vst v1;
	v2 =	vadd.f32 $9.999999820e-14, v2;
	v7 =	vmul.f32 $8.000000000e+00, v9;
	v1 =	vld [tilespmem:s1+$0x132E0];
	(pc) =	sbr.rel @p0 .LBB2_15-.Ltmp6, $4  }
0x16b: {  	[tilespmem:s1+$0x13260] =	vst v0;
	v3 =	vadd.f32 $9.999999820e-14, v3;
	v6 =	vmul.f32 $8.000000000e+00, v6;
	v0 =	vld [tilespmem:s1+$0x132F0]  }
0x16c: {  	[tilespmem:s1+$0x13270] =	vst v2;
	v9 =	vadd.f32 $9.999999820e-14, v7;
	v10 =	vmul.f32 $8.000000000e+00, v8;
	v2 =	vld [tilespmem:s1+$0x13300]  }
0x16d: {  	[tilespmem:s1+$0x13280] =	vst v3;
	v7 =	vadd.f32 $9.999999820e-14, v6;
	v8 =	vmul.f32 $8.000000000e+00, v5;
	v3 =	vld [tilespmem:s1+$0x13310]  }
0x16e: {  	s15 =	sadd.s32 $0x400, s15;
	[tilespmem:s1+$0x13290] =	vst v9;
	v5 =	vadd.f32 $9.999999820e-14, v10;
	v6 =	vmul.f32 $8.000000000e+00, v4;
	v4 =	vld [tilespmem:s1+$0x13320]  }
0x16f: {  	[tilespmem:s1+$0x132A0] =	vst v7;
	v7 =	vadd.f32 $9.999999820e-14, v8;
	v1 =	vmul.f32 $8.000000000e+00, v1;
	v8 =	vld [tilespmem:s1+$0x13330]  }
0x170: {  	[tilespmem:s1+$0x132B0] =	vst v5;
	v5 =	vadd.f32 $9.999999820e-14, v6;
	v0 =	vmul.f32 $8.000000000e+00, v0  }
0x171: {  	[tilespmem:s1+$0x132C0] =	vst v7;
	v1 =	vadd.f32 $9.999999820e-14, v1;
	v2 =	vmul.f32 $8.000000000e+00, v2  }
0x172: {  	[tilespmem:s1+$0x132D0] =	vst v5;
	v0 =	vadd.f32 $9.999999820e-14, v0;
	v3 =	vmul.f32 $8.000000000e+00, v3  }
0x173: {  	[tilespmem:s1+$0x132E0] =	vst v1;
	v1 =	vadd.f32 $9.999999820e-14, v2;
	v2 =	vmul.f32 $8.000000000e+00, v4  }
0x174: {  	[tilespmem:s1+$0x132F0] =	vst v0;
	v0 =	vadd.f32 $9.999999820e-14, v3;
	v3 =	vmul.f32 $8.000000000e+00, v8  }
0x175: {  	[tilespmem:s1+$0x13300] =	vst v1;
	v1 =	vadd.f32 $9.999999820e-14, v2  }
0x176: {  	[tilespmem:s1+$0x13310] =	vst v0;
	v0 =	vadd.f32 $9.999999820e-14, v3  }
0x177: {  	[tilespmem:s1+$0x13320] =	vst v1  }
0x178: {  	[tilespmem:s1+$0x13330] =	vst v0  }
0x179: {  	v0 =	vld [tilespmem:s0+$0x16440];
	_ =	sdelay $0x2  }
0x17a: {  	v1 =	vld [tilespmem:s0+$0x16450]  }
0x17b: {  	v3 =	vld [tilespmem:s0+$0x16470]  }
0x17c: {  	v2 =	vld [tilespmem:s0+$0x16460];
	v0 =	vmul.f32 $8.000000000e+00, v0  }
0x17d: {  	v4 =	vld [tilespmem:s0+$0x16480]  }
0x17e: {  	v5 =	vld [tilespmem:s0+$0x16490];
	v0 =	vadd.f32 $9.999999820e-14, v0  }
0x17f: {  	v6 =	vld [tilespmem:s0+$0x164A0];
	v1 =	vmul.f32 $8.000000000e+00, v1  }
0x180: {  	v7 =	vld [tilespmem:s0+$0x164B0];
	[tilespmem:s0+$0x16440] =	vst v0;
	v0 =	vmul.f32 $8.000000000e+00, v3  }
0x181: {  	v8 =	vld [tilespmem:s0+$0x164C0];
	v2 =	vmul.f32 $8.000000000e+00, v2;
	v1 =	vadd.f32 $9.999999820e-14, v1  }
0x182: {  	v9 =	vld [tilespmem:s0+$0x164D0];
	v3 =	vmul.f32 $8.000000000e+00, v4;
	v4 =	vadd.f32 $9.999999820e-14, v0  }
0x183: {  	v5 =	vmul.f32 $8.000000000e+00, v5;
	v2 =	vadd.f32 $9.999999820e-14, v2;
	[tilespmem:s0+$0x16450] =	vst v1;
	v1 =	vld [tilespmem:s0+$0x164E0]  }
0x184: {  	v0 =	vld [tilespmem:s0+$0x164F0];
	v3 =	vadd.f32 $9.999999820e-14, v3;
	[tilespmem:s0+$0x16470] =	vst v4;
	v4 =	vmul.f32 $8.000000000e+00, v6  }
0x185: {  	v5 =	vadd.f32 $9.999999820e-14, v5;
	[tilespmem:s0+$0x16460] =	vst v2;
	v2 =	vld [tilespmem:s0+$0x16500];
	v6 =	vmul.f32 $8.000000000e+00, v7  }
0x186: {  	v8 =	vmul.f32 $8.000000000e+00, v8;
	[tilespmem:s0+$0x16480] =	vst v3;
	v3 =	vld [tilespmem:s0+$0x16510];
	v7 =	vadd.f32 $9.999999820e-14, v4  }
0x187: {  	s1 =	simm.s32 $0x400;
	[tilespmem:s0+$0x16490] =	vst v5;
	v5 =	vadd.f32 $9.999999820e-14, v6;
	v6 =	vmul.f32 $8.000000000e+00, v9;
	v4 =	vld [tilespmem:s0+$0x16520]  }
.LBB2_17:
0x188: {  	s15 =	sshra.s32 s1, $0x2;
	p0 =	sne.s32 s1, $0xC400;
	[tilespmem:s0+$0x164A0] =	vst v7;
	v7 =	vadd.f32 $9.999999820e-14, v8;
	v1 =	vmul.f32 $8.000000000e+00, v1;
	v8 =	vld [tilespmem:s0+$0x16530]  }
0x189: {  	v9 =	vld [tilespmem:s15+$0x16440];
	[tilespmem:s0+$0x164B0] =	vst v5;
	v5 =	vadd.f32 $9.999999820e-14, v6;
	v0 =	vmul.f32 $8.000000000e+00, v0  }
0x18a: {  	v6 =	vld [tilespmem:s15+$0x16450];
	[tilespmem:s0+$0x164C0] =	vst v7;
	v1 =	vadd.f32 $9.999999820e-14, v1;
	v2 =	vmul.f32 $8.000000000e+00, v2  }
0x18b: {  	v7 =	vld [tilespmem:s15+$0x16460];
	[tilespmem:s0+$0x164D0] =	vst v5;
	v0 =	vadd.f32 $9.999999820e-14, v0;
	v3 =	vmul.f32 $8.000000000e+00, v3  }
0x18c: {  	v5 =	vld [tilespmem:s15+$0x16470];
	[tilespmem:s0+$0x164E0] =	vst v1;
	v1 =	vadd.f32 $9.999999820e-14, v2;
	v2 =	vmul.f32 $8.000000000e+00, v4  }
0x18d: {  	v4 =	vld [tilespmem:s15+$0x16480];
	[tilespmem:s0+$0x164F0] =	vst v0;
	v0 =	vadd.f32 $9.999999820e-14, v3;
	v3 =	vmul.f32 $8.000000000e+00, v8  }
0x18e: {  	v8 =	vmul.f32 $8.000000000e+00, v9;
	v9 =	vld [tilespmem:s15+$0x16490];
	[tilespmem:s0+$0x16500] =	vst v1;
	v1 =	vadd.f32 $9.999999820e-14, v2  }
0x18f: {  	v2 =	vmul.f32 $8.000000000e+00, v6;
	v6 =	vld [tilespmem:s15+$0x164A0];
	[tilespmem:s0+$0x16510] =	vst v0;
	v0 =	vadd.f32 $9.999999820e-14, v3  }
0x190: {  	v3 =	vadd.f32 $9.999999820e-14, v8;
	v7 =	vmul.f32 $8.000000000e+00, v7;
	v8 =	vld [tilespmem:s15+$0x164B0];
	[tilespmem:s0+$0x16520] =	vst v1  }
0x191: {  	v1 =	vadd.f32 $9.999999820e-14, v2;
	v2 =	vmul.f32 $8.000000000e+00, v5;
	v5 =	vld [tilespmem:s15+$0x164C0];
	[tilespmem:s0+$0x16530] =	vst v0;
	s0 =	smov.u32 s15  }
0x192: {  	[tilespmem:s0+$0x16440] =	vst v3;
	v0 =	vadd.f32 $9.999999820e-14, v7;
	v3 =	vmul.f32 $8.000000000e+00, v4;
	v4 =	vld [tilespmem:s0+$0x164D0]  }
.Ltmp7:
0x193: {  	[tilespmem:s0+$0x16450] =	vst v1;
	v2 =	vadd.f32 $9.999999820e-14, v2;
	v7 =	vmul.f32 $8.000000000e+00, v9;
	v1 =	vld [tilespmem:s0+$0x164E0];
	(pc) =	sbr.rel @p0 .LBB2_17-.Ltmp7, $4  }
0x194: {  	[tilespmem:s0+$0x16460] =	vst v0;
	v3 =	vadd.f32 $9.999999820e-14, v3;
	v6 =	vmul.f32 $8.000000000e+00, v6;
	v0 =	vld [tilespmem:s0+$0x164F0]  }
0x195: {  	[tilespmem:s0+$0x16470] =	vst v2;
	v9 =	vadd.f32 $9.999999820e-14, v7;
	v10 =	vmul.f32 $8.000000000e+00, v8;
	v2 =	vld [tilespmem:s0+$0x16500]  }
0x196: {  	[tilespmem:s0+$0x16480] =	vst v3;
	v7 =	vadd.f32 $9.999999820e-14, v6;
	v8 =	vmul.f32 $8.000000000e+00, v5;
	v3 =	vld [tilespmem:s0+$0x16510]  }
0x197: {  	s1 =	sadd.s32 $0x400, s1;
	[tilespmem:s0+$0x16490] =	vst v9;
	v5 =	vadd.f32 $9.999999820e-14, v10;
	v6 =	vmul.f32 $8.000000000e+00, v4;
	v4 =	vld [tilespmem:s0+$0x16520]  }
0x198: {  	[tilespmem:s0+$0x164A0] =	vst v7;
	v55 =	vadd.f32 $9.999999820e-14, v8;
	v1 =	vmul.f32 $8.000000000e+00, v1;
	v56 =	vld [tilespmem:s0+$0x16530]  }
0x199: {  	[tilespmem:s0+$0x164B0] =	vst v5;
	v57 =	vadd.f32 $9.999999820e-14, v6;
	v0 =	vmul.f32 $8.000000000e+00, v0  }
0x19a: {  	[tilespmem:s0+$0x164C0] =	vst v55;
	v1 =	vadd.f32 $9.999999820e-14, v1;
	v2 =	vmul.f32 $8.000000000e+00, v2  }
0x19b: {  	[tilespmem:s0+$0x164D0] =	vst v57;
	v0 =	vadd.f32 $9.999999820e-14, v0;
	v3 =	vmul.f32 $8.000000000e+00, v3  }
0x19c: {  	[tilespmem:s0+$0x164E0] =	vst v1;
	v58 =	vadd.f32 $9.999999820e-14, v2;
	v59 =	vmul.f32 $8.000000000e+00, v4  }
0x19d: {  	[tilespmem:s0+$0x164F0] =	vst v0;
	v60 =	vadd.f32 $9.999999820e-14, v3;
	v61 =	vmul.f32 $8.000000000e+00, v56  }
0x19e: {  	[tilespmem:s0+$0x16500] =	vst v58;
	v62 =	vadd.f32 $9.999999820e-14, v59  }
0x19f: {  	s1 =	smul.u32 $0xC80, s7;
	s9 =	sadd.s32 $0x1, s9;
	[tilespmem:s0+$0x16510] =	vst v60;
	v63 =	vadd.f32 $9.999999820e-14, v61  }
0x1a0: {  	p0 =	sne.s32 s9, $0x10;
	[tilespmem:s0+$0x16520] =	vst v62  }
.Ltmp8:
0x1a1: {  	s31 =	sadd.s32 s6, s1;
	[tilespmem:s0+$0x16530] =	vst v63;
	(pc) =	sbr.rel @p0 .LBB2_2-.Ltmp8, $4  }
0x1a2: {  	[hbm4b:s31+s28] =	stream.strided.scatter [tilespmem:s30], [sflag:$0x3], $0xC800, s12, s28, $0x38;
	[tilespmem:$0x19640] =	vst v63  }
0x1a3: {  	_ =	swait.ge [sflag:s11], $0xC800  }
0x1a4: {  	[sflag:s11] =	ssyncset.done $0x0  }
0x1a5: {  	[sflag:s11] =	ssyncadd.s32 $0xFFFF3800  }
0x1a6: {  	s1 =	rddreg [dreg:$0x5]  }
0x1a7: {  	s0 =	rddreg [dreg:$0x4];
	s1 =	sadd.s32 $0x1, s1  }
0x1a8: {  	p0 =	sne.s32 s1, s0  }
.Ltmp9:
0x1a9: {  	_ = 	snop;
	(pc) =	sbr.rel @p0 .LBB2_1-.Ltmp9, $1  }
0x1aa: {  	_ =	sdelay $0x3  }
0x1ab: {  	_ =	sfence.sel $0x180000  }
0x1ac: {  	[bflag:$0x0] =	sbarrier.arrive $0xFFFF  }
0x1ad: {  	_ =	strace $0x90000047  }
0x1ae: {  	s0 =	stileid.u32;
	[bflag:$0x2] =	sbarrier.arrive $0xFFFF  }
0x1af: {  	p0 =	sne.s32 s0, $0x0;
	s0 =	rddreg [dreg:$0x2]  }
0x1b0: {  	s0 =	sadd.s32 @!p0 $0x100000, s0  }
0x1b1: {  	[sflag:s0] =	ssyncadd.tile.s32 @!p0 $0x1;
	_ =	shalt  }
.Lfunc_end2:
_tile_overlayer_lowered:
.L_overlay_start_2:
0x1b2: {  	(tag) =	ssettag $0x2  }
0x1b3: {  	s0 =	rddreg [dreg:$0x0];
	s2 =	stileid.u32  }
0x1b4: {  	s1 =	rddreg [dreg:$0x1];
	p0 =	sne.s32 s2, $0x0  }
0x1b5: {  	s3 =	rddreg [dreg:$0x2];
	[bflag:$0x3] =	sbarrier.arrive $0xFFFF;
	s2 =	simm.s32 @!p0 $0x1C03  }
0x1b6: {  	[timem:s3], [sflag:s2] =	dma.local @!p0 [hbm:s0], s1  }
0x1b7: {  	s0 =	simm.s32 @!p0 $0x3  }
0x1b8: {  	_ =	swait.ge @!p0 [sflag:s0], s1  }
0x1b9: {  	s1 =	ssub.s32 @!p0 $0x0, s1;
	[sflag:s0] =	ssyncset.done @!p0 $0x0  }
0x1ba: {  	[sflag:s0] =	ssyncadd.s32 @!p0 s1  }
0x1bb: {  	[bflag:$0x3] =	sbarrier.arrive $0xFFFF  }
0x1bc: {  	_ =	shalt  }

// kernel: sparse-core-data-format-call.cloned.1.call-start
scs
called_computation_lowered:
.L_overlay_start_0:
0x0: {  	s2 =	sld [smem:$0x3FD9]  }
0x1: {  	s3 =	sld [smem:$0x3FFE];
	_ =	sdelay $0x1  }
0x2: {  	s1 =	srdreg.scid  }
0x3: {  	s0 =	sand.u32 $0x1, s1  }
0x4: {  	s18 =	sshll.u32 s0, $0xA;
	s2 =	sadd.s32 s3, s2  }
0x5: {  	s2 =	sadd.s32 s2, s18  }
0x6: {  	[smem:$0x3FC6] =	sst s2  }
0x7: {  	_ = 	snop  }
0x8: {  	s2 =	sld [smem:$0x3FD0];
	(tm) =	ssettm $0x1  }
0x9: {  	s19 =	sld [smem:$0x3FFB];
	_ =	sdelay $0x3  }
0xa: {  	_ =	strace s19  }
0xb: {  	s3 =	sld [smem:$0x3FFC];
	_ =	sdelay $0x3  }
0xc: {  	_ =	strace s3  }
0xd: {  	s3 =	sld [smem:$0x3FFD];
	_ =	sdelay $0x3  }
0xe: {  	_ =	strace s3  }
0xf: {  	_ =	strace $0x8FFFFFFF  }
0x10: {  	s20 =	sld [smem:$0x3FDB];
	_ =	sdelay $0x1  }
0x11: {  	s4 =	simm.s32 $_scs_section_size  }
0x12: {  	s5 =	simm.s32 $_size__tile_overlayer_lowered;
	s6 =	simm.s32 $_tile_overlayer_lowered  }
0x13: {  	s23 =	simm.s32 $0x1BFF;
	s22 =	sshll.u32 s6, $0x1;
	s3 =	sadd.s32 s4, s20  }
0x14: {  	s7 =	simm.s32 $0x0;
	s21 =	sshll.u32 s5, $0x1;
	s5 =	sadd.s32 s22, s3  }
0x15: {  	[timem:s7], [sflag:s23] =	dma.local [hbm:s5], s21  }
0x16: {  	_ =	swait.ge [sflag:s23], s21  }
0x17: {  	s4 =	ssub.s32 $0x0, s21;
	[sflag:s23] =	ssyncset.done $0x0  }
0x18: {  	[sflag:s23] =	ssyncadd.s32 s4;
	_ =	sdelay $0x1  }
0x19: {  	s24 =	simm.s32 $0x1B8B  }
0x1a: {  	_ =	swait.ge [sflag:s24], $0x1  }
0x1b: {  	[sflag:s24] =	ssyncset.done $0x0  }
0x1c: {  	s26 =	simm.s32 $0x1B8E;
	s25 =	sld [smem:$0x3FFE];
	[sflag:s24] =	ssyncadd.s32 $0xFFFFFFFF  }
0x1d: {  	s27 =	simm.s32 $execute0_lowered;
	[smem:$0x3FD2] =	sst s26  }
0x1e: {  	s5 =	sshll.u32 s27, $0x1;
	_ =	strace $0x80000049;
	[dreg:$0x1] =	wrdreg $0xFFFFFFFF  }
0x1f: {  	s28 =	simm.s32 $_size_execute0_lowered;
	s3 =	sadd.s32 s3, s5;
	[dreg:$0x0] =	wrdreg $0x0  }
0x20: {  	s5 =	sshll.u32 s28, $0x1;
	[dreg:$0x2] =	wrdreg s3  }
0x21: {  	[dreg:$0x3] =	wrdreg s5  }
0x22: {  	[dreg:$0x4] =	wrdreg $0xC0  }
0x23: {  	_ =	task [dreg:s7], $0x5FFFF  }
0x24: {  	[dreg:$0x1] =	wrdreg $0xFFFFFFFF  }
0x25: {  	[dreg:$0x0] =	wrdreg $0x60  }
0x26: {  	[dreg:$0x2] =	wrdreg s25  }
0x27: {  	[dreg:$0x3] =	wrdreg s2  }
0x28: {  	[dreg:$0x4] =	wrdreg $0x9  }
0x29: {  	_ =	task.clear_ibuf [dreg:s7], $0x5FFFF;
	_ =	strace $0x90000049  }
0x2a: {  	s29 =	simm.s32 $0x9;
	_ =	strace $0x8000004B  }
0x2b: {  	_ =	swait.ge [sflag:s29], $0x1  }
0x2c: {  	[sflag:s29] =	ssyncadd.s32 $0xFFFFFFFF  }
0x2d: {  	_ =	strace $0x9000004B  }
0x2e: {  	_ =	sfence  }
0x2f: {  	s30 =	sld [smem:$0x0];
	_ =	sdelay $0x2  }
0x30: {  	s31 =	sshll.u32 s1, $0xD;
	s1 =	sshrl.u32 s1, $0x2  }
0x31: {  	s3 =	sand.u32 $0x4000, s31;
	s1 =	sadd.s32 s1, s30  }
0x32: {  	s0 =	sor.u32 s3, s0;
	s1 =	sshll.u32 s1, $0x11  }
0x33: {  	s0 =	sor.u32 s1, s0  }
0x34: {  	s0 =	sadd.s32 $0x8F2B, s0  }
0x35: {  	[sflag:s0] =	ssyncadd.remote.s32 $0x1  }
0x36: {  	_ =	sfence.sel $0xFFFF  }
0x37: {  	[dreg:$0x0] =	wrdreg $0xFFFFFFFF;
	(pc) =	sbr.abs _section_cstart, $3  }
0x38: {  	[dreg:$0x1] =	wrdreg $0xFFFFFFFF  }
0x39: {  	_ =	task.clear_ibuf [dreg:s7], $0x2FFFF;
	_ =	strace $0x9FFFFFFF  }
0x3a: {  	(tm) =	ssettm $0x7FFFFFFF  }
0x3b: {  	_ =	shalt  }
tec
execute0_lowered:
.L_overlay_start_1:
0x0: {  	(tag) =	ssettag $0x1  }
0x1: {  	s0 =	srdreg.scid  }
0x2: {  	s1 =	sshll.u32 s0, $0x4  }
0x3: {  	s0 =	stileid.u32;
	s1 =	sand.u32 $0x10, s1  }
0x4: {  	s1 =	sor.u32 s0, s1  }
0x5: {  	s6 =	rddreg [dreg:$0x0];
	s4 =	simm.s32 $0x1;
	s2 =	sshll.u32 s1, $0x7  }
0x6: {  	s7 =	simm.s32 $0x2;
	s12 =	simm.s32 $0x0;
	s1 =	ssub.s32 $0x1000, s2  }
0x7: {  	s8 =	simm.s32 $0x8000;
	s13 =	simm.s32 $0x0;
	s3 =	sand.u32 $0xF80, s1  }
0x8: {  	s9 =	simm.s32 $0x0;
	s5 =	sshrl.u32 s1, $0xC;
	p0 =	sne.s32 s3, $0x0  }
.Ltmp0:
0x9: {  	s1 =	rddreg [dreg:$0x2];
	s4 =	simm.s32 @!p0 $0x0;
	(pc) =	sbr.rel .LBB1_1-.Ltmp0, $4  }
0xa: {  	s11 =	simm.s32 $0x0;
	s3 =	rddreg [dreg:$0x1];
	s5 =	sadd.s32 s4, s5  }
0xb: {  	_ =	strace $0x8000004A;
	s4 =	simm.s32 $0x1;
	s5 =	smul.u32 $0xC8, s5  }
0xc: {  	s6 =	sadd.s32 $0xA00, s6;
	s10 =	smov.u32 s2;
	[sflag:s4] =	ssyncpa.u1 $0x0  }
0xd: {  	p0 =	por $0x0, $0x0;
	[sflag:s7] =	ssyncpa.u1 $0x0;
	s7 =	sor.u32 $0x1, s5  }
.LBB1_4:
0xe: {  	s16 =	sshll.u32 s13, $0x3;
	s17 =	sand.u32 $0x78, s13  }
0xf: {  	s30 =	sand.u32 $0x7E00, s13;
	s12 =	sshll.u32 s12, $0xF;
	s16 =	sand.u32 $0xC00, s16  }
0x10: {  	[tilespmem:s15+$0x810 ss:$0x81] =	vst.msk $0xffff, v2;
	s31 =	sand.u32 $0x7, s13;
	s16 =	sor.u32 s17, s16;
	s17 =	sadd.s32 s3, s30  }
0x11: {  	[tilespmem:s15+$0x1020 ss:$0x81] =	vst.msk $0xffff, v0;
	s13 =	sshll.u32 s31, $0x12;
	s12 =	sadd.s32 s12, s17;
	s16 =	sshrl.u32 s16, $0x3  }
0x12: {  	[tilespmem:s15+$0x0 ss:$0x81] =	vst.msk $0xffff, v1;
	s13 =	sor.u32 $0x400, s13;
	s12 =	sadd.s32 s16, s12  }
0x13: {  	[hbm4b:s12+s13] =	stream.strided.scatter [tilespmem:s14], [sflag:$0x2], $0x2000, s8, s13, $0x20;
	[tilespmem:$0x8080] =	vst v63  }
.LBB1_5:
0x14: {  	s14 =	sadd.s32 $0x1, s9  }
0x15: {  	s12 =	sadd.s32 $0x1000, s10;
	s16 =	smov.u32 s10;
	p2 =	sgt.s32 s14, $0xC7  }
0x16: {  	s16 =	smov.u32 @p2 s12  }
0x17: {  	s14 =	simm.s32 @p2 $0x0;
	p2 =	sgt.s32 s16, $0xFFF  }
0x18: {  	s16 =	smov.u32 @p2 s2;
	p2 =	sne.s32 s11, s7  }
.Ltmp1:
0x19: {  	p1 =	slt.u32 s11, $0x2;
	(pc) =	sbr.rel @!p2 .LBB1_6-.Ltmp1, $4  }
0x1a: {  	s15 =	simm.s32 @!p1 $0x2  }
0x1b: {  	s13 =	smov.u32 s10;
	p0 =	por !p0, !p0;
	_ =	swait.ge @!p1 [sflag:s15], $0x2000  }
0x1c: {  	s12 =	smov.u32 s9;
	[sflag:s15] =	ssyncset.done @!p1 $0x0;
	s9 =	smov.u32 s14  }
0x1d: {  	s11 =	sadd.s32 $0x1, s11;
	[sflag:s15] =	ssyncadd.s32 @!p1 $0xFFFFE000;
	s10 =	smov.u32 s16  }
.LBB1_1:
0x1e: {  	p1 =	sge.u32 s11, s5  }
0x1f: {  	s14 =	sand.u32 @!p1 $0x1FFFFFF, s9  }
0x20: {  	s15 =	smulhi.u32 @!p1 $0x147AE15, s14;
	_ =	sdelay $0x1  }
0x21: {  	s15 =	smul.u32 @!p1 $0xC8, s15  }
0x22: {  	s16 =	sxor.u32 @!p1 $0xFFFFFFFF, s11;
	s17 =	smul.u32 @!p1 $0xC80, s10  }
0x23: {  	s31 =	sadd.s32 $0xFFFFFFFF, s11;
	s16 =	sshll.u32 @!p1 s16, $0xD;
	s14 =	ssub.s32 @!p1 s14, s15  }
0x24: {  	s15 =	sand.u32 @!p1 $0x2000, s16;
	s16 =	sadd.s32 @!p1 s6, s17;
	s14 =	sshll.u32 @!p1 s14, $0x4  }
0x25: {  	s17 =	simm.s32 @!p1 $0x6400;
	s14 =	sadd.s32 @!p1 s14, s16;
	s16 =	simm.s32 @!p1 $0x40  }
0x26: {  	[tilespmem:s15], [sflag:$0x1] =	stream.strided.gather @!p1 [hbm4b:s14+s16], $0x2000, s17, s16, $0x38;
	[tilespmem:$0x8080] =	vst v63  }
0x27: {  	p1 =	sge.u32 s31, s5  }
.Ltmp2:
0x28: {  	_ = 	snop;
	(pc) =	sbr.rel @p1 .LBB1_5-.Ltmp2, $1  }
0x29: {  	_ =	sdelay $0x3  }
0x2a: {  	s14 =	simm.s32 $0x1  }
0x2b: {  	_ =	swait.ge [sflag:s4], $0x2000;
	s14 =	simm.s32 @!p0 $0x0  }
0x2c: {  	[sflag:s4] =	ssyncset.done $0x0;
	s15 =	sshll.u32 s14, $0xD  }
0x2d: {  	[sflag:s4] =	ssyncadd.s32 $0xFFFFE000;
	s18 =	sor.u32 $0x20, s15  }
0x2e: {  	s14 =	smul.u32 $0x8100, s14;
	v3 =	vld [tilespmem:s18+$0x10]  }
0x2f: {  	s30 =	sand.u32 $0x1, s11;
	v2 =	vld [tilespmem:s18+$0xFFFFFFF0]  }
0x30: {  	s15 =	smul.u32 $0x8100, s30;
	s14 =	sshrl.u32 s14, $0x2;
	v0 =	vld [tilespmem:s18+$0x0]  }
0x31: {  	v1 =	vld [tilespmem:s18+$0xFFFFFFE0];
	s16 =	sor.u32 $0x4000, s14  }
0x32: {  	s31 =	sshrl.u32 s15, $0x2;
	s15 =	sadd.s32 $0x0, s16  }
0x33: {  	s17 =	simm.s32 $0x4;
	s18 =	sadd.s32 $0x40, s18;
	s14 =	sor.u32 $0x4000, s31;
	[tilespmem:s15+$0x1830 ss:$0x81] =	vst.msk $0xffff, v3  }
.LBB1_3:
0x34: {  	v3 =	vld [tilespmem:s18+$0x10];
	p1 =	sne.s32 s17, $0x1FC;
	[tilespmem:s15+$0x810 ss:$0x81] =	vst.msk $0xffff, v2;
	s19 =	smov.u32 s17;
	s17 =	sadd.s32 $0x4, s17  }
.Ltmp3:
0x35: {  	v2 =	vld [tilespmem:s18+$0xFFFFFFF0];
	[tilespmem:s15+$0x1020 ss:$0x81] =	vst.msk $0xffff, v0;
	(pc) =	sbr.rel @p1 .LBB1_3-.Ltmp3, $4  }
0x36: {  	v0 =	vld [tilespmem:s18+$0x0];
	[tilespmem:s15+$0x0 ss:$0x81] =	vst.msk $0xffff, v1  }
0x37: {  	s15 =	sshra.s32 s19, $0x2;
	v1 =	vld [tilespmem:s18+$0xFFFFFFE0]  }
0x38: {  	s15 =	sadd.s32 s15, s16  }
0x39: {  	s18 =	sadd.s32 $0x40, s18;
	[tilespmem:s15+$0x1830 ss:$0x81] =	vst.msk $0xffff, v3  }
.Ltmp4:
0x3a: {  	_ = 	snop;
	(pc) =	sbr.rel .LBB1_4-.Ltmp4, $1  }
0x3b: {  	_ =	sdelay $0x3  }
.LBB1_6:
0x3c: {  	_ =	sfence.sel $0x180000  }
0x3d: {  	s2 =	simm.s32 $0x1;
	[bflag:$0x0] =	sbarrier.arrive $0xFFFF  }
0x3e: {  	s31 =	simm.s32 $0x2;
	[sflag:s2] =	ssyncpa.u1 $0x1  }
0x3f: {  	[sflag:s31] =	ssyncpa.u1 $0x1  }
0x40: {  	p0 =	sne.s32 s0, $0x0;
	_ =	strace $0x9000004A  }
0x41: {  	s0 =	sadd.s32 @!p0 $0x100000, s1;
	[bflag:$0x2] =	sbarrier.arrive $0xFFFF  }
0x42: {  	[sflag:s0] =	ssyncadd.tile.s32 @!p0 $0x1;
	_ =	shalt  }
.Lfunc_end1:
_tile_overlayer_lowered:
.L_overlay_start_2:
0x43: {  	(tag) =	ssettag $0x2  }
0x44: {  	s0 =	rddreg [dreg:$0x0];
	s2 =	stileid.u32  }
0x45: {  	s1 =	rddreg [dreg:$0x1];
	p0 =	sne.s32 s2, $0x0  }
0x46: {  	s3 =	rddreg [dreg:$0x2];
	[bflag:$0x3] =	sbarrier.arrive $0xFFFF;
	s2 =	simm.s32 @!p0 $0x1C01  }
0x47: {  	[timem:s3], [sflag:s2] =	dma.local @!p0 [hbm:s0], s1  }
0x48: {  	s0 =	simm.s32 @!p0 $0x1  }
0x49: {  	_ =	swait.ge @!p0 [sflag:s0], s1  }
0x4a: {  	s1 =	ssub.s32 @!p0 $0x0, s1;
	[sflag:s0] =	ssyncset.done @!p0 $0x0  }
0x4b: {  	[sflag:s0] =	ssyncadd.s32 @!p0 s1  }
0x4c: {  	[bflag:$0x3] =	sbarrier.arrive $0xFFFF  }
0x4d: {  	_ =	shalt  }

</sc_bundles>
